<compile_context>
chip_gen: v7x
topology: tpu7x:2x2x1
jax: 0.10.2.dev20260603
libtpu: 0.0.44.dev20260713+nightly
codegen_flags: <defaults>
</compile_context>

<pallas_src>
import functools
import math

import jax
import jax.numpy as jnp
from jax import lax
from jax.experimental import pallas as pl
from jax.experimental.pallas import tpu as pltpu
from jax.experimental.pallas import tpu_sc as plsc

N_ATOMS = 10000
N_EDGES = 320000
F_DIM = 128
K_RBF = 64
N_MOL = 256
N_EMB = 95
RC = 10.0
LOG2 = math.log(2.0)

NC = 2
NS = 16
NW = NC * NS
L = 16

EPT = N_EDGES // NW
CH = 80
NCHUNK = EPT // CH
RPT = 624
ZCH = 24
TAIL = N_ATOMS - NS * RPT

_mesh = plsc.VectorSubcoreMesh(core_axis_name="c", subcore_axis_name="s")
_sc_params = pltpu.CompilerParams(needs_layout_passes=False)



@functools.partial(
    pl.kernel,
    out_type=jax.ShapeDtypeStruct((N_EDGES,), jnp.float32),
    mesh=_mesh,
    scratch_types=[
        pltpu.VMEM((N_ATOMS,), jnp.float32),
        pltpu.VMEM((N_ATOMS,), jnp.float32),
        pltpu.VMEM((N_ATOMS,), jnp.float32),
        pltpu.VMEM((EPT,), jnp.int32),
        pltpu.VMEM((EPT,), jnp.int32),
        pltpu.VMEM((EPT,), jnp.float32),
    ],
    compiler_params=_sc_params,
)
def _sc_d2(rx_hbm, ry_hbm, rz_hbm, src_hbm, dst_hbm, out_hbm,
           rx_v, ry_v, rz_v, src_v, dst_v, d2_v):
    wid = lax.axis_index("s") * NC + lax.axis_index("c")
    base = wid * EPT
    pltpu.sync_copy(rx_hbm, rx_v)
    pltpu.sync_copy(ry_hbm, ry_v)
    pltpu.sync_copy(rz_hbm, rz_v)
    pltpu.sync_copy(src_hbm.at[pl.ds(base, EPT)], src_v)
    pltpu.sync_copy(dst_hbm.at[pl.ds(base, EPT)], dst_v)

    def body(i, carry):
        s = src_v[pl.ds(i * L, L)]
        t = dst_v[pl.ds(i * L, L)]
        ex = plsc.load_gather(rx_v, [s]) - plsc.load_gather(rx_v, [t]) + 1e-6
        ey = plsc.load_gather(ry_v, [s]) - plsc.load_gather(ry_v, [t]) + 1e-6
        ez = plsc.load_gather(rz_v, [s]) - plsc.load_gather(rz_v, [t]) + 1e-6
        d2_v[pl.ds(i * L, L)] = ex * ex + ey * ey + ez * ez
        return carry

    lax.fori_loop(0, EPT // L, body, 0)
    pltpu.sync_copy(d2_v, out_hbm.at[pl.ds(base, EPT)])



@functools.partial(
    pl.kernel,
    out_type=jax.ShapeDtypeStruct((NC, N_ATOMS, F_DIM), jnp.float32),
    mesh=_mesh,
    scratch_types=[
        pltpu.VMEM_SHARED((N_ATOMS, F_DIM), jnp.float32),
        pltpu.VMEM((2, CH, F_DIM), jnp.float32),
        pltpu.VMEM((2, CH, F_DIM), jnp.float32),
        pltpu.VMEM((ZCH, F_DIM), jnp.float32),
        pltpu.VMEM((2, 2, CH), jnp.int32),
        pltpu.SemaphoreType.DMA,
        pltpu.SemaphoreType.DMA,
        pltpu.SemaphoreType.DMA,
        pltpu.SemaphoreType.DMA,
        pltpu.SemaphoreType.DMA,
        pltpu.SemaphoreType.DMA,
    ],
    compiler_params=_sc_params,
)
def _sc_gms(g_hbm, mj_hbm, eidx_hbm, out_hbm,
            agg_sh, rows_v, g_v, zero_v, pidx_v,
            sr0, sr1, sg0, sg1, si0, si1):
    cid = lax.axis_index("c")
    sid = lax.axis_index("s")
    wid = sid * NC + cid
    base = wid * EPT
    srows = (sr0, sr1)
    sgs = (sg0, sg1)
    sis = (si0, si1)

    def zbody(i, carry):
        z = jnp.zeros((L,), jnp.float32)
        for k in range(F_DIM // L):
            zero_v[i, pl.ds(k * L, L)] = z
        return carry

    lax.fori_loop(0, ZCH, zbody, 0)
    for j in range(RPT // ZCH):
        pltpu.sync_copy(zero_v, agg_sh.at[pl.ds(sid * RPT + j * ZCH, ZCH)])

    @pl.when(sid == NS - 1)
    def _():
        pltpu.sync_copy(zero_v.at[pl.ds(0, TAIL)],
                        agg_sh.at[pl.ds(NS * RPT, TAIL)])

    plsc.subcore_barrier()

    def idx_copy(c, b):
        return pltpu.async_copy(eidx_hbm.at[wid, c], pidx_v.at[b], sis[b])

    def data_copies(c, b):
        pltpu.async_copy(mj_hbm.at[pidx_v.at[b, 0]], rows_v.at[b], srows[b])
        pltpu.async_copy(g_hbm.at[pl.ds(base + c * CH, CH)], g_v.at[b], sgs[b])

    def wait_data(c, b):
        pltpu.make_async_copy(mj_hbm.at[pidx_v.at[b, 0]], rows_v.at[b],
                              srows[b]).wait()
        pltpu.make_async_copy(g_hbm.at[pl.ds(base + c * CH, CH)], g_v.at[b],
                              sgs[b]).wait()

    def mul_scatter(b):
        def mul_body(r, c2):
            for k in range(F_DIM // L):
                sl = pl.ds(k * L, L)
                rows_v[b, r, sl] = rows_v[b, r, sl] * g_v[b, r, sl]
            return c2

        lax.fori_loop(0, CH, mul_body, 0)
        pltpu.sync_copy(rows_v.at[b], agg_sh.at[pidx_v.at[b, 1]], add=True)

    idx_copy(0, 0).wait()
    data_copies(0, 0)
    idx_copy(1, 1)

    def chunk_body(c, a):
        bb = 1 - a
        wait_data(c, a)
        pltpu.make_async_copy(eidx_hbm.at[wid, c + 1], pidx_v.at[bb],
                              sis[bb]).wait()
        data_copies(c + 1, bb)
        mul_scatter(a)

        @pl.when(c + 2 < NCHUNK)
        def _():
            idx_copy(c + 2, a)

    def pair(i, carry):
        chunk_body(2 * i, 0)
        chunk_body(2 * i + 1, 1)
        return carry

    lax.fori_loop(0, (NCHUNK - 1) // 2, pair, 0)
    wait_data(NCHUNK - 1, 0)
    mul_scatter(0)
    plsc.subcore_barrier()
    pltpu.sync_copy(agg_sh.at[pl.ds(sid * RPT, RPT)],
                    out_hbm.at[cid, pl.ds(sid * RPT, RPT)])

    @pl.when(sid == NS - 1)
    def _():
        pltpu.sync_copy(agg_sh.at[pl.ds(NS * RPT, TAIL)],
                        out_hbm.at[cid, pl.ds(NS * RPT, TAIL)])



def _ssp(x):
    return jnp.maximum(x, 0.0) + jnp.log1p(jnp.exp(-jnp.abs(x))) - LOG2


BE = 5000
BN = 2000


def _edge_g_body(d2_ref, c_ref, w_ref, wg0_ref, wg1_ref, g0_ref, g1_ref):
    d = jnp.sqrt(d2_ref[...])
    xr = d * (1.0 / RC)
    poly = 1.0 - 6.0 * xr**5 + 15.0 * xr**4 - 10.0 * xr**3
    phi = jnp.where(d < RC, poly, 0.0)
    expd = jnp.exp(-d)
    c = c_ref[...]
    w = w_ref[...]
    rbf = phi * jnp.exp(-w * (expd - c) ** 2)
    g0_ref[...] = jnp.dot(rbf, wg0_ref[...], preferred_element_type=jnp.float32)
    g1_ref[...] = jnp.dot(rbf, wg1_ref[...], preferred_element_type=jnp.float32)


def _edge_g(d2, centers, widths, wg0, wg1):
    ne = d2.shape[0]
    grid = (ne // BE,)
    full = lambda shape: pl.BlockSpec(shape, lambda i: (0, 0))
    return pl.pallas_call(
        _edge_g_body,
        grid=grid,
        in_specs=[
            pl.BlockSpec((BE, 1), lambda i: (i, 0)),
            full((1, K_RBF)), full((1, K_RBF)),
            full((K_RBF, F_DIM)), full((K_RBF, F_DIM)),
        ],
        out_specs=[
            pl.BlockSpec((BE, F_DIM), lambda i: (i, 0)),
            pl.BlockSpec((BE, F_DIM), lambda i: (i, 0)),
        ],
        out_shape=[
            jax.ShapeDtypeStruct((ne, F_DIM), jnp.float32),
            jax.ShapeDtypeStruct((ne, F_DIM), jnp.float32),
        ],
    )(d2, centers, widths, wg0, wg1)


def _node_first_body(z_ref, emb_ref, wj_ref, bj_ref, wi_ref, bi_ref,
                     vi_ref, mj_ref, vp_ref):
    z = z_ref[...]
    oh = (z == lax.broadcasted_iota(jnp.int32, (BN, N_EMB), 1)).astype(jnp.float32)
    vi = jnp.dot(oh, emb_ref[...], preferred_element_type=jnp.float32)
    xa = _ssp(vi)
    vi_ref[...] = vi
    mj_ref[...] = _ssp(jnp.dot(xa, wj_ref[...], preferred_element_type=jnp.float32)
                       + bj_ref[...])
    vp_ref[...] = _ssp(jnp.dot(xa, wi_ref[...], preferred_element_type=jnp.float32)
                       + bi_ref[...])


def _node_first(z, emb, wj, bj, wi, bi):
    grid = (N_ATOMS // BN,)
    full = lambda shape: pl.BlockSpec(shape, lambda i: (0, 0))
    nb = lambda w: pl.BlockSpec((BN, w), lambda i: (i, 0))
    sds = jax.ShapeDtypeStruct((N_ATOMS, F_DIM), jnp.float32)
    return pl.pallas_call(
        _node_first_body,
        grid=grid,
        in_specs=[nb(1), full((N_EMB, F_DIM)),
                  full((F_DIM, F_DIM)), full((1, F_DIM)),
                  full((F_DIM, F_DIM)), full((1, F_DIM))],
        out_specs=[nb(F_DIM), nb(F_DIM), nb(F_DIM)],
        out_shape=[sds, sds, sds],
    )(z, emb, wj, bj, wi, bi)


def _module_tail(x, v, p):
    v = v + jnp.dot(_ssp(_ssp(v) @ p["Wri1"] + p["bri1"]), p["Wri2"],
                    preferred_element_type=jnp.float32) + p["bri2"]
    xn = p["u"] * x + jnp.dot(_ssp(v), p["Wout"],
                              preferred_element_type=jnp.float32) + p["bout"]
    xn = xn + jnp.dot(_ssp(_ssp(xn) @ p["Wra1"] + p["bra1"]), p["Wra2"],
                      preferred_element_type=jnp.float32) + p["bra2"]
    t = xn + jnp.dot(_ssp(_ssp(xn) @ p["Wro1"] + p["bro1"]), p["Wro2"],
                     preferred_element_type=jnp.float32) + p["bro2"]
    out = jnp.dot(_ssp(t), p["Wo"], preferred_element_type=jnp.float32) + p["bo"]
    return xn, out


_TAIL_KEYS = ("Wri1", "bri1", "Wri2", "bri2", "u", "Wout", "bout",
              "Wra1", "bra1", "Wra2", "bra2", "Wro1", "bro1", "Wro2", "bro2",
              "Wo", "bo")


def _node_mid_body(x_ref, vp_ref, a0_ref, a1_ref, *rest):
    tail_refs = rest[:len(_TAIL_KEYS)]
    wj_ref, bj_ref, wi_ref, bi_ref = rest[len(_TAIL_KEYS):len(_TAIL_KEYS) + 4]
    x1_ref, out0_ref, mj_ref, vp1_ref = rest[len(_TAIL_KEYS) + 4:]
    p = {k: r[...] for k, r in zip(_TAIL_KEYS, tail_refs)}
    v = vp_ref[...] + a0_ref[0] + a1_ref[0]
    xn, out = _module_tail(x_ref[...], v, p)
    x1_ref[...] = xn
    out0_ref[...] = out
    xa = _ssp(xn)
    mj_ref[...] = _ssp(jnp.dot(xa, wj_ref[...], preferred_element_type=jnp.float32)
                       + bj_ref[...])
    vp1_ref[...] = _ssp(jnp.dot(xa, wi_ref[...], preferred_element_type=jnp.float32)
                        + bi_ref[...])


def _tail_specs(full):
    specs = []
    for k in _TAIL_KEYS:
        if k == "Wo":
            specs.append(full((F_DIM, 2)))
        elif k == "bo":
            specs.append(full((1, 2)))
        elif k.startswith("W"):
            specs.append(full((F_DIM, F_DIM)))
        else:
            specs.append(full((1, F_DIM)))
    return specs


def _node_mid(x, vp, aggp, tail_ws, wj, bj, wi, bi):
    grid = (N_ATOMS // BN,)
    full = lambda shape: pl.BlockSpec(shape, lambda i: (0, 0))
    nb = lambda w: pl.BlockSpec((BN, w), lambda i: (i, 0))
    a0 = pl.BlockSpec((1, BN, F_DIM), lambda i: (0, i, 0))
    a1 = pl.BlockSpec((1, BN, F_DIM), lambda i: (1, i, 0))
    sds = jax.ShapeDtypeStruct((N_ATOMS, F_DIM), jnp.float32)
    return pl.pallas_call(
        _node_mid_body,
        grid=grid,
        in_specs=[nb(F_DIM), nb(F_DIM), a0, a1] + _tail_specs(full)
                 + [full((F_DIM, F_DIM)), full((1, F_DIM)),
                    full((F_DIM, F_DIM)), full((1, F_DIM))],
        out_specs=[nb(F_DIM), nb(2), nb(F_DIM), nb(F_DIM)],
        out_shape=[sds, jax.ShapeDtypeStruct((N_ATOMS, 2), jnp.float32), sds, sds],
    )(x, vp, aggp, aggp, *tail_ws, wj, bj, wi, bi)


def _node_last_body(x_ref, vp_ref, a0_ref, a1_ref, out0_ref, z_ref, r_ref, b_ref,
                    *rest):
    tail_refs = rest[:len(_TAIL_KEYS)]
    scale_ref, shift_ref = rest[len(_TAIL_KEYS):len(_TAIL_KEYS) + 2]
    mol_ref = rest[len(_TAIL_KEYS) + 2]
    p = {k: r[...] for k, r in zip(_TAIL_KEYS, tail_refs)}
    v = vp_ref[...] + a0_ref[0] + a1_ref[0]
    _, out1 = _module_tail(x_ref[...], v, p)
    sep = out0_ref[...] + out1
    z = z_ref[...]
    oh = (z == lax.broadcasted_iota(jnp.int32, (BN, N_EMB), 1)).astype(jnp.float32)
    sc = jnp.dot(oh, scale_ref[...], preferred_element_type=jnp.float32)
    sh = jnp.dot(oh, shift_ref[...], preferred_element_type=jnp.float32)
    ao = sc * sep + sh
    vals = jnp.concatenate([ao, ao[:, 1:2] * r_ref[...]], axis=1)
    ohm = (b_ref[...] == lax.broadcasted_iota(jnp.int32, (BN, N_MOL), 1)
           ).astype(jnp.float32)
    part = lax.dot_general(ohm, vals, (((0,), (0,)), ((), ())),
                           preferred_element_type=jnp.float32)

    @pl.when(pl.program_id(0) == 0)
    def _():
        mol_ref[...] = jnp.zeros_like(mol_ref)

    mol_ref[...] += part


def _node_last(x, vp, aggp, out0, z, r, b, tail_ws, scale, shift):
    grid = (N_ATOMS // BN,)
    full = lambda shape: pl.BlockSpec(shape, lambda i: (0, 0))
    nb = lambda w: pl.BlockSpec((BN, w), lambda i: (i, 0))
    a0 = pl.BlockSpec((1, BN, F_DIM), lambda i: (0, i, 0))
    a1 = pl.BlockSpec((1, BN, F_DIM), lambda i: (1, i, 0))
    return pl.pallas_call(
        _node_last_body,
        grid=grid,
        in_specs=[nb(F_DIM), nb(F_DIM), a0, a1, nb(2), nb(1), nb(3), nb(1)]
                 + _tail_specs(full) + [full((N_EMB, 2)), full((N_EMB, 2))],
        out_specs=pl.BlockSpec((N_MOL, 5), lambda i: (0, 0)),
        out_shape=jax.ShapeDtypeStruct((N_MOL, 5), jnp.float32),
    )(x, vp, aggp, aggp, out0, z, r, b, *tail_ws, scale, shift)



def kernel(R, Z, atom_mol_batch, edge_index, params):
    src = edge_index[0].astype(jnp.int32)
    dst = edge_index[1].astype(jnp.int32)
    eidx = jnp.stack([src.reshape(NW, NCHUNK, CH),
                      dst.reshape(NW, NCHUNK, CH)], axis=2)
    z2 = Z.astype(jnp.int32).reshape(N_ATOMS, 1)
    b2 = atom_mol_batch.astype(jnp.int32).reshape(N_ATOMS, 1)

    d2 = _sc_d2(R[:, 0], R[:, 1], R[:, 2], src, dst)
    g0, g1 = _edge_g(d2.reshape(N_EDGES, 1),
                     params["centers"].reshape(1, K_RBF),
                     params["widths"].reshape(1, K_RBF),
                     params["Wg"][0], params["Wg"][1])

    def mod_ws(m):
        out = []
        for k in _TAIL_KEYS:
            w = params[k][m]
            if w.ndim == 1:
                w = w.reshape(1, -1)
            out.append(w)
        return out

    vi, mj0, vp0 = _node_first(z2, params["emb"],
                               params["Wj"][0], params["bj"][0].reshape(1, F_DIM),
                               params["Wi"][0], params["bi"][0].reshape(1, F_DIM))
    aggp0 = _sc_gms(g0, mj0, eidx)
    x1, out0, mj1, vp1 = _node_mid(vi, vp0, aggp0, mod_ws(0),
                                   params["Wj"][1], params["bj"][1].reshape(1, F_DIM),
                                   params["Wi"][1], params["bi"][1].reshape(1, F_DIM))
    aggp1 = _sc_gms(g1, mj1, eidx)
    mol = _node_last(x1, vp1, aggp1, out0, z2, R, b2, mod_ws(1),
                     params["scale"], params["shift"])
    return mol

# --- scband reference (transcript-rebuilt; emitter-appended) ---
"""Pipeline reference for scband-phys-net-demo-31791347925872 (READ-ONLY COPY).

The authoritative reference and input builder live on the scoring server;
editing this copy changes nothing except your own understanding.
"""

import jax, jax.numpy as jnp
import numpy as np
import math

N_ATOMS = 10000
N_EDGES = 320000
F_DIM = 128
K_RBF = 64
N_MODULES = 2
N_OUT = 2
N_EMB = 95
RC = 10.0
N_MOL = 256

MODULE_KEYS = ("Wg", "Wj", "bj", "Wi", "bi", "u", "Wri1", "bri1", "Wri2", "bri2", "Wout", "bout", "Wra1", "bra1", "Wra2", "bra2", "Wro1", "bro1", "Wro2", "bro2", "Wo", "bo")


def ssp(x):
    # shifted softplus activation used by PhysNet
    return jax.nn.softplus(x) - math.log(2.0)


def setup_inputs(seed: int = 0) -> dict:
    key = jax.random.key(seed)
    ks = jax.random.split(key, 6)
    R = jax.random.normal(ks[0], (N_ATOMS, 3), dtype=jnp.float32)
    Z = jax.random.randint(ks[1], (N_ATOMS,), 0, N_EMB)
    atom_mol_batch = jnp.sort(jax.random.randint(ks[2], (N_ATOMS,), 0, N_MOL))
    edge_index = jax.random.randint(ks[3], (2, N_EDGES), 0, N_ATOMS)
    # centers = softplus(softplus_inverse(linspace(1, exp(-rc), K))) == linspace(1, exp(-rc), K)
    centers = jnp.linspace(1.0, math.exp(-RC), K_RBF).astype(jnp.float32)
    width_val = (0.5 / ((1.0 - math.exp(-RC)) / K_RBF)) ** 2
    widths = jnp.full((K_RBF,), width_val, dtype=jnp.float32)

    def dense(k, shape, fan_in):
        return (jax.random.normal(k, shape, dtype=jnp.float32) / np.sqrt(fan_in)).astype(jnp.float32)

    M, F, K, O = N_MODULES, F_DIM, K_RBF, N_OUT
    kk = jax.random.split(ks[4], 13)
    params = {
        "centers": centers,
        "widths": widths,
        "emb": dense(kk[0], (N_EMB, F), 1.0),
        "Wg": dense(kk[1], (M, K, F), K),
        "Wj": dense(kk[2], (M, F, F), F),
        "bj": jnp.zeros((M, F), jnp.float32),
        "Wi": dense(kk[3], (M, F, F), F),
        "bi": jnp.zeros((M, F), jnp.float32),
        "u": jnp.ones((M, F), jnp.float32),
        "Wri1": dense(kk[4], (M, F, F), F),
        "bri1": jnp.zeros((M, F), jnp.float32),
        "Wri2": dense(kk[5], (M, F, F), F),
        "bri2": jnp.zeros((M, F), jnp.float32),
        "Wout": dense(kk[6], (M, F, F), F),
        "bout": jnp.zeros((M, F), jnp.float32),
        "Wra1": dense(kk[7], (M, F, F), F),
        "bra1": jnp.zeros((M, F), jnp.float32),
        "Wra2": dense(kk[8], (M, F, F), F),
        "bra2": jnp.zeros((M, F), jnp.float32),
        "Wro1": dense(kk[9], (M, F, F), F),
        "bro1": jnp.zeros((M, F), jnp.float32),
        "Wro2": dense(kk[10], (M, F, F), F),
        "bro2": jnp.zeros((M, F), jnp.float32),
        "Wo": dense(kk[11], (M, F, O), F),
        "bo": jnp.zeros((M, O), jnp.float32),
        "scale": jnp.ones((N_EMB, O), jnp.float32),
        "shift": jnp.zeros((N_EMB, O), jnp.float32),
    }
    return {"R": R, "Z": Z, "atom_mol_batch": atom_mol_batch, "edge_index": edge_index, "params": params}


def _res_layer(x, W1, b1, W2, b2):
    return x + ssp(ssp(x) @ W1 + b1) @ W2 + b2


def _phys_module(x, src, dst, rbf, p, n_atoms):
    xa = ssp(x)
    g = rbf @ p["Wg"]                      # [E, F] distance-based filter
    mj = ssp(xa @ p["Wj"] + p["bj"])       # per-node message transform
    agg = jax.ops.segment_sum(g * mj[src], dst, num_segments=n_atoms)  # gather + scatter-add
    v = ssp(xa @ p["Wi"] + p["bi"]) + agg
    v = _res_layer(v, p["Wri1"], p["bri1"], p["Wri2"], p["bri2"])     # interaction residual
    x_new = p["u"] * x + ssp(v) @ p["Wout"] + p["bout"]
    x_new = _res_layer(x_new, p["Wra1"], p["bra1"], p["Wra2"], p["bra2"])  # atomic residual
    t = _res_layer(x_new, p["Wro1"], p["bro1"], p["Wro2"], p["bro2"])      # output residual
    out = ssp(t) @ p["Wo"] + p["bo"]
    return x_new, out


def _forward(R, Z, atom_mol_batch, edge_index, params):
    src = edge_index[0]
    dst = edge_index[1]
    # nn.PairwiseDistance(keepdim=1) with default eps
    d = jnp.linalg.norm(R[src] - R[dst] + 1e-6, axis=-1, keepdims=True)   # [E, 1]
    xr = d / RC
    phi = jnp.where(d < RC, 1.0 - 6.0 * xr ** 5 + 15.0 * xr ** 4 - 10.0 * xr ** 3, 0.0)
    rbf = phi * jnp.exp(-params["widths"][None, :] * (jnp.exp(-d) - params["centers"][None, :]) ** 2)  # [E, K]
    vi = params["emb"][Z]
    n_atoms = R.shape[0]
    sep_sum = 0.0
    for m in range(N_MODULES):
        p = {k: params[k][m] for k in MODULE_KEYS}
        vi, cur = _phys_module(vi, src, dst, rbf, p, n_atoms)
        sep_sum = sep_sum + cur
    atom_out = params["scale"][Z] * sep_sum + params["shift"][Z]
    mol = jax.ops.segment_sum(atom_out, atom_mol_batch, num_segments=N_MOL)
    E_pred = mol[:, 0]
    Q_pred = mol[:, -1]
    D_atom = atom_out[:, -1:] * R
    D_pred = jax.ops.segment_sum(D_atom, atom_mol_batch, num_segments=N_MOL)
    # pack (E_pred, Q_pred, D_pred) into one [N_MOL, 5] array (F_pred is the constant 0.0 in the torch code)
    return jnp.concatenate([E_pred[:, None], Q_pred[:, None], D_pred], axis=1)


def reference(R, Z, atom_mol_batch, edge_index, params):
    return _forward(R, Z, atom_mol_batch, edge_index, params)

if __name__ == "__main__":
    import jax
    _d = setup_inputs()
    print(jax.jit(kernel)(*tuple(_d.values())))

</pallas_src>

<mosaic_0001>
#map = affine_map<(d0, d1) -> (0, 0)>
#map1 = affine_map<(d0, d1) -> (0, 0, 0, 0)>
#map2 = affine_map<(d0, d1) -> (0, 0, 0)>
module attributes {stable_mosaic.version = 14 : i64} {
  func.func @_sc_gms(%arg0: i32, %arg1: i32, %arg2: memref<320000x128xf32, #tpu.memory_space<hbm>>, %arg3: memref<10000x128xf32, #tpu.memory_space<hbm>>, %arg4: memref<32x125x2x80xi32, #tpu.memory_space<hbm>>, %arg5: memref<2x10000x128xf32, #tpu.memory_space<hbm>>, %arg6: memref<10000x128xf32, #tpu.memory_space<vmem_shared>>, %arg7: memref<2x80x128xf32, #tpu.memory_space<vmem>>, %arg8: memref<2x80x128xf32, #tpu.memory_space<vmem>>, %arg9: memref<24x128xf32, #tpu.memory_space<vmem>>, %arg10: memref<2x2x80xi32, #tpu.memory_space<vmem>>, %arg11: memref<!tpu.dma_semaphore, #tpu.memory_space<semaphore_mem>>, %arg12: memref<!tpu.dma_semaphore, #tpu.memory_space<semaphore_mem>>, %arg13: memref<!tpu.dma_semaphore, #tpu.memory_space<semaphore_mem>>, %arg14: memref<!tpu.dma_semaphore, #tpu.memory_space<semaphore_mem>>, %arg15: memref<!tpu.dma_semaphore, #tpu.memory_space<semaphore_mem>>, %arg16: memref<!tpu.dma_semaphore, #tpu.memory_space<semaphore_mem>>) attributes {dimension_semantics = [#tpu.dimension_semantics<core_parallel>, #tpu.dimension_semantics<subcore_parallel>], iteration_bounds = array<i64: 2, 16>, scalar_prefetch = 0 : i64, scratch_operands = 11 : i64, tpu.core_type = #tpu.core_type<sc_vector_subcore>, window_params = [{transform_indices = #map}, {transform_indices = #map}, {transform_indices = #map1}, {transform_indices = #map2}]} {
    %mul3A = arith.constant 2 : i32
    %mul3A_0 = arith.muli %arg1, %mul3A : i32
    %add3A = arith.addi %mul3A_0, %arg0 : i32
    %mul3A_1 = arith.constant 10000 : i32
    %mul3A_2 = arith.muli %add3A, %mul3A_1 : i32
    %scan3A = arith.constant 0 : i32
    %scan3A_3 = arith.constant 0 : i32
    %scan3A_4 = arith.constant 24 : i32
    %scan3A_5 = arith.addi %scan3A_3, %scan3A_4 : i32
    %scan3A_6 = arith.constant 1 : i32
    scf.for %scan3A_246 = %scan3A_3 to %scan3A_5 step %scan3A_6  : i32 {
      %broadcast_in_dim3A = arith.constant 0.000000e+00 : f32
      %broadcast_in_dim3A_247 = vector.broadcast %broadcast_in_dim3A : f32 to vector<16xf32>
      %swap3A = arith.index_cast %scan3A_246 : i32 to index
      %swap3A_248 = arith.constant 0 : index
      %swap3A_249 = tpu.vector_load %arg9[%swap3A, %swap3A_248] {strides = array<i32>} : memref<24x128xf32, #tpu.memory_space<vmem>>, vector<16xf32>,
      tpu.vector_store %arg9[%swap3A, %swap3A_248], %broadcast_in_dim3A_247 {strides = array<i32>} : memref<24x128xf32, #tpu.memory_space<vmem>>, vector<16xf32>,
      %swap3A_250 = arith.index_cast %scan3A_246 : i32 to index
      %swap3A_251 = arith.constant 16 : index
      %swap3A_252 = tpu.vector_load %arg9[%swap3A_250, %swap3A_251] {strides = array<i32>} : memref<24x128xf32, #tpu.memory_space<vmem>>, vector<16xf32>,
      tpu.vector_store %arg9[%swap3A_250, %swap3A_251], %broadcast_in_dim3A_247 {strides = array<i32>} : memref<24x128xf32, #tpu.memory_space<vmem>>, vector<16xf32>,
      %swap3A_253 = arith.index_cast %scan3A_246 : i32 to index
      %swap3A_254 = arith.constant 32 : index
      %swap3A_255 = tpu.vector_load %arg9[%swap3A_253, %swap3A_254] {strides = array<i32>} : memref<24x128xf32, #tpu.memory_space<vmem>>, vector<16xf32>,
      tpu.vector_store %arg9[%swap3A_253, %swap3A_254], %broadcast_in_dim3A_247 {strides = array<i32>} : memref<24x128xf32, #tpu.memory_space<vmem>>, vector<16xf32>,
      %swap3A_256 = arith.index_cast %scan3A_246 : i32 to index
      %swap3A_257 = arith.constant 48 : index
      %swap3A_258 = tpu.vector_load %arg9[%swap3A_256, %swap3A_257] {strides = array<i32>} : memref<24x128xf32, #tpu.memory_space<vmem>>, vector<16xf32>,
      tpu.vector_store %arg9[%swap3A_256, %swap3A_257], %broadcast_in_dim3A_247 {strides = array<i32>} : memref<24x128xf32, #tpu.memory_space<vmem>>, vector<16xf32>,
      %swap3A_259 = arith.index_cast %scan3A_246 : i32 to index
      %swap3A_260 = arith.constant 64 : index
      %swap3A_261 = tpu.vector_load %arg9[%swap3A_259, %swap3A_260] {strides = array<i32>} : memref<24x128xf32, #tpu.memory_space<vmem>>, vector<16xf32>,
      tpu.vector_store %arg9[%swap3A_259, %swap3A_260], %broadcast_in_dim3A_247 {strides = array<i32>} : memref<24x128xf32, #tpu.memory_space<vmem>>, vector<16xf32>,
      %swap3A_262 = arith.index_cast %scan3A_246 : i32 to index
      %swap3A_263 = arith.constant 80 : index
      %swap3A_264 = tpu.vector_load %arg9[%swap3A_262, %swap3A_263] {strides = array<i32>} : memref<24x128xf32, #tpu.memory_space<vmem>>, vector<16xf32>,
      tpu.vector_store %arg9[%swap3A_262, %swap3A_263], %broadcast_in_dim3A_247 {strides = array<i32>} : memref<24x128xf32, #tpu.memory_space<vmem>>, vector<16xf32>,
      %swap3A_265 = arith.index_cast %scan3A_246 : i32 to index
      %swap3A_266 = arith.constant 96 : index
      %swap3A_267 = tpu.vector_load %arg9[%swap3A_265, %swap3A_266] {strides = array<i32>} : memref<24x128xf32, #tpu.memory_space<vmem>>, vector<16xf32>,
      tpu.vector_store %arg9[%swap3A_265, %swap3A_266], %broadcast_in_dim3A_247 {strides = array<i32>} : memref<24x128xf32, #tpu.memory_space<vmem>>, vector<16xf32>,
      %swap3A_268 = arith.index_cast %scan3A_246 : i32 to index
      %swap3A_269 = arith.constant 112 : index
      %swap3A_270 = tpu.vector_load %arg9[%swap3A_268, %swap3A_269] {strides = array<i32>} : memref<24x128xf32, #tpu.memory_space<vmem>>, vector<16xf32>,
      tpu.vector_store %arg9[%swap3A_268, %swap3A_269], %broadcast_in_dim3A_247 {strides = array<i32>} : memref<24x128xf32, #tpu.memory_space<vmem>>, vector<16xf32>,
    }
    %scan3A_7 = arith.constant 24 : i32
    %mul3A_8 = arith.constant 624 : i32
    %mul3A_9 = arith.muli %arg1, %mul3A_8 : i32
    %add3A_10 = arith.constant 0 : i32
    %add3A_11 = arith.addi %mul3A_9, %add3A_10 : i32
    "tpu.region"() ({
      %run_scoped3A_246 = tpu.sem_alloc : memref<!tpu.dma_semaphore, #tpu.memory_space<semaphore_mem>>
      %dma_start3A_247 = arith.constant 0 : i32
      %dma_start3A_248 = tpu.memref_slice %arg6[%add3A_11, %dma_start3A_247] : memref<10000x128xf32, #tpu.memory_space<vmem_shared>> -> memref<24x128xf32, #tpu.memory_space<vmem_shared>>
      %dma_start3A_249 = arith.constant 0 : i32
      %dma_start3A_250 = tpu.memref_slice %arg6[%add3A_11, %dma_start3A_249] : memref<10000x128xf32, #tpu.memory_space<vmem_shared>> -> memref<24x128xf32, #tpu.memory_space<vmem_shared>>
      tpu.enqueue_dma source(%arg9 : memref<24x128xf32, #tpu.memory_space<vmem>>) target(%dma_start3A_250 : memref<24x128xf32, #tpu.memory_space<vmem_shared>>) target_semaphore(%run_scoped3A_246 : memref<!tpu.dma_semaphore, #tpu.memory_space<semaphore_mem>>)
      %dma_wait3A_251 = arith.constant 0 : i32
      %dma_wait3A_252 = tpu.memref_slice %arg6[%add3A_11, %dma_wait3A_251] : memref<10000x128xf32, #tpu.memory_space<vmem_shared>> -> memref<24x128xf32, #tpu.memory_space<vmem_shared>>
      %dma_wait3A_253 = arith.constant 0 : i32
      %dma_wait3A_254 = tpu.memref_slice %arg6[%add3A_11, %dma_wait3A_253] : memref<10000x128xf32, #tpu.memory_space<vmem_shared>> -> memref<24x128xf32, #tpu.memory_space<vmem_shared>>
      tpu.wait_dma2 semaphore(%run_scoped3A_246 : memref<!tpu.dma_semaphore, #tpu.memory_space<semaphore_mem>>) src(%arg9 : memref<24x128xf32, #tpu.memory_space<vmem>>) dst(%dma_wait3A_254 : memref<24x128xf32, #tpu.memory_space<vmem_shared>>)
      tpu.yield
    }) : () -> ()
    %mul3A_12 = arith.constant 624 : i32
    %mul3A_13 = arith.muli %arg1, %mul3A_12 : i32
    %add3A_14 = arith.constant 24 : i32
    %add3A_15 = arith.addi %mul3A_13, %add3A_14 : i32
    "tpu.region"() ({
      %run_scoped3A_246 = tpu.sem_alloc : memref<!tpu.dma_semaphore, #tpu.memory_space<semaphore_mem>>
      %dma_start3A_247 = arith.constant 0 : i32
      %dma_start3A_248 = tpu.memref_slice %arg6[%add3A_15, %dma_start3A_247] : memref<10000x128xf32, #tpu.memory_space<vmem_shared>> -> memref<24x128xf32, #tpu.memory_space<vmem_shared>>
      %dma_start3A_249 = arith.constant 0 : i32
      %dma_start3A_250 = tpu.memref_slice %arg6[%add3A_15, %dma_start3A_249] : memref<10000x128xf32, #tpu.memory_space<vmem_shared>> -> memref<24x128xf32, #tpu.memory_space<vmem_shared>>
      tpu.enqueue_dma source(%arg9 : memref<24x128xf32, #tpu.memory_space<vmem>>) target(%dma_start3A_250 : memref<24x128xf32, #tpu.memory_space<vmem_shared>>) target_semaphore(%run_scoped3A_246 : memref<!tpu.dma_semaphore, #tpu.memory_space<semaphore_mem>>)
      %dma_wait3A_251 = arith.constant 0 : i32
      %dma_wait3A_252 = tpu.memref_slice %arg6[%add3A_15, %dma_wait3A_251] : memref<10000x128xf32, #tpu.memory_space<vmem_shared>> -> memref<24x128xf32, #tpu.memory_space<vmem_shared>>
      %dma_wait3A_253 = arith.constant 0 : i32
      %dma_wait3A_254 = tpu.memref_slice %arg6[%add3A_15, %dma_wait3A_253] : memref<10000x128xf32, #tpu.memory_space<vmem_shared>> -> memref<24x128xf32, #tpu.memory_space<vmem_shared>>
      tpu.wait_dma2 semaphore(%run_scoped3A_246 : memref<!tpu.dma_semaphore, #tpu.memory_space<semaphore_mem>>) src(%arg9 : memref<24x128xf32, #tpu.memory_space<vmem>>) dst(%dma_wait3A_254 : memref<24x128xf32, #tpu.memory_space<vmem_shared>>)
      tpu.yield
    }) : () -> ()
    %mul3A_16 = arith.constant 624 : i32
    %mul3A_17 = arith.muli %arg1, %mul3A_16 : i32
    %add3A_18 = arith.constant 48 : i32
    %add3A_19 = arith.addi %mul3A_17, %add3A_18 : i32
    "tpu.region"() ({
      %run_scoped3A_246 = tpu.sem_alloc : memref<!tpu.dma_semaphore, #tpu.memory_space<semaphore_mem>>
      %dma_start3A_247 = arith.constant 0 : i32
      %dma_start3A_248 = tpu.memref_slice %arg6[%add3A_19, %dma_start3A_247] : memref<10000x128xf32, #tpu.memory_space<vmem_shared>> -> memref<24x128xf32, #tpu.memory_space<vmem_shared>>
      %dma_start3A_249 = arith.constant 0 : i32
      %dma_start3A_250 = tpu.memref_slice %arg6[%add3A_19, %dma_start3A_249] : memref<10000x128xf32, #tpu.memory_space<vmem_shared>> -> memref<24x128xf32, #tpu.memory_space<vmem_shared>>
      tpu.enqueue_dma source(%arg9 : memref<24x128xf32, #tpu.memory_space<vmem>>) target(%dma_start3A_250 : memref<24x128xf32, #tpu.memory_space<vmem_shared>>) target_semaphore(%run_scoped3A_246 : memref<!tpu.dma_semaphore, #tpu.memory_space<semaphore_mem>>)
      %dma_wait3A_251 = arith.constant 0 : i32
      %dma_wait3A_252 = tpu.memref_slice %arg6[%add3A_19, %dma_wait3A_251] : memref<10000x128xf32, #tpu.memory_space<vmem_shared>> -> memref<24x128xf32, #tpu.memory_space<vmem_shared>>
      %dma_wait3A_253 = arith.constant 0 : i32
      %dma_wait3A_254 = tpu.memref_slice %arg6[%add3A_19, %dma_wait3A_253] : memref<10000x128xf32, #tpu.memory_space<vmem_shared>> -> memref<24x128xf32, #tpu.memory_space<vmem_shared>>
      tpu.wait_dma2 semaphore(%run_scoped3A_246 : memref<!tpu.dma_semaphore, #tpu.memory_space<semaphore_mem>>) src(%arg9 : memref<24x128xf32, #tpu.memory_space<vmem>>) dst(%dma_wait3A_254 : memref<24x128xf32, #tpu.memory_space<vmem_shared>>)
      tpu.yield
    }) : () -> ()
    %mul3A_20 = arith.constant 624 : i32
    %mul3A_21 = arith.muli %arg1, %mul3A_20 : i32
    %add3A_22 = arith.constant 72 : i32
    %add3A_23 = arith.addi %mul3A_21, %add3A_22 : i32
    "tpu.region"() ({
      %run_scoped3A_246 = tpu.sem_alloc : memref<!tpu.dma_semaphore, #tpu.memory_space<semaphore_mem>>
      %dma_start3A_247 = arith.constant 0 : i32
      %dma_start3A_248 = tpu.memref_slice %arg6[%add3A_23, %dma_start3A_247] : memref<10000x128xf32, #tpu.memory_space<vmem_shared>> -> memref<24x128xf32, #tpu.memory_space<vmem_shared>>
      %dma_start3A_249 = arith.constant 0 : i32
      %dma_start3A_250 = tpu.memref_slice %arg6[%add3A_23, %dma_start3A_249] : memref<10000x128xf32, #tpu.memory_space<vmem_shared>> -> memref<24x128xf32, #tpu.memory_space<vmem_shared>>
      tpu.enqueue_dma source(%arg9 : memref<24x128xf32, #tpu.memory_space<vmem>>) target(%dma_start3A_250 : memref<24x128xf32, #tpu.memory_space<vmem_shared>>) target_semaphore(%run_scoped3A_246 : memref<!tpu.dma_semaphore, #tpu.memory_space<semaphore_mem>>)
      %dma_wait3A_251 = arith.constant 0 : i32
      %dma_wait3A_252 = tpu.memref_slice %arg6[%add3A_23, %dma_wait3A_251] : memref<10000x128xf32, #tpu.memory_space<vmem_shared>> -> memref<24x128xf32, #tpu.memory_space<vmem_shared>>
      %dma_wait3A_253 = arith.constant 0 : i32
      %dma_wait3A_254 = tpu.memref_slice %arg6[%add3A_23, %dma_wait3A_253] : memref<10000x128xf32, #tpu.memory_space<vmem_shared>> -> memref<24x128xf32, #tpu.memory_space<vmem_shared>>
      tpu.wait_dma2 semaphore(%run_scoped3A_246 : memref<!tpu.dma_semaphore, #tpu.memory_space<semaphore_mem>>) src(%arg9 : memref<24x128xf32, #tpu.memory_space<vmem>>) dst(%dma_wait3A_254 : memref<24x128xf32, #tpu.memory_space<vmem_shared>>)
      tpu.yield
    }) : () -> ()
    %mul3A_24 = arith.constant 624 : i32
    %mul3A_25 = arith.muli %arg1, %mul3A_24 : i32
    %add3A_26 = arith.constant 96 : i32
    %add3A_27 = arith.addi %mul3A_25, %add3A_26 : i32
    "tpu.region"() ({
      %run_scoped3A_246 = tpu.sem_alloc : memref<!tpu.dma_semaphore, #tpu.memory_space<semaphore_mem>>
      %dma_start3A_247 = arith.constant 0 : i32
      %dma_start3A_248 = tpu.memref_slice %arg6[%add3A_27, %dma_start3A_247] : memref<10000x128xf32, #tpu.memory_space<vmem_shared>> -> memref<24x128xf32, #tpu.memory_space<vmem_shared>>
      %dma_start3A_249 = arith.constant 0 : i32
      %dma_start3A_250 = tpu.memref_slice %arg6[%add3A_27, %dma_start3A_249] : memref<10000x128xf32, #tpu.memory_space<vmem_shared>> -> memref<24x128xf32, #tpu.memory_space<vmem_shared>>
      tpu.enqueue_dma source(%arg9 : memref<24x128xf32, #tpu.memory_space<vmem>>) target(%dma_start3A_250 : memref<24x128xf32, #tpu.memory_space<vmem_shared>>) target_semaphore(%run_scoped3A_246 : memref<!tpu.dma_semaphore, #tpu.memory_space<semaphore_mem>>)
      %dma_wait3A_251 = arith.constant 0 : i32
      %dma_wait3A_252 = tpu.memref_slice %arg6[%add3A_27, %dma_wait3A_251] : memref<10000x128xf32, #tpu.memory_space<vmem_shared>> -> memref<24x128xf32, #tpu.memory_space<vmem_shared>>
      %dma_wait3A_253 = arith.constant 0 : i32
      %dma_wait3A_254 = tpu.memref_slice %arg6[%add3A_27, %dma_wait3A_253] : memref<10000x128xf32, #tpu.memory_space<vmem_shared>> -> memref<24x128xf32, #tpu.memory_space<vmem_shared>>
      tpu.wait_dma2 semaphore(%run_scoped3A_246 : memref<!tpu.dma_semaphore, #tpu.memory_space<semaphore_mem>>) src(%arg9 : memref<24x128xf32, #tpu.memory_space<vmem>>) dst(%dma_wait3A_254 : memref<24x128xf32, #tpu.memory_space<vmem_shared>>)
      tpu.yield
    }) : () -> ()
    %mul3A_28 = arith.constant 624 : i32
    %mul3A_29 = arith.muli %arg1, %mul3A_28 : i32
    %add3A_30 = arith.constant 120 : i32
    %add3A_31 = arith.addi %mul3A_29, %add3A_30 : i32
    "tpu.region"() ({
      %run_scoped3A_246 = tpu.sem_alloc : memref<!tpu.dma_semaphore, #tpu.memory_space<semaphore_mem>>
      %dma_start3A_247 = arith.constant 0 : i32
      %dma_start3A_248 = tpu.memref_slice %arg6[%add3A_31, %dma_start3A_247] : memref<10000x128xf32, #tpu.memory_space<vmem_shared>> -> memref<24x128xf32, #tpu.memory_space<vmem_shared>>
      %dma_start3A_249 = arith.constant 0 : i32
      %dma_start3A_250 = tpu.memref_slice %arg6[%add3A_31, %dma_start3A_249] : memref<10000x128xf32, #tpu.memory_space<vmem_shared>> -> memref<24x128xf32, #tpu.memory_space<vmem_shared>>
      tpu.enqueue_dma source(%arg9 : memref<24x128xf32, #tpu.memory_space<vmem>>) target(%dma_start3A_250 : memref<24x128xf32, #tpu.memory_space<vmem_shared>>) target_semaphore(%run_scoped3A_246 : memref<!tpu.dma_semaphore, #tpu.memory_space<semaphore_mem>>)
      %dma_wait3A_251 = arith.constant 0 : i32
      %dma_wait3A_252 = tpu.memref_slice %arg6[%add3A_31, %dma_wait3A_251] : memref<10000x128xf32, #tpu.memory_space<vmem_shared>> -> memref<24x128xf32, #tpu.memory_space<vmem_shared>>
      %dma_wait3A_253 = arith.constant 0 : i32
      %dma_wait3A_254 = tpu.memref_slice %arg6[%add3A_31, %dma_wait3A_253] : memref<10000x128xf32, #tpu.memory_space<vmem_shared>> -> memref<24x128xf32, #tpu.memory_space<vmem_shared>>
      tpu.wait_dma2 semaphore(%run_scoped3A_246 : memref<!tpu.dma_semaphore, #tpu.memory_space<semaphore_mem>>) src(%arg9 : memref<24x128xf32, #tpu.memory_space<vmem>>) dst(%dma_wait3A_254 : memref<24x128xf32, #tpu.memory_space<vmem_shared>>)
      tpu.yield
    }) : () -> ()
    %mul3A_32 = arith.constant 624 : i32
    %mul3A_33 = arith.muli %arg1, %mul3A_32 : i32
    %add3A_34 = arith.constant 144 : i32
    %add3A_35 = arith.addi %mul3A_33, %add3A_34 : i32
    "tpu.region"() ({
      %run_scoped3A_246 = tpu.sem_alloc : memref<!tpu.dma_semaphore, #tpu.memory_space<semaphore_mem>>
      %dma_start3A_247 = arith.constant 0 : i32
      %dma_start3A_248 = tpu.memref_slice %arg6[%add3A_35, %dma_start3A_247] : memref<10000x128xf32, #tpu.memory_space<vmem_shared>> -> memref<24x128xf32, #tpu.memory_space<vmem_shared>>
      %dma_start3A_249 = arith.constant 0 : i32
      %dma_start3A_250 = tpu.memref_slice %arg6[%add3A_35, %dma_start3A_249] : memref<10000x128xf32, #tpu.memory_space<vmem_shared>> -> memref<24x128xf32, #tpu.memory_space<vmem_shared>>
      tpu.enqueue_dma source(%arg9 : memref<24x128xf32, #tpu.memory_space<vmem>>) target(%dma_start3A_250 : memref<24x128xf32, #tpu.memory_space<vmem_shared>>) target_semaphore(%run_scoped3A_246 : memref<!tpu.dma_semaphore, #tpu.memory_space<semaphore_mem>>)
      %dma_wait3A_251 = arith.constant 0 : i32
      %dma_wait3A_252 = tpu.memref_slice %arg6[%add3A_35, %dma_wait3A_251] : memref<10000x128xf32, #tpu.memory_space<vmem_shared>> -> memref<24x128xf32, #tpu.memory_space<vmem_shared>>
      %dma_wait3A_253 = arith.constant 0 : i32
      %dma_wait3A_254 = tpu.memref_slice %arg6[%add3A_35, %dma_wait3A_253] : memref<10000x128xf32, #tpu.memory_space<vmem_shared>> -> memref<24x128xf32, #tpu.memory_space<vmem_shared>>
      tpu.wait_dma2 semaphore(%run_scoped3A_246 : memref<!tpu.dma_semaphore, #tpu.memory_space<semaphore_mem>>) src(%arg9 : memref<24x128xf32, #tpu.memory_space<vmem>>) dst(%dma_wait3A_254 : memref<24x128xf32, #tpu.memory_space<vmem_shared>>)
      tpu.yield
    }) : () -> ()
    %mul3A_36 = arith.constant 624 : i32
    %mul3A_37 = arith.muli %arg1, %mul3A_36 : i32
    %add3A_38 = arith.constant 168 : i32
    %add3A_39 = arith.addi %mul3A_37, %add3A_38 : i32
    "tpu.region"() ({
      %run_scoped3A_246 = tpu.sem_alloc : memref<!tpu.dma_semaphore, #tpu.memory_space<semaphore_mem>>
      %dma_start3A_247 = arith.constant 0 : i32
      %dma_start3A_248 = tpu.memref_slice %arg6[%add3A_39, %dma_start3A_247] : memref<10000x128xf32, #tpu.memory_space<vmem_shared>> -> memref<24x128xf32, #tpu.memory_space<vmem_shared>>
      %dma_start3A_249 = arith.constant 0 : i32
      %dma_start3A_250 = tpu.memref_slice %arg6[%add3A_39, %dma_start3A_249] : memref<10000x128xf32, #tpu.memory_space<vmem_shared>> -> memref<24x128xf32, #tpu.memory_space<vmem_shared>>
      tpu.enqueue_dma source(%arg9 : memref<24x128xf32, #tpu.memory_space<vmem>>) target(%dma_start3A_250 : memref<24x128xf32, #tpu.memory_space<vmem_shared>>) target_semaphore(%run_scoped3A_246 : memref<!tpu.dma_semaphore, #tpu.memory_space<semaphore_mem>>)
      %dma_wait3A_251 = arith.constant 0 : i32
      %dma_wait3A_252 = tpu.memref_slice %arg6[%add3A_39, %dma_wait3A_251] : memref<10000x128xf32, #tpu.memory_space<vmem_shared>> -> memref<24x128xf32, #tpu.memory_space<vmem_shared>>
      %dma_wait3A_253 = arith.constant 0 : i32
      %dma_wait3A_254 = tpu.memref_slice %arg6[%add3A_39, %dma_wait3A_253] : memref<10000x128xf32, #tpu.memory_space<vmem_shared>> -> memref<24x128xf32, #tpu.memory_space<vmem_shared>>
      tpu.wait_dma2 semaphore(%run_scoped3A_246 : memref<!tpu.dma_semaphore, #tpu.memory_space<semaphore_mem>>) src(%arg9 : memref<24x128xf32, #tpu.memory_space<vmem>>) dst(%dma_wait3A_254 : memref<24x128xf32, #tpu.memory_space<vmem_shared>>)
      tpu.yield
    }) : () -> ()
    %mul3A_40 = arith.constant 624 : i32
    %mul3A_41 = arith.muli %arg1, %mul3A_40 : i32
    %add3A_42 = arith.constant 192 : i32
    %add3A_43 = arith.addi %mul3A_41, %add3A_42 : i32
    "tpu.region"() ({
      %run_scoped3A_246 = tpu.sem_alloc : memref<!tpu.dma_semaphore, #tpu.memory_space<semaphore_mem>>
      %dma_start3A_247 = arith.constant 0 : i32
      %dma_start3A_248 = tpu.memref_slice %arg6[%add3A_43, %dma_start3A_247] : memref<10000x128xf32, #tpu.memory_space<vmem_shared>> -> memref<24x128xf32, #tpu.memory_space<vmem_shared>>
      %dma_start3A_249 = arith.constant 0 : i32
      %dma_start3A_250 = tpu.memref_slice %arg6[%add3A_43, %dma_start3A_249] : memref<10000x128xf32, #tpu.memory_space<vmem_shared>> -> memref<24x128xf32, #tpu.memory_space<vmem_shared>>
      tpu.enqueue_dma source(%arg9 : memref<24x128xf32, #tpu.memory_space<vmem>>) target(%dma_start3A_250 : memref<24x128xf32, #tpu.memory_space<vmem_shared>>) target_semaphore(%run_scoped3A_246 : memref<!tpu.dma_semaphore, #tpu.memory_space<semaphore_mem>>)
      %dma_wait3A_251 = arith.constant 0 : i32
      %dma_wait3A_252 = tpu.memref_slice %arg6[%add3A_43, %dma_wait3A_251] : memref<10000x128xf32, #tpu.memory_space<vmem_shared>> -> memref<24x128xf32, #tpu.memory_space<vmem_shared>>
      %dma_wait3A_253 = arith.constant 0 : i32
      %dma_wait3A_254 = tpu.memref_slice %arg6[%add3A_43, %dma_wait3A_253] : memref<10000x128xf32, #tpu.memory_space<vmem_shared>> -> memref<24x128xf32, #tpu.memory_space<vmem_shared>>
      tpu.wait_dma2 semaphore(%run_scoped3A_246 : memref<!tpu.dma_semaphore, #tpu.memory_space<semaphore_mem>>) src(%arg9 : memref<24x128xf32, #tpu.memory_space<vmem>>) dst(%dma_wait3A_254 : memref<24x128xf32, #tpu.memory_space<vmem_shared>>)
      tpu.yield
    }) : () -> ()
    %mul3A_44 = arith.constant 624 : i32
    %mul3A_45 = arith.muli %arg1, %mul3A_44 : i32
    %add3A_46 = arith.constant 216 : i32
    %add3A_47 = arith.addi %mul3A_45, %add3A_46 : i32
    "tpu.region"() ({
      %run_scoped3A_246 = tpu.sem_alloc : memref<!tpu.dma_semaphore, #tpu.memory_space<semaphore_mem>>
      %dma_start3A_247 = arith.constant 0 : i32
      %dma_start3A_248 = tpu.memref_slice %arg6[%add3A_47, %dma_start3A_247] : memref<10000x128xf32, #tpu.memory_space<vmem_shared>> -> memref<24x128xf32, #tpu.memory_space<vmem_shared>>
      %dma_start3A_249 = arith.constant 0 : i32
      %dma_start3A_250 = tpu.memref_slice %arg6[%add3A_47, %dma_start3A_249] : memref<10000x128xf32, #tpu.memory_space<vmem_shared>> -> memref<24x128xf32, #tpu.memory_space<vmem_shared>>
      tpu.enqueue_dma source(%arg9 : memref<24x128xf32, #tpu.memory_space<vmem>>) target(%dma_start3A_250 : memref<24x128xf32, #tpu.memory_space<vmem_shared>>) target_semaphore(%run_scoped3A_246 : memref<!tpu.dma_semaphore, #tpu.memory_space<semaphore_mem>>)
      %dma_wait3A_251 = arith.constant 0 : i32
      %dma_wait3A_252 = tpu.memref_slice %arg6[%add3A_47, %dma_wait3A_251] : memref<10000x128xf32, #tpu.memory_space<vmem_shared>> -> memref<24x128xf32, #tpu.memory_space<vmem_shared>>
      %dma_wait3A_253 = arith.constant 0 : i32
      %dma_wait3A_254 = tpu.memref_slice %arg6[%add3A_47, %dma_wait3A_253] : memref<10000x128xf32, #tpu.memory_space<vmem_shared>> -> memref<24x128xf32, #tpu.memory_space<vmem_shared>>
      tpu.wait_dma2 semaphore(%run_scoped3A_246 : memref<!tpu.dma_semaphore, #tpu.memory_space<semaphore_mem>>) src(%arg9 : memref<24x128xf32, #tpu.memory_space<vmem>>) dst(%dma_wait3A_254 : memref<24x128xf32, #tpu.memory_space<vmem_shared>>)
      tpu.yield
    }) : () -> ()
    %mul3A_48 = arith.constant 624 : i32
    %mul3A_49 = arith.muli %arg1, %mul3A_48 : i32
    %add3A_50 = arith.constant 240 : i32
    %add3A_51 = arith.addi %mul3A_49, %add3A_50 : i32
    "tpu.region"() ({
      %run_scoped3A_246 = tpu.sem_alloc : memref<!tpu.dma_semaphore, #tpu.memory_space<semaphore_mem>>
      %dma_start3A_247 = arith.constant 0 : i32
      %dma_start3A_248 = tpu.memref_slice %arg6[%add3A_51, %dma_start3A_247] : memref<10000x128xf32, #tpu.memory_space<vmem_shared>> -> memref<24x128xf32, #tpu.memory_space<vmem_shared>>
      %dma_start3A_249 = arith.constant 0 : i32
      %dma_start3A_250 = tpu.memref_slice %arg6[%add3A_51, %dma_start3A_249] : memref<10000x128xf32, #tpu.memory_space<vmem_shared>> -> memref<24x128xf32, #tpu.memory_space<vmem_shared>>
      tpu.enqueue_dma source(%arg9 : memref<24x128xf32, #tpu.memory_space<vmem>>) target(%dma_start3A_250 : memref<24x128xf32, #tpu.memory_space<vmem_shared>>) target_semaphore(%run_scoped3A_246 : memref<!tpu.dma_semaphore, #tpu.memory_space<semaphore_mem>>)
      %dma_wait3A_251 = arith.constant 0 : i32
      %dma_wait3A_252 = tpu.memref_slice %arg6[%add3A_51, %dma_wait3A_251] : memref<10000x128xf32, #tpu.memory_space<vmem_shared>> -> memref<24x128xf32, #tpu.memory_space<vmem_shared>>
      %dma_wait3A_253 = arith.constant 0 : i32
      %dma_wait3A_254 = tpu.memref_slice %arg6[%add3A_51, %dma_wait3A_253] : memref<10000x128xf32, #tpu.memory_space<vmem_shared>> -> memref<24x128xf32, #tpu.memory_space<vmem_shared>>
      tpu.wait_dma2 semaphore(%run_scoped3A_246 : memref<!tpu.dma_semaphore, #tpu.memory_space<semaphore_mem>>) src(%arg9 : memref<24x128xf32, #tpu.memory_space<vmem>>) dst(%dma_wait3A_254 : memref<24x128xf32, #tpu.memory_space<vmem_shared>>)
      tpu.yield
    }) : () -> ()
    %mul3A_52 = arith.constant 624 : i32
    %mul3A_53 = arith.muli %arg1, %mul3A_52 : i32
    %add3A_54 = arith.constant 264 : i32
    %add3A_55 = arith.addi %mul3A_53, %add3A_54 : i32
    "tpu.region"() ({
      %run_scoped3A_246 = tpu.sem_alloc : memref<!tpu.dma_semaphore, #tpu.memory_space<semaphore_mem>>
      %dma_start3A_247 = arith.constant 0 : i32
      %dma_start3A_248 = tpu.memref_slice %arg6[%add3A_55, %dma_start3A_247] : memref<10000x128xf32, #tpu.memory_space<vmem_shared>> -> memref<24x128xf32, #tpu.memory_space<vmem_shared>>
      %dma_start3A_249 = arith.constant 0 : i32
      %dma_start3A_250 = tpu.memref_slice %arg6[%add3A_55, %dma_start3A_249] : memref<10000x128xf32, #tpu.memory_space<vmem_shared>> -> memref<24x128xf32, #tpu.memory_space<vmem_shared>>
      tpu.enqueue_dma source(%arg9 : memref<24x128xf32, #tpu.memory_space<vmem>>) target(%dma_start3A_250 : memref<24x128xf32, #tpu.memory_space<vmem_shared>>) target_semaphore(%run_scoped3A_246 : memref<!tpu.dma_semaphore, #tpu.memory_space<semaphore_mem>>)
      %dma_wait3A_251 = arith.constant 0 : i32
      %dma_wait3A_252 = tpu.memref_slice %arg6[%add3A_55, %dma_wait3A_251] : memref<10000x128xf32, #tpu.memory_space<vmem_shared>> -> memref<24x128xf32, #tpu.memory_space<vmem_shared>>
      %dma_wait3A_253 = arith.constant 0 : i32
      %dma_wait3A_254 = tpu.memref_slice %arg6[%add3A_55, %dma_wait3A_253] : memref<10000x128xf32, #tpu.memory_space<vmem_shared>> -> memref<24x128xf32, #tpu.memory_space<vmem_shared>>
      tpu.wait_dma2 semaphore(%run_scoped3A_246 : memref<!tpu.dma_semaphore, #tpu.memory_space<semaphore_mem>>) src(%arg9 : memref<24x128xf32, #tpu.memory_space<vmem>>) dst(%dma_wait3A_254 : memref<24x128xf32, #tpu.memory_space<vmem_shared>>)
      tpu.yield
    }) : () -> ()
    %mul3A_56 = arith.constant 624 : i32
    %mul3A_57 = arith.muli %arg1, %mul3A_56 : i32
    %add3A_58 = arith.constant 288 : i32
    %add3A_59 = arith.addi %mul3A_57, %add3A_58 : i32
    "tpu.region"() ({
      %run_scoped3A_246 = tpu.sem_alloc : memref<!tpu.dma_semaphore, #tpu.memory_space<semaphore_mem>>
      %dma_start3A_247 = arith.constant 0 : i32
      %dma_start3A_248 = tpu.memref_slice %arg6[%add3A_59, %dma_start3A_247] : memref<10000x128xf32, #tpu.memory_space<vmem_shared>> -> memref<24x128xf32, #tpu.memory_space<vmem_shared>>
      %dma_start3A_249 = arith.constant 0 : i32
      %dma_start3A_250 = tpu.memref_slice %arg6[%add3A_59, %dma_start3A_249] : memref<10000x128xf32, #tpu.memory_space<vmem_shared>> -> memref<24x128xf32, #tpu.memory_space<vmem_shared>>
      tpu.enqueue_dma source(%arg9 : memref<24x128xf32, #tpu.memory_space<vmem>>) target(%dma_start3A_250 : memref<24x128xf32, #tpu.memory_space<vmem_shared>>) target_semaphore(%run_scoped3A_246 : memref<!tpu.dma_semaphore, #tpu.memory_space<semaphore_mem>>)
      %dma_wait3A_251 = arith.constant 0 : i32
      %dma_wait3A_252 = tpu.memref_slice %arg6[%add3A_59, %dma_wait3A_251] : memref<10000x128xf32, #tpu.memory_space<vmem_shared>> -> memref<24x128xf32, #tpu.memory_space<vmem_shared>>
      %dma_wait3A_253 = arith.constant 0 : i32
      %dma_wait3A_254 = tpu.memref_slice %arg6[%add3A_59, %dma_wait3A_253] : memref<10000x128xf32, #tpu.memory_space<vmem_shared>> -> memref<24x128xf32, #tpu.memory_space<vmem_shared>>
      tpu.wait_dma2 semaphore(%run_scoped3A_246 : memref<!tpu.dma_semaphore, #tpu.memory_space<semaphore_mem>>) src(%arg9 : memref<24x128xf32, #tpu.memory_space<vmem>>) dst(%dma_wait3A_254 : memref<24x128xf32, #tpu.memory_space<vmem_shared>>)
      tpu.yield
    }) : () -> ()
    %mul3A_60 = arith.constant 624 : i32
    %mul3A_61 = arith.muli %arg1, %mul3A_60 : i32
    %add3A_62 = arith.constant 312 : i32
    %add3A_63 = arith.addi %mul3A_61, %add3A_62 : i32
    "tpu.region"() ({
      %run_scoped3A_246 = tpu.sem_alloc : memref<!tpu.dma_semaphore, #tpu.memory_space<semaphore_mem>>
      %dma_start3A_247 = arith.constant 0 : i32
      %dma_start3A_248 = tpu.memref_slice %arg6[%add3A_63, %dma_start3A_247] : memref<10000x128xf32, #tpu.memory_space<vmem_shared>> -> memref<24x128xf32, #tpu.memory_space<vmem_shared>>
      %dma_start3A_249 = arith.constant 0 : i32
      %dma_start3A_250 = tpu.memref_slice %arg6[%add3A_63, %dma_start3A_249] : memref<10000x128xf32, #tpu.memory_space<vmem_shared>> -> memref<24x128xf32, #tpu.memory_space<vmem_shared>>
      tpu.enqueue_dma source(%arg9 : memref<24x128xf32, #tpu.memory_space<vmem>>) target(%dma_start3A_250 : memref<24x128xf32, #tpu.memory_space<vmem_shared>>) target_semaphore(%run_scoped3A_246 : memref<!tpu.dma_semaphore, #tpu.memory_space<semaphore_mem>>)
      %dma_wait3A_251 = arith.constant 0 : i32
      %dma_wait3A_252 = tpu.memref_slice %arg6[%add3A_63, %dma_wait3A_251] : memref<10000x128xf32, #tpu.memory_space<vmem_shared>> -> memref<24x128xf32, #tpu.memory_space<vmem_shared>>
      %dma_wait3A_253 = arith.constant 0 : i32
      %dma_wait3A_254 = tpu.memref_slice %arg6[%add3A_63, %dma_wait3A_253] : memref<10000x128xf32, #tpu.memory_space<vmem_shared>> -> memref<24x128xf32, #tpu.memory_space<vmem_shared>>
      tpu.wait_dma2 semaphore(%run_scoped3A_246 : memref<!tpu.dma_semaphore, #tpu.memory_space<semaphore_mem>>) src(%arg9 : memref<24x128xf32, #tpu.memory_space<vmem>>) dst(%dma_wait3A_254 : memref<24x128xf32, #tpu.memory_space<vmem_shared>>)
      tpu.yield
    }) : () -> ()
    %mul3A_64 = arith.constant 624 : i32
    %mul3A_65 = arith.muli %arg1, %mul3A_64 : i32
    %add3A_66 = arith.constant 336 : i32
    %add3A_67 = arith.addi %mul3A_65, %add3A_66 : i32
    "tpu.region"() ({
      %run_scoped3A_246 = tpu.sem_alloc : memref<!tpu.dma_semaphore, #tpu.memory_space<semaphore_mem>>
      %dma_start3A_247 = arith.constant 0 : i32
      %dma_start3A_248 = tpu.memref_slice %arg6[%add3A_67, %dma_start3A_247] : memref<10000x128xf32, #tpu.memory_space<vmem_shared>> -> memref<24x128xf32, #tpu.memory_space<vmem_shared>>
      %dma_start3A_249 = arith.constant 0 : i32
      %dma_start3A_250 = tpu.memref_slice %arg6[%add3A_67, %dma_start3A_249] : memref<10000x128xf32, #tpu.memory_space<vmem_shared>> -> memref<24x128xf32, #tpu.memory_space<vmem_shared>>
      tpu.enqueue_dma source(%arg9 : memref<24x128xf32, #tpu.memory_space<vmem>>) target(%dma_start3A_250 : memref<24x128xf32, #tpu.memory_space<vmem_shared>>) target_semaphore(%run_scoped3A_246 : memref<!tpu.dma_semaphore, #tpu.memory_space<semaphore_mem>>)
      %dma_wait3A_251 = arith.constant 0 : i32
      %dma_wait3A_252 = tpu.memref_slice %arg6[%add3A_67, %dma_wait3A_251] : memref<10000x128xf32, #tpu.memory_space<vmem_shared>> -> memref<24x128xf32, #tpu.memory_space<vmem_shared>>
      %dma_wait3A_253 = arith.constant 0 : i32
      %dma_wait3A_254 = tpu.memref_slice %arg6[%add3A_67, %dma_wait3A_253] : memref<10000x128xf32, #tpu.memory_space<vmem_shared>> -> memref<24x128xf32, #tpu.memory_space<vmem_shared>>
      tpu.wait_dma2 semaphore(%run_scoped3A_246 : memref<!tpu.dma_semaphore, #tpu.memory_space<semaphore_mem>>) src(%arg9 : memref<24x128xf32, #tpu.memory_space<vmem>>) dst(%dma_wait3A_254 : memref<24x128xf32, #tpu.memory_space<vmem_shared>>)
      tpu.yield
    }) : () -> ()
    %mul3A_68 = arith.constant 624 : i32
    %mul3A_69 = arith.muli %arg1, %mul3A_68 : i32
    %add3A_70 = arith.constant 360 : i32
    %add3A_71 = arith.addi %mul3A_69, %add3A_70 : i32
    "tpu.region"() ({
      %run_scoped3A_246 = tpu.sem_alloc : memref<!tpu.dma_semaphore, #tpu.memory_space<semaphore_mem>>
      %dma_start3A_247 = arith.constant 0 : i32
      %dma_start3A_248 = tpu.memref_slice %arg6[%add3A_71, %dma_start3A_247] : memref<10000x128xf32, #tpu.memory_space<vmem_shared>> -> memref<24x128xf32, #tpu.memory_space<vmem_shared>>
      %dma_start3A_249 = arith.constant 0 : i32
      %dma_start3A_250 = tpu.memref_slice %arg6[%add3A_71, %dma_start3A_249] : memref<10000x128xf32, #tpu.memory_space<vmem_shared>> -> memref<24x128xf32, #tpu.memory_space<vmem_shared>>
      tpu.enqueue_dma source(%arg9 : memref<24x128xf32, #tpu.memory_space<vmem>>) target(%dma_start3A_250 : memref<24x128xf32, #tpu.memory_space<vmem_shared>>) target_semaphore(%run_scoped3A_246 : memref<!tpu.dma_semaphore, #tpu.memory_space<semaphore_mem>>)
      %dma_wait3A_251 = arith.constant 0 : i32
      %dma_wait3A_252 = tpu.memref_slice %arg6[%add3A_71, %dma_wait3A_251] : memref<10000x128xf32, #tpu.memory_space<vmem_shared>> -> memref<24x128xf32, #tpu.memory_space<vmem_shared>>
      %dma_wait3A_253 = arith.constant 0 : i32
      %dma_wait3A_254 = tpu.memref_slice %arg6[%add3A_71, %dma_wait3A_253] : memref<10000x128xf32, #tpu.memory_space<vmem_shared>> -> memref<24x128xf32, #tpu.memory_space<vmem_shared>>
      tpu.wait_dma2 semaphore(%run_scoped3A_246 : memref<!tpu.dma_semaphore, #tpu.memory_space<semaphore_mem>>) src(%arg9 : memref<24x128xf32, #tpu.memory_space<vmem>>) dst(%dma_wait3A_254 : memref<24x128xf32, #tpu.memory_space<vmem_shared>>)
      tpu.yield
    }) : () -> ()
    %mul3A_72 = arith.constant 624 : i32
    %mul3A_73 = arith.muli %arg1, %mul3A_72 : i32
    %add3A_74 = arith.constant 384 : i32
    %add3A_75 = arith.addi %mul3A_73, %add3A_74 : i32
    "tpu.region"() ({
      %run_scoped3A_246 = tpu.sem_alloc : memref<!tpu.dma_semaphore, #tpu.memory_space<semaphore_mem>>
      %dma_start3A_247 = arith.constant 0 : i32
      %dma_start3A_248 = tpu.memref_slice %arg6[%add3A_75, %dma_start3A_247] : memref<10000x128xf32, #tpu.memory_space<vmem_shared>> -> memref<24x128xf32, #tpu.memory_space<vmem_shared>>
      %dma_start3A_249 = arith.constant 0 : i32
      %dma_start3A_250 = tpu.memref_slice %arg6[%add3A_75, %dma_start3A_249] : memref<10000x128xf32, #tpu.memory_space<vmem_shared>> -> memref<24x128xf32, #tpu.memory_space<vmem_shared>>
      tpu.enqueue_dma source(%arg9 : memref<24x128xf32, #tpu.memory_space<vmem>>) target(%dma_start3A_250 : memref<24x128xf32, #tpu.memory_space<vmem_shared>>) target_semaphore(%run_scoped3A_246 : memref<!tpu.dma_semaphore, #tpu.memory_space<semaphore_mem>>)
      %dma_wait3A_251 = arith.constant 0 : i32
      %dma_wait3A_252 = tpu.memref_slice %arg6[%add3A_75, %dma_wait3A_251] : memref<10000x128xf32, #tpu.memory_space<vmem_shared>> -> memref<24x128xf32, #tpu.memory_space<vmem_shared>>
      %dma_wait3A_253 = arith.constant 0 : i32
      %dma_wait3A_254 = tpu.memref_slice %arg6[%add3A_75, %dma_wait3A_253] : memref<10000x128xf32, #tpu.memory_space<vmem_shared>> -> memref<24x128xf32, #tpu.memory_space<vmem_shared>>
      tpu.wait_dma2 semaphore(%run_scoped3A_246 : memref<!tpu.dma_semaphore, #tpu.memory_space<semaphore_mem>>) src(%arg9 : memref<24x128xf32, #tpu.memory_space<vmem>>) dst(%dma_wait3A_254 : memref<24x128xf32, #tpu.memory_space<vmem_shared>>)
      tpu.yield
    }) : () -> ()
    %mul3A_76 = arith.constant 624 : i32
    %mul3A_77 = arith.muli %arg1, %mul3A_76 : i32
    %add3A_78 = arith.constant 408 : i32
    %add3A_79 = arith.addi %mul3A_77, %add3A_78 : i32
    "tpu.region"() ({
      %run_scoped3A_246 = tpu.sem_alloc : memref<!tpu.dma_semaphore, #tpu.memory_space<semaphore_mem>>
      %dma_start3A_247 = arith.constant 0 : i32
      %dma_start3A_248 = tpu.memref_slice %arg6[%add3A_79, %dma_start3A_247] : memref<10000x128xf32, #tpu.memory_space<vmem_shared>> -> memref<24x128xf32, #tpu.memory_space<vmem_shared>>
      %dma_start3A_249 = arith.constant 0 : i32
      %dma_start3A_250 = tpu.memref_slice %arg6[%add3A_79, %dma_start3A_249] : memref<10000x128xf32, #tpu.memory_space<vmem_shared>> -> memref<24x128xf32, #tpu.memory_space<vmem_shared>>
      tpu.enqueue_dma source(%arg9 : memref<24x128xf32, #tpu.memory_space<vmem>>) target(%dma_start3A_250 : memref<24x128xf32, #tpu.memory_space<vmem_shared>>) target_semaphore(%run_scoped3A_246 : memref<!tpu.dma_semaphore, #tpu.memory_space<semaphore_mem>>)
      %dma_wait3A_251 = arith.constant 0 : i32
      %dma_wait3A_252 = tpu.memref_slice %arg6[%add3A_79, %dma_wait3A_251] : memref<10000x128xf32, #tpu.memory_space<vmem_shared>> -> memref<24x128xf32, #tpu.memory_space<vmem_shared>>
      %dma_wait3A_253 = arith.constant 0 : i32
      %dma_wait3A_254 = tpu.memref_slice %arg6[%add3A_79, %dma_wait3A_253] : memref<10000x128xf32, #tpu.memory_space<vmem_shared>> -> memref<24x128xf32, #tpu.memory_space<vmem_shared>>
      tpu.wait_dma2 semaphore(%run_scoped3A_246 : memref<!tpu.dma_semaphore, #tpu.memory_space<semaphore_mem>>) src(%arg9 : memref<24x128xf32, #tpu.memory_space<vmem>>) dst(%dma_wait3A_254 : memref<24x128xf32, #tpu.memory_space<vmem_shared>>)
      tpu.yield
    }) : () -> ()
    %mul3A_80 = arith.constant 624 : i32
    %mul3A_81 = arith.muli %arg1, %mul3A_80 : i32
    %add3A_82 = arith.constant 432 : i32
    %add3A_83 = arith.addi %mul3A_81, %add3A_82 : i32
    "tpu.region"() ({
      %run_scoped3A_246 = tpu.sem_alloc : memref<!tpu.dma_semaphore, #tpu.memory_space<semaphore_mem>>
      %dma_start3A_247 = arith.constant 0 : i32
      %dma_start3A_248 = tpu.memref_slice %arg6[%add3A_83, %dma_start3A_247] : memref<10000x128xf32, #tpu.memory_space<vmem_shared>> -> memref<24x128xf32, #tpu.memory_space<vmem_shared>>
      %dma_start3A_249 = arith.constant 0 : i32
      %dma_start3A_250 = tpu.memref_slice %arg6[%add3A_83, %dma_start3A_249] : memref<10000x128xf32, #tpu.memory_space<vmem_shared>> -> memref<24x128xf32, #tpu.memory_space<vmem_shared>>
      tpu.enqueue_dma source(%arg9 : memref<24x128xf32, #tpu.memory_space<vmem>>) target(%dma_start3A_250 : memref<24x128xf32, #tpu.memory_space<vmem_shared>>) target_semaphore(%run_scoped3A_246 : memref<!tpu.dma_semaphore, #tpu.memory_space<semaphore_mem>>)
      %dma_wait3A_251 = arith.constant 0 : i32
      %dma_wait3A_252 = tpu.memref_slice %arg6[%add3A_83, %dma_wait3A_251] : memref<10000x128xf32, #tpu.memory_space<vmem_shared>> -> memref<24x128xf32, #tpu.memory_space<vmem_shared>>
      %dma_wait3A_253 = arith.constant 0 : i32
      %dma_wait3A_254 = tpu.memref_slice %arg6[%add3A_83, %dma_wait3A_253] : memref<10000x128xf32, #tpu.memory_space<vmem_shared>> -> memref<24x128xf32, #tpu.memory_space<vmem_shared>>
      tpu.wait_dma2 semaphore(%run_scoped3A_246 : memref<!tpu.dma_semaphore, #tpu.memory_space<semaphore_mem>>) src(%arg9 : memref<24x128xf32, #tpu.memory_space<vmem>>) dst(%dma_wait3A_254 : memref<24x128xf32, #tpu.memory_space<vmem_shared>>)
      tpu.yield
    }) : () -> ()
    %mul3A_84 = arith.constant 624 : i32
    %mul3A_85 = arith.muli %arg1, %mul3A_84 : i32
    %add3A_86 = arith.constant 456 : i32
    %add3A_87 = arith.addi %mul3A_85, %add3A_86 : i32
    "tpu.region"() ({
      %run_scoped3A_246 = tpu.sem_alloc : memref<!tpu.dma_semaphore, #tpu.memory_space<semaphore_mem>>
      %dma_start3A_247 = arith.constant 0 : i32
      %dma_start3A_248 = tpu.memref_slice %arg6[%add3A_87, %dma_start3A_247] : memref<10000x128xf32, #tpu.memory_space<vmem_shared>> -> memref<24x128xf32, #tpu.memory_space<vmem_shared>>
      %dma_start3A_249 = arith.constant 0 : i32
      %dma_start3A_250 = tpu.memref_slice %arg6[%add3A_87, %dma_start3A_249] : memref<10000x128xf32, #tpu.memory_space<vmem_shared>> -> memref<24x128xf32, #tpu.memory_space<vmem_shared>>
      tpu.enqueue_dma source(%arg9 : memref<24x128xf32, #tpu.memory_space<vmem>>) target(%dma_start3A_250 : memref<24x128xf32, #tpu.memory_space<vmem_shared>>) target_semaphore(%run_scoped3A_246 : memref<!tpu.dma_semaphore, #tpu.memory_space<semaphore_mem>>)
      %dma_wait3A_251 = arith.constant 0 : i32
      %dma_wait3A_252 = tpu.memref_slice %arg6[%add3A_87, %dma_wait3A_251] : memref<10000x128xf32, #tpu.memory_space<vmem_shared>> -> memref<24x128xf32, #tpu.memory_space<vmem_shared>>
      %dma_wait3A_253 = arith.constant 0 : i32
      %dma_wait3A_254 = tpu.memref_slice %arg6[%add3A_87, %dma_wait3A_253] : memref<10000x128xf32, #tpu.memory_space<vmem_shared>> -> memref<24x128xf32, #tpu.memory_space<vmem_shared>>
      tpu.wait_dma2 semaphore(%run_scoped3A_246 : memref<!tpu.dma_semaphore, #tpu.memory_space<semaphore_mem>>) src(%arg9 : memref<24x128xf32, #tpu.memory_space<vmem>>) dst(%dma_wait3A_254 : memref<24x128xf32, #tpu.memory_space<vmem_shared>>)
      tpu.yield
    }) : () -> ()
    %mul3A_88 = arith.constant 624 : i32
    %mul3A_89 = arith.muli %arg1, %mul3A_88 : i32
    %add3A_90 = arith.constant 480 : i32
    %add3A_91 = arith.addi %mul3A_89, %add3A_90 : i32
    "tpu.region"() ({
      %run_scoped3A_246 = tpu.sem_alloc : memref<!tpu.dma_semaphore, #tpu.memory_space<semaphore_mem>>
      %dma_start3A_247 = arith.constant 0 : i32
      %dma_start3A_248 = tpu.memref_slice %arg6[%add3A_91, %dma_start3A_247] : memref<10000x128xf32, #tpu.memory_space<vmem_shared>> -> memref<24x128xf32, #tpu.memory_space<vmem_shared>>
      %dma_start3A_249 = arith.constant 0 : i32
      %dma_start3A_250 = tpu.memref_slice %arg6[%add3A_91, %dma_start3A_249] : memref<10000x128xf32, #tpu.memory_space<vmem_shared>> -> memref<24x128xf32, #tpu.memory_space<vmem_shared>>
      tpu.enqueue_dma source(%arg9 : memref<24x128xf32, #tpu.memory_space<vmem>>) target(%dma_start3A_250 : memref<24x128xf32, #tpu.memory_space<vmem_shared>>) target_semaphore(%run_scoped3A_246 : memref<!tpu.dma_semaphore, #tpu.memory_space<semaphore_mem>>)
      %dma_wait3A_251 = arith.constant 0 : i32
      %dma_wait3A_252 = tpu.memref_slice %arg6[%add3A_91, %dma_wait3A_251] : memref<10000x128xf32, #tpu.memory_space<vmem_shared>> -> memref<24x128xf32, #tpu.memory_space<vmem_shared>>
      %dma_wait3A_253 = arith.constant 0 : i32
      %dma_wait3A_254 = tpu.memref_slice %arg6[%add3A_91, %dma_wait3A_253] : memref<10000x128xf32, #tpu.memory_space<vmem_shared>> -> memref<24x128xf32, #tpu.memory_space<vmem_shared>>
      tpu.wait_dma2 semaphore(%run_scoped3A_246 : memref<!tpu.dma_semaphore, #tpu.memory_space<semaphore_mem>>) src(%arg9 : memref<24x128xf32, #tpu.memory_space<vmem>>) dst(%dma_wait3A_254 : memref<24x128xf32, #tpu.memory_space<vmem_shared>>)
      tpu.yield
    }) : () -> ()
    %mul3A_92 = arith.constant 624 : i32
    %mul3A_93 = arith.muli %arg1, %mul3A_92 : i32
    %add3A_94 = arith.constant 504 : i32
    %add3A_95 = arith.addi %mul3A_93, %add3A_94 : i32
    "tpu.region"() ({
      %run_scoped3A_246 = tpu.sem_alloc : memref<!tpu.dma_semaphore, #tpu.memory_space<semaphore_mem>>
      %dma_start3A_247 = arith.constant 0 : i32
      %dma_start3A_248 = tpu.memref_slice %arg6[%add3A_95, %dma_start3A_247] : memref<10000x128xf32, #tpu.memory_space<vmem_shared>> -> memref<24x128xf32, #tpu.memory_space<vmem_shared>>
      %dma_start3A_249 = arith.constant 0 : i32
      %dma_start3A_250 = tpu.memref_slice %arg6[%add3A_95, %dma_start3A_249] : memref<10000x128xf32, #tpu.memory_space<vmem_shared>> -> memref<24x128xf32, #tpu.memory_space<vmem_shared>>
      tpu.enqueue_dma source(%arg9 : memref<24x128xf32, #tpu.memory_space<vmem>>) target(%dma_start3A_250 : memref<24x128xf32, #tpu.memory_space<vmem_shared>>) target_semaphore(%run_scoped3A_246 : memref<!tpu.dma_semaphore, #tpu.memory_space<semaphore_mem>>)
      %dma_wait3A_251 = arith.constant 0 : i32
      %dma_wait3A_252 = tpu.memref_slice %arg6[%add3A_95, %dma_wait3A_251] : memref<10000x128xf32, #tpu.memory_space<vmem_shared>> -> memref<24x128xf32, #tpu.memory_space<vmem_shared>>
      %dma_wait3A_253 = arith.constant 0 : i32
      %dma_wait3A_254 = tpu.memref_slice %arg6[%add3A_95, %dma_wait3A_253] : memref<10000x128xf32, #tpu.memory_space<vmem_shared>> -> memref<24x128xf32, #tpu.memory_space<vmem_shared>>
      tpu.wait_dma2 semaphore(%run_scoped3A_246 : memref<!tpu.dma_semaphore, #tpu.memory_space<semaphore_mem>>) src(%arg9 : memref<24x128xf32, #tpu.memory_space<vmem>>) dst(%dma_wait3A_254 : memref<24x128xf32, #tpu.memory_space<vmem_shared>>)
      tpu.yield
    }) : () -> ()
    %mul3A_96 = arith.constant 624 : i32
    %mul3A_97 = arith.muli %arg1, %mul3A_96 : i32
    %add3A_98 = arith.constant 528 : i32
    %add3A_99 = arith.addi %mul3A_97, %add3A_98 : i32
    "tpu.region"() ({
      %run_scoped3A_246 = tpu.sem_alloc : memref<!tpu.dma_semaphore, #tpu.memory_space<semaphore_mem>>
      %dma_start3A_247 = arith.constant 0 : i32
      %dma_start3A_248 = tpu.memref_slice %arg6[%add3A_99, %dma_start3A_247] : memref<10000x128xf32, #tpu.memory_space<vmem_shared>> -> memref<24x128xf32, #tpu.memory_space<vmem_shared>>
      %dma_start3A_249 = arith.constant 0 : i32
      %dma_start3A_250 = tpu.memref_slice %arg6[%add3A_99, %dma_start3A_249] : memref<10000x128xf32, #tpu.memory_space<vmem_shared>> -> memref<24x128xf32, #tpu.memory_space<vmem_shared>>
      tpu.enqueue_dma source(%arg9 : memref<24x128xf32, #tpu.memory_space<vmem>>) target(%dma_start3A_250 : memref<24x128xf32, #tpu.memory_space<vmem_shared>>) target_semaphore(%run_scoped3A_246 : memref<!tpu.dma_semaphore, #tpu.memory_space<semaphore_mem>>)
      %dma_wait3A_251 = arith.constant 0 : i32
      %dma_wait3A_252 = tpu.memref_slice %arg6[%add3A_99, %dma_wait3A_251] : memref<10000x128xf32, #tpu.memory_space<vmem_shared>> -> memref<24x128xf32, #tpu.memory_space<vmem_shared>>
      %dma_wait3A_253 = arith.constant 0 : i32
      %dma_wait3A_254 = tpu.memref_slice %arg6[%add3A_99, %dma_wait3A_253] : memref<10000x128xf32, #tpu.memory_space<vmem_shared>> -> memref<24x128xf32, #tpu.memory_space<vmem_shared>>
      tpu.wait_dma2 semaphore(%run_scoped3A_246 : memref<!tpu.dma_semaphore, #tpu.memory_space<semaphore_mem>>) src(%arg9 : memref<24x128xf32, #tpu.memory_space<vmem>>) dst(%dma_wait3A_254 : memref<24x128xf32, #tpu.memory_space<vmem_shared>>)
      tpu.yield
    }) : () -> ()
    %mul3A_100 = arith.constant 624 : i32
    %mul3A_101 = arith.muli %arg1, %mul3A_100 : i32
    %add3A_102 = arith.constant 552 : i32
    %add3A_103 = arith.addi %mul3A_101, %add3A_102 : i32
    "tpu.region"() ({
      %run_scoped3A_246 = tpu.sem_alloc : memref<!tpu.dma_semaphore, #tpu.memory_space<semaphore_mem>>
      %dma_start3A_247 = arith.constant 0 : i32
      %dma_start3A_248 = tpu.memref_slice %arg6[%add3A_103, %dma_start3A_247] : memref<10000x128xf32, #tpu.memory_space<vmem_shared>> -> memref<24x128xf32, #tpu.memory_space<vmem_shared>>
      %dma_start3A_249 = arith.constant 0 : i32
      %dma_start3A_250 = tpu.memref_slice %arg6[%add3A_103, %dma_start3A_249] : memref<10000x128xf32, #tpu.memory_space<vmem_shared>> -> memref<24x128xf32, #tpu.memory_space<vmem_shared>>
      tpu.enqueue_dma source(%arg9 : memref<24x128xf32, #tpu.memory_space<vmem>>) target(%dma_start3A_250 : memref<24x128xf32, #tpu.memory_space<vmem_shared>>) target_semaphore(%run_scoped3A_246 : memref<!tpu.dma_semaphore, #tpu.memory_space<semaphore_mem>>)
      %dma_wait3A_251 = arith.constant 0 : i32
      %dma_wait3A_252 = tpu.memref_slice %arg6[%add3A_103, %dma_wait3A_251] : memref<10000x128xf32, #tpu.memory_space<vmem_shared>> -> memref<24x128xf32, #tpu.memory_space<vmem_shared>>
      %dma_wait3A_253 = arith.constant 0 : i32
      %dma_wait3A_254 = tpu.memref_slice %arg6[%add3A_103, %dma_wait3A_253] : memref<10000x128xf32, #tpu.memory_space<vmem_shared>> -> memref<24x128xf32, #tpu.memory_space<vmem_shared>>
      tpu.wait_dma2 semaphore(%run_scoped3A_246 : memref<!tpu.dma_semaphore, #tpu.memory_space<semaphore_mem>>) src(%arg9 : memref<24x128xf32, #tpu.memory_space<vmem>>) dst(%dma_wait3A_254 : memref<24x128xf32, #tpu.memory_space<vmem_shared>>)
      tpu.yield
    }) : () -> ()
    %mul3A_104 = arith.constant 624 : i32
    %mul3A_105 = arith.muli %arg1, %mul3A_104 : i32
    %add3A_106 = arith.constant 576 : i32
    %add3A_107 = arith.addi %mul3A_105, %add3A_106 : i32
    "tpu.region"() ({
      %run_scoped3A_246 = tpu.sem_alloc : memref<!tpu.dma_semaphore, #tpu.memory_space<semaphore_mem>>
      %dma_start3A_247 = arith.constant 0 : i32
      %dma_start3A_248 = tpu.memref_slice %arg6[%add3A_107, %dma_start3A_247] : memref<10000x128xf32, #tpu.memory_space<vmem_shared>> -> memref<24x128xf32, #tpu.memory_space<vmem_shared>>
      %dma_start3A_249 = arith.constant 0 : i32
      %dma_start3A_250 = tpu.memref_slice %arg6[%add3A_107, %dma_start3A_249] : memref<10000x128xf32, #tpu.memory_space<vmem_shared>> -> memref<24x128xf32, #tpu.memory_space<vmem_shared>>
      tpu.enqueue_dma source(%arg9 : memref<24x128xf32, #tpu.memory_space<vmem>>) target(%dma_start3A_250 : memref<24x128xf32, #tpu.memory_space<vmem_shared>>) target_semaphore(%run_scoped3A_246 : memref<!tpu.dma_semaphore, #tpu.memory_space<semaphore_mem>>)
      %dma_wait3A_251 = arith.constant 0 : i32
      %dma_wait3A_252 = tpu.memref_slice %arg6[%add3A_107, %dma_wait3A_251] : memref<10000x128xf32, #tpu.memory_space<vmem_shared>> -> memref<24x128xf32, #tpu.memory_space<vmem_shared>>
      %dma_wait3A_253 = arith.constant 0 : i32
      %dma_wait3A_254 = tpu.memref_slice %arg6[%add3A_107, %dma_wait3A_253] : memref<10000x128xf32, #tpu.memory_space<vmem_shared>> -> memref<24x128xf32, #tpu.memory_space<vmem_shared>>
      tpu.wait_dma2 semaphore(%run_scoped3A_246 : memref<!tpu.dma_semaphore, #tpu.memory_space<semaphore_mem>>) src(%arg9 : memref<24x128xf32, #tpu.memory_space<vmem>>) dst(%dma_wait3A_254 : memref<24x128xf32, #tpu.memory_space<vmem_shared>>)
      tpu.yield
    }) : () -> ()
    %mul3A_108 = arith.constant 624 : i32
    %mul3A_109 = arith.muli %arg1, %mul3A_108 : i32
    %add3A_110 = arith.constant 600 : i32
    %add3A_111 = arith.addi %mul3A_109, %add3A_110 : i32
    "tpu.region"() ({
      %run_scoped3A_246 = tpu.sem_alloc : memref<!tpu.dma_semaphore, #tpu.memory_space<semaphore_mem>>
      %dma_start3A_247 = arith.constant 0 : i32
      %dma_start3A_248 = tpu.memref_slice %arg6[%add3A_111, %dma_start3A_247] : memref<10000x128xf32, #tpu.memory_space<vmem_shared>> -> memref<24x128xf32, #tpu.memory_space<vmem_shared>>
      %dma_start3A_249 = arith.constant 0 : i32
      %dma_start3A_250 = tpu.memref_slice %arg6[%add3A_111, %dma_start3A_249] : memref<10000x128xf32, #tpu.memory_space<vmem_shared>> -> memref<24x128xf32, #tpu.memory_space<vmem_shared>>
      tpu.enqueue_dma source(%arg9 : memref<24x128xf32, #tpu.memory_space<vmem>>) target(%dma_start3A_250 : memref<24x128xf32, #tpu.memory_space<vmem_shared>>) target_semaphore(%run_scoped3A_246 : memref<!tpu.dma_semaphore, #tpu.memory_space<semaphore_mem>>)
      %dma_wait3A_251 = arith.constant 0 : i32
      %dma_wait3A_252 = tpu.memref_slice %arg6[%add3A_111, %dma_wait3A_251] : memref<10000x128xf32, #tpu.memory_space<vmem_shared>> -> memref<24x128xf32, #tpu.memory_space<vmem_shared>>
      %dma_wait3A_253 = arith.constant 0 : i32
      %dma_wait3A_254 = tpu.memref_slice %arg6[%add3A_111, %dma_wait3A_253] : memref<10000x128xf32, #tpu.memory_space<vmem_shared>> -> memref<24x128xf32, #tpu.memory_space<vmem_shared>>
      tpu.wait_dma2 semaphore(%run_scoped3A_246 : memref<!tpu.dma_semaphore, #tpu.memory_space<semaphore_mem>>) src(%arg9 : memref<24x128xf32, #tpu.memory_space<vmem>>) dst(%dma_wait3A_254 : memref<24x128xf32, #tpu.memory_space<vmem_shared>>)
      tpu.yield
    }) : () -> ()
    %eq3A = arith.constant 15 : i32
    %eq3A_112 = arith.cmpi eq, %arg1, %eq3A : i32
    %convert_element_type3A = arith.extui %eq3A_112 : i1 to i32
    %cond3A = arith.constant 0 : i32
    %cond3A_113 = arith.cmpi ne, %convert_element_type3A, %cond3A : i32
    scf.if %cond3A_113 {
      "tpu.region"() ({
        %run_scoped3A_246 = tpu.sem_alloc : memref<!tpu.dma_semaphore, #tpu.memory_space<semaphore_mem>>
        %dma_start3A_247 = arith.constant 0 : i32
        %dma_start3A_248 = arith.constant 0 : i32
        %dma_start3A_249 = tpu.memref_slice %arg9[%dma_start3A_247, %dma_start3A_248] : memref<24x128xf32, #tpu.memory_space<vmem>> -> memref<16x128xf32, #tpu.memory_space<vmem>>
        %dma_start3A_250 = arith.constant 9984 : i32
        %dma_start3A_251 = arith.constant 0 : i32
        %dma_start3A_252 = tpu.memref_slice %arg6[%dma_start3A_250, %dma_start3A_251] : memref<10000x128xf32, #tpu.memory_space<vmem_shared>> -> memref<16x128xf32, #tpu.memory_space<vmem_shared>>
        %dma_start3A_253 = arith.constant 9984 : i32
        %dma_start3A_254 = arith.constant 0 : i32
        %dma_start3A_255 = tpu.memref_slice %arg6[%dma_start3A_253, %dma_start3A_254] : memref<10000x128xf32, #tpu.memory_space<vmem_shared>> -> memref<16x128xf32, #tpu.memory_space<vmem_shared>>
        %dma_start3A_256 = arith.constant 0 : i32
        %dma_start3A_257 = arith.constant 0 : i32
        %dma_start3A_258 = tpu.memref_slice %arg9[%dma_start3A_256, %dma_start3A_257] : memref<24x128xf32, #tpu.memory_space<vmem>> -> memref<16x128xf32, #tpu.memory_space<vmem>>
        tpu.enqueue_dma source(%dma_start3A_258 : memref<16x128xf32, #tpu.memory_space<vmem>>) target(%dma_start3A_255 : memref<16x128xf32, #tpu.memory_space<vmem_shared>>) target_semaphore(%run_scoped3A_246 : memref<!tpu.dma_semaphore, #tpu.memory_space<semaphore_mem>>)
        %dma_wait3A_259 = arith.constant 0 : i32
        %dma_wait3A_260 = arith.constant 0 : i32
        %dma_wait3A_261 = tpu.memref_slice %arg9[%dma_wait3A_259, %dma_wait3A_260] : memref<24x128xf32, #tpu.memory_space<vmem>> -> memref<16x128xf32, #tpu.memory_space<vmem>>
        %dma_wait3A_262 = arith.constant 9984 : i32
        %dma_wait3A_263 = arith.constant 0 : i32
        %dma_wait3A_264 = tpu.memref_slice %arg6[%dma_wait3A_262, %dma_wait3A_263] : memref<10000x128xf32, #tpu.memory_space<vmem_shared>> -> memref<16x128xf32, #tpu.memory_space<vmem_shared>>
        %dma_wait3A_265 = arith.constant 9984 : i32
        %dma_wait3A_266 = arith.constant 0 : i32
        %dma_wait3A_267 = tpu.memref_slice %arg6[%dma_wait3A_265, %dma_wait3A_266] : memref<10000x128xf32, #tpu.memory_space<vmem_shared>> -> memref<16x128xf32, #tpu.memory_space<vmem_shared>>
        %dma_wait3A_268 = arith.constant 0 : i32
        %dma_wait3A_269 = arith.constant 0 : i32
        %dma_wait3A_270 = tpu.memref_slice %arg9[%dma_wait3A_268, %dma_wait3A_269] : memref<24x128xf32, #tpu.memory_space<vmem>> -> memref<16x128xf32, #tpu.memory_space<vmem>>
        tpu.wait_dma2 semaphore(%run_scoped3A_246 : memref<!tpu.dma_semaphore, #tpu.memory_space<semaphore_mem>>) src(%dma_wait3A_270 : memref<16x128xf32, #tpu.memory_space<vmem>>) dst(%dma_wait3A_267 : memref<16x128xf32, #tpu.memory_space<vmem_shared>>)
        tpu.yield
      }) : () -> ()
    } else {
    }
    %barrier3A = arith.constant 0 : index
    tpu.barrier barrier_id(%barrier3A)
    %dma_start3A = arith.constant 0 : i32
    %dma_start3A_114 = arith.constant 0 : i32
    %dma_start3A_115 = arith.constant 0 : i32
    %dma_start3A_116 = arith.constant 0 : i32
    %dma_start3A_117 = tpu.memref_slice %arg10[%dma_start3A_114, %dma_start3A_115, %dma_start3A_116] : memref<2x2x80xi32, #tpu.memory_space<vmem>> -> memref<1x2x80xi32, #tpu.memory_space<vmem>>
    %dma_start3A_118 = tpu.memref_squeeze %dma_start3A_117 : memref<1x2x80xi32, #tpu.memory_space<vmem>> -> memref<2x80xi32, #tpu.memory_space<vmem>>
    %dma_start3A_119 = arith.constant 0 : i32
    %dma_start3A_120 = arith.constant 0 : i32
    %dma_start3A_121 = tpu.memref_slice %arg4[%add3A, %dma_start3A, %dma_start3A_119, %dma_start3A_120] : memref<32x125x2x80xi32, #tpu.memory_space<hbm>> -> memref<1x1x2x80xi32, #tpu.memory_space<hbm>>
    %dma_start3A_122 = tpu.memref_squeeze %dma_start3A_121 : memref<1x1x2x80xi32, #tpu.memory_space<hbm>> -> memref<2x80xi32, #tpu.memory_space<hbm>>
    %dma_start3A_123 = arith.constant 0 : i32
    %dma_start3A_124 = arith.constant 0 : i32
    %dma_start3A_125 = tpu.memref_slice %arg10[%dma_start3A_114, %dma_start3A_123, %dma_start3A_124] : memref<2x2x80xi32, #tpu.memory_space<vmem>> -> memref<1x2x80xi32, #tpu.memory_space<vmem>>
    %dma_start3A_126 = tpu.memref_squeeze %dma_start3A_125 : memref<1x2x80xi32, #tpu.memory_space<vmem>> -> memref<2x80xi32, #tpu.memory_space<vmem>>
    %dma_start3A_127 = arith.constant 0 : i32
    %dma_start3A_128 = arith.constant 0 : i32
    %dma_start3A_129 = tpu.memref_slice %arg4[%add3A, %dma_start3A, %dma_start3A_127, %dma_start3A_128] : memref<32x125x2x80xi32, #tpu.memory_space<hbm>> -> memref<1x1x2x80xi32, #tpu.memory_space<hbm>>
    %dma_start3A_130 = tpu.memref_squeeze %dma_start3A_129 : memref<1x1x2x80xi32, #tpu.memory_space<hbm>> -> memref<2x80xi32, #tpu.memory_space<hbm>>
    tpu.enqueue_dma source(%dma_start3A_130 : memref<2x80xi32, #tpu.memory_space<hbm>>) target(%dma_start3A_126 : memref<2x80xi32, #tpu.memory_space<vmem>>) target_semaphore(%arg15 : memref<!tpu.dma_semaphore, #tpu.memory_space<semaphore_mem>>)
    %dma_wait3A = arith.constant 0 : i32
    %dma_wait3A_131 = arith.constant 0 : i32
    %dma_wait3A_132 = arith.constant 0 : i32
    %dma_wait3A_133 = arith.constant 0 : i32
    %dma_wait3A_134 = tpu.memref_slice %arg10[%dma_wait3A_131, %dma_wait3A_132, %dma_wait3A_133] : memref<2x2x80xi32, #tpu.memory_space<vmem>> -> memref<1x2x80xi32, #tpu.memory_space<vmem>>
    %dma_wait3A_135 = tpu.memref_squeeze %dma_wait3A_134 : memref<1x2x80xi32, #tpu.memory_space<vmem>> -> memref<2x80xi32, #tpu.memory_space<vmem>>
    %dma_wait3A_136 = arith.constant 0 : i32
    %dma_wait3A_137 = arith.constant 0 : i32
    %dma_wait3A_138 = tpu.memref_slice %arg4[%add3A, %dma_wait3A, %dma_wait3A_136, %dma_wait3A_137] : memref<32x125x2x80xi32, #tpu.memory_space<hbm>> -> memref<1x1x2x80xi32, #tpu.memory_space<hbm>>
    %dma_wait3A_139 = tpu.memref_squeeze %dma_wait3A_138 : memref<1x1x2x80xi32, #tpu.memory_space<hbm>> -> memref<2x80xi32, #tpu.memory_space<hbm>>
    %dma_wait3A_140 = arith.constant 0 : i32
    %dma_wait3A_141 = arith.constant 0 : i32
    %dma_wait3A_142 = tpu.memref_slice %arg10[%dma_wait3A_131, %dma_wait3A_140, %dma_wait3A_141] : memref<2x2x80xi32, #tpu.memory_space<vmem>> -> memref<1x2x80xi32, #tpu.memory_space<vmem>>
    %dma_wait3A_143 = tpu.memref_squeeze %dma_wait3A_142 : memref<1x2x80xi32, #tpu.memory_space<vmem>> -> memref<2x80xi32, #tpu.memory_space<vmem>>
    %dma_wait3A_144 = arith.constant 0 : i32
    %dma_wait3A_145 = arith.constant 0 : i32
    %dma_wait3A_146 = tpu.memref_slice %arg4[%add3A, %dma_wait3A, %dma_wait3A_144, %dma_wait3A_145] : memref<32x125x2x80xi32, #tpu.memory_space<hbm>> -> memref<1x1x2x80xi32, #tpu.memory_space<hbm>>
    %dma_wait3A_147 = tpu.memref_squeeze %dma_wait3A_146 : memref<1x1x2x80xi32, #tpu.memory_space<hbm>> -> memref<2x80xi32, #tpu.memory_space<hbm>>
    tpu.wait_dma2 semaphore(%arg15 : memref<!tpu.dma_semaphore, #tpu.memory_space<semaphore_mem>>) src(%dma_wait3A_147 : memref<2x80xi32, #tpu.memory_space<hbm>>) dst(%dma_wait3A_143 : memref<2x80xi32, #tpu.memory_space<vmem>>)
    %dma_start3A_148 = arith.constant 0 : i32
    %dma_start3A_149 = arith.constant 0 : i32
    %dma_start3A_150 = arith.constant 0 : i32
    %dma_start3A_151 = arith.constant 0 : i32
    %dma_start3A_152 = arith.constant 0 : i32
    %dma_start3A_153 = tpu.memref_slice %arg7[%dma_start3A_150, %dma_start3A_151, %dma_start3A_152] : memref<2x80x128xf32, #tpu.memory_space<vmem>> -> memref<1x80x128xf32, #tpu.memory_space<vmem>>
    %dma_start3A_154 = tpu.memref_squeeze %dma_start3A_153 : memref<1x80x128xf32, #tpu.memory_space<vmem>> -> memref<80x128xf32, #tpu.memory_space<vmem>>
    %dma_start3A_155 = arith.constant 0 : i32
    %dma_start3A_156 = tpu.memref_slice %arg10[%dma_start3A_148, %dma_start3A_149, %dma_start3A_155] : memref<2x2x80xi32, #tpu.memory_space<vmem>> -> memref<1x1x80xi32, #tpu.memory_space<vmem>>
    %dma_start3A_157 = tpu.memref_squeeze %dma_start3A_156 : memref<1x1x80xi32, #tpu.memory_space<vmem>> -> memref<80xi32, #tpu.memory_space<vmem>>
    %dma_start3A_158 = arith.constant 0 : i32
    %dma_start3A_159 = arith.constant 0 : i32
    %dma_start3A_160 = tpu.memref_slice %arg3[%dma_start3A_158, %dma_start3A_159] : memref<10000x128xf32, #tpu.memory_space<hbm>> -> memref<10000x128xf32, #tpu.memory_space<hbm>>
    tpu.enqueue_indirect_dma source(%dma_start3A_160 : memref<10000x128xf32, #tpu.memory_space<hbm>>) target(%dma_start3A_154 : memref<80x128xf32, #tpu.memory_space<vmem>>) offsets(%dma_start3A_157 : memref<80xi32, #tpu.memory_space<vmem>>) semaphore(%arg11 : memref<!tpu.dma_semaphore, #tpu.memory_space<semaphore_mem>>)
    %add3A_161 = arith.constant 0 : i32
    %add3A_162 = arith.addi %mul3A_2, %add3A_161 : i32
    %dma_start3A_163 = arith.constant 0 : i32
    %dma_start3A_164 = arith.constant 0 : i32
    %dma_start3A_165 = arith.constant 0 : i32
    %dma_start3A_166 = tpu.memref_slice %arg8[%dma_start3A_163, %dma_start3A_164, %dma_start3A_165] : memref<2x80x128xf32, #tpu.memory_space<vmem>> -> memref<1x80x128xf32, #tpu.memory_space<vmem>>
    %dma_start3A_167 = tpu.memref_squeeze %dma_start3A_166 : memref<1x80x128xf32, #tpu.memory_space<vmem>> -> memref<80x128xf32, #tpu.memory_space<vmem>>
    %dma_start3A_168 = arith.constant 0 : i32
    %dma_start3A_169 = tpu.memref_slice %arg2[%add3A_162, %dma_start3A_168] : memref<320000x128xf32, #tpu.memory_space<hbm>> -> memref<80x128xf32, #tpu.memory_space<hbm>>
    %dma_start3A_170 = arith.constant 0 : i32
    %dma_start3A_171 = arith.constant 0 : i32
    %dma_start3A_172 = tpu.memref_slice %arg8[%dma_start3A_163, %dma_start3A_170, %dma_start3A_171] : memref<2x80x128xf32, #tpu.memory_space<vmem>> -> memref<1x80x128xf32, #tpu.memory_space<vmem>>
    %dma_start3A_173 = tpu.memref_squeeze %dma_start3A_172 : memref<1x80x128xf32, #tpu.memory_space<vmem>> -> memref<80x128xf32, #tpu.memory_space<vmem>>
    %dma_start3A_174 = arith.constant 0 : i32
    %dma_start3A_175 = tpu.memref_slice %arg2[%add3A_162, %dma_start3A_174] : memref<320000x128xf32, #tpu.memory_space<hbm>> -> memref<80x128xf32, #tpu.memory_space<hbm>>
    tpu.enqueue_dma source(%dma_start3A_175 : memref<80x128xf32, #tpu.memory_space<hbm>>) target(%dma_start3A_173 : memref<80x128xf32, #tpu.memory_space<vmem>>) target_semaphore(%arg13 : memref<!tpu.dma_semaphore, #tpu.memory_space<semaphore_mem>>)
    %dma_start3A_176 = arith.constant 1 : i32
    %dma_start3A_177 = arith.constant 1 : i32
    %dma_start3A_178 = arith.constant 0 : i32
    %dma_start3A_179 = arith.constant 0 : i32
    %dma_start3A_180 = tpu.memref_slice %arg10[%dma_start3A_177, %dma_start3A_178, %dma_start3A_179] : memref<2x2x80xi32, #tpu.memory_space<vmem>> -> memref<1x2x80xi32, #tpu.memory_space<vmem>>
    %dma_start3A_181 = tpu.memref_squeeze %dma_start3A_180 : memref<1x2x80xi32, #tpu.memory_space<vmem>> -> memref<2x80xi32, #tpu.memory_space<vmem>>
    %dma_start3A_182 = arith.constant 0 : i32
    %dma_start3A_183 = arith.constant 0 : i32
    %dma_start3A_184 = tpu.memref_slice %arg4[%add3A, %dma_start3A_176, %dma_start3A_182, %dma_start3A_183] : memref<32x125x2x80xi32, #tpu.memory_space<hbm>> -> memref<1x1x2x80xi32, #tpu.memory_space<hbm>>
    %dma_start3A_185 = tpu.memref_squeeze %dma_start3A_184 : memref<1x1x2x80xi32, #tpu.memory_space<hbm>> -> memref<2x80xi32, #tpu.memory_space<hbm>>
    %dma_start3A_186 = arith.constant 0 : i32
    %dma_start3A_187 = arith.constant 0 : i32
    %dma_start3A_188 = tpu.memref_slice %arg10[%dma_start3A_177, %dma_start3A_186, %dma_start3A_187] : memref<2x2x80xi32, #tpu.memory_space<vmem>> -> memref<1x2x80xi32, #tpu.memory_space<vmem>>
    %dma_start3A_189 = tpu.memref_squeeze %dma_start3A_188 : memref<1x2x80xi32, #tpu.memory_space<vmem>> -> memref<2x80xi32, #tpu.memory_space<vmem>>
    %dma_start3A_190 = arith.constant 0 : i32
    %dma_start3A_191 = arith.constant 0 : i32
    %dma_start3A_192 = tpu.memref_slice %arg4[%add3A, %dma_start3A_176, %dma_start3A_190, %dma_start3A_191] : memref<32x125x2x80xi32, #tpu.memory_space<hbm>> -> memref<1x1x2x80xi32, #tpu.memory_space<hbm>>
    %dma_start3A_193 = tpu.memref_squeeze %dma_start3A_192 : memref<1x1x2x80xi32, #tpu.memory_space<hbm>> -> memref<2x80xi32, #tpu.memory_space<hbm>>
    tpu.enqueue_dma source(%dma_start3A_193 : memref<2x80xi32, #tpu.memory_space<hbm>>) target(%dma_start3A_189 : memref<2x80xi32, #tpu.memory_space<vmem>>) target_semaphore(%arg16 : memref<!tpu.dma_semaphore, #tpu.memory_space<semaphore_mem>>)
    %scan3A_194 = arith.constant 0 : i32
    %scan3A_195 = arith.constant 0 : i32
    %scan3A_196 = arith.constant 62 : i32
    %scan3A_197 = arith.addi %scan3A_195, %scan3A_196 : i32
    %scan3A_198 = arith.constant 1 : i32
    scf.for %scan3A_246 = %scan3A_195 to %scan3A_197 step %scan3A_198  : i32 {
      %mul3A_247 = arith.constant 2 : i32
      %mul3A_248 = arith.muli %mul3A_247, %scan3A_246 : i32
      %dma_wait3A_249 = arith.constant 0 : i32
      %dma_wait3A_250 = arith.constant 0 : i32
      %dma_wait3A_251 = arith.constant 0 : i32
      %dma_wait3A_252 = arith.constant 0 : i32
      %dma_wait3A_253 = arith.constant 0 : i32
      %dma_wait3A_254 = tpu.memref_slice %arg7[%dma_wait3A_251, %dma_wait3A_252, %dma_wait3A_253] : memref<2x80x128xf32, #tpu.memory_space<vmem>> -> memref<1x80x128xf32, #tpu.memory_space<vmem>>
      %dma_wait3A_255 = tpu.memref_squeeze %dma_wait3A_254 : memref<1x80x128xf32, #tpu.memory_space<vmem>> -> memref<80x128xf32, #tpu.memory_space<vmem>>
      %dma_wait3A_256 = arith.constant 0 : i32
      %dma_wait3A_257 = tpu.memref_slice %arg10[%dma_wait3A_249, %dma_wait3A_250, %dma_wait3A_256] : memref<2x2x80xi32, #tpu.memory_space<vmem>> -> memref<1x1x80xi32, #tpu.memory_space<vmem>>
      %dma_wait3A_258 = tpu.memref_squeeze %dma_wait3A_257 : memref<1x1x80xi32, #tpu.memory_space<vmem>> -> memref<80xi32, #tpu.memory_space<vmem>>
      %dma_wait3A_259 = arith.constant 0 : i32
      %dma_wait3A_260 = arith.constant 0 : i32
      %dma_wait3A_261 = tpu.memref_slice %arg3[%dma_wait3A_259, %dma_wait3A_260] : memref<10000x128xf32, #tpu.memory_space<hbm>> -> memref<10000x128xf32, #tpu.memory_space<hbm>>
      tpu.wait_indirect_dma semaphore(%arg11 : memref<!tpu.dma_semaphore, #tpu.memory_space<semaphore_mem>>) src(%dma_wait3A_261 : memref<10000x128xf32, #tpu.memory_space<hbm>>) dst(%dma_wait3A_255 : memref<80x128xf32, #tpu.memory_space<vmem>>)
      %mul3A_262 = arith.constant 80 : i32
      %mul3A_263 = arith.muli %mul3A_248, %mul3A_262 : i32
      %add3A_264 = arith.addi %mul3A_2, %mul3A_263 : i32
      %dma_wait3A_265 = arith.constant 0 : i32
      %dma_wait3A_266 = arith.constant 0 : i32
      %dma_wait3A_267 = arith.constant 0 : i32
      %dma_wait3A_268 = tpu.memref_slice %arg8[%dma_wait3A_265, %dma_wait3A_266, %dma_wait3A_267] : memref<2x80x128xf32, #tpu.memory_space<vmem>> -> memref<1x80x128xf32, #tpu.memory_space<vmem>>
      %dma_wait3A_269 = tpu.memref_squeeze %dma_wait3A_268 : memref<1x80x128xf32, #tpu.memory_space<vmem>> -> memref<80x128xf32, #tpu.memory_space<vmem>>
      %dma_wait3A_270 = arith.constant 0 : i32
      %dma_wait3A_271 = tpu.memref_slice %arg2[%add3A_264, %dma_wait3A_270] : memref<320000x128xf32, #tpu.memory_space<hbm>> -> memref<80x128xf32, #tpu.memory_space<hbm>>
      %dma_wait3A_272 = arith.constant 0 : i32
      %dma_wait3A_273 = arith.constant 0 : i32
      %dma_wait3A_274 = tpu.memref_slice %arg8[%dma_wait3A_265, %dma_wait3A_272, %dma_wait3A_273] : memref<2x80x128xf32, #tpu.memory_space<vmem>> -> memref<1x80x128xf32, #tpu.memory_space<vmem>>
      %dma_wait3A_275 = tpu.memref_squeeze %dma_wait3A_274 : memref<1x80x128xf32, #tpu.memory_space<vmem>> -> memref<80x128xf32, #tpu.memory_space<vmem>>
      %dma_wait3A_276 = arith.constant 0 : i32
      %dma_wait3A_277 = tpu.memref_slice %arg2[%add3A_264, %dma_wait3A_276] : memref<320000x128xf32, #tpu.memory_space<hbm>> -> memref<80x128xf32, #tpu.memory_space<hbm>>
      tpu.wait_dma2 semaphore(%arg13 : memref<!tpu.dma_semaphore, #tpu.memory_space<semaphore_mem>>) src(%dma_wait3A_277 : memref<80x128xf32, #tpu.memory_space<hbm>>) dst(%dma_wait3A_275 : memref<80x128xf32, #tpu.memory_space<vmem>>)
      %add3A_278 = arith.constant 1 : i32
      %add3A_279 = arith.addi %mul3A_248, %add3A_278 : i32
      %dma_wait3A_280 = arith.constant 1 : i32
      %dma_wait3A_281 = arith.constant 0 : i32
      %dma_wait3A_282 = arith.constant 0 : i32
      %dma_wait3A_283 = tpu.memref_slice %arg10[%dma_wait3A_280, %dma_wait3A_281, %dma_wait3A_282] : memref<2x2x80xi32, #tpu.memory_space<vmem>> -> memref<1x2x80xi32, #tpu.memory_space<vmem>>
      %dma_wait3A_284 = tpu.memref_squeeze %dma_wait3A_283 : memref<1x2x80xi32, #tpu.memory_space<vmem>> -> memref<2x80xi32, #tpu.memory_space<vmem>>
      %dma_wait3A_285 = arith.constant 0 : i32
      %dma_wait3A_286 = arith.constant 0 : i32
      %dma_wait3A_287 = tpu.memref_slice %arg4[%add3A, %add3A_279, %dma_wait3A_285, %dma_wait3A_286] : memref<32x125x2x80xi32, #tpu.memory_space<hbm>> -> memref<1x1x2x80xi32, #tpu.memory_space<hbm>>
      %dma_wait3A_288 = tpu.memref_squeeze %dma_wait3A_287 : memref<1x1x2x80xi32, #tpu.memory_space<hbm>> -> memref<2x80xi32, #tpu.memory_space<hbm>>
      %dma_wait3A_289 = arith.constant 0 : i32
      %dma_wait3A_290 = arith.constant 0 : i32
      %dma_wait3A_291 = tpu.memref_slice %arg10[%dma_wait3A_280, %dma_wait3A_289, %dma_wait3A_290] : memref<2x2x80xi32, #tpu.memory_space<vmem>> -> memref<1x2x80xi32, #tpu.memory_space<vmem>>
      %dma_wait3A_292 = tpu.memref_squeeze %dma_wait3A_291 : memref<1x2x80xi32, #tpu.memory_space<vmem>> -> memref<2x80xi32, #tpu.memory_space<vmem>>
      %dma_wait3A_293 = arith.constant 0 : i32
      %dma_wait3A_294 = arith.constant 0 : i32
      %dma_wait3A_295 = tpu.memref_slice %arg4[%add3A, %add3A_279, %dma_wait3A_293, %dma_wait3A_294] : memref<32x125x2x80xi32, #tpu.memory_space<hbm>> -> memref<1x1x2x80xi32, #tpu.memory_space<hbm>>
      %dma_wait3A_296 = tpu.memref_squeeze %dma_wait3A_295 : memref<1x1x2x80xi32, #tpu.memory_space<hbm>> -> memref<2x80xi32, #tpu.memory_space<hbm>>
      tpu.wait_dma2 semaphore(%arg16 : memref<!tpu.dma_semaphore, #tpu.memory_space<semaphore_mem>>) src(%dma_wait3A_296 : memref<2x80xi32, #tpu.memory_space<hbm>>) dst(%dma_wait3A_292 : memref<2x80xi32, #tpu.memory_space<vmem>>)
      %add3A_297 = arith.constant 1 : i32
      %add3A_298 = arith.addi %mul3A_248, %add3A_297 : i32
      %dma_start3A_299 = arith.constant 1 : i32
      %dma_start3A_300 = arith.constant 0 : i32
      %dma_start3A_301 = arith.constant 1 : i32
      %dma_start3A_302 = arith.constant 0 : i32
      %dma_start3A_303 = arith.constant 0 : i32
      %dma_start3A_304 = tpu.memref_slice %arg7[%dma_start3A_301, %dma_start3A_302, %dma_start3A_303] : memref<2x80x128xf32, #tpu.memory_space<vmem>> -> memref<1x80x128xf32, #tpu.memory_space<vmem>>
      %dma_start3A_305 = tpu.memref_squeeze %dma_start3A_304 : memref<1x80x128xf32, #tpu.memory_space<vmem>> -> memref<80x128xf32, #tpu.memory_space<vmem>>
      %dma_start3A_306 = arith.constant 0 : i32
      %dma_start3A_307 = tpu.memref_slice %arg10[%dma_start3A_299, %dma_start3A_300, %dma_start3A_306] : memref<2x2x80xi32, #tpu.memory_space<vmem>> -> memref<1x1x80xi32, #tpu.memory_space<vmem>>
      %dma_start3A_308 = tpu.memref_squeeze %dma_start3A_307 : memref<1x1x80xi32, #tpu.memory_space<vmem>> -> memref<80xi32, #tpu.memory_space<vmem>>
      %dma_start3A_309 = arith.constant 0 : i32
      %dma_start3A_310 = arith.constant 0 : i32
      %dma_start3A_311 = tpu.memref_slice %arg3[%dma_start3A_309, %dma_start3A_310] : memref<10000x128xf32, #tpu.memory_space<hbm>> -> memref<10000x128xf32, #tpu.memory_space<hbm>>
      tpu.enqueue_indirect_dma source(%dma_start3A_311 : memref<10000x128xf32, #tpu.memory_space<hbm>>) target(%dma_start3A_305 : memref<80x128xf32, #tpu.memory_space<vmem>>) offsets(%dma_start3A_308 : memref<80xi32, #tpu.memory_space<vmem>>) semaphore(%arg12 : memref<!tpu.dma_semaphore, #tpu.memory_space<semaphore_mem>>)
      %mul3A_312 = arith.constant 80 : i32
      %mul3A_313 = arith.muli %add3A_298, %mul3A_312 : i32
      %add3A_314 = arith.addi %mul3A_2, %mul3A_313 : i32
      %dma_start3A_315 = arith.constant 1 : i32
      %dma_start3A_316 = arith.constant 0 : i32
      %dma_start3A_317 = arith.constant 0 : i32
      %dma_start3A_318 = tpu.memref_slice %arg8[%dma_start3A_315, %dma_start3A_316, %dma_start3A_317] : memref<2x80x128xf32, #tpu.memory_space<vmem>> -> memref<1x80x128xf32, #tpu.memory_space<vmem>>
      %dma_start3A_319 = tpu.memref_squeeze %dma_start3A_318 : memref<1x80x128xf32, #tpu.memory_space<vmem>> -> memref<80x128xf32, #tpu.memory_space<vmem>>
      %dma_start3A_320 = arith.constant 0 : i32
      %dma_start3A_321 = tpu.memref_slice %arg2[%add3A_314, %dma_start3A_320] : memref<320000x128xf32, #tpu.memory_space<hbm>> -> memref<80x128xf32, #tpu.memory_space<hbm>>
      %dma_start3A_322 = arith.constant 0 : i32
      %dma_start3A_323 = arith.constant 0 : i32
      %dma_start3A_324 = tpu.memref_slice %arg8[%dma_start3A_315, %dma_start3A_322, %dma_start3A_323] : memref<2x80x128xf32, #tpu.memory_space<vmem>> -> memref<1x80x128xf32, #tpu.memory_space<vmem>>
      %dma_start3A_325 = tpu.memref_squeeze %dma_start3A_324 : memref<1x80x128xf32, #tpu.memory_space<vmem>> -> memref<80x128xf32, #tpu.memory_space<vmem>>
      %dma_start3A_326 = arith.constant 0 : i32
      %dma_start3A_327 = tpu.memref_slice %arg2[%add3A_314, %dma_start3A_326] : memref<320000x128xf32, #tpu.memory_space<hbm>> -> memref<80x128xf32, #tpu.memory_space<hbm>>
      tpu.enqueue_dma source(%dma_start3A_327 : memref<80x128xf32, #tpu.memory_space<hbm>>) target(%dma_start3A_325 : memref<80x128xf32, #tpu.memory_space<vmem>>) target_semaphore(%arg14 : memref<!tpu.dma_semaphore, #tpu.memory_space<semaphore_mem>>)
      %scan3A_328 = arith.constant 0 : i32
      %scan3A_329 = arith.constant 0 : i32
      %scan3A_330 = arith.constant 80 : i32
      %scan3A_331 = arith.addi %scan3A_329, %scan3A_330 : i32
      %scan3A_332 = arith.constant 1 : i32
      scf.for %scan3A_442 = %scan3A_329 to %scan3A_331 step %scan3A_332  : i32 {
        %get3A = arith.constant 0 : i32
        %get3A_443 = arith.index_cast %get3A : i32 to index
        %get3A_444 = arith.index_cast %scan3A_442 : i32 to index
        %get3A_445 = arith.constant 0 : index
        %get3A_446 = tpu.vector_load %arg7[%get3A_443, %get3A_444, %get3A_445] {strides = array<i32>} : memref<2x80x128xf32, #tpu.memory_space<vmem>>, vector<16xf32>,
        %get3A_447 = arith.constant 0 : i32
        %get3A_448 = arith.index_cast %get3A_447 : i32 to index
        %get3A_449 = arith.index_cast %scan3A_442 : i32 to index
        %get3A_450 = arith.constant 0 : index
        %get3A_451 = tpu.vector_load %arg8[%get3A_448, %get3A_449, %get3A_450] {strides = array<i32>} : memref<2x80x128xf32, #tpu.memory_space<vmem>>, vector<16xf32>,
        %mul3A_452 = arith.mulf %get3A_446, %get3A_451 : vector<16xf32>
        %swap3A = arith.constant 0 : i32
        %swap3A_453 = arith.index_cast %swap3A : i32 to index
        %swap3A_454 = arith.index_cast %scan3A_442 : i32 to index
        %swap3A_455 = arith.constant 0 : index
        %swap3A_456 = tpu.vector_load %arg7[%swap3A_453, %swap3A_454, %swap3A_455] {strides = array<i32>} : memref<2x80x128xf32, #tpu.memory_space<vmem>>, vector<16xf32>,
        tpu.vector_store %arg7[%swap3A_453, %swap3A_454, %swap3A_455], %mul3A_452 {strides = array<i32>} : memref<2x80x128xf32, #tpu.memory_space<vmem>>, vector<16xf32>,
        %get3A_457 = arith.constant 0 : i32
        %get3A_458 = arith.index_cast %get3A_457 : i32 to index
        %get3A_459 = arith.index_cast %scan3A_442 : i32 to index
        %get3A_460 = arith.constant 16 : index
        %get3A_461 = tpu.vector_load %arg7[%get3A_458, %get3A_459, %get3A_460] {strides = array<i32>} : memref<2x80x128xf32, #tpu.memory_space<vmem>>, vector<16xf32>,
        %get3A_462 = arith.constant 0 : i32
        %get3A_463 = arith.index_cast %get3A_462 : i32 to index
        %get3A_464 = arith.index_cast %scan3A_442 : i32 to index
        %get3A_465 = arith.constant 16 : index
        %get3A_466 = tpu.vector_load %arg8[%get3A_463, %get3A_464, %get3A_465] {strides = array<i32>} : memref<2x80x128xf32, #tpu.memory_space<vmem>>, vector<16xf32>,
        %mul3A_467 = arith.mulf %get3A_461, %get3A_466 : vector<16xf32>
        %swap3A_468 = arith.constant 0 : i32
        %swap3A_469 = arith.index_cast %swap3A_468 : i32 to index
        %swap3A_470 = arith.index_cast %scan3A_442 : i32 to index
        %swap3A_471 = arith.constant 16 : index
        %swap3A_472 = tpu.vector_load %arg7[%swap3A_469, %swap3A_470, %swap3A_471] {strides = array<i32>} : memref<2x80x128xf32, #tpu.memory_space<vmem>>, vector<16xf32>,
        tpu.vector_store %arg7[%swap3A_469, %swap3A_470, %swap3A_471], %mul3A_467 {strides = array<i32>} : memref<2x80x128xf32, #tpu.memory_space<vmem>>, vector<16xf32>,
        %get3A_473 = arith.constant 0 : i32
        %get3A_474 = arith.index_cast %get3A_473 : i32 to index
        %get3A_475 = arith.index_cast %scan3A_442 : i32 to index
        %get3A_476 = arith.constant 32 : index
        %get3A_477 = tpu.vector_load %arg7[%get3A_474, %get3A_475, %get3A_476] {strides = array<i32>} : memref<2x80x128xf32, #tpu.memory_space<vmem>>, vector<16xf32>,
        %get3A_478 = arith.constant 0 : i32
        %get3A_479 = arith.index_cast %get3A_478 : i32 to index
        %get3A_480 = arith.index_cast %scan3A_442 : i32 to index
        %get3A_481 = arith.constant 32 : index
        %get3A_482 = tpu.vector_load %arg8[%get3A_479, %get3A_480, %get3A_481] {strides = array<i32>} : memref<2x80x128xf32, #tpu.memory_space<vmem>>, vector<16xf32>,
        %mul3A_483 = arith.mulf %get3A_477, %get3A_482 : vector<16xf32>
        %swap3A_484 = arith.constant 0 : i32
        %swap3A_485 = arith.index_cast %swap3A_484 : i32 to index
        %swap3A_486 = arith.index_cast %scan3A_442 : i32 to index
        %swap3A_487 = arith.constant 32 : index
        %swap3A_488 = tpu.vector_load %arg7[%swap3A_485, %swap3A_486, %swap3A_487] {strides = array<i32>} : memref<2x80x128xf32, #tpu.memory_space<vmem>>, vector<16xf32>,
        tpu.vector_store %arg7[%swap3A_485, %swap3A_486, %swap3A_487], %mul3A_483 {strides = array<i32>} : memref<2x80x128xf32, #tpu.memory_space<vmem>>, vector<16xf32>,
        %get3A_489 = arith.constant 0 : i32
        %get3A_490 = arith.index_cast %get3A_489 : i32 to index
        %get3A_491 = arith.index_cast %scan3A_442 : i32 to index
        %get3A_492 = arith.constant 48 : index
        %get3A_493 = tpu.vector_load %arg7[%get3A_490, %get3A_491, %get3A_492] {strides = array<i32>} : memref<2x80x128xf32, #tpu.memory_space<vmem>>, vector<16xf32>,
        %get3A_494 = arith.constant 0 : i32
        %get3A_495 = arith.index_cast %get3A_494 : i32 to index
        %get3A_496 = arith.index_cast %scan3A_442 : i32 to index
        %get3A_497 = arith.constant 48 : index
        %get3A_498 = tpu.vector_load %arg8[%get3A_495, %get3A_496, %get3A_497] {strides = array<i32>} : memref<2x80x128xf32, #tpu.memory_space<vmem>>, vector<16xf32>,
        %mul3A_499 = arith.mulf %get3A_493, %get3A_498 : vector<16xf32>
        %swap3A_500 = arith.constant 0 : i32
        %swap3A_501 = arith.index_cast %swap3A_500 : i32 to index
        %swap3A_502 = arith.index_cast %scan3A_442 : i32 to index
        %swap3A_503 = arith.constant 48 : index
        %swap3A_504 = tpu.vector_load %arg7[%swap3A_501, %swap3A_502, %swap3A_503] {strides = array<i32>} : memref<2x80x128xf32, #tpu.memory_space<vmem>>, vector<16xf32>,
        tpu.vector_store %arg7[%swap3A_501, %swap3A_502, %swap3A_503], %mul3A_499 {strides = array<i32>} : memref<2x80x128xf32, #tpu.memory_space<vmem>>, vector<16xf32>,
        %get3A_505 = arith.constant 0 : i32
        %get3A_506 = arith.index_cast %get3A_505 : i32 to index
        %get3A_507 = arith.index_cast %scan3A_442 : i32 to index
        %get3A_508 = arith.constant 64 : index
        %get3A_509 = tpu.vector_load %arg7[%get3A_506, %get3A_507, %get3A_508] {strides = array<i32>} : memref<2x80x128xf32, #tpu.memory_space<vmem>>, vector<16xf32>,
        %get3A_510 = arith.constant 0 : i32
        %get3A_511 = arith.index_cast %get3A_510 : i32 to index
        %get3A_512 = arith.index_cast %scan3A_442 : i32 to index
        %get3A_513 = arith.constant 64 : index
        %get3A_514 = tpu.vector_load %arg8[%get3A_511, %get3A_512, %get3A_513] {strides = array<i32>} : memref<2x80x128xf32, #tpu.memory_space<vmem>>, vector<16xf32>,
        %mul3A_515 = arith.mulf %get3A_509, %get3A_514 : vector<16xf32>
        %swap3A_516 = arith.constant 0 : i32
        %swap3A_517 = arith.index_cast %swap3A_516 : i32 to index
        %swap3A_518 = arith.index_cast %scan3A_442 : i32 to index
        %swap3A_519 = arith.constant 64 : index
        %swap3A_520 = tpu.vector_load %arg7[%swap3A_517, %swap3A_518, %swap3A_519] {strides = array<i32>} : memref<2x80x128xf32, #tpu.memory_space<vmem>>, vector<16xf32>,
        tpu.vector_store %arg7[%swap3A_517, %swap3A_518, %swap3A_519], %mul3A_515 {strides = array<i32>} : memref<2x80x128xf32, #tpu.memory_space<vmem>>, vector<16xf32>,
        %get3A_521 = arith.constant 0 : i32
        %get3A_522 = arith.index_cast %get3A_521 : i32 to index
        %get3A_523 = arith.index_cast %scan3A_442 : i32 to index
        %get3A_524 = arith.constant 80 : index
        %get3A_525 = tpu.vector_load %arg7[%get3A_522, %get3A_523, %get3A_524] {strides = array<i32>} : memref<2x80x128xf32, #tpu.memory_space<vmem>>, vector<16xf32>,
        %get3A_526 = arith.constant 0 : i32
        %get3A_527 = arith.index_cast %get3A_526 : i32 to index
        %get3A_528 = arith.index_cast %scan3A_442 : i32 to index
        %get3A_529 = arith.constant 80 : index
        %get3A_530 = tpu.vector_load %arg8[%get3A_527, %get3A_528, %get3A_529] {strides = array<i32>} : memref<2x80x128xf32, #tpu.memory_space<vmem>>, vector<16xf32>,
        %mul3A_531 = arith.mulf %get3A_525, %get3A_530 : vector<16xf32>
        %swap3A_532 = arith.constant 0 : i32
        %swap3A_533 = arith.index_cast %swap3A_532 : i32 to index
        %swap3A_534 = arith.index_cast %scan3A_442 : i32 to index
        %swap3A_535 = arith.constant 80 : index
        %swap3A_536 = tpu.vector_load %arg7[%swap3A_533, %swap3A_534, %swap3A_535] {strides = array<i32>} : memref<2x80x128xf32, #tpu.memory_space<vmem>>, vector<16xf32>,
        tpu.vector_store %arg7[%swap3A_533, %swap3A_534, %swap3A_535], %mul3A_531 {strides = array<i32>} : memref<2x80x128xf32, #tpu.memory_space<vmem>>, vector<16xf32>,
        %get3A_537 = arith.constant 0 : i32
        %get3A_538 = arith.index_cast %get3A_537 : i32 to index
        %get3A_539 = arith.index_cast %scan3A_442 : i32 to index
        %get3A_540 = arith.constant 96 : index
        %get3A_541 = tpu.vector_load %arg7[%get3A_538, %get3A_539, %get3A_540] {strides = array<i32>} : memref<2x80x128xf32, #tpu.memory_space<vmem>>, vector<16xf32>,
        %get3A_542 = arith.constant 0 : i32
        %get3A_543 = arith.index_cast %get3A_542 : i32 to index
        %get3A_544 = arith.index_cast %scan3A_442 : i32 to index
        %get3A_545 = arith.constant 96 : index
        %get3A_546 = tpu.vector_load %arg8[%get3A_543, %get3A_544, %get3A_545] {strides = array<i32>} : memref<2x80x128xf32, #tpu.memory_space<vmem>>, vector<16xf32>,
        %mul3A_547 = arith.mulf %get3A_541, %get3A_546 : vector<16xf32>
        %swap3A_548 = arith.constant 0 : i32
        %swap3A_549 = arith.index_cast %swap3A_548 : i32 to index
        %swap3A_550 = arith.index_cast %scan3A_442 : i32 to index
        %swap3A_551 = arith.constant 96 : index
        %swap3A_552 = tpu.vector_load %arg7[%swap3A_549, %swap3A_550, %swap3A_551] {strides = array<i32>} : memref<2x80x128xf32, #tpu.memory_space<vmem>>, vector<16xf32>,
        tpu.vector_store %arg7[%swap3A_549, %swap3A_550, %swap3A_551], %mul3A_547 {strides = array<i32>} : memref<2x80x128xf32, #tpu.memory_space<vmem>>, vector<16xf32>,
        %get3A_553 = arith.constant 0 : i32
        %get3A_554 = arith.index_cast %get3A_553 : i32 to index
        %get3A_555 = arith.index_cast %scan3A_442 : i32 to index
        %get3A_556 = arith.constant 112 : index
        %get3A_557 = tpu.vector_load %arg7[%get3A_554, %get3A_555, %get3A_556] {strides = array<i32>} : memref<2x80x128xf32, #tpu.memory_space<vmem>>, vector<16xf32>,
        %get3A_558 = arith.constant 0 : i32
        %get3A_559 = arith.index_cast %get3A_558 : i32 to index
        %get3A_560 = arith.index_cast %scan3A_442 : i32 to index
        %get3A_561 = arith.constant 112 : index
        %get3A_562 = tpu.vector_load %arg8[%get3A_559, %get3A_560, %get3A_561] {strides = array<i32>} : memref<2x80x128xf32, #tpu.memory_space<vmem>>, vector<16xf32>,
        %mul3A_563 = arith.mulf %get3A_557, %get3A_562 : vector<16xf32>
        %swap3A_564 = arith.constant 0 : i32
        %swap3A_565 = arith.index_cast %swap3A_564 : i32 to index
        %swap3A_566 = arith.index_cast %scan3A_442 : i32 to index
        %swap3A_567 = arith.constant 112 : index
        %swap3A_568 = tpu.vector_load %arg7[%swap3A_565, %swap3A_566, %swap3A_567] {strides = array<i32>} : memref<2x80x128xf32, #tpu.memory_space<vmem>>, vector<16xf32>,
        tpu.vector_store %arg7[%swap3A_565, %swap3A_566, %swap3A_567], %mul3A_563 {strides = array<i32>} : memref<2x80x128xf32, #tpu.memory_space<vmem>>, vector<16xf32>,
      }
      %scan3A_333 = arith.constant 80 : i32
      %run_scoped3A_334 = arith.constant 0 : i32
      %run_scoped3A_335 = arith.constant 0 : i32
      %run_scoped3A_336 = arith.constant 1 : i32
      "tpu.region"() ({
        %run_scoped3A_442 = tpu.sem_alloc : memref<!tpu.dma_semaphore, #tpu.memory_space<semaphore_mem>>
        %dma_start3A_443 = arith.constant 0 : i32
        %dma_start3A_444 = arith.constant 0 : i32
        %dma_start3A_445 = tpu.memref_slice %arg7[%run_scoped3A_334, %dma_start3A_443, %dma_start3A_444] : memref<2x80x128xf32, #tpu.memory_space<vmem>> -> memref<1x80x128xf32, #tpu.memory_space<vmem>>
        %dma_start3A_446 = tpu.memref_squeeze %dma_start3A_445 : memref<1x80x128xf32, #tpu.memory_space<vmem>> -> memref<80x128xf32, #tpu.memory_space<vmem>>
        %dma_start3A_447 = arith.constant 0 : i32
        %dma_start3A_448 = tpu.memref_slice %arg10[%run_scoped3A_335, %run_scoped3A_336, %dma_start3A_447] : memref<2x2x80xi32, #tpu.memory_space<vmem>> -> memref<1x1x80xi32, #tpu.memory_space<vmem>>
        %dma_start3A_449 = tpu.memref_squeeze %dma_start3A_448 : memref<1x1x80xi32, #tpu.memory_space<vmem>> -> memref<80xi32, #tpu.memory_space<vmem>>
        %dma_start3A_450 = arith.constant 0 : i32
        %dma_start3A_451 = arith.constant 0 : i32
        %dma_start3A_452 = tpu.memref_slice %arg6[%dma_start3A_450, %dma_start3A_451] : memref<10000x128xf32, #tpu.memory_space<vmem_shared>> -> memref<10000x128xf32, #tpu.memory_space<vmem_shared>>
        tpu.enqueue_indirect_dma source(%dma_start3A_446 : memref<80x128xf32, #tpu.memory_space<vmem>>) target(%dma_start3A_452 : memref<10000x128xf32, #tpu.memory_space<vmem_shared>>) offsets(%dma_start3A_449 : memref<80xi32, #tpu.memory_space<vmem>>) semaphore(%run_scoped3A_442 : memref<!tpu.dma_semaphore, #tpu.memory_space<semaphore_mem>>) {add = true}
        %dma_wait3A_453 = arith.constant 0 : i32
        %dma_wait3A_454 = arith.constant 0 : i32
        %dma_wait3A_455 = tpu.memref_slice %arg7[%run_scoped3A_334, %dma_wait3A_453, %dma_wait3A_454] : memref<2x80x128xf32, #tpu.memory_space<vmem>> -> memref<1x80x128xf32, #tpu.memory_space<vmem>>
        %dma_wait3A_456 = tpu.memref_squeeze %dma_wait3A_455 : memref<1x80x128xf32, #tpu.memory_space<vmem>> -> memref<80x128xf32, #tpu.memory_space<vmem>>
        %dma_wait3A_457 = arith.constant 0 : i32
        %dma_wait3A_458 = tpu.memref_slice %arg10[%run_scoped3A_335, %run_scoped3A_336, %dma_wait3A_457] : memref<2x2x80xi32, #tpu.memory_space<vmem>> -> memref<1x1x80xi32, #tpu.memory_space<vmem>>
        %dma_wait3A_459 = tpu.memref_squeeze %dma_wait3A_458 : memref<1x1x80xi32, #tpu.memory_space<vmem>> -> memref<80xi32, #tpu.memory_space<vmem>>
        %dma_wait3A_460 = arith.constant 0 : i32
        %dma_wait3A_461 = arith.constant 0 : i32
        %dma_wait3A_462 = tpu.memref_slice %arg6[%dma_wait3A_460, %dma_wait3A_461] : memref<10000x128xf32, #tpu.memory_space<vmem_shared>> -> memref<10000x128xf32, #tpu.memory_space<vmem_shared>>
        tpu.wait_indirect_dma semaphore(%run_scoped3A_442 : memref<!tpu.dma_semaphore, #tpu.memory_space<semaphore_mem>>) src(%dma_wait3A_456 : memref<80x128xf32, #tpu.memory_space<vmem>>) dst(%dma_wait3A_462 : memref<10000x128xf32, #tpu.memory_space<vmem_shared>>)
        tpu.yield
      }) : () -> ()
      %add3A_337 = arith.constant 2 : i32
      %add3A_338 = arith.addi %mul3A_248, %add3A_337 : i32
      %lt3A = arith.constant 125 : i32
      %lt3A_339 = arith.cmpi slt, %add3A_338, %lt3A : i32
      %convert_element_type3A_340 = arith.extui %lt3A_339 : i1 to i32
      %cond3A_341 = arith.constant 0 : i32
      %cond3A_342 = arith.cmpi ne, %convert_element_type3A_340, %cond3A_341 : i32
      scf.if %cond3A_342 {
        %add3A_442 = arith.constant 2 : i32
        %add3A_443 = arith.addi %mul3A_248, %add3A_442 : i32
        %dma_start3A_444 = arith.constant 0 : i32
        %dma_start3A_445 = arith.constant 0 : i32
        %dma_start3A_446 = arith.constant 0 : i32
        %dma_start3A_447 = tpu.memref_slice %arg10[%dma_start3A_444, %dma_start3A_445, %dma_start3A_446] : memref<2x2x80xi32, #tpu.memory_space<vmem>> -> memref<1x2x80xi32, #tpu.memory_space<vmem>>
        %dma_start3A_448 = tpu.memref_squeeze %dma_start3A_447 : memref<1x2x80xi32, #tpu.memory_space<vmem>> -> memref<2x80xi32, #tpu.memory_space<vmem>>
        %dma_start3A_449 = arith.constant 0 : i32
        %dma_start3A_450 = arith.constant 0 : i32
        %dma_start3A_451 = tpu.memref_slice %arg4[%add3A, %add3A_443, %dma_start3A_449, %dma_start3A_450] : memref<32x125x2x80xi32, #tpu.memory_space<hbm>> -> memref<1x1x2x80xi32, #tpu.memory_space<hbm>>
        %dma_start3A_452 = tpu.memref_squeeze %dma_start3A_451 : memref<1x1x2x80xi32, #tpu.memory_space<hbm>> -> memref<2x80xi32, #tpu.memory_space<hbm>>
        %dma_start3A_453 = arith.constant 0 : i32
        %dma_start3A_454 = arith.constant 0 : i32
        %dma_start3A_455 = tpu.memref_slice %arg10[%dma_start3A_444, %dma_start3A_453, %dma_start3A_454] : memref<2x2x80xi32, #tpu.memory_space<vmem>> -> memref<1x2x80xi32, #tpu.memory_space<vmem>>
        %dma_start3A_456 = tpu.memref_squeeze %dma_start3A_455 : memref<1x2x80xi32, #tpu.memory_space<vmem>> -> memref<2x80xi32, #tpu.memory_space<vmem>>
        %dma_start3A_457 = arith.constant 0 : i32
        %dma_start3A_458 = arith.constant 0 : i32
        %dma_start3A_459 = tpu.memref_slice %arg4[%add3A, %add3A_443, %dma_start3A_457, %dma_start3A_458] : memref<32x125x2x80xi32, #tpu.memory_space<hbm>> -> memref<1x1x2x80xi32, #tpu.memory_space<hbm>>
        %dma_start3A_460 = tpu.memref_squeeze %dma_start3A_459 : memref<1x1x2x80xi32, #tpu.memory_space<hbm>> -> memref<2x80xi32, #tpu.memory_space<hbm>>
        tpu.enqueue_dma source(%dma_start3A_460 : memref<2x80xi32, #tpu.memory_space<hbm>>) target(%dma_start3A_456 : memref<2x80xi32, #tpu.memory_space<vmem>>) target_semaphore(%arg15 : memref<!tpu.dma_semaphore, #tpu.memory_space<semaphore_mem>>)
      } else {
      }
      %mul3A_343 = arith.constant 2 : i32
      %mul3A_344 = arith.muli %mul3A_343, %scan3A_246 : i32
      %add3A_345 = arith.constant 1 : i32
      %add3A_346 = arith.addi %mul3A_344, %add3A_345 : i32
      %dma_wait3A_347 = arith.constant 1 : i32
      %dma_wait3A_348 = arith.constant 0 : i32
      %dma_wait3A_349 = arith.constant 1 : i32
      %dma_wait3A_350 = arith.constant 0 : i32
      %dma_wait3A_351 = arith.constant 0 : i32
      %dma_wait3A_352 = tpu.memref_slice %arg7[%dma_wait3A_349, %dma_wait3A_350, %dma_wait3A_351] : memref<2x80x128xf32, #tpu.memory_space<vmem>> -> memref<1x80x128xf32, #tpu.memory_space<vmem>>
      %dma_wait3A_353 = tpu.memref_squeeze %dma_wait3A_352 : memref<1x80x128xf32, #tpu.memory_space<vmem>> -> memref<80x128xf32, #tpu.memory_space<vmem>>
      %dma_wait3A_354 = arith.constant 0 : i32
      %dma_wait3A_355 = tpu.memref_slice %arg10[%dma_wait3A_347, %dma_wait3A_348, %dma_wait3A_354] : memref<2x2x80xi32, #tpu.memory_space<vmem>> -> memref<1x1x80xi32, #tpu.memory_space<vmem>>
      %dma_wait3A_356 = tpu.memref_squeeze %dma_wait3A_355 : memref<1x1x80xi32, #tpu.memory_space<vmem>> -> memref<80xi32, #tpu.memory_space<vmem>>
      %dma_wait3A_357 = arith.constant 0 : i32
      %dma_wait3A_358 = arith.constant 0 : i32
      %dma_wait3A_359 = tpu.memref_slice %arg3[%dma_wait3A_357, %dma_wait3A_358] : memref<10000x128xf32, #tpu.memory_space<hbm>> -> memref<10000x128xf32, #tpu.memory_space<hbm>>
      tpu.wait_indirect_dma semaphore(%arg12 : memref<!tpu.dma_semaphore, #tpu.memory_space<semaphore_mem>>) src(%dma_wait3A_359 : memref<10000x128xf32, #tpu.memory_space<hbm>>) dst(%dma_wait3A_353 : memref<80x128xf32, #tpu.memory_space<vmem>>)
      %mul3A_360 = arith.constant 80 : i32
      %mul3A_361 = arith.muli %add3A_346, %mul3A_360 : i32
      %add3A_362 = arith.addi %mul3A_2, %mul3A_361 : i32
      %dma_wait3A_363 = arith.constant 1 : i32
      %dma_wait3A_364 = arith.constant 0 : i32
      %dma_wait3A_365 = arith.constant 0 : i32
      %dma_wait3A_366 = tpu.memref_slice %arg8[%dma_wait3A_363, %dma_wait3A_364, %dma_wait3A_365] : memref<2x80x128xf32, #tpu.memory_space<vmem>> -> memref<1x80x128xf32, #tpu.memory_space<vmem>>
      %dma_wait3A_367 = tpu.memref_squeeze %dma_wait3A_366 : memref<1x80x128xf32, #tpu.memory_space<vmem>> -> memref<80x128xf32, #tpu.memory_space<vmem>>
      %dma_wait3A_368 = arith.constant 0 : i32
      %dma_wait3A_369 = tpu.memref_slice %arg2[%add3A_362, %dma_wait3A_368] : memref<320000x128xf32, #tpu.memory_space<hbm>> -> memref<80x128xf32, #tpu.memory_space<hbm>>
      %dma_wait3A_370 = arith.constant 0 : i32
      %dma_wait3A_371 = arith.constant 0 : i32
      %dma_wait3A_372 = tpu.memref_slice %arg8[%dma_wait3A_363, %dma_wait3A_370, %dma_wait3A_371] : memref<2x80x128xf32, #tpu.memory_space<vmem>> -> memref<1x80x128xf32, #tpu.memory_space<vmem>>
      %dma_wait3A_373 = tpu.memref_squeeze %dma_wait3A_372 : memref<1x80x128xf32, #tpu.memory_space<vmem>> -> memref<80x128xf32, #tpu.memory_space<vmem>>
      %dma_wait3A_374 = arith.constant 0 : i32
      %dma_wait3A_375 = tpu.memref_slice %arg2[%add3A_362, %dma_wait3A_374] : memref<320000x128xf32, #tpu.memory_space<hbm>> -> memref<80x128xf32, #tpu.memory_space<hbm>>
      tpu.wait_dma2 semaphore(%arg14 : memref<!tpu.dma_semaphore, #tpu.memory_space<semaphore_mem>>) src(%dma_wait3A_375 : memref<80x128xf32, #tpu.memory_space<hbm>>) dst(%dma_wait3A_373 : memref<80x128xf32, #tpu.memory_space<vmem>>)
      %add3A_376 = arith.constant 1 : i32
      %add3A_377 = arith.addi %add3A_346, %add3A_376 : i32
      %dma_wait3A_378 = arith.constant 0 : i32
      %dma_wait3A_379 = arith.constant 0 : i32
      %dma_wait3A_380 = arith.constant 0 : i32
      %dma_wait3A_381 = tpu.memref_slice %arg10[%dma_wait3A_378, %dma_wait3A_379, %dma_wait3A_380] : memref<2x2x80xi32, #tpu.memory_space<vmem>> -> memref<1x2x80xi32, #tpu.memory_space<vmem>>
      %dma_wait3A_382 = tpu.memref_squeeze %dma_wait3A_381 : memref<1x2x80xi32, #tpu.memory_space<vmem>> -> memref<2x80xi32, #tpu.memory_space<vmem>>
      %dma_wait3A_383 = arith.constant 0 : i32
      %dma_wait3A_384 = arith.constant 0 : i32
      %dma_wait3A_385 = tpu.memref_slice %arg4[%add3A, %add3A_377, %dma_wait3A_383, %dma_wait3A_384] : memref<32x125x2x80xi32, #tpu.memory_space<hbm>> -> memref<1x1x2x80xi32, #tpu.memory_space<hbm>>
      %dma_wait3A_386 = tpu.memref_squeeze %dma_wait3A_385 : memref<1x1x2x80xi32, #tpu.memory_space<hbm>> -> memref<2x80xi32, #tpu.memory_space<hbm>>
      %dma_wait3A_387 = arith.constant 0 : i32
      %dma_wait3A_388 = arith.constant 0 : i32
      %dma_wait3A_389 = tpu.memref_slice %arg10[%dma_wait3A_378, %dma_wait3A_387, %dma_wait3A_388] : memref<2x2x80xi32, #tpu.memory_space<vmem>> -> memref<1x2x80xi32, #tpu.memory_space<vmem>>
      %dma_wait3A_390 = tpu.memref_squeeze %dma_wait3A_389 : memref<1x2x80xi32, #tpu.memory_space<vmem>> -> memref<2x80xi32, #tpu.memory_space<vmem>>
      %dma_wait3A_391 = arith.constant 0 : i32
      %dma_wait3A_392 = arith.constant 0 : i32
      %dma_wait3A_393 = tpu.memref_slice %arg4[%add3A, %add3A_377, %dma_wait3A_391, %dma_wait3A_392] : memref<32x125x2x80xi32, #tpu.memory_space<hbm>> -> memref<1x1x2x80xi32, #tpu.memory_space<hbm>>
      %dma_wait3A_394 = tpu.memref_squeeze %dma_wait3A_393 : memref<1x1x2x80xi32, #tpu.memory_space<hbm>> -> memref<2x80xi32, #tpu.memory_space<hbm>>
      tpu.wait_dma2 semaphore(%arg15 : memref<!tpu.dma_semaphore, #tpu.memory_space<semaphore_mem>>) src(%dma_wait3A_394 : memref<2x80xi32, #tpu.memory_space<hbm>>) dst(%dma_wait3A_390 : memref<2x80xi32, #tpu.memory_space<vmem>>)
      %add3A_395 = arith.constant 1 : i32
      %add3A_396 = arith.addi %add3A_346, %add3A_395 : i32
      %dma_start3A_397 = arith.constant 0 : i32
      %dma_start3A_398 = arith.constant 0 : i32
      %dma_start3A_399 = arith.constant 0 : i32
      %dma_start3A_400 = arith.constant 0 : i32
      %dma_start3A_401 = arith.constant 0 : i32
      %dma_start3A_402 = tpu.memref_slice %arg7[%dma_start3A_399, %dma_start3A_400, %dma_start3A_401] : memref<2x80x128xf32, #tpu.memory_space<vmem>> -> memref<1x80x128xf32, #tpu.memory_space<vmem>>
      %dma_start3A_403 = tpu.memref_squeeze %dma_start3A_402 : memref<1x80x128xf32, #tpu.memory_space<vmem>> -> memref<80x128xf32, #tpu.memory_space<vmem>>
      %dma_start3A_404 = arith.constant 0 : i32
      %dma_start3A_405 = tpu.memref_slice %arg10[%dma_start3A_397, %dma_start3A_398, %dma_start3A_404] : memref<2x2x80xi32, #tpu.memory_space<vmem>> -> memref<1x1x80xi32, #tpu.memory_space<vmem>>
      %dma_start3A_406 = tpu.memref_squeeze %dma_start3A_405 : memref<1x1x80xi32, #tpu.memory_space<vmem>> -> memref<80xi32, #tpu.memory_space<vmem>>
      %dma_start3A_407 = arith.constant 0 : i32
      %dma_start3A_408 = arith.constant 0 : i32
      %dma_start3A_409 = tpu.memref_slice %arg3[%dma_start3A_407, %dma_start3A_408] : memref<10000x128xf32, #tpu.memory_space<hbm>> -> memref<10000x128xf32, #tpu.memory_space<hbm>>
      tpu.enqueue_indirect_dma source(%dma_start3A_409 : memref<10000x128xf32, #tpu.memory_space<hbm>>) target(%dma_start3A_403 : memref<80x128xf32, #tpu.memory_space<vmem>>) offsets(%dma_start3A_406 : memref<80xi32, #tpu.memory_space<vmem>>) semaphore(%arg11 : memref<!tpu.dma_semaphore, #tpu.memory_space<semaphore_mem>>)
      %mul3A_410 = arith.constant 80 : i32
      %mul3A_411 = arith.muli %add3A_396, %mul3A_410 : i32
      %add3A_412 = arith.addi %mul3A_2, %mul3A_411 : i32
      %dma_start3A_413 = arith.constant 0 : i32
      %dma_start3A_414 = arith.constant 0 : i32
      %dma_start3A_415 = arith.constant 0 : i32
      %dma_start3A_416 = tpu.memref_slice %arg8[%dma_start3A_413, %dma_start3A_414, %dma_start3A_415] : memref<2x80x128xf32, #tpu.memory_space<vmem>> -> memref<1x80x128xf32, #tpu.memory_space<vmem>>
      %dma_start3A_417 = tpu.memref_squeeze %dma_start3A_416 : memref<1x80x128xf32, #tpu.memory_space<vmem>> -> memref<80x128xf32, #tpu.memory_space<vmem>>
      %dma_start3A_418 = arith.constant 0 : i32
      %dma_start3A_419 = tpu.memref_slice %arg2[%add3A_412, %dma_start3A_418] : memref<320000x128xf32, #tpu.memory_space<hbm>> -> memref<80x128xf32, #tpu.memory_space<hbm>>
      %dma_start3A_420 = arith.constant 0 : i32
      %dma_start3A_421 = arith.constant 0 : i32
      %dma_start3A_422 = tpu.memref_slice %arg8[%dma_start3A_413, %dma_start3A_420, %dma_start3A_421] : memref<2x80x128xf32, #tpu.memory_space<vmem>> -> memref<1x80x128xf32, #tpu.memory_space<vmem>>
      %dma_start3A_423 = tpu.memref_squeeze %dma_start3A_422 : memref<1x80x128xf32, #tpu.memory_space<vmem>> -> memref<80x128xf32, #tpu.memory_space<vmem>>
      %dma_start3A_424 = arith.constant 0 : i32
      %dma_start3A_425 = tpu.memref_slice %arg2[%add3A_412, %dma_start3A_424] : memref<320000x128xf32, #tpu.memory_space<hbm>> -> memref<80x128xf32, #tpu.memory_space<hbm>>
      tpu.enqueue_dma source(%dma_start3A_425 : memref<80x128xf32, #tpu.memory_space<hbm>>) target(%dma_start3A_423 : memref<80x128xf32, #tpu.memory_space<vmem>>) target_semaphore(%arg13 : memref<!tpu.dma_semaphore, #tpu.memory_space<semaphore_mem>>)
      %scan3A_426 = arith.constant 0 : i32
      %scan3A_427 = arith.constant 0 : i32
      %scan3A_428 = arith.constant 80 : i32
      %scan3A_429 = arith.addi %scan3A_427, %scan3A_428 : i32
      %scan3A_430 = arith.constant 1 : i32
      scf.for %scan3A_442 = %scan3A_427 to %scan3A_429 step %scan3A_430  : i32 {
        %get3A = arith.constant 1 : i32
        %get3A_443 = arith.index_cast %get3A : i32 to index
        %get3A_444 = arith.index_cast %scan3A_442 : i32 to index
        %get3A_445 = arith.constant 0 : index
        %get3A_446 = tpu.vector_load %arg7[%get3A_443, %get3A_444, %get3A_445] {strides = array<i32>} : memref<2x80x128xf32, #tpu.memory_space<vmem>>, vector<16xf32>,
        %get3A_447 = arith.constant 1 : i32
        %get3A_448 = arith.index_cast %get3A_447 : i32 to index
        %get3A_449 = arith.index_cast %scan3A_442 : i32 to index
        %get3A_450 = arith.constant 0 : index
        %get3A_451 = tpu.vector_load %arg8[%get3A_448, %get3A_449, %get3A_450] {strides = array<i32>} : memref<2x80x128xf32, #tpu.memory_space<vmem>>, vector<16xf32>,
        %mul3A_452 = arith.mulf %get3A_446, %get3A_451 : vector<16xf32>
        %swap3A = arith.constant 1 : i32
        %swap3A_453 = arith.index_cast %swap3A : i32 to index
        %swap3A_454 = arith.index_cast %scan3A_442 : i32 to index
        %swap3A_455 = arith.constant 0 : index
        %swap3A_456 = tpu.vector_load %arg7[%swap3A_453, %swap3A_454, %swap3A_455] {strides = array<i32>} : memref<2x80x128xf32, #tpu.memory_space<vmem>>, vector<16xf32>,
        tpu.vector_store %arg7[%swap3A_453, %swap3A_454, %swap3A_455], %mul3A_452 {strides = array<i32>} : memref<2x80x128xf32, #tpu.memory_space<vmem>>, vector<16xf32>,
        %get3A_457 = arith.constant 1 : i32
        %get3A_458 = arith.index_cast %get3A_457 : i32 to index
        %get3A_459 = arith.index_cast %scan3A_442 : i32 to index
        %get3A_460 = arith.constant 16 : index
        %get3A_461 = tpu.vector_load %arg7[%get3A_458, %get3A_459, %get3A_460] {strides = array<i32>} : memref<2x80x128xf32, #tpu.memory_space<vmem>>, vector<16xf32>,
        %get3A_462 = arith.constant 1 : i32
        %get3A_463 = arith.index_cast %get3A_462 : i32 to index
        %get3A_464 = arith.index_cast %scan3A_442 : i32 to index
        %get3A_465 = arith.constant 16 : index
        %get3A_466 = tpu.vector_load %arg8[%get3A_463, %get3A_464, %get3A_465] {strides = array<i32>} : memref<2x80x128xf32, #tpu.memory_space<vmem>>, vector<16xf32>,
        %mul3A_467 = arith.mulf %get3A_461, %get3A_466 : vector<16xf32>
        %swap3A_468 = arith.constant 1 : i32
        %swap3A_469 = arith.index_cast %swap3A_468 : i32 to index
        %swap3A_470 = arith.index_cast %scan3A_442 : i32 to index
        %swap3A_471 = arith.constant 16 : index
        %swap3A_472 = tpu.vector_load %arg7[%swap3A_469, %swap3A_470, %swap3A_471] {strides = array<i32>} : memref<2x80x128xf32, #tpu.memory_space<vmem>>, vector<16xf32>,
        tpu.vector_store %arg7[%swap3A_469, %swap3A_470, %swap3A_471], %mul3A_467 {strides = array<i32>} : memref<2x80x128xf32, #tpu.memory_space<vmem>>, vector<16xf32>,
        %get3A_473 = arith.constant 1 : i32
        %get3A_474 = arith.index_cast %get3A_473 : i32 to index
        %get3A_475 = arith.index_cast %scan3A_442 : i32 to index
        %get3A_476 = arith.constant 32 : index
        %get3A_477 = tpu.vector_load %arg7[%get3A_474, %get3A_475, %get3A_476] {strides = array<i32>} : memref<2x80x128xf32, #tpu.memory_space<vmem>>, vector<16xf32>,
        %get3A_478 = arith.constant 1 : i32
        %get3A_479 = arith.index_cast %get3A_478 : i32 to index
        %get3A_480 = arith.index_cast %scan3A_442 : i32 to index
        %get3A_481 = arith.constant 32 : index
        %get3A_482 = tpu.vector_load %arg8[%get3A_479, %get3A_480, %get3A_481] {strides = array<i32>} : memref<2x80x128xf32, #tpu.memory_space<vmem>>, vector<16xf32>,
        %mul3A_483 = arith.mulf %get3A_477, %get3A_482 : vector<16xf32>
        %swap3A_484 = arith.constant 1 : i32
        %swap3A_485 = arith.index_cast %swap3A_484 : i32 to index
        %swap3A_486 = arith.index_cast %scan3A_442 : i32 to index
        %swap3A_487 = arith.constant 32 : index
        %swap3A_488 = tpu.vector_load %arg7[%swap3A_485, %swap3A_486, %swap3A_487] {strides = array<i32>} : memref<2x80x128xf32, #tpu.memory_space<vmem>>, vector<16xf32>,
        tpu.vector_store %arg7[%swap3A_485, %swap3A_486, %swap3A_487], %mul3A_483 {strides = array<i32>} : memref<2x80x128xf32, #tpu.memory_space<vmem>>, vector<16xf32>,
        %get3A_489 = arith.constant 1 : i32
        %get3A_490 = arith.index_cast %get3A_489 : i32 to index
        %get3A_491 = arith.index_cast %scan3A_442 : i32 to index
        %get3A_492 = arith.constant 48 : index
        %get3A_493 = tpu.vector_load %arg7[%get3A_490, %get3A_491, %get3A_492] {strides = array<i32>} : memref<2x80x128xf32, #tpu.memory_space<vmem>>, vector<16xf32>,
        %get3A_494 = arith.constant 1 : i32
        %get3A_495 = arith.index_cast %get3A_494 : i32 to index
        %get3A_496 = arith.index_cast %scan3A_442 : i32 to index
        %get3A_497 = arith.constant 48 : index
        %get3A_498 = tpu.vector_load %arg8[%get3A_495, %get3A_496, %get3A_497] {strides = array<i32>} : memref<2x80x128xf32, #tpu.memory_space<vmem>>, vector<16xf32>,
        %mul3A_499 = arith.mulf %get3A_493, %get3A_498 : vector<16xf32>
        %swap3A_500 = arith.constant 1 : i32
        %swap3A_501 = arith.index_cast %swap3A_500 : i32 to index
        %swap3A_502 = arith.index_cast %scan3A_442 : i32 to index
        %swap3A_503 = arith.constant 48 : index
        %swap3A_504 = tpu.vector_load %arg7[%swap3A_501, %swap3A_502, %swap3A_503] {strides = array<i32>} : memref<2x80x128xf32, #tpu.memory_space<vmem>>, vector<16xf32>,
        tpu.vector_store %arg7[%swap3A_501, %swap3A_502, %swap3A_503], %mul3A_499 {strides = array<i32>} : memref<2x80x128xf32, #tpu.memory_space<vmem>>, vector<16xf32>,
        %get3A_505 = arith.constant 1 : i32
        %get3A_506 = arith.index_cast %get3A_505 : i32 to index
        %get3A_507 = arith.index_cast %scan3A_442 : i32 to index
        %get3A_508 = arith.constant 64 : index
        %get3A_509 = tpu.vector_load %arg7[%get3A_506, %get3A_507, %get3A_508] {strides = array<i32>} : memref<2x80x128xf32, #tpu.memory_space<vmem>>, vector<16xf32>,
        %get3A_510 = arith.constant 1 : i32
        %get3A_511 = arith.index_cast %get3A_510 : i32 to index
        %get3A_512 = arith.index_cast %scan3A_442 : i32 to index
        %get3A_513 = arith.constant 64 : index
        %get3A_514 = tpu.vector_load %arg8[%get3A_511, %get3A_512, %get3A_513] {strides = array<i32>} : memref<2x80x128xf32, #tpu.memory_space<vmem>>, vector<16xf32>,
        %mul3A_515 = arith.mulf %get3A_509, %get3A_514 : vector<16xf32>
        %swap3A_516 = arith.constant 1 : i32
        %swap3A_517 = arith.index_cast %swap3A_516 : i32 to index
        %swap3A_518 = arith.index_cast %scan3A_442 : i32 to index
        %swap3A_519 = arith.constant 64 : index
        %swap3A_520 = tpu.vector_load %arg7[%swap3A_517, %swap3A_518, %swap3A_519] {strides = array<i32>} : memref<2x80x128xf32, #tpu.memory_space<vmem>>, vector<16xf32>,
        tpu.vector_store %arg7[%swap3A_517, %swap3A_518, %swap3A_519], %mul3A_515 {strides = array<i32>} : memref<2x80x128xf32, #tpu.memory_space<vmem>>, vector<16xf32>,
        %get3A_521 = arith.constant 1 : i32
        %get3A_522 = arith.index_cast %get3A_521 : i32 to index
        %get3A_523 = arith.index_cast %scan3A_442 : i32 to index
        %get3A_524 = arith.constant 80 : index
        %get3A_525 = tpu.vector_load %arg7[%get3A_522, %get3A_523, %get3A_524] {strides = array<i32>} : memref<2x80x128xf32, #tpu.memory_space<vmem>>, vector<16xf32>,
        %get3A_526 = arith.constant 1 : i32
        %get3A_527 = arith.index_cast %get3A_526 : i32 to index
        %get3A_528 = arith.index_cast %scan3A_442 : i32 to index
        %get3A_529 = arith.constant 80 : index
        %get3A_530 = tpu.vector_load %arg8[%get3A_527, %get3A_528, %get3A_529] {strides = array<i32>} : memref<2x80x128xf32, #tpu.memory_space<vmem>>, vector<16xf32>,
        %mul3A_531 = arith.mulf %get3A_525, %get3A_530 : vector<16xf32>
        %swap3A_532 = arith.constant 1 : i32
        %swap3A_533 = arith.index_cast %swap3A_532 : i32 to index
        %swap3A_534 = arith.index_cast %scan3A_442 : i32 to index
        %swap3A_535 = arith.constant 80 : index
        %swap3A_536 = tpu.vector_load %arg7[%swap3A_533, %swap3A_534, %swap3A_535] {strides = array<i32>} : memref<2x80x128xf32, #tpu.memory_space<vmem>>, vector<16xf32>,
        tpu.vector_store %arg7[%swap3A_533, %swap3A_534, %swap3A_535], %mul3A_531 {strides = array<i32>} : memref<2x80x128xf32, #tpu.memory_space<vmem>>, vector<16xf32>,
        %get3A_537 = arith.constant 1 : i32
        %get3A_538 = arith.index_cast %get3A_537 : i32 to index
        %get3A_539 = arith.index_cast %scan3A_442 : i32 to index
        %get3A_540 = arith.constant 96 : index
        %get3A_541 = tpu.vector_load %arg7[%get3A_538, %get3A_539, %get3A_540] {strides = array<i32>} : memref<2x80x128xf32, #tpu.memory_space<vmem>>, vector<16xf32>,
        %get3A_542 = arith.constant 1 : i32
        %get3A_543 = arith.index_cast %get3A_542 : i32 to index
        %get3A_544 = arith.index_cast %scan3A_442 : i32 to index
        %get3A_545 = arith.constant 96 : index
        %get3A_546 = tpu.vector_load %arg8[%get3A_543, %get3A_544, %get3A_545] {strides = array<i32>} : memref<2x80x128xf32, #tpu.memory_space<vmem>>, vector<16xf32>,
        %mul3A_547 = arith.mulf %get3A_541, %get3A_546 : vector<16xf32>
        %swap3A_548 = arith.constant 1 : i32
        %swap3A_549 = arith.index_cast %swap3A_548 : i32 to index
        %swap3A_550 = arith.index_cast %scan3A_442 : i32 to index
        %swap3A_551 = arith.constant 96 : index
        %swap3A_552 = tpu.vector_load %arg7[%swap3A_549, %swap3A_550, %swap3A_551] {strides = array<i32>} : memref<2x80x128xf32, #tpu.memory_space<vmem>>, vector<16xf32>,
        tpu.vector_store %arg7[%swap3A_549, %swap3A_550, %swap3A_551], %mul3A_547 {strides = array<i32>} : memref<2x80x128xf32, #tpu.memory_space<vmem>>, vector<16xf32>,
        %get3A_553 = arith.constant 1 : i32
        %get3A_554 = arith.index_cast %get3A_553 : i32 to index
        %get3A_555 = arith.index_cast %scan3A_442 : i32 to index
        %get3A_556 = arith.constant 112 : index
        %get3A_557 = tpu.vector_load %arg7[%get3A_554, %get3A_555, %get3A_556] {strides = array<i32>} : memref<2x80x128xf32, #tpu.memory_space<vmem>>, vector<16xf32>,
        %get3A_558 = arith.constant 1 : i32
        %get3A_559 = arith.index_cast %get3A_558 : i32 to index
        %get3A_560 = arith.index_cast %scan3A_442 : i32 to index
        %get3A_561 = arith.constant 112 : index
        %get3A_562 = tpu.vector_load %arg8[%get3A_559, %get3A_560, %get3A_561] {strides = array<i32>} : memref<2x80x128xf32, #tpu.memory_space<vmem>>, vector<16xf32>,
        %mul3A_563 = arith.mulf %get3A_557, %get3A_562 : vector<16xf32>
        %swap3A_564 = arith.constant 1 : i32
        %swap3A_565 = arith.index_cast %swap3A_564 : i32 to index
        %swap3A_566 = arith.index_cast %scan3A_442 : i32 to index
        %swap3A_567 = arith.constant 112 : index
        %swap3A_568 = tpu.vector_load %arg7[%swap3A_565, %swap3A_566, %swap3A_567] {strides = array<i32>} : memref<2x80x128xf32, #tpu.memory_space<vmem>>, vector<16xf32>,
        tpu.vector_store %arg7[%swap3A_565, %swap3A_566, %swap3A_567], %mul3A_563 {strides = array<i32>} : memref<2x80x128xf32, #tpu.memory_space<vmem>>, vector<16xf32>,
      }
      %scan3A_431 = arith.constant 80 : i32
      %run_scoped3A_432 = arith.constant 1 : i32
      %run_scoped3A_433 = arith.constant 1 : i32
      %run_scoped3A_434 = arith.constant 1 : i32
      "tpu.region"() ({
        %run_scoped3A_442 = tpu.sem_alloc : memref<!tpu.dma_semaphore, #tpu.memory_space<semaphore_mem>>
        %dma_start3A_443 = arith.constant 0 : i32
        %dma_start3A_444 = arith.constant 0 : i32
        %dma_start3A_445 = tpu.memref_slice %arg7[%run_scoped3A_432, %dma_start3A_443, %dma_start3A_444] : memref<2x80x128xf32, #tpu.memory_space<vmem>> -> memref<1x80x128xf32, #tpu.memory_space<vmem>>
        %dma_start3A_446 = tpu.memref_squeeze %dma_start3A_445 : memref<1x80x128xf32, #tpu.memory_space<vmem>> -> memref<80x128xf32, #tpu.memory_space<vmem>>
        %dma_start3A_447 = arith.constant 0 : i32
        %dma_start3A_448 = tpu.memref_slice %arg10[%run_scoped3A_433, %run_scoped3A_434, %dma_start3A_447] : memref<2x2x80xi32, #tpu.memory_space<vmem>> -> memref<1x1x80xi32, #tpu.memory_space<vmem>>
        %dma_start3A_449 = tpu.memref_squeeze %dma_start3A_448 : memref<1x1x80xi32, #tpu.memory_space<vmem>> -> memref<80xi32, #tpu.memory_space<vmem>>
        %dma_start3A_450 = arith.constant 0 : i32
        %dma_start3A_451 = arith.constant 0 : i32
        %dma_start3A_452 = tpu.memref_slice %arg6[%dma_start3A_450, %dma_start3A_451] : memref<10000x128xf32, #tpu.memory_space<vmem_shared>> -> memref<10000x128xf32, #tpu.memory_space<vmem_shared>>
        tpu.enqueue_indirect_dma source(%dma_start3A_446 : memref<80x128xf32, #tpu.memory_space<vmem>>) target(%dma_start3A_452 : memref<10000x128xf32, #tpu.memory_space<vmem_shared>>) offsets(%dma_start3A_449 : memref<80xi32, #tpu.memory_space<vmem>>) semaphore(%run_scoped3A_442 : memref<!tpu.dma_semaphore, #tpu.memory_space<semaphore_mem>>) {add = true}
        %dma_wait3A_453 = arith.constant 0 : i32
        %dma_wait3A_454 = arith.constant 0 : i32
        %dma_wait3A_455 = tpu.memref_slice %arg7[%run_scoped3A_432, %dma_wait3A_453, %dma_wait3A_454] : memref<2x80x128xf32, #tpu.memory_space<vmem>> -> memref<1x80x128xf32, #tpu.memory_space<vmem>>
        %dma_wait3A_456 = tpu.memref_squeeze %dma_wait3A_455 : memref<1x80x128xf32, #tpu.memory_space<vmem>> -> memref<80x128xf32, #tpu.memory_space<vmem>>
        %dma_wait3A_457 = arith.constant 0 : i32
        %dma_wait3A_458 = tpu.memref_slice %arg10[%run_scoped3A_433, %run_scoped3A_434, %dma_wait3A_457] : memref<2x2x80xi32, #tpu.memory_space<vmem>> -> memref<1x1x80xi32, #tpu.memory_space<vmem>>
        %dma_wait3A_459 = tpu.memref_squeeze %dma_wait3A_458 : memref<1x1x80xi32, #tpu.memory_space<vmem>> -> memref<80xi32, #tpu.memory_space<vmem>>
        %dma_wait3A_460 = arith.constant 0 : i32
        %dma_wait3A_461 = arith.constant 0 : i32
        %dma_wait3A_462 = tpu.memref_slice %arg6[%dma_wait3A_460, %dma_wait3A_461] : memref<10000x128xf32, #tpu.memory_space<vmem_shared>> -> memref<10000x128xf32, #tpu.memory_space<vmem_shared>>
        tpu.wait_indirect_dma semaphore(%run_scoped3A_442 : memref<!tpu.dma_semaphore, #tpu.memory_space<semaphore_mem>>) src(%dma_wait3A_456 : memref<80x128xf32, #tpu.memory_space<vmem>>) dst(%dma_wait3A_462 : memref<10000x128xf32, #tpu.memory_space<vmem_shared>>)
        tpu.yield
      }) : () -> ()
      %add3A_435 = arith.constant 2 : i32
      %add3A_436 = arith.addi %add3A_346, %add3A_435 : i32
      %lt3A_437 = arith.constant 125 : i32
      %lt3A_438 = arith.cmpi slt, %add3A_436, %lt3A_437 : i32
      %convert_element_type3A_439 = arith.extui %lt3A_438 : i1 to i32
      %cond3A_440 = arith.constant 0 : i32
      %cond3A_441 = arith.cmpi ne, %convert_element_type3A_439, %cond3A_440 : i32
      scf.if %cond3A_441 {
        %add3A_442 = arith.constant 2 : i32
        %add3A_443 = arith.addi %add3A_346, %add3A_442 : i32
        %dma_start3A_444 = arith.constant 1 : i32
        %dma_start3A_445 = arith.constant 0 : i32
        %dma_start3A_446 = arith.constant 0 : i32
        %dma_start3A_447 = tpu.memref_slice %arg10[%dma_start3A_444, %dma_start3A_445, %dma_start3A_446] : memref<2x2x80xi32, #tpu.memory_space<vmem>> -> memref<1x2x80xi32, #tpu.memory_space<vmem>>
        %dma_start3A_448 = tpu.memref_squeeze %dma_start3A_447 : memref<1x2x80xi32, #tpu.memory_space<vmem>> -> memref<2x80xi32, #tpu.memory_space<vmem>>
        %dma_start3A_449 = arith.constant 0 : i32
        %dma_start3A_450 = arith.constant 0 : i32
        %dma_start3A_451 = tpu.memref_slice %arg4[%add3A, %add3A_443, %dma_start3A_449, %dma_start3A_450] : memref<32x125x2x80xi32, #tpu.memory_space<hbm>> -> memref<1x1x2x80xi32, #tpu.memory_space<hbm>>
        %dma_start3A_452 = tpu.memref_squeeze %dma_start3A_451 : memref<1x1x2x80xi32, #tpu.memory_space<hbm>> -> memref<2x80xi32, #tpu.memory_space<hbm>>
        %dma_start3A_453 = arith.constant 0 : i32
        %dma_start3A_454 = arith.constant 0 : i32
        %dma_start3A_455 = tpu.memref_slice %arg10[%dma_start3A_444, %dma_start3A_453, %dma_start3A_454] : memref<2x2x80xi32, #tpu.memory_space<vmem>> -> memref<1x2x80xi32, #tpu.memory_space<vmem>>
        %dma_start3A_456 = tpu.memref_squeeze %dma_start3A_455 : memref<1x2x80xi32, #tpu.memory_space<vmem>> -> memref<2x80xi32, #tpu.memory_space<vmem>>
        %dma_start3A_457 = arith.constant 0 : i32
        %dma_start3A_458 = arith.constant 0 : i32
        %dma_start3A_459 = tpu.memref_slice %arg4[%add3A, %add3A_443, %dma_start3A_457, %dma_start3A_458] : memref<32x125x2x80xi32, #tpu.memory_space<hbm>> -> memref<1x1x2x80xi32, #tpu.memory_space<hbm>>
        %dma_start3A_460 = tpu.memref_squeeze %dma_start3A_459 : memref<1x1x2x80xi32, #tpu.memory_space<hbm>> -> memref<2x80xi32, #tpu.memory_space<hbm>>
        tpu.enqueue_dma source(%dma_start3A_460 : memref<2x80xi32, #tpu.memory_space<hbm>>) target(%dma_start3A_456 : memref<2x80xi32, #tpu.memory_space<vmem>>) target_semaphore(%arg16 : memref<!tpu.dma_semaphore, #tpu.memory_space<semaphore_mem>>)
      } else {
      }
    }
    %scan3A_199 = arith.constant 62 : i32
    %dma_wait3A_200 = arith.constant 0 : i32
    %dma_wait3A_201 = arith.constant 0 : i32
    %dma_wait3A_202 = arith.constant 0 : i32
    %dma_wait3A_203 = arith.constant 0 : i32
    %dma_wait3A_204 = arith.constant 0 : i32
    %dma_wait3A_205 = tpu.memref_slice %arg7[%dma_wait3A_202, %dma_wait3A_203, %dma_wait3A_204] : memref<2x80x128xf32, #tpu.memory_space<vmem>> -> memref<1x80x128xf32, #tpu.memory_space<vmem>>
    %dma_wait3A_206 = tpu.memref_squeeze %dma_wait3A_205 : memref<1x80x128xf32, #tpu.memory_space<vmem>> -> memref<80x128xf32, #tpu.memory_space<vmem>>
    %dma_wait3A_207 = arith.constant 0 : i32
    %dma_wait3A_208 = tpu.memref_slice %arg10[%dma_wait3A_200, %dma_wait3A_201, %dma_wait3A_207] : memref<2x2x80xi32, #tpu.memory_space<vmem>> -> memref<1x1x80xi32, #tpu.memory_space<vmem>>
    %dma_wait3A_209 = tpu.memref_squeeze %dma_wait3A_208 : memref<1x1x80xi32, #tpu.memory_space<vmem>> -> memref<80xi32, #tpu.memory_space<vmem>>
    %dma_wait3A_210 = arith.constant 0 : i32
    %dma_wait3A_211 = arith.constant 0 : i32
    %dma_wait3A_212 = tpu.memref_slice %arg3[%dma_wait3A_210, %dma_wait3A_211] : memref<10000x128xf32, #tpu.memory_space<hbm>> -> memref<10000x128xf32, #tpu.memory_space<hbm>>
    tpu.wait_indirect_dma semaphore(%arg11 : memref<!tpu.dma_semaphore, #tpu.memory_space<semaphore_mem>>) src(%dma_wait3A_212 : memref<10000x128xf32, #tpu.memory_space<hbm>>) dst(%dma_wait3A_206 : memref<80x128xf32, #tpu.memory_space<vmem>>)
    %add3A_213 = arith.constant 9920 : i32
    %add3A_214 = arith.addi %mul3A_2, %add3A_213 : i32
    %dma_wait3A_215 = arith.constant 0 : i32
    %dma_wait3A_216 = arith.constant 0 : i32
    %dma_wait3A_217 = arith.constant 0 : i32
    %dma_wait3A_218 = tpu.memref_slice %arg8[%dma_wait3A_215, %dma_wait3A_216, %dma_wait3A_217] : memref<2x80x128xf32, #tpu.memory_space<vmem>> -> memref<1x80x128xf32, #tpu.memory_space<vmem>>
    %dma_wait3A_219 = tpu.memref_squeeze %dma_wait3A_218 : memref<1x80x128xf32, #tpu.memory_space<vmem>> -> memref<80x128xf32, #tpu.memory_space<vmem>>
    %dma_wait3A_220 = arith.constant 0 : i32
    %dma_wait3A_221 = tpu.memref_slice %arg2[%add3A_214, %dma_wait3A_220] : memref<320000x128xf32, #tpu.memory_space<hbm>> -> memref<80x128xf32, #tpu.memory_space<hbm>>
    %dma_wait3A_222 = arith.constant 0 : i32
    %dma_wait3A_223 = arith.constant 0 : i32
    %dma_wait3A_224 = tpu.memref_slice %arg8[%dma_wait3A_215, %dma_wait3A_222, %dma_wait3A_223] : memref<2x80x128xf32, #tpu.memory_space<vmem>> -> memref<1x80x128xf32, #tpu.memory_space<vmem>>
    %dma_wait3A_225 = tpu.memref_squeeze %dma_wait3A_224 : memref<1x80x128xf32, #tpu.memory_space<vmem>> -> memref<80x128xf32, #tpu.memory_space<vmem>>
    %dma_wait3A_226 = arith.constant 0 : i32
    %dma_wait3A_227 = tpu.memref_slice %arg2[%add3A_214, %dma_wait3A_226] : memref<320000x128xf32, #tpu.memory_space<hbm>> -> memref<80x128xf32, #tpu.memory_space<hbm>>
    tpu.wait_dma2 semaphore(%arg13 : memref<!tpu.dma_semaphore, #tpu.memory_space<semaphore_mem>>) src(%dma_wait3A_227 : memref<80x128xf32, #tpu.memory_space<hbm>>) dst(%dma_wait3A_225 : memref<80x128xf32, #tpu.memory_space<vmem>>)
    %scan3A_228 = arith.constant 0 : i32
    %scan3A_229 = arith.constant 0 : i32
    %scan3A_230 = arith.constant 80 : i32
    %scan3A_231 = arith.addi %scan3A_229, %scan3A_230 : i32
    %scan3A_232 = arith.constant 1 : i32
    scf.for %scan3A_246 = %scan3A_229 to %scan3A_231 step %scan3A_232  : i32 {
      %get3A = arith.constant 0 : i32
      %get3A_247 = arith.index_cast %get3A : i32 to index
      %get3A_248 = arith.index_cast %scan3A_246 : i32 to index
      %get3A_249 = arith.constant 0 : index
      %get3A_250 = tpu.vector_load %arg7[%get3A_247, %get3A_248, %get3A_249] {strides = array<i32>} : memref<2x80x128xf32, #tpu.memory_space<vmem>>, vector<16xf32>,
      %get3A_251 = arith.constant 0 : i32
      %get3A_252 = arith.index_cast %get3A_251 : i32 to index
      %get3A_253 = arith.index_cast %scan3A_246 : i32 to index
      %get3A_254 = arith.constant 0 : index
      %get3A_255 = tpu.vector_load %arg8[%get3A_252, %get3A_253, %get3A_254] {strides = array<i32>} : memref<2x80x128xf32, #tpu.memory_space<vmem>>, vector<16xf32>,
      %mul3A_256 = arith.mulf %get3A_250, %get3A_255 : vector<16xf32>
      %swap3A = arith.constant 0 : i32
      %swap3A_257 = arith.index_cast %swap3A : i32 to index
      %swap3A_258 = arith.index_cast %scan3A_246 : i32 to index
      %swap3A_259 = arith.constant 0 : index
      %swap3A_260 = tpu.vector_load %arg7[%swap3A_257, %swap3A_258, %swap3A_259] {strides = array<i32>} : memref<2x80x128xf32, #tpu.memory_space<vmem>>, vector<16xf32>,
      tpu.vector_store %arg7[%swap3A_257, %swap3A_258, %swap3A_259], %mul3A_256 {strides = array<i32>} : memref<2x80x128xf32, #tpu.memory_space<vmem>>, vector<16xf32>,
      %get3A_261 = arith.constant 0 : i32
      %get3A_262 = arith.index_cast %get3A_261 : i32 to index
      %get3A_263 = arith.index_cast %scan3A_246 : i32 to index
      %get3A_264 = arith.constant 16 : index
      %get3A_265 = tpu.vector_load %arg7[%get3A_262, %get3A_263, %get3A_264] {strides = array<i32>} : memref<2x80x128xf32, #tpu.memory_space<vmem>>, vector<16xf32>,
      %get3A_266 = arith.constant 0 : i32
      %get3A_267 = arith.index_cast %get3A_266 : i32 to index
      %get3A_268 = arith.index_cast %scan3A_246 : i32 to index
      %get3A_269 = arith.constant 16 : index
      %get3A_270 = tpu.vector_load %arg8[%get3A_267, %get3A_268, %get3A_269] {strides = array<i32>} : memref<2x80x128xf32, #tpu.memory_space<vmem>>, vector<16xf32>,
      %mul3A_271 = arith.mulf %get3A_265, %get3A_270 : vector<16xf32>
      %swap3A_272 = arith.constant 0 : i32
      %swap3A_273 = arith.index_cast %swap3A_272 : i32 to index
      %swap3A_274 = arith.index_cast %scan3A_246 : i32 to index
      %swap3A_275 = arith.constant 16 : index
      %swap3A_276 = tpu.vector_load %arg7[%swap3A_273, %swap3A_274, %swap3A_275] {strides = array<i32>} : memref<2x80x128xf32, #tpu.memory_space<vmem>>, vector<16xf32>,
      tpu.vector_store %arg7[%swap3A_273, %swap3A_274, %swap3A_275], %mul3A_271 {strides = array<i32>} : memref<2x80x128xf32, #tpu.memory_space<vmem>>, vector<16xf32>,
      %get3A_277 = arith.constant 0 : i32
      %get3A_278 = arith.index_cast %get3A_277 : i32 to index
      %get3A_279 = arith.index_cast %scan3A_246 : i32 to index
      %get3A_280 = arith.constant 32 : index
      %get3A_281 = tpu.vector_load %arg7[%get3A_278, %get3A_279, %get3A_280] {strides = array<i32>} : memref<2x80x128xf32, #tpu.memory_space<vmem>>, vector<16xf32>,
      %get3A_282 = arith.constant 0 : i32
      %get3A_283 = arith.index_cast %get3A_282 : i32 to index
      %get3A_284 = arith.index_cast %scan3A_246 : i32 to index
      %get3A_285 = arith.constant 32 : index
      %get3A_286 = tpu.vector_load %arg8[%get3A_283, %get3A_284, %get3A_285] {strides = array<i32>} : memref<2x80x128xf32, #tpu.memory_space<vmem>>, vector<16xf32>,
      %mul3A_287 = arith.mulf %get3A_281, %get3A_286 : vector<16xf32>
      %swap3A_288 = arith.constant 0 : i32
      %swap3A_289 = arith.index_cast %swap3A_288 : i32 to index
      %swap3A_290 = arith.index_cast %scan3A_246 : i32 to index
      %swap3A_291 = arith.constant 32 : index
      %swap3A_292 = tpu.vector_load %arg7[%swap3A_289, %swap3A_290, %swap3A_291] {strides = array<i32>} : memref<2x80x128xf32, #tpu.memory_space<vmem>>, vector<16xf32>,
      tpu.vector_store %arg7[%swap3A_289, %swap3A_290, %swap3A_291], %mul3A_287 {strides = array<i32>} : memref<2x80x128xf32, #tpu.memory_space<vmem>>, vector<16xf32>,
      %get3A_293 = arith.constant 0 : i32
      %get3A_294 = arith.index_cast %get3A_293 : i32 to index
      %get3A_295 = arith.index_cast %scan3A_246 : i32 to index
      %get3A_296 = arith.constant 48 : index
      %get3A_297 = tpu.vector_load %arg7[%get3A_294, %get3A_295, %get3A_296] {strides = array<i32>} : memref<2x80x128xf32, #tpu.memory_space<vmem>>, vector<16xf32>,
      %get3A_298 = arith.constant 0 : i32
      %get3A_299 = arith.index_cast %get3A_298 : i32 to index
      %get3A_300 = arith.index_cast %scan3A_246 : i32 to index
      %get3A_301 = arith.constant 48 : index
      %get3A_302 = tpu.vector_load %arg8[%get3A_299, %get3A_300, %get3A_301] {strides = array<i32>} : memref<2x80x128xf32, #tpu.memory_space<vmem>>, vector<16xf32>,
      %mul3A_303 = arith.mulf %get3A_297, %get3A_302 : vector<16xf32>
      %swap3A_304 = arith.constant 0 : i32
      %swap3A_305 = arith.index_cast %swap3A_304 : i32 to index
      %swap3A_306 = arith.index_cast %scan3A_246 : i32 to index
      %swap3A_307 = arith.constant 48 : index
      %swap3A_308 = tpu.vector_load %arg7[%swap3A_305, %swap3A_306, %swap3A_307] {strides = array<i32>} : memref<2x80x128xf32, #tpu.memory_space<vmem>>, vector<16xf32>,
      tpu.vector_store %arg7[%swap3A_305, %swap3A_306, %swap3A_307], %mul3A_303 {strides = array<i32>} : memref<2x80x128xf32, #tpu.memory_space<vmem>>, vector<16xf32>,
      %get3A_309 = arith.constant 0 : i32
      %get3A_310 = arith.index_cast %get3A_309 : i32 to index
      %get3A_311 = arith.index_cast %scan3A_246 : i32 to index
      %get3A_312 = arith.constant 64 : index
      %get3A_313 = tpu.vector_load %arg7[%get3A_310, %get3A_311, %get3A_312] {strides = array<i32>} : memref<2x80x128xf32, #tpu.memory_space<vmem>>, vector<16xf32>,
      %get3A_314 = arith.constant 0 : i32
      %get3A_315 = arith.index_cast %get3A_314 : i32 to index
      %get3A_316 = arith.index_cast %scan3A_246 : i32 to index
      %get3A_317 = arith.constant 64 : index
      %get3A_318 = tpu.vector_load %arg8[%get3A_315, %get3A_316, %get3A_317] {strides = array<i32>} : memref<2x80x128xf32, #tpu.memory_space<vmem>>, vector<16xf32>,
      %mul3A_319 = arith.mulf %get3A_313, %get3A_318 : vector<16xf32>
      %swap3A_320 = arith.constant 0 : i32
      %swap3A_321 = arith.index_cast %swap3A_320 : i32 to index
      %swap3A_322 = arith.index_cast %scan3A_246 : i32 to index
      %swap3A_323 = arith.constant 64 : index
      %swap3A_324 = tpu.vector_load %arg7[%swap3A_321, %swap3A_322, %swap3A_323] {strides = array<i32>} : memref<2x80x128xf32, #tpu.memory_space<vmem>>, vector<16xf32>,
      tpu.vector_store %arg7[%swap3A_321, %swap3A_322, %swap3A_323], %mul3A_319 {strides = array<i32>} : memref<2x80x128xf32, #tpu.memory_space<vmem>>, vector<16xf32>,
      %get3A_325 = arith.constant 0 : i32
      %get3A_326 = arith.index_cast %get3A_325 : i32 to index
      %get3A_327 = arith.index_cast %scan3A_246 : i32 to index
      %get3A_328 = arith.constant 80 : index
      %get3A_329 = tpu.vector_load %arg7[%get3A_326, %get3A_327, %get3A_328] {strides = array<i32>} : memref<2x80x128xf32, #tpu.memory_space<vmem>>, vector<16xf32>,
      %get3A_330 = arith.constant 0 : i32
      %get3A_331 = arith.index_cast %get3A_330 : i32 to index
      %get3A_332 = arith.index_cast %scan3A_246 : i32 to index
      %get3A_333 = arith.constant 80 : index
      %get3A_334 = tpu.vector_load %arg8[%get3A_331, %get3A_332, %get3A_333] {strides = array<i32>} : memref<2x80x128xf32, #tpu.memory_space<vmem>>, vector<16xf32>,
      %mul3A_335 = arith.mulf %get3A_329, %get3A_334 : vector<16xf32>
      %swap3A_336 = arith.constant 0 : i32
      %swap3A_337 = arith.index_cast %swap3A_336 : i32 to index
      %swap3A_338 = arith.index_cast %scan3A_246 : i32 to index
      %swap3A_339 = arith.constant 80 : index
      %swap3A_340 = tpu.vector_load %arg7[%swap3A_337, %swap3A_338, %swap3A_339] {strides = array<i32>} : memref<2x80x128xf32, #tpu.memory_space<vmem>>, vector<16xf32>,
      tpu.vector_store %arg7[%swap3A_337, %swap3A_338, %swap3A_339], %mul3A_335 {strides = array<i32>} : memref<2x80x128xf32, #tpu.memory_space<vmem>>, vector<16xf32>,
      %get3A_341 = arith.constant 0 : i32
      %get3A_342 = arith.index_cast %get3A_341 : i32 to index
      %get3A_343 = arith.index_cast %scan3A_246 : i32 to index
      %get3A_344 = arith.constant 96 : index
      %get3A_345 = tpu.vector_load %arg7[%get3A_342, %get3A_343, %get3A_344] {strides = array<i32>} : memref<2x80x128xf32, #tpu.memory_space<vmem>>, vector<16xf32>,
      %get3A_346 = arith.constant 0 : i32
      %get3A_347 = arith.index_cast %get3A_346 : i32 to index
      %get3A_348 = arith.index_cast %scan3A_246 : i32 to index
      %get3A_349 = arith.constant 96 : index
      %get3A_350 = tpu.vector_load %arg8[%get3A_347, %get3A_348, %get3A_349] {strides = array<i32>} : memref<2x80x128xf32, #tpu.memory_space<vmem>>, vector<16xf32>,
      %mul3A_351 = arith.mulf %get3A_345, %get3A_350 : vector<16xf32>
      %swap3A_352 = arith.constant 0 : i32
      %swap3A_353 = arith.index_cast %swap3A_352 : i32 to index
      %swap3A_354 = arith.index_cast %scan3A_246 : i32 to index
      %swap3A_355 = arith.constant 96 : index
      %swap3A_356 = tpu.vector_load %arg7[%swap3A_353, %swap3A_354, %swap3A_355] {strides = array<i32>} : memref<2x80x128xf32, #tpu.memory_space<vmem>>, vector<16xf32>,
      tpu.vector_store %arg7[%swap3A_353, %swap3A_354, %swap3A_355], %mul3A_351 {strides = array<i32>} : memref<2x80x128xf32, #tpu.memory_space<vmem>>, vector<16xf32>,
      %get3A_357 = arith.constant 0 : i32
      %get3A_358 = arith.index_cast %get3A_357 : i32 to index
      %get3A_359 = arith.index_cast %scan3A_246 : i32 to index
      %get3A_360 = arith.constant 112 : index
      %get3A_361 = tpu.vector_load %arg7[%get3A_358, %get3A_359, %get3A_360] {strides = array<i32>} : memref<2x80x128xf32, #tpu.memory_space<vmem>>, vector<16xf32>,
      %get3A_362 = arith.constant 0 : i32
      %get3A_363 = arith.index_cast %get3A_362 : i32 to index
      %get3A_364 = arith.index_cast %scan3A_246 : i32 to index
      %get3A_365 = arith.constant 112 : index
      %get3A_366 = tpu.vector_load %arg8[%get3A_363, %get3A_364, %get3A_365] {strides = array<i32>} : memref<2x80x128xf32, #tpu.memory_space<vmem>>, vector<16xf32>,
      %mul3A_367 = arith.mulf %get3A_361, %get3A_366 : vector<16xf32>
      %swap3A_368 = arith.constant 0 : i32
      %swap3A_369 = arith.index_cast %swap3A_368 : i32 to index
      %swap3A_370 = arith.index_cast %scan3A_246 : i32 to index
      %swap3A_371 = arith.constant 112 : index
      %swap3A_372 = tpu.vector_load %arg7[%swap3A_369, %swap3A_370, %swap3A_371] {strides = array<i32>} : memref<2x80x128xf32, #tpu.memory_space<vmem>>, vector<16xf32>,
      tpu.vector_store %arg7[%swap3A_369, %swap3A_370, %swap3A_371], %mul3A_367 {strides = array<i32>} : memref<2x80x128xf32, #tpu.memory_space<vmem>>, vector<16xf32>,
    }
    %scan3A_233 = arith.constant 80 : i32
    %run_scoped3A = arith.constant 0 : i32
    %run_scoped3A_234 = arith.constant 0 : i32
    %run_scoped3A_235 = arith.constant 1 : i32
    "tpu.region"() ({
      %run_scoped3A_246 = tpu.sem_alloc : memref<!tpu.dma_semaphore, #tpu.memory_space<semaphore_mem>>
      %dma_start3A_247 = arith.constant 0 : i32
      %dma_start3A_248 = arith.constant 0 : i32
      %dma_start3A_249 = tpu.memref_slice %arg7[%run_scoped3A, %dma_start3A_247, %dma_start3A_248] : memref<2x80x128xf32, #tpu.memory_space<vmem>> -> memref<1x80x128xf32, #tpu.memory_space<vmem>>
      %dma_start3A_250 = tpu.memref_squeeze %dma_start3A_249 : memref<1x80x128xf32, #tpu.memory_space<vmem>> -> memref<80x128xf32, #tpu.memory_space<vmem>>
      %dma_start3A_251 = arith.constant 0 : i32
      %dma_start3A_252 = tpu.memref_slice %arg10[%run_scoped3A_234, %run_scoped3A_235, %dma_start3A_251] : memref<2x2x80xi32, #tpu.memory_space<vmem>> -> memref<1x1x80xi32, #tpu.memory_space<vmem>>
      %dma_start3A_253 = tpu.memref_squeeze %dma_start3A_252 : memref<1x1x80xi32, #tpu.memory_space<vmem>> -> memref<80xi32, #tpu.memory_space<vmem>>
      %dma_start3A_254 = arith.constant 0 : i32
      %dma_start3A_255 = arith.constant 0 : i32
      %dma_start3A_256 = tpu.memref_slice %arg6[%dma_start3A_254, %dma_start3A_255] : memref<10000x128xf32, #tpu.memory_space<vmem_shared>> -> memref<10000x128xf32, #tpu.memory_space<vmem_shared>>
      tpu.enqueue_indirect_dma source(%dma_start3A_250 : memref<80x128xf32, #tpu.memory_space<vmem>>) target(%dma_start3A_256 : memref<10000x128xf32, #tpu.memory_space<vmem_shared>>) offsets(%dma_start3A_253 : memref<80xi32, #tpu.memory_space<vmem>>) semaphore(%run_scoped3A_246 : memref<!tpu.dma_semaphore, #tpu.memory_space<semaphore_mem>>) {add = true}
      %dma_wait3A_257 = arith.constant 0 : i32
      %dma_wait3A_258 = arith.constant 0 : i32
      %dma_wait3A_259 = tpu.memref_slice %arg7[%run_scoped3A, %dma_wait3A_257, %dma_wait3A_258] : memref<2x80x128xf32, #tpu.memory_space<vmem>> -> memref<1x80x128xf32, #tpu.memory_space<vmem>>
      %dma_wait3A_260 = tpu.memref_squeeze %dma_wait3A_259 : memref<1x80x128xf32, #tpu.memory_space<vmem>> -> memref<80x128xf32, #tpu.memory_space<vmem>>
      %dma_wait3A_261 = arith.constant 0 : i32
      %dma_wait3A_262 = tpu.memref_slice %arg10[%run_scoped3A_234, %run_scoped3A_235, %dma_wait3A_261] : memref<2x2x80xi32, #tpu.memory_space<vmem>> -> memref<1x1x80xi32, #tpu.memory_space<vmem>>
      %dma_wait3A_263 = tpu.memref_squeeze %dma_wait3A_262 : memref<1x1x80xi32, #tpu.memory_space<vmem>> -> memref<80xi32, #tpu.memory_space<vmem>>
      %dma_wait3A_264 = arith.constant 0 : i32
      %dma_wait3A_265 = arith.constant 0 : i32
      %dma_wait3A_266 = tpu.memref_slice %arg6[%dma_wait3A_264, %dma_wait3A_265] : memref<10000x128xf32, #tpu.memory_space<vmem_shared>> -> memref<10000x128xf32, #tpu.memory_space<vmem_shared>>
      tpu.wait_indirect_dma semaphore(%run_scoped3A_246 : memref<!tpu.dma_semaphore, #tpu.memory_space<semaphore_mem>>) src(%dma_wait3A_260 : memref<80x128xf32, #tpu.memory_space<vmem>>) dst(%dma_wait3A_266 : memref<10000x128xf32, #tpu.memory_space<vmem_shared>>)
      tpu.yield
    }) : () -> ()
    %barrier3A_236 = arith.constant 0 : index
    tpu.barrier barrier_id(%barrier3A_236)
    %mul3A_237 = arith.constant 624 : i32
    %mul3A_238 = arith.muli %arg1, %mul3A_237 : i32
    %mul3A_239 = arith.constant 624 : i32
    %mul3A_240 = arith.muli %arg1, %mul3A_239 : i32
    "tpu.region"() ({
      %run_scoped3A_246 = tpu.sem_alloc : memref<!tpu.dma_semaphore, #tpu.memory_space<semaphore_mem>>
      %dma_start3A_247 = arith.constant 0 : i32
      %dma_start3A_248 = tpu.memref_slice %arg5[%arg0, %mul3A_240, %dma_start3A_247] : memref<2x10000x128xf32, #tpu.memory_space<hbm>> -> memref<1x624x128xf32, #tpu.memory_space<hbm>>
      %dma_start3A_249 = tpu.memref_squeeze %dma_start3A_248 : memref<1x624x128xf32, #tpu.memory_space<hbm>> -> memref<624x128xf32, #tpu.memory_space<hbm>>
      %dma_start3A_250 = arith.constant 0 : i32
      %dma_start3A_251 = tpu.memref_slice %arg6[%mul3A_238, %dma_start3A_250] : memref<10000x128xf32, #tpu.memory_space<vmem_shared>> -> memref<624x128xf32, #tpu.memory_space<vmem_shared>>
      tpu.enqueue_dma source(%dma_start3A_251 : memref<624x128xf32, #tpu.memory_space<vmem_shared>>) target(%dma_start3A_249 : memref<624x128xf32, #tpu.memory_space<hbm>>) target_semaphore(%run_scoped3A_246 : memref<!tpu.dma_semaphore, #tpu.memory_space<semaphore_mem>>)
      %dma_wait3A_252 = arith.constant 0 : i32
      %dma_wait3A_253 = tpu.memref_slice %arg5[%arg0, %mul3A_240, %dma_wait3A_252] : memref<2x10000x128xf32, #tpu.memory_space<hbm>> -> memref<1x624x128xf32, #tpu.memory_space<hbm>>
      %dma_wait3A_254 = tpu.memref_squeeze %dma_wait3A_253 : memref<1x624x128xf32, #tpu.memory_space<hbm>> -> memref<624x128xf32, #tpu.memory_space<hbm>>
      %dma_wait3A_255 = arith.constant 0 : i32
      %dma_wait3A_256 = tpu.memref_slice %arg6[%mul3A_238, %dma_wait3A_255] : memref<10000x128xf32, #tpu.memory_space<vmem_shared>> -> memref<624x128xf32, #tpu.memory_space<vmem_shared>>
      tpu.wait_dma2 semaphore(%run_scoped3A_246 : memref<!tpu.dma_semaphore, #tpu.memory_space<semaphore_mem>>) src(%dma_wait3A_256 : memref<624x128xf32, #tpu.memory_space<vmem_shared>>) dst(%dma_wait3A_254 : memref<624x128xf32, #tpu.memory_space<hbm>>)
      tpu.yield
    }) : () -> ()
    %eq3A_241 = arith.constant 15 : i32
    %eq3A_242 = arith.cmpi eq, %arg1, %eq3A_241 : i32
    %convert_element_type3A_243 = arith.extui %eq3A_242 : i1 to i32
    %cond3A_244 = arith.constant 0 : i32
    %cond3A_245 = arith.cmpi ne, %convert_element_type3A_243, %cond3A_244 : i32
    scf.if %cond3A_245 {
      "tpu.region"() ({
        %run_scoped3A_246 = tpu.sem_alloc : memref<!tpu.dma_semaphore, #tpu.memory_space<semaphore_mem>>
        %dma_start3A_247 = arith.constant 9984 : i32
        %dma_start3A_248 = arith.constant 0 : i32
        %dma_start3A_249 = tpu.memref_slice %arg5[%arg0, %dma_start3A_247, %dma_start3A_248] : memref<2x10000x128xf32, #tpu.memory_space<hbm>> -> memref<1x16x128xf32, #tpu.memory_space<hbm>>
        %dma_start3A_250 = tpu.memref_squeeze %dma_start3A_249 : memref<1x16x128xf32, #tpu.memory_space<hbm>> -> memref<16x128xf32, #tpu.memory_space<hbm>>
        %dma_start3A_251 = arith.constant 9984 : i32
        %dma_start3A_252 = arith.constant 0 : i32
        %dma_start3A_253 = tpu.memref_slice %arg6[%dma_start3A_251, %dma_start3A_252] : memref<10000x128xf32, #tpu.memory_space<vmem_shared>> -> memref<16x128xf32, #tpu.memory_space<vmem_shared>>
        tpu.enqueue_dma source(%dma_start3A_253 : memref<16x128xf32, #tpu.memory_space<vmem_shared>>) target(%dma_start3A_250 : memref<16x128xf32, #tpu.memory_space<hbm>>) target_semaphore(%run_scoped3A_246 : memref<!tpu.dma_semaphore, #tpu.memory_space<semaphore_mem>>)
        %dma_wait3A_254 = arith.constant 9984 : i32
        %dma_wait3A_255 = arith.constant 0 : i32
        %dma_wait3A_256 = tpu.memref_slice %arg5[%arg0, %dma_wait3A_254, %dma_wait3A_255] : memref<2x10000x128xf32, #tpu.memory_space<hbm>> -> memref<1x16x128xf32, #tpu.memory_space<hbm>>
        %dma_wait3A_257 = tpu.memref_squeeze %dma_wait3A_256 : memref<1x16x128xf32, #tpu.memory_space<hbm>> -> memref<16x128xf32, #tpu.memory_space<hbm>>
        %dma_wait3A_258 = arith.constant 9984 : i32
        %dma_wait3A_259 = arith.constant 0 : i32
        %dma_wait3A_260 = tpu.memref_slice %arg6[%dma_wait3A_258, %dma_wait3A_259] : memref<10000x128xf32, #tpu.memory_space<vmem_shared>> -> memref<16x128xf32, #tpu.memory_space<vmem_shared>>
        tpu.wait_dma2 semaphore(%run_scoped3A_246 : memref<!tpu.dma_semaphore, #tpu.memory_space<semaphore_mem>>) src(%dma_wait3A_260 : memref<16x128xf32, #tpu.memory_space<vmem_shared>>) dst(%dma_wait3A_257 : memref<16x128xf32, #tpu.memory_space<hbm>>)
        tpu.yield
      }) : () -> ()
    } else {
    }
    return
  }
}

#map = affine_map<(d0, d1) -> (0)>
module attributes {stable_mosaic.version = 14 : i64} {
  func.func @_sc_d2(%arg0: i32, %arg1: i32, %arg2: memref<10000xf32, #tpu.memory_space<hbm>>, %arg3: memref<10000xf32, #tpu.memory_space<hbm>>, %arg4: memref<10000xf32, #tpu.memory_space<hbm>>, %arg5: memref<320000xi32, #tpu.memory_space<hbm>>, %arg6: memref<320000xi32, #tpu.memory_space<hbm>>, %arg7: memref<320000xf32, #tpu.memory_space<hbm>>, %arg8: memref<10000xf32, #tpu.memory_space<vmem>>, %arg9: memref<10000xf32, #tpu.memory_space<vmem>>, %arg10: memref<10000xf32, #tpu.memory_space<vmem>>, %arg11: memref<10000xi32, #tpu.memory_space<vmem>>, %arg12: memref<10000xi32, #tpu.memory_space<vmem>>, %arg13: memref<10000xf32, #tpu.memory_space<vmem>>) attributes {dimension_semantics = [#tpu.dimension_semantics<core_parallel>, #tpu.dimension_semantics<subcore_parallel>], iteration_bounds = array<i64: 2, 16>, scalar_prefetch = 0 : i64, scratch_operands = 6 : i64, tpu.core_type = #tpu.core_type<sc_vector_subcore>, window_params = [{transform_indices = #map}, {transform_indices = #map}, {transform_indices = #map}, {transform_indices = #map}, {transform_indices = #map}, {transform_indices = #map}]} {
    %mul3A = arith.constant 2 : i32
    %mul3A_0 = arith.muli %arg1, %mul3A : i32
    %add3A = arith.addi %mul3A_0, %arg0 : i32
    %mul3A_1 = arith.constant 10000 : i32
    %mul3A_2 = arith.muli %add3A, %mul3A_1 : i32
    "tpu.region"() ({
      %run_scoped3A = tpu.sem_alloc : memref<!tpu.dma_semaphore, #tpu.memory_space<semaphore_mem>>
      tpu.enqueue_dma source(%arg2 : memref<10000xf32, #tpu.memory_space<hbm>>) target(%arg8 : memref<10000xf32, #tpu.memory_space<vmem>>) target_semaphore(%run_scoped3A : memref<!tpu.dma_semaphore, #tpu.memory_space<semaphore_mem>>)
      tpu.wait_dma2 semaphore(%run_scoped3A : memref<!tpu.dma_semaphore, #tpu.memory_space<semaphore_mem>>) src(%arg2 : memref<10000xf32, #tpu.memory_space<hbm>>) dst(%arg8 : memref<10000xf32, #tpu.memory_space<vmem>>)
      tpu.yield
    }) : () -> ()
    "tpu.region"() ({
      %run_scoped3A = tpu.sem_alloc : memref<!tpu.dma_semaphore, #tpu.memory_space<semaphore_mem>>
      tpu.enqueue_dma source(%arg3 : memref<10000xf32, #tpu.memory_space<hbm>>) target(%arg9 : memref<10000xf32, #tpu.memory_space<vmem>>) target_semaphore(%run_scoped3A : memref<!tpu.dma_semaphore, #tpu.memory_space<semaphore_mem>>)
      tpu.wait_dma2 semaphore(%run_scoped3A : memref<!tpu.dma_semaphore, #tpu.memory_space<semaphore_mem>>) src(%arg3 : memref<10000xf32, #tpu.memory_space<hbm>>) dst(%arg9 : memref<10000xf32, #tpu.memory_space<vmem>>)
      tpu.yield
    }) : () -> ()
    "tpu.region"() ({
      %run_scoped3A = tpu.sem_alloc : memref<!tpu.dma_semaphore, #tpu.memory_space<semaphore_mem>>
      tpu.enqueue_dma source(%arg4 : memref<10000xf32, #tpu.memory_space<hbm>>) target(%arg10 : memref<10000xf32, #tpu.memory_space<vmem>>) target_semaphore(%run_scoped3A : memref<!tpu.dma_semaphore, #tpu.memory_space<semaphore_mem>>)
      tpu.wait_dma2 semaphore(%run_scoped3A : memref<!tpu.dma_semaphore, #tpu.memory_space<semaphore_mem>>) src(%arg4 : memref<10000xf32, #tpu.memory_space<hbm>>) dst(%arg10 : memref<10000xf32, #tpu.memory_space<vmem>>)
      tpu.yield
    }) : () -> ()
    "tpu.region"() ({
      %run_scoped3A = tpu.sem_alloc : memref<!tpu.dma_semaphore, #tpu.memory_space<semaphore_mem>>
      %dma_start3A = tpu.memref_slice %arg5[%mul3A_2] : memref<320000xi32, #tpu.memory_space<hbm>> -> memref<10000xi32, #tpu.memory_space<hbm>>
      %dma_start3A_8 = tpu.memref_slice %arg5[%mul3A_2] : memref<320000xi32, #tpu.memory_space<hbm>> -> memref<10000xi32, #tpu.memory_space<hbm>>
      tpu.enqueue_dma source(%dma_start3A_8 : memref<10000xi32, #tpu.memory_space<hbm>>) target(%arg11 : memref<10000xi32, #tpu.memory_space<vmem>>) target_semaphore(%run_scoped3A : memref<!tpu.dma_semaphore, #tpu.memory_space<semaphore_mem>>)
      %dma_wait3A = tpu.memref_slice %arg5[%mul3A_2] : memref<320000xi32, #tpu.memory_space<hbm>> -> memref<10000xi32, #tpu.memory_space<hbm>>
      %dma_wait3A_9 = tpu.memref_slice %arg5[%mul3A_2] : memref<320000xi32, #tpu.memory_space<hbm>> -> memref<10000xi32, #tpu.memory_space<hbm>>
      tpu.wait_dma2 semaphore(%run_scoped3A : memref<!tpu.dma_semaphore, #tpu.memory_space<semaphore_mem>>) src(%dma_wait3A_9 : memref<10000xi32, #tpu.memory_space<hbm>>) dst(%arg11 : memref<10000xi32, #tpu.memory_space<vmem>>)
      tpu.yield
    }) : () -> ()
    "tpu.region"() ({
      %run_scoped3A = tpu.sem_alloc : memref<!tpu.dma_semaphore, #tpu.memory_space<semaphore_mem>>
      %dma_start3A = tpu.memref_slice %arg6[%mul3A_2] : memref<320000xi32, #tpu.memory_space<hbm>> -> memref<10000xi32, #tpu.memory_space<hbm>>
      %dma_start3A_8 = tpu.memref_slice %arg6[%mul3A_2] : memref<320000xi32, #tpu.memory_space<hbm>> -> memref<10000xi32, #tpu.memory_space<hbm>>
      tpu.enqueue_dma source(%dma_start3A_8 : memref<10000xi32, #tpu.memory_space<hbm>>) target(%arg12 : memref<10000xi32, #tpu.memory_space<vmem>>) target_semaphore(%run_scoped3A : memref<!tpu.dma_semaphore, #tpu.memory_space<semaphore_mem>>)
      %dma_wait3A = tpu.memref_slice %arg6[%mul3A_2] : memref<320000xi32, #tpu.memory_space<hbm>> -> memref<10000xi32, #tpu.memory_space<hbm>>
      %dma_wait3A_9 = tpu.memref_slice %arg6[%mul3A_2] : memref<320000xi32, #tpu.memory_space<hbm>> -> memref<10000xi32, #tpu.memory_space<hbm>>
      tpu.wait_dma2 semaphore(%run_scoped3A : memref<!tpu.dma_semaphore, #tpu.memory_space<semaphore_mem>>) src(%dma_wait3A_9 : memref<10000xi32, #tpu.memory_space<hbm>>) dst(%arg12 : memref<10000xi32, #tpu.memory_space<vmem>>)
      tpu.yield
    }) : () -> ()
    %scan3A = arith.constant 0 : i32
    %scan3A_3 = arith.constant 0 : i32
    %scan3A_4 = arith.constant 625 : i32
    %scan3A_5 = arith.addi %scan3A_3, %scan3A_4 : i32
    %scan3A_6 = arith.constant 1 : i32
    scf.for %scan3A_8 = %scan3A_3 to %scan3A_5 step %scan3A_6  : i32 {
      %mul3A_9 = arith.constant 16 : i32
      %mul3A_10 = arith.muli %scan3A_8, %mul3A_9 : i32
      %get3A = arith.index_cast %mul3A_10 : i32 to index
      %get3A_11 = tpu.vector_load %arg11[%get3A] {strides = array<i32>} : memref<10000xi32, #tpu.memory_space<vmem>>, vector<16xi32>,
      %mul3A_12 = arith.constant 16 : i32
      %mul3A_13 = arith.muli %scan3A_8, %mul3A_12 : i32
      %get3A_14 = arith.index_cast %mul3A_13 : i32 to index
      %get3A_15 = tpu.vector_load %arg12[%get3A_14] {strides = array<i32>} : memref<10000xi32, #tpu.memory_space<vmem>>, vector<16xi32>,
      %gather3A = tpu.vector_load_idx %arg8[%get3A_11] : memref<10000xf32, #tpu.memory_space<vmem>>[vector<16xi32>], vector<16xf32>,
      %gather3A_16 = tpu.vector_load_idx %arg8[%get3A_15] : memref<10000xf32, #tpu.memory_space<vmem>>[vector<16xi32>], vector<16xf32>,
      %sub3A = arith.subf %gather3A, %gather3A_16 : vector<16xf32>
      %add3A_17 = arith.constant 9.99999997E-7 : f32
      %add3A_18 = vector.broadcast %add3A_17 : f32 to vector<16xf32>
      %add3A_19 = arith.addf %sub3A, %add3A_18 : vector<16xf32>
      %gather3A_20 = tpu.vector_load_idx %arg9[%get3A_11] : memref<10000xf32, #tpu.memory_space<vmem>>[vector<16xi32>], vector<16xf32>,
      %gather3A_21 = tpu.vector_load_idx %arg9[%get3A_15] : memref<10000xf32, #tpu.memory_space<vmem>>[vector<16xi32>], vector<16xf32>,
      %sub3A_22 = arith.subf %gather3A_20, %gather3A_21 : vector<16xf32>
      %add3A_23 = arith.constant 9.99999997E-7 : f32
      %add3A_24 = vector.broadcast %add3A_23 : f32 to vector<16xf32>
      %add3A_25 = arith.addf %sub3A_22, %add3A_24 : vector<16xf32>
      %gather3A_26 = tpu.vector_load_idx %arg10[%get3A_11] : memref<10000xf32, #tpu.memory_space<vmem>>[vector<16xi32>], vector<16xf32>,
      %gather3A_27 = tpu.vector_load_idx %arg10[%get3A_15] : memref<10000xf32, #tpu.memory_space<vmem>>[vector<16xi32>], vector<16xf32>,
      %sub3A_28 = arith.subf %gather3A_26, %gather3A_27 : vector<16xf32>
      %add3A_29 = arith.constant 9.99999997E-7 : f32
      %add3A_30 = vector.broadcast %add3A_29 : f32 to vector<16xf32>
      %add3A_31 = arith.addf %sub3A_28, %add3A_30 : vector<16xf32>
      %mul3A_32 = arith.mulf %add3A_19, %add3A_19 : vector<16xf32>
      %mul3A_33 = arith.mulf %add3A_25, %add3A_25 : vector<16xf32>
      %add3A_34 = arith.addf %mul3A_32, %mul3A_33 : vector<16xf32>
      %mul3A_35 = arith.mulf %add3A_31, %add3A_31 : vector<16xf32>
      %add3A_36 = arith.addf %add3A_34, %mul3A_35 : vector<16xf32>
      %mul3A_37 = arith.constant 16 : i32
      %mul3A_38 = arith.muli %scan3A_8, %mul3A_37 : i32
      %swap3A = arith.index_cast %mul3A_38 : i32 to index
      %swap3A_39 = tpu.vector_load %arg13[%swap3A] {strides = array<i32>} : memref<10000xf32, #tpu.memory_space<vmem>>, vector<16xf32>,
      tpu.vector_store %arg13[%swap3A], %add3A_36 {strides = array<i32>} : memref<10000xf32, #tpu.memory_space<vmem>>, vector<16xf32>,
    }
    %scan3A_7 = arith.constant 625 : i32
    "tpu.region"() ({
      %run_scoped3A = tpu.sem_alloc : memref<!tpu.dma_semaphore, #tpu.memory_space<semaphore_mem>>
      %dma_start3A = tpu.memref_slice %arg7[%mul3A_2] : memref<320000xf32, #tpu.memory_space<hbm>> -> memref<10000xf32, #tpu.memory_space<hbm>>
      %dma_start3A_8 = tpu.memref_slice %arg7[%mul3A_2] : memref<320000xf32, #tpu.memory_space<hbm>> -> memref<10000xf32, #tpu.memory_space<hbm>>
      tpu.enqueue_dma source(%arg13 : memref<10000xf32, #tpu.memory_space<vmem>>) target(%dma_start3A_8 : memref<10000xf32, #tpu.memory_space<hbm>>) target_semaphore(%run_scoped3A : memref<!tpu.dma_semaphore, #tpu.memory_space<semaphore_mem>>)
      %dma_wait3A = tpu.memref_slice %arg7[%mul3A_2] : memref<320000xf32, #tpu.memory_space<hbm>> -> memref<10000xf32, #tpu.memory_space<hbm>>
      %dma_wait3A_9 = tpu.memref_slice %arg7[%mul3A_2] : memref<320000xf32, #tpu.memory_space<hbm>> -> memref<10000xf32, #tpu.memory_space<hbm>>
      tpu.wait_dma2 semaphore(%run_scoped3A : memref<!tpu.dma_semaphore, #tpu.memory_space<semaphore_mem>>) src(%arg13 : memref<10000xf32, #tpu.memory_space<vmem>>) dst(%dma_wait3A_9 : memref<10000xf32, #tpu.memory_space<hbm>>)
      tpu.yield
    }) : () -> ()
    return
  }
}

#map = affine_map<(d0, d1) -> (0, 0)>
#map1 = affine_map<(d0, d1) -> (0, 0, 0, 0)>
#map2 = affine_map<(d0, d1) -> (0, 0, 0)>
module attributes {stable_mosaic.version = 14 : i64} {
  func.func @_sc_gms(%arg0: i32, %arg1: i32, %arg2: memref<320000x128xf32, #tpu.memory_space<hbm>>, %arg3: memref<10000x128xf32, #tpu.memory_space<hbm>>, %arg4: memref<32x125x2x80xi32, #tpu.memory_space<hbm>>, %arg5: memref<2x10000x128xf32, #tpu.memory_space<hbm>>, %arg6: memref<10000x128xf32, #tpu.memory_space<vmem_shared>>, %arg7: memref<2x80x128xf32, #tpu.memory_space<vmem>>, %arg8: memref<2x80x128xf32, #tpu.memory_space<vmem>>, %arg9: memref<24x128xf32, #tpu.memory_space<vmem>>, %arg10: memref<2x2x80xi32, #tpu.memory_space<vmem>>, %arg11: memref<!tpu.dma_semaphore, #tpu.memory_space<semaphore_mem>>, %arg12: memref<!tpu.dma_semaphore, #tpu.memory_space<semaphore_mem>>, %arg13: memref<!tpu.dma_semaphore, #tpu.memory_space<semaphore_mem>>, %arg14: memref<!tpu.dma_semaphore, #tpu.memory_space<semaphore_mem>>, %arg15: memref<!tpu.dma_semaphore, #tpu.memory_space<semaphore_mem>>, %arg16: memref<!tpu.dma_semaphore, #tpu.memory_space<semaphore_mem>>) attributes {dimension_semantics = [#tpu.dimension_semantics<core_parallel>, #tpu.dimension_semantics<subcore_parallel>], iteration_bounds = array<i64: 2, 16>, scalar_prefetch = 0 : i64, scratch_operands = 11 : i64, tpu.core_type = #tpu.core_type<sc_vector_subcore>, window_params = [{transform_indices = #map}, {transform_indices = #map}, {transform_indices = #map1}, {transform_indices = #map2}]} {
    %mul3A = arith.constant 2 : i32
    %mul3A_0 = arith.muli %arg1, %mul3A : i32
    %add3A = arith.addi %mul3A_0, %arg0 : i32
    %mul3A_1 = arith.constant 10000 : i32
    %mul3A_2 = arith.muli %add3A, %mul3A_1 : i32
    %scan3A = arith.constant 0 : i32
    %scan3A_3 = arith.constant 0 : i32
    %scan3A_4 = arith.constant 24 : i32
    %scan3A_5 = arith.addi %scan3A_3, %scan3A_4 : i32
    %scan3A_6 = arith.constant 1 : i32
    scf.for %scan3A_246 = %scan3A_3 to %scan3A_5 step %scan3A_6  : i32 {
      %broadcast_in_dim3A = arith.constant 0.000000e+00 : f32
      %broadcast_in_dim3A_247 = vector.broadcast %broadcast_in_dim3A : f32 to vector<16xf32>
      %swap3A = arith.index_cast %scan3A_246 : i32 to index
      %swap3A_248 = arith.constant 0 : index
      %swap3A_249 = tpu.vector_load %arg9[%swap3A, %swap3A_248] {strides = array<i32>} : memref<24x128xf32, #tpu.memory_space<vmem>>, vector<16xf32>,
      tpu.vector_store %arg9[%swap3A, %swap3A_248], %broadcast_in_dim3A_247 {strides = array<i32>} : memref<24x128xf32, #tpu.memory_space<vmem>>, vector<16xf32>,
      %swap3A_250 = arith.index_cast %scan3A_246 : i32 to index
      %swap3A_251 = arith.constant 16 : index
      %swap3A_252 = tpu.vector_load %arg9[%swap3A_250, %swap3A_251] {strides = array<i32>} : memref<24x128xf32, #tpu.memory_space<vmem>>, vector<16xf32>,
      tpu.vector_store %arg9[%swap3A_250, %swap3A_251], %broadcast_in_dim3A_247 {strides = array<i32>} : memref<24x128xf32, #tpu.memory_space<vmem>>, vector<16xf32>,
      %swap3A_253 = arith.index_cast %scan3A_246 : i32 to index
      %swap3A_254 = arith.constant 32 : index
      %swap3A_255 = tpu.vector_load %arg9[%swap3A_253, %swap3A_254] {strides = array<i32>} : memref<24x128xf32, #tpu.memory_space<vmem>>, vector<16xf32>,
      tpu.vector_store %arg9[%swap3A_253, %swap3A_254], %broadcast_in_dim3A_247 {strides = array<i32>} : memref<24x128xf32, #tpu.memory_space<vmem>>, vector<16xf32>,
      %swap3A_256 = arith.index_cast %scan3A_246 : i32 to index
      %swap3A_257 = arith.constant 48 : index
      %swap3A_258 = tpu.vector_load %arg9[%swap3A_256, %swap3A_257] {strides = array<i32>} : memref<24x128xf32, #tpu.memory_space<vmem>>, vector<16xf32>,
      tpu.vector_store %arg9[%swap3A_256, %swap3A_257], %broadcast_in_dim3A_247 {strides = array<i32>} : memref<24x128xf32, #tpu.memory_space<vmem>>, vector<16xf32>,
      %swap3A_259 = arith.index_cast %scan3A_246 : i32 to index
      %swap3A_260 = arith.constant 64 : index
      %swap3A_261 = tpu.vector_load %arg9[%swap3A_259, %swap3A_260] {strides = array<i32>} : memref<24x128xf32, #tpu.memory_space<vmem>>, vector<16xf32>,
      tpu.vector_store %arg9[%swap3A_259, %swap3A_260], %broadcast_in_dim3A_247 {strides = array<i32>} : memref<24x128xf32, #tpu.memory_space<vmem>>, vector<16xf32>,
      %swap3A_262 = arith.index_cast %scan3A_246 : i32 to index
      %swap3A_263 = arith.constant 80 : index
      %swap3A_264 = tpu.vector_load %arg9[%swap3A_262, %swap3A_263] {strides = array<i32>} : memref<24x128xf32, #tpu.memory_space<vmem>>, vector<16xf32>,
      tpu.vector_store %arg9[%swap3A_262, %swap3A_263], %broadcast_in_dim3A_247 {strides = array<i32>} : memref<24x128xf32, #tpu.memory_space<vmem>>, vector<16xf32>,
      %swap3A_265 = arith.index_cast %scan3A_246 : i32 to index
      %swap3A_266 = arith.constant 96 : index
      %swap3A_267 = tpu.vector_load %arg9[%swap3A_265, %swap3A_266] {strides = array<i32>} : memref<24x128xf32, #tpu.memory_space<vmem>>, vector<16xf32>,
      tpu.vector_store %arg9[%swap3A_265, %swap3A_266], %broadcast_in_dim3A_247 {strides = array<i32>} : memref<24x128xf32, #tpu.memory_space<vmem>>, vector<16xf32>,
      %swap3A_268 = arith.index_cast %scan3A_246 : i32 to index
      %swap3A_269 = arith.constant 112 : index
      %swap3A_270 = tpu.vector_load %arg9[%swap3A_268, %swap3A_269] {strides = array<i32>} : memref<24x128xf32, #tpu.memory_space<vmem>>, vector<16xf32>,
      tpu.vector_store %arg9[%swap3A_268, %swap3A_269], %broadcast_in_dim3A_247 {strides = array<i32>} : memref<24x128xf32, #tpu.memory_space<vmem>>, vector<16xf32>,
    }
    %scan3A_7 = arith.constant 24 : i32
    %mul3A_8 = arith.constant 624 : i32
    %mul3A_9 = arith.muli %arg1, %mul3A_8 : i32
    %add3A_10 = arith.constant 0 : i32
    %add3A_11 = arith.addi %mul3A_9, %add3A_10 : i32
    "tpu.region"() ({
      %run_scoped3A_246 = tpu.sem_alloc : memref<!tpu.dma_semaphore, #tpu.memory_space<semaphore_mem>>
      %dma_start3A_247 = arith.constant 0 : i32
      %dma_start3A_248 = tpu.memref_slice %arg6[%add3A_11, %dma_start3A_247] : memref<10000x128xf32, #tpu.memory_space<vmem_shared>> -> memref<24x128xf32, #tpu.memory_space<vmem_shared>>
      %dma_start3A_249 = arith.constant 0 : i32
      %dma_start3A_250 = tpu.memref_slice %arg6[%add3A_11, %dma_start3A_249] : memref<10000x128xf32, #tpu.memory_space<vmem_shared>> -> memref<24x128xf32, #tpu.memory_space<vmem_shared>>
      tpu.enqueue_dma source(%arg9 : memref<24x128xf32, #tpu.memory_space<vmem>>) target(%dma_start3A_250 : memref<24x128xf32, #tpu.memory_space<vmem_shared>>) target_semaphore(%run_scoped3A_246 : memref<!tpu.dma_semaphore, #tpu.memory_space<semaphore_mem>>)
      %dma_wait3A_251 = arith.constant 0 : i32
      %dma_wait3A_252 = tpu.memref_slice %arg6[%add3A_11, %dma_wait3A_251] : memref<10000x128xf32, #tpu.memory_space<vmem_shared>> -> memref<24x128xf32, #tpu.memory_space<vmem_shared>>
      %dma_wait3A_253 = arith.constant 0 : i32
      %dma_wait3A_254 = tpu.memref_slice %arg6[%add3A_11, %dma_wait3A_253] : memref<10000x128xf32, #tpu.memory_space<vmem_shared>> -> memref<24x128xf32, #tpu.memory_space<vmem_shared>>
      tpu.wait_dma2 semaphore(%run_scoped3A_246 : memref<!tpu.dma_semaphore, #tpu.memory_space<semaphore_mem>>) src(%arg9 : memref<24x128xf32, #tpu.memory_space<vmem>>) dst(%dma_wait3A_254 : memref<24x128xf32, #tpu.memory_space<vmem_shared>>)
      tpu.yield
    }) : () -> ()
    %mul3A_12 = arith.constant 624 : i32
    %mul3A_13 = arith.muli %arg1, %mul3A_12 : i32
    %add3A_14 = arith.constant 24 : i32
    %add3A_15 = arith.addi %mul3A_13, %add3A_14 : i32
    "tpu.region"() ({
      %run_scoped3A_246 = tpu.sem_alloc : memref<!tpu.dma_semaphore, #tpu.memory_space<semaphore_mem>>
      %dma_start3A_247 = arith.constant 0 : i32
      %dma_start3A_248 = tpu.memref_slice %arg6[%add3A_15, %dma_start3A_247] : memref<10000x128xf32, #tpu.memory_space<vmem_shared>> -> memref<24x128xf32, #tpu.memory_space<vmem_shared>>
      %dma_start3A_249 = arith.constant 0 : i32
      %dma_start3A_250 = tpu.memref_slice %arg6[%add3A_15, %dma_start3A_249] : memref<10000x128xf32, #tpu.memory_space<vmem_shared>> -> memref<24x128xf32, #tpu.memory_space<vmem_shared>>
      tpu.enqueue_dma source(%arg9 : memref<24x128xf32, #tpu.memory_space<vmem>>) target(%dma_start3A_250 : memref<24x128xf32, #tpu.memory_space<vmem_shared>>) target_semaphore(%run_scoped3A_246 : memref<!tpu.dma_semaphore, #tpu.memory_space<semaphore_mem>>)
      %dma_wait3A_251 = arith.constant 0 : i32
      %dma_wait3A_252 = tpu.memref_slice %arg6[%add3A_15, %dma_wait3A_251] : memref<10000x128xf32, #tpu.memory_space<vmem_shared>> -> memref<24x128xf32, #tpu.memory_space<vmem_shared>>
      %dma_wait3A_253 = arith.constant 0 : i32
      %dma_wait3A_254 = tpu.memref_slice %arg6[%add3A_15, %dma_wait3A_253] : memref<10000x128xf32, #tpu.memory_space<vmem_shared>> -> memref<24x128xf32, #tpu.memory_space<vmem_shared>>
      tpu.wait_dma2 semaphore(%run_scoped3A_246 : memref<!tpu.dma_semaphore, #tpu.memory_space<semaphore_mem>>) src(%arg9 : memref<24x128xf32, #tpu.memory_space<vmem>>) dst(%dma_wait3A_254 : memref<24x128xf32, #tpu.memory_space<vmem_shared>>)
      tpu.yield
    }) : () -> ()
    %mul3A_16 = arith.constant 624 : i32
    %mul3A_17 = arith.muli %arg1, %mul3A_16 : i32
    %add3A_18 = arith.constant 48 : i32
    %add3A_19 = arith.addi %mul3A_17, %add3A_18 : i32
    "tpu.region"() ({
      %run_scoped3A_246 = tpu.sem_alloc : memref<!tpu.dma_semaphore, #tpu.memory_space<semaphore_mem>>
      %dma_start3A_247 = arith.constant 0 : i32
      %dma_start3A_248 = tpu.memref_slice %arg6[%add3A_19, %dma_start3A_247] : memref<10000x128xf32, #tpu.memory_space<vmem_shared>> -> memref<24x128xf32, #tpu.memory_space<vmem_shared>>
      %dma_start3A_249 = arith.constant 0 : i32
      %dma_start3A_250 = tpu.memref_slice %arg6[%add3A_19, %dma_start3A_249] : memref<10000x128xf32, #tpu.memory_space<vmem_shared>> -> memref<24x128xf32, #tpu.memory_space<vmem_shared>>
      tpu.enqueue_dma source(%arg9 : memref<24x128xf32, #tpu.memory_space<vmem>>) target(%dma_start3A_250 : memref<24x128xf32, #tpu.memory_space<vmem_shared>>) target_semaphore(%run_scoped3A_246 : memref<!tpu.dma_semaphore, #tpu.memory_space<semaphore_mem>>)
      %dma_wait3A_251 = arith.constant 0 : i32
      %dma_wait3A_252 = tpu.memref_slice %arg6[%add3A_19, %dma_wait3A_251] : memref<10000x128xf32, #tpu.memory_space<vmem_shared>> -> memref<24x128xf32, #tpu.memory_space<vmem_shared>>
      %dma_wait3A_253 = arith.constant 0 : i32
      %dma_wait3A_254 = tpu.memref_slice %arg6[%add3A_19, %dma_wait3A_253] : memref<10000x128xf32, #tpu.memory_space<vmem_shared>> -> memref<24x128xf32, #tpu.memory_space<vmem_shared>>
      tpu.wait_dma2 semaphore(%run_scoped3A_246 : memref<!tpu.dma_semaphore, #tpu.memory_space<semaphore_mem>>) src(%arg9 : memref<24x128xf32, #tpu.memory_space<vmem>>) dst(%dma_wait3A_254 : memref<24x128xf32, #tpu.memory_space<vmem_shared>>)
      tpu.yield
    }) : () -> ()
    %mul3A_20 = arith.constant 624 : i32
    %mul3A_21 = arith.muli %arg1, %mul3A_20 : i32
    %add3A_22 = arith.constant 72 : i32
    %add3A_23 = arith.addi %mul3A_21, %add3A_22 : i32
    "tpu.region"() ({
      %run_scoped3A_246 = tpu.sem_alloc : memref<!tpu.dma_semaphore, #tpu.memory_space<semaphore_mem>>
      %dma_start3A_247 = arith.constant 0 : i32
      %dma_start3A_248 = tpu.memref_slice %arg6[%add3A_23, %dma_start3A_247] : memref<10000x128xf32, #tpu.memory_space<vmem_shared>> -> memref<24x128xf32, #tpu.memory_space<vmem_shared>>
      %dma_start3A_249 = arith.constant 0 : i32
      %dma_start3A_250 = tpu.memref_slice %arg6[%add3A_23, %dma_start3A_249] : memref<10000x128xf32, #tpu.memory_space<vmem_shared>> -> memref<24x128xf32, #tpu.memory_space<vmem_shared>>
      tpu.enqueue_dma source(%arg9 : memref<24x128xf32, #tpu.memory_space<vmem>>) target(%dma_start3A_250 : memref<24x128xf32, #tpu.memory_space<vmem_shared>>) target_semaphore(%run_scoped3A_246 : memref<!tpu.dma_semaphore, #tpu.memory_space<semaphore_mem>>)
      %dma_wait3A_251 = arith.constant 0 : i32
      %dma_wait3A_252 = tpu.memref_slice %arg6[%add3A_23, %dma_wait3A_251] : memref<10000x128xf32, #tpu.memory_space<vmem_shared>> -> memref<24x128xf32, #tpu.memory_space<vmem_shared>>
      %dma_wait3A_253 = arith.constant 0 : i32
      %dma_wait3A_254 = tpu.memref_slice %arg6[%add3A_23, %dma_wait3A_253] : memref<10000x128xf32, #tpu.memory_space<vmem_shared>> -> memref<24x128xf32, #tpu.memory_space<vmem_shared>>
      tpu.wait_dma2 semaphore(%run_scoped3A_246 : memref<!tpu.dma_semaphore, #tpu.memory_space<semaphore_mem>>) src(%arg9 : memref<24x128xf32, #tpu.memory_space<vmem>>) dst(%dma_wait3A_254 : memref<24x128xf32, #tpu.memory_space<vmem_shared>>)
      tpu.yield
    }) : () -> ()
    %mul3A_24 = arith.constant 624 : i32
    %mul3A_25 = arith.muli %arg1, %mul3A_24 : i32
    %add3A_26 = arith.constant 96 : i32
    %add3A_27 = arith.addi %mul3A_25, %add3A_26 : i32
    "tpu.region"() ({
      %run_scoped3A_246 = tpu.sem_alloc : memref<!tpu.dma_semaphore, #tpu.memory_space<semaphore_mem>>
      %dma_start3A_247 = arith.constant 0 : i32
      %dma_start3A_248 = tpu.memref_slice %arg6[%add3A_27, %dma_start3A_247] : memref<10000x128xf32, #tpu.memory_space<vmem_shared>> -> memref<24x128xf32, #tpu.memory_space<vmem_shared>>
      %dma_start3A_249 = arith.constant 0 : i32
      %dma_start3A_250 = tpu.memref_slice %arg6[%add3A_27, %dma_start3A_249] : memref<10000x128xf32, #tpu.memory_space<vmem_shared>> -> memref<24x128xf32, #tpu.memory_space<vmem_shared>>
      tpu.enqueue_dma source(%arg9 : memref<24x128xf32, #tpu.memory_space<vmem>>) target(%dma_start3A_250 : memref<24x128xf32, #tpu.memory_space<vmem_shared>>) target_semaphore(%run_scoped3A_246 : memref<!tpu.dma_semaphore, #tpu.memory_space<semaphore_mem>>)
      %dma_wait3A_251 = arith.constant 0 : i32
      %dma_wait3A_252 = tpu.memref_slice %arg6[%add3A_27, %dma_wait3A_251] : memref<10000x128xf32, #tpu.memory_space<vmem_shared>> -> memref<24x128xf32, #tpu.memory_space<vmem_shared>>
      %dma_wait3A_253 = arith.constant 0 : i32
      %dma_wait3A_254 = tpu.memref_slice %arg6[%add3A_27, %dma_wait3A_253] : memref<10000x128xf32, #tpu.memory_space<vmem_shared>> -> memref<24x128xf32, #tpu.memory_space<vmem_shared>>
      tpu.wait_dma2 semaphore(%run_scoped3A_246 : memref<!tpu.dma_semaphore, #tpu.memory_space<semaphore_mem>>) src(%arg9 : memref<24x128xf32, #tpu.memory_space<vmem>>) dst(%dma_wait3A_254 : memref<24x128xf32, #tpu.memory_space<vmem_shared>>)
      tpu.yield
    }) : () -> ()
    %mul3A_28 = arith.constant 624 : i32
    %mul3A_29 = arith.muli %arg1, %mul3A_28 : i32
    %add3A_30 = arith.constant 120 : i32
    %add3A_31 = arith.addi %mul3A_29, %add3A_30 : i32
    "tpu.region"() ({
      %run_scoped3A_246 = tpu.sem_alloc : memref<!tpu.dma_semaphore, #tpu.memory_space<semaphore_mem>>
      %dma_start3A_247 = arith.constant 0 : i32
      %dma_start3A_248 = tpu.memref_slice %arg6[%add3A_31, %dma_start3A_247] : memref<10000x128xf32, #tpu.memory_space<vmem_shared>> -> memref<24x128xf32, #tpu.memory_space<vmem_shared>>
      %dma_start3A_249 = arith.constant 0 : i32
      %dma_start3A_250 = tpu.memref_slice %arg6[%add3A_31, %dma_start3A_249] : memref<10000x128xf32, #tpu.memory_space<vmem_shared>> -> memref<24x128xf32, #tpu.memory_space<vmem_shared>>
      tpu.enqueue_dma source(%arg9 : memref<24x128xf32, #tpu.memory_space<vmem>>) target(%dma_start3A_250 : memref<24x128xf32, #tpu.memory_space<vmem_shared>>) target_semaphore(%run_scoped3A_246 : memref<!tpu.dma_semaphore, #tpu.memory_space<semaphore_mem>>)
      %dma_wait3A_251 = arith.constant 0 : i32
      %dma_wait3A_252 = tpu.memref_slice %arg6[%add3A_31, %dma_wait3A_251] : memref<10000x128xf32, #tpu.memory_space<vmem_shared>> -> memref<24x128xf32, #tpu.memory_space<vmem_shared>>
      %dma_wait3A_253 = arith.constant 0 : i32
      %dma_wait3A_254 = tpu.memref_slice %arg6[%add3A_31, %dma_wait3A_253] : memref<10000x128xf32, #tpu.memory_space<vmem_shared>> -> memref<24x128xf32, #tpu.memory_space<vmem_shared>>
      tpu.wait_dma2 semaphore(%run_scoped3A_246 : memref<!tpu.dma_semaphore, #tpu.memory_space<semaphore_mem>>) src(%arg9 : memref<24x128xf32, #tpu.memory_space<vmem>>) dst(%dma_wait3A_254 : memref<24x128xf32, #tpu.memory_space<vmem_shared>>)
      tpu.yield
    }) : () -> ()
    %mul3A_32 = arith.constant 624 : i32
    %mul3A_33 = arith.muli %arg1, %mul3A_32 : i32
    %add3A_34 = arith.constant 144 : i32
    %add3A_35 = arith.addi %mul3A_33, %add3A_34 : i32
    "tpu.region"() ({
      %run_scoped3A_246 = tpu.sem_alloc : memref<!tpu.dma_semaphore, #tpu.memory_space<semaphore_mem>>
      %dma_start3A_247 = arith.constant 0 : i32
      %dma_start3A_248 = tpu.memref_slice %arg6[%add3A_35, %dma_start3A_247] : memref<10000x128xf32, #tpu.memory_space<vmem_shared>> -> memref<24x128xf32, #tpu.memory_space<vmem_shared>>
      %dma_start3A_249 = arith.constant 0 : i32
      %dma_start3A_250 = tpu.memref_slice %arg6[%add3A_35, %dma_start3A_249] : memref<10000x128xf32, #tpu.memory_space<vmem_shared>> -> memref<24x128xf32, #tpu.memory_space<vmem_shared>>
      tpu.enqueue_dma source(%arg9 : memref<24x128xf32, #tpu.memory_space<vmem>>) target(%dma_start3A_250 : memref<24x128xf32, #tpu.memory_space<vmem_shared>>) target_semaphore(%run_scoped3A_246 : memref<!tpu.dma_semaphore, #tpu.memory_space<semaphore_mem>>)
      %dma_wait3A_251 = arith.constant 0 : i32
      %dma_wait3A_252 = tpu.memref_slice %arg6[%add3A_35, %dma_wait3A_251] : memref<10000x128xf32, #tpu.memory_space<vmem_shared>> -> memref<24x128xf32, #tpu.memory_space<vmem_shared>>
      %dma_wait3A_253 = arith.constant 0 : i32
      %dma_wait3A_254 = tpu.memref_slice %arg6[%add3A_35, %dma_wait3A_253] : memref<10000x128xf32, #tpu.memory_space<vmem_shared>> -> memref<24x128xf32, #tpu.memory_space<vmem_shared>>
      tpu.wait_dma2 semaphore(%run_scoped3A_246 : memref<!tpu.dma_semaphore, #tpu.memory_space<semaphore_mem>>) src(%arg9 : memref<24x128xf32, #tpu.memory_space<vmem>>) dst(%dma_wait3A_254 : memref<24x128xf32, #tpu.memory_space<vmem_shared>>)
      tpu.yield
    }) : () -> ()
    %mul3A_36 = arith.constant 624 : i32
    %mul3A_37 = arith.muli %arg1, %mul3A_36 : i32
    %add3A_38 = arith.constant 168 : i32
    %add3A_39 = arith.addi %mul3A_37, %add3A_38 : i32
    "tpu.region"() ({
      %run_scoped3A_246 = tpu.sem_alloc : memref<!tpu.dma_semaphore, #tpu.memory_space<semaphore_mem>>
      %dma_start3A_247 = arith.constant 0 : i32
      %dma_start3A_248 = tpu.memref_slice %arg6[%add3A_39, %dma_start3A_247] : memref<10000x128xf32, #tpu.memory_space<vmem_shared>> -> memref<24x128xf32, #tpu.memory_space<vmem_shared>>
      %dma_start3A_249 = arith.constant 0 : i32
      %dma_start3A_250 = tpu.memref_slice %arg6[%add3A_39, %dma_start3A_249] : memref<10000x128xf32, #tpu.memory_space<vmem_shared>> -> memref<24x128xf32, #tpu.memory_space<vmem_shared>>
      tpu.enqueue_dma source(%arg9 : memref<24x128xf32, #tpu.memory_space<vmem>>) target(%dma_start3A_250 : memref<24x128xf32, #tpu.memory_space<vmem_shared>>) target_semaphore(%run_scoped3A_246 : memref<!tpu.dma_semaphore, #tpu.memory_space<semaphore_mem>>)
      %dma_wait3A_251 = arith.constant 0 : i32
      %dma_wait3A_252 = tpu.memref_slice %arg6[%add3A_39, %dma_wait3A_251] : memref<10000x128xf32, #tpu.memory_space<vmem_shared>> -> memref<24x128xf32, #tpu.memory_space<vmem_shared>>
      %dma_wait3A_253 = arith.constant 0 : i32
      %dma_wait3A_254 = tpu.memref_slice %arg6[%add3A_39, %dma_wait3A_253] : memref<10000x128xf32, #tpu.memory_space<vmem_shared>> -> memref<24x128xf32, #tpu.memory_space<vmem_shared>>
      tpu.wait_dma2 semaphore(%run_scoped3A_246 : memref<!tpu.dma_semaphore, #tpu.memory_space<semaphore_mem>>) src(%arg9 : memref<24x128xf32, #tpu.memory_space<vmem>>) dst(%dma_wait3A_254 : memref<24x128xf32, #tpu.memory_space<vmem_shared>>)
      tpu.yield
    }) : () -> ()
    %mul3A_40 = arith.constant 624 : i32
    %mul3A_41 = arith.muli %arg1, %mul3A_40 : i32
    %add3A_42 = arith.constant 192 : i32
    %add3A_43 = arith.addi %mul3A_41, %add3A_42 : i32
    "tpu.region"() ({
      %run_scoped3A_246 = tpu.sem_alloc : memref<!tpu.dma_semaphore, #tpu.memory_space<semaphore_mem>>
      %dma_start3A_247 = arith.constant 0 : i32
      %dma_start3A_248 = tpu.memref_slice %arg6[%add3A_43, %dma_start3A_247] : memref<10000x128xf32, #tpu.memory_space<vmem_shared>> -> memref<24x128xf32, #tpu.memory_space<vmem_shared>>
      %dma_start3A_249 = arith.constant 0 : i32
      %dma_start3A_250 = tpu.memref_slice %arg6[%add3A_43, %dma_start3A_249] : memref<10000x128xf32, #tpu.memory_space<vmem_shared>> -> memref<24x128xf32, #tpu.memory_space<vmem_shared>>
      tpu.enqueue_dma source(%arg9 : memref<24x128xf32, #tpu.memory_space<vmem>>) target(%dma_start3A_250 : memref<24x128xf32, #tpu.memory_space<vmem_shared>>) target_semaphore(%run_scoped3A_246 : memref<!tpu.dma_semaphore, #tpu.memory_space<semaphore_mem>>)
      %dma_wait3A_251 = arith.constant 0 : i32
      %dma_wait3A_252 = tpu.memref_slice %arg6[%add3A_43, %dma_wait3A_251] : memref<10000x128xf32, #tpu.memory_space<vmem_shared>> -> memref<24x128xf32, #tpu.memory_space<vmem_shared>>
      %dma_wait3A_253 = arith.constant 0 : i32
      %dma_wait3A_254 = tpu.memref_slice %arg6[%add3A_43, %dma_wait3A_253] : memref<10000x128xf32, #tpu.memory_space<vmem_shared>> -> memref<24x128xf32, #tpu.memory_space<vmem_shared>>
      tpu.wait_dma2 semaphore(%run_scoped3A_246 : memref<!tpu.dma_semaphore, #tpu.memory_space<semaphore_mem>>) src(%arg9 : memref<24x128xf32, #tpu.memory_space<vmem>>) dst(%dma_wait3A_254 : memref<24x128xf32, #tpu.memory_space<vmem_shared>>)
      tpu.yield
    }) : () -> ()
    %mul3A_44 = arith.constant 624 : i32
    %mul3A_45 = arith.muli %arg1, %mul3A_44 : i32
    %add3A_46 = arith.constant 216 : i32
    %add3A_47 = arith.addi %mul3A_45, %add3A_46 : i32
    "tpu.region"() ({
      %run_scoped3A_246 = tpu.sem_alloc : memref<!tpu.dma_semaphore, #tpu.memory_space<semaphore_mem>>
      %dma_start3A_247 = arith.constant 0 : i32
      %dma_start3A_248 = tpu.memref_slice %arg6[%add3A_47, %dma_start3A_247] : memref<10000x128xf32, #tpu.memory_space<vmem_shared>> -> memref<24x128xf32, #tpu.memory_space<vmem_shared>>
      %dma_start3A_249 = arith.constant 0 : i32
      %dma_start3A_250 = tpu.memref_slice %arg6[%add3A_47, %dma_start3A_249] : memref<10000x128xf32, #tpu.memory_space<vmem_shared>> -> memref<24x128xf32, #tpu.memory_space<vmem_shared>>
      tpu.enqueue_dma source(%arg9 : memref<24x128xf32, #tpu.memory_space<vmem>>) target(%dma_start3A_250 : memref<24x128xf32, #tpu.memory_space<vmem_shared>>) target_semaphore(%run_scoped3A_246 : memref<!tpu.dma_semaphore, #tpu.memory_space<semaphore_mem>>)
      %dma_wait3A_251 = arith.constant 0 : i32
      %dma_wait3A_252 = tpu.memref_slice %arg6[%add3A_47, %dma_wait3A_251] : memref<10000x128xf32, #tpu.memory_space<vmem_shared>> -> memref<24x128xf32, #tpu.memory_space<vmem_shared>>
      %dma_wait3A_253 = arith.constant 0 : i32
      %dma_wait3A_254 = tpu.memref_slice %arg6[%add3A_47, %dma_wait3A_253] : memref<10000x128xf32, #tpu.memory_space<vmem_shared>> -> memref<24x128xf32, #tpu.memory_space<vmem_shared>>
      tpu.wait_dma2 semaphore(%run_scoped3A_246 : memref<!tpu.dma_semaphore, #tpu.memory_space<semaphore_mem>>) src(%arg9 : memref<24x128xf32, #tpu.memory_space<vmem>>) dst(%dma_wait3A_254 : memref<24x128xf32, #tpu.memory_space<vmem_shared>>)
      tpu.yield
    }) : () -> ()
    %mul3A_48 = arith.constant 624 : i32
    %mul3A_49 = arith.muli %arg1, %mul3A_48 : i32
    %add3A_50 = arith.constant 240 : i32
    %add3A_51 = arith.addi %mul3A_49, %add3A_50 : i32
    "tpu.region"() ({
      %run_scoped3A_246 = tpu.sem_alloc : memref<!tpu.dma_semaphore, #tpu.memory_space<semaphore_mem>>
      %dma_start3A_247 = arith.constant 0 : i32
      %dma_start3A_248 = tpu.memref_slice %arg6[%add3A_51, %dma_start3A_247] : memref<10000x128xf32, #tpu.memory_space<vmem_shared>> -> memref<24x128xf32, #tpu.memory_space<vmem_shared>>
      %dma_start3A_249 = arith.constant 0 : i32
      %dma_start3A_250 = tpu.memref_slice %arg6[%add3A_51, %dma_start3A_249] : memref<10000x128xf32, #tpu.memory_space<vmem_shared>> -> memref<24x128xf32, #tpu.memory_space<vmem_shared>>
      tpu.enqueue_dma source(%arg9 : memref<24x128xf32, #tpu.memory_space<vmem>>) target(%dma_start3A_250 : memref<24x128xf32, #tpu.memory_space<vmem_shared>>) target_semaphore(%run_scoped3A_246 : memref<!tpu.dma_semaphore, #tpu.memory_space<semaphore_mem>>)
      %dma_wait3A_251 = arith.constant 0 : i32
      %dma_wait3A_252 = tpu.memref_slice %arg6[%add3A_51, %dma_wait3A_251] : memref<10000x128xf32, #tpu.memory_space<vmem_shared>> -> memref<24x128xf32, #tpu.memory_space<vmem_shared>>
      %dma_wait3A_253 = arith.constant 0 : i32
      %dma_wait3A_254 = tpu.memref_slice %arg6[%add3A_51, %dma_wait3A_253] : memref<10000x128xf32, #tpu.memory_space<vmem_shared>> -> memref<24x128xf32, #tpu.memory_space<vmem_shared>>
      tpu.wait_dma2 semaphore(%run_scoped3A_246 : memref<!tpu.dma_semaphore, #tpu.memory_space<semaphore_mem>>) src(%arg9 : memref<24x128xf32, #tpu.memory_space<vmem>>) dst(%dma_wait3A_254 : memref<24x128xf32, #tpu.memory_space<vmem_shared>>)
      tpu.yield
    }) : () -> ()
    %mul3A_52 = arith.constant 624 : i32
    %mul3A_53 = arith.muli %arg1, %mul3A_52 : i32
    %add3A_54 = arith.constant 264 : i32
    %add3A_55 = arith.addi %mul3A_53, %add3A_54 : i32
    "tpu.region"() ({
      %run_scoped3A_246 = tpu.sem_alloc : memref<!tpu.dma_semaphore, #tpu.memory_space<semaphore_mem>>
      %dma_start3A_247 = arith.constant 0 : i32
      %dma_start3A_248 = tpu.memref_slice %arg6[%add3A_55, %dma_start3A_247] : memref<10000x128xf32, #tpu.memory_space<vmem_shared>> -> memref<24x128xf32, #tpu.memory_space<vmem_shared>>
      %dma_start3A_249 = arith.constant 0 : i32
      %dma_start3A_250 = tpu.memref_slice %arg6[%add3A_55, %dma_start3A_249] : memref<10000x128xf32, #tpu.memory_space<vmem_shared>> -> memref<24x128xf32, #tpu.memory_space<vmem_shared>>
      tpu.enqueue_dma source(%arg9 : memref<24x128xf32, #tpu.memory_space<vmem>>) target(%dma_start3A_250 : memref<24x128xf32, #tpu.memory_space<vmem_shared>>) target_semaphore(%run_scoped3A_246 : memref<!tpu.dma_semaphore, #tpu.memory_space<semaphore_mem>>)
      %dma_wait3A_251 = arith.constant 0 : i32
      %dma_wait3A_252 = tpu.memref_slice %arg6[%add3A_55, %dma_wait3A_251] : memref<10000x128xf32, #tpu.memory_space<vmem_shared>> -> memref<24x128xf32, #tpu.memory_space<vmem_shared>>
      %dma_wait3A_253 = arith.constant 0 : i32
      %dma_wait3A_254 = tpu.memref_slice %arg6[%add3A_55, %dma_wait3A_253] : memref<10000x128xf32, #tpu.memory_space<vmem_shared>> -> memref<24x128xf32, #tpu.memory_space<vmem_shared>>
      tpu.wait_dma2 semaphore(%run_scoped3A_246 : memref<!tpu.dma_semaphore, #tpu.memory_space<semaphore_mem>>) src(%arg9 : memref<24x128xf32, #tpu.memory_space<vmem>>) dst(%dma_wait3A_254 : memref<24x128xf32, #tpu.memory_space<vmem_shared>>)
      tpu.yield
    }) : () -> ()
    %mul3A_56 = arith.constant 624 : i32
    %mul3A_57 = arith.muli %arg1, %mul3A_56 : i32
    %add3A_58 = arith.constant 288 : i32
    %add3A_59 = arith.addi %mul3A_57, %add3A_58 : i32
    "tpu.region"() ({
      %run_scoped3A_246 = tpu.sem_alloc : memref<!tpu.dma_semaphore, #tpu.memory_space<semaphore_mem>>
      %dma_start3A_247 = arith.constant 0 : i32
      %dma_start3A_248 = tpu.memref_slice %arg6[%add3A_59, %dma_start3A_247] : memref<10000x128xf32, #tpu.memory_space<vmem_shared>> -> memref<24x128xf32, #tpu.memory_space<vmem_shared>>
      %dma_start3A_249 = arith.constant 0 : i32
      %dma_start3A_250 = tpu.memref_slice %arg6[%add3A_59, %dma_start3A_249] : memref<10000x128xf32, #tpu.memory_space<vmem_shared>> -> memref<24x128xf32, #tpu.memory_space<vmem_shared>>
      tpu.enqueue_dma source(%arg9 : memref<24x128xf32, #tpu.memory_space<vmem>>) target(%dma_start3A_250 : memref<24x128xf32, #tpu.memory_space<vmem_shared>>) target_semaphore(%run_scoped3A_246 : memref<!tpu.dma_semaphore, #tpu.memory_space<semaphore_mem>>)
      %dma_wait3A_251 = arith.constant 0 : i32
      %dma_wait3A_252 = tpu.memref_slice %arg6[%add3A_59, %dma_wait3A_251] : memref<10000x128xf32, #tpu.memory_space<vmem_shared>> -> memref<24x128xf32, #tpu.memory_space<vmem_shared>>
      %dma_wait3A_253 = arith.constant 0 : i32
      %dma_wait3A_254 = tpu.memref_slice %arg6[%add3A_59, %dma_wait3A_253] : memref<10000x128xf32, #tpu.memory_space<vmem_shared>> -> memref<24x128xf32, #tpu.memory_space<vmem_shared>>
      tpu.wait_dma2 semaphore(%run_scoped3A_246 : memref<!tpu.dma_semaphore, #tpu.memory_space<semaphore_mem>>) src(%arg9 : memref<24x128xf32, #tpu.memory_space<vmem>>) dst(%dma_wait3A_254 : memref<24x128xf32, #tpu.memory_space<vmem_shared>>)
      tpu.yield
    }) : () -> ()
    %mul3A_60 = arith.constant 624 : i32
    %mul3A_61 = arith.muli %arg1, %mul3A_60 : i32
    %add3A_62 = arith.constant 312 : i32
    %add3A_63 = arith.addi %mul3A_61, %add3A_62 : i32
    "tpu.region"() ({
      %run_scoped3A_246 = tpu.sem_alloc : memref<!tpu.dma_semaphore, #tpu.memory_space<semaphore_mem>>
      %dma_start3A_247 = arith.constant 0 : i32
      %dma_start3A_248 = tpu.memref_slice %arg6[%add3A_63, %dma_start3A_247] : memref<10000x128xf32, #tpu.memory_space<vmem_shared>> -> memref<24x128xf32, #tpu.memory_space<vmem_shared>>
      %dma_start3A_249 = arith.constant 0 : i32
      %dma_start3A_250 = tpu.memref_slice %arg6[%add3A_63, %dma_start3A_249] : memref<10000x128xf32, #tpu.memory_space<vmem_shared>> -> memref<24x128xf32, #tpu.memory_space<vmem_shared>>
      tpu.enqueue_dma source(%arg9 : memref<24x128xf32, #tpu.memory_space<vmem>>) target(%dma_start3A_250 : memref<24x128xf32, #tpu.memory_space<vmem_shared>>) target_semaphore(%run_scoped3A_246 : memref<!tpu.dma_semaphore, #tpu.memory_space<semaphore_mem>>)
      %dma_wait3A_251 = arith.constant 0 : i32
      %dma_wait3A_252 = tpu.memref_slice %arg6[%add3A_63, %dma_wait3A_251] : memref<10000x128xf32, #tpu.memory_space<vmem_shared>> -> memref<24x128xf32, #tpu.memory_space<vmem_shared>>
      %dma_wait3A_253 = arith.constant 0 : i32
      %dma_wait3A_254 = tpu.memref_slice %arg6[%add3A_63, %dma_wait3A_253] : memref<10000x128xf32, #tpu.memory_space<vmem_shared>> -> memref<24x128xf32, #tpu.memory_space<vmem_shared>>
      tpu.wait_dma2 semaphore(%run_scoped3A_246 : memref<!tpu.dma_semaphore, #tpu.memory_space<semaphore_mem>>) src(%arg9 : memref<24x128xf32, #tpu.memory_space<vmem>>) dst(%dma_wait3A_254 : memref<24x128xf32, #tpu.memory_space<vmem_shared>>)
      tpu.yield
    }) : () -> ()
    %mul3A_64 = arith.constant 624 : i32
    %mul3A_65 = arith.muli %arg1, %mul3A_64 : i32
    %add3A_66 = arith.constant 336 : i32
    %add3A_67 = arith.addi %mul3A_65, %add3A_66 : i32
    "tpu.region"() ({
      %run_scoped3A_246 = tpu.sem_alloc : memref<!tpu.dma_semaphore, #tpu.memory_space<semaphore_mem>>
      %dma_start3A_247 = arith.constant 0 : i32
      %dma_start3A_248 = tpu.memref_slice %arg6[%add3A_67, %dma_start3A_247] : memref<10000x128xf32, #tpu.memory_space<vmem_shared>> -> memref<24x128xf32, #tpu.memory_space<vmem_shared>>
      %dma_start3A_249 = arith.constant 0 : i32
      %dma_start3A_250 = tpu.memref_slice %arg6[%add3A_67, %dma_start3A_249] : memref<10000x128xf32, #tpu.memory_space<vmem_shared>> -> memref<24x128xf32, #tpu.memory_space<vmem_shared>>
      tpu.enqueue_dma source(%arg9 : memref<24x128xf32, #tpu.memory_space<vmem>>) target(%dma_start3A_250 : memref<24x128xf32, #tpu.memory_space<vmem_shared>>) target_semaphore(%run_scoped3A_246 : memref<!tpu.dma_semaphore, #tpu.memory_space<semaphore_mem>>)
      %dma_wait3A_251 = arith.constant 0 : i32
      %dma_wait3A_252 = tpu.memref_slice %arg6[%add3A_67, %dma_wait3A_251] : memref<10000x128xf32, #tpu.memory_space<vmem_shared>> -> memref<24x128xf32, #tpu.memory_space<vmem_shared>>
      %dma_wait3A_253 = arith.constant 0 : i32
      %dma_wait3A_254 = tpu.memref_slice %arg6[%add3A_67, %dma_wait3A_253] : memref<10000x128xf32, #tpu.memory_space<vmem_shared>> -> memref<24x128xf32, #tpu.memory_space<vmem_shared>>
      tpu.wait_dma2 semaphore(%run_scoped3A_246 : memref<!tpu.dma_semaphore, #tpu.memory_space<semaphore_mem>>) src(%arg9 : memref<24x128xf32, #tpu.memory_space<vmem>>) dst(%dma_wait3A_254 : memref<24x128xf32, #tpu.memory_space<vmem_shared>>)
      tpu.yield
    }) : () -> ()
    %mul3A_68 = arith.constant 624 : i32
    %mul3A_69 = arith.muli %arg1, %mul3A_68 : i32
    %add3A_70 = arith.constant 360 : i32
    %add3A_71 = arith.addi %mul3A_69, %add3A_70 : i32
    "tpu.region"() ({
      %run_scoped3A_246 = tpu.sem_alloc : memref<!tpu.dma_semaphore, #tpu.memory_space<semaphore_mem>>
      %dma_start3A_247 = arith.constant 0 : i32
      %dma_start3A_248 = tpu.memref_slice %arg6[%add3A_71, %dma_start3A_247] : memref<10000x128xf32, #tpu.memory_space<vmem_shared>> -> memref<24x128xf32, #tpu.memory_space<vmem_shared>>
      %dma_start3A_249 = arith.constant 0 : i32
      %dma_start3A_250 = tpu.memref_slice %arg6[%add3A_71, %dma_start3A_249] : memref<10000x128xf32, #tpu.memory_space<vmem_shared>> -> memref<24x128xf32, #tpu.memory_space<vmem_shared>>
      tpu.enqueue_dma source(%arg9 : memref<24x128xf32, #tpu.memory_space<vmem>>) target(%dma_start3A_250 : memref<24x128xf32, #tpu.memory_space<vmem_shared>>) target_semaphore(%run_scoped3A_246 : memref<!tpu.dma_semaphore, #tpu.memory_space<semaphore_mem>>)
      %dma_wait3A_251 = arith.constant 0 : i32
      %dma_wait3A_252 = tpu.memref_slice %arg6[%add3A_71, %dma_wait3A_251] : memref<10000x128xf32, #tpu.memory_space<vmem_shared>> -> memref<24x128xf32, #tpu.memory_space<vmem_shared>>
      %dma_wait3A_253 = arith.constant 0 : i32
      %dma_wait3A_254 = tpu.memref_slice %arg6[%add3A_71, %dma_wait3A_253] : memref<10000x128xf32, #tpu.memory_space<vmem_shared>> -> memref<24x128xf32, #tpu.memory_space<vmem_shared>>
      tpu.wait_dma2 semaphore(%run_scoped3A_246 : memref<!tpu.dma_semaphore, #tpu.memory_space<semaphore_mem>>) src(%arg9 : memref<24x128xf32, #tpu.memory_space<vmem>>) dst(%dma_wait3A_254 : memref<24x128xf32, #tpu.memory_space<vmem_shared>>)
      tpu.yield
    }) : () -> ()
    %mul3A_72 = arith.constant 624 : i32
    %mul3A_73 = arith.muli %arg1, %mul3A_72 : i32
    %add3A_74 = arith.constant 384 : i32
    %add3A_75 = arith.addi %mul3A_73, %add3A_74 : i32
    "tpu.region"() ({
      %run_scoped3A_246 = tpu.sem_alloc : memref<!tpu.dma_semaphore, #tpu.memory_space<semaphore_mem>>
      %dma_start3A_247 = arith.constant 0 : i32
      %dma_start3A_248 = tpu.memref_slice %arg6[%add3A_75, %dma_start3A_247] : memref<10000x128xf32, #tpu.memory_space<vmem_shared>> -> memref<24x128xf32, #tpu.memory_space<vmem_shared>>
      %dma_start3A_249 = arith.constant 0 : i32
      %dma_start3A_250 = tpu.memref_slice %arg6[%add3A_75, %dma_start3A_249] : memref<10000x128xf32, #tpu.memory_space<vmem_shared>> -> memref<24x128xf32, #tpu.memory_space<vmem_shared>>
      tpu.enqueue_dma source(%arg9 : memref<24x128xf32, #tpu.memory_space<vmem>>) target(%dma_start3A_250 : memref<24x128xf32, #tpu.memory_space<vmem_shared>>) target_semaphore(%run_scoped3A_246 : memref<!tpu.dma_semaphore, #tpu.memory_space<semaphore_mem>>)
      %dma_wait3A_251 = arith.constant 0 : i32
      %dma_wait3A_252 = tpu.memref_slice %arg6[%add3A_75, %dma_wait3A_251] : memref<10000x128xf32, #tpu.memory_space<vmem_shared>> -> memref<24x128xf32, #tpu.memory_space<vmem_shared>>
      %dma_wait3A_253 = arith.constant 0 : i32
      %dma_wait3A_254 = tpu.memref_slice %arg6[%add3A_75, %dma_wait3A_253] : memref<10000x128xf32, #tpu.memory_space<vmem_shared>> -> memref<24x128xf32, #tpu.memory_space<vmem_shared>>
      tpu.wait_dma2 semaphore(%run_scoped3A_246 : memref<!tpu.dma_semaphore, #tpu.memory_space<semaphore_mem>>) src(%arg9 : memref<24x128xf32, #tpu.memory_space<vmem>>) dst(%dma_wait3A_254 : memref<24x128xf32, #tpu.memory_space<vmem_shared>>)
      tpu.yield
    }) : () -> ()
    %mul3A_76 = arith.constant 624 : i32
    %mul3A_77 = arith.muli %arg1, %mul3A_76 : i32
    %add3A_78 = arith.constant 408 : i32
    %add3A_79 = arith.addi %mul3A_77, %add3A_78 : i32
    "tpu.region"() ({
      %run_scoped3A_246 = tpu.sem_alloc : memref<!tpu.dma_semaphore, #tpu.memory_space<semaphore_mem>>
      %dma_start3A_247 = arith.constant 0 : i32
      %dma_start3A_248 = tpu.memref_slice %arg6[%add3A_79, %dma_start3A_247] : memref<10000x128xf32, #tpu.memory_space<vmem_shared>> -> memref<24x128xf32, #tpu.memory_space<vmem_shared>>
      %dma_start3A_249 = arith.constant 0 : i32
      %dma_start3A_250 = tpu.memref_slice %arg6[%add3A_79, %dma_start3A_249] : memref<10000x128xf32, #tpu.memory_space<vmem_shared>> -> memref<24x128xf32, #tpu.memory_space<vmem_shared>>
      tpu.enqueue_dma source(%arg9 : memref<24x128xf32, #tpu.memory_space<vmem>>) target(%dma_start3A_250 : memref<24x128xf32, #tpu.memory_space<vmem_shared>>) target_semaphore(%run_scoped3A_246 : memref<!tpu.dma_semaphore, #tpu.memory_space<semaphore_mem>>)
      %dma_wait3A_251 = arith.constant 0 : i32
      %dma_wait3A_252 = tpu.memref_slice %arg6[%add3A_79, %dma_wait3A_251] : memref<10000x128xf32, #tpu.memory_space<vmem_shared>> -> memref<24x128xf32, #tpu.memory_space<vmem_shared>>
      %dma_wait3A_253 = arith.constant 0 : i32
      %dma_wait3A_254 = tpu.memref_slice %arg6[%add3A_79, %dma_wait3A_253] : memref<10000x128xf32, #tpu.memory_space<vmem_shared>> -> memref<24x128xf32, #tpu.memory_space<vmem_shared>>
      tpu.wait_dma2 semaphore(%run_scoped3A_246 : memref<!tpu.dma_semaphore, #tpu.memory_space<semaphore_mem>>) src(%arg9 : memref<24x128xf32, #tpu.memory_space<vmem>>) dst(%dma_wait3A_254 : memref<24x128xf32, #tpu.memory_space<vmem_shared>>)
      tpu.yield
    }) : () -> ()
    %mul3A_80 = arith.constant 624 : i32
    %mul3A_81 = arith.muli %arg1, %mul3A_80 : i32
    %add3A_82 = arith.constant 432 : i32
    %add3A_83 = arith.addi %mul3A_81, %add3A_82 : i32
    "tpu.region"() ({
      %run_scoped3A_246 = tpu.sem_alloc : memref<!tpu.dma_semaphore, #tpu.memory_space<semaphore_mem>>
      %dma_start3A_247 = arith.constant 0 : i32
      %dma_start3A_248 = tpu.memref_slice %arg6[%add3A_83, %dma_start3A_247] : memref<10000x128xf32, #tpu.memory_space<vmem_shared>> -> memref<24x128xf32, #tpu.memory_space<vmem_shared>>
      %dma_start3A_249 = arith.constant 0 : i32
      %dma_start3A_250 = tpu.memref_slice %arg6[%add3A_83, %dma_start3A_249] : memref<10000x128xf32, #tpu.memory_space<vmem_shared>> -> memref<24x128xf32, #tpu.memory_space<vmem_shared>>
      tpu.enqueue_dma source(%arg9 : memref<24x128xf32, #tpu.memory_space<vmem>>) target(%dma_start3A_250 : memref<24x128xf32, #tpu.memory_space<vmem_shared>>) target_semaphore(%run_scoped3A_246 : memref<!tpu.dma_semaphore, #tpu.memory_space<semaphore_mem>>)
      %dma_wait3A_251 = arith.constant 0 : i32
      %dma_wait3A_252 = tpu.memref_slice %arg6[%add3A_83, %dma_wait3A_251] : memref<10000x128xf32, #tpu.memory_space<vmem_shared>> -> memref<24x128xf32, #tpu.memory_space<vmem_shared>>
      %dma_wait3A_253 = arith.constant 0 : i32
      %dma_wait3A_254 = tpu.memref_slice %arg6[%add3A_83, %dma_wait3A_253] : memref<10000x128xf32, #tpu.memory_space<vmem_shared>> -> memref<24x128xf32, #tpu.memory_space<vmem_shared>>
      tpu.wait_dma2 semaphore(%run_scoped3A_246 : memref<!tpu.dma_semaphore, #tpu.memory_space<semaphore_mem>>) src(%arg9 : memref<24x128xf32, #tpu.memory_space<vmem>>) dst(%dma_wait3A_254 : memref<24x128xf32, #tpu.memory_space<vmem_shared>>)
      tpu.yield
    }) : () -> ()
    %mul3A_84 = arith.constant 624 : i32
    %mul3A_85 = arith.muli %arg1, %mul3A_84 : i32
    %add3A_86 = arith.constant 456 : i32
    %add3A_87 = arith.addi %mul3A_85, %add3A_86 : i32
    "tpu.region"() ({
      %run_scoped3A_246 = tpu.sem_alloc : memref<!tpu.dma_semaphore, #tpu.memory_space<semaphore_mem>>
      %dma_start3A_247 = arith.constant 0 : i32
      %dma_start3A_248 = tpu.memref_slice %arg6[%add3A_87, %dma_start3A_247] : memref<10000x128xf32, #tpu.memory_space<vmem_shared>> -> memref<24x128xf32, #tpu.memory_space<vmem_shared>>
      %dma_start3A_249 = arith.constant 0 : i32
      %dma_start3A_250 = tpu.memref_slice %arg6[%add3A_87, %dma_start3A_249] : memref<10000x128xf32, #tpu.memory_space<vmem_shared>> -> memref<24x128xf32, #tpu.memory_space<vmem_shared>>
      tpu.enqueue_dma source(%arg9 : memref<24x128xf32, #tpu.memory_space<vmem>>) target(%dma_start3A_250 : memref<24x128xf32, #tpu.memory_space<vmem_shared>>) target_semaphore(%run_scoped3A_246 : memref<!tpu.dma_semaphore, #tpu.memory_space<semaphore_mem>>)
      %dma_wait3A_251 = arith.constant 0 : i32
      %dma_wait3A_252 = tpu.memref_slice %arg6[%add3A_87, %dma_wait3A_251] : memref<10000x128xf32, #tpu.memory_space<vmem_shared>> -> memref<24x128xf32, #tpu.memory_space<vmem_shared>>
      %dma_wait3A_253 = arith.constant 0 : i32
      %dma_wait3A_254 = tpu.memref_slice %arg6[%add3A_87, %dma_wait3A_253] : memref<10000x128xf32, #tpu.memory_space<vmem_shared>> -> memref<24x128xf32, #tpu.memory_space<vmem_shared>>
      tpu.wait_dma2 semaphore(%run_scoped3A_246 : memref<!tpu.dma_semaphore, #tpu.memory_space<semaphore_mem>>) src(%arg9 : memref<24x128xf32, #tpu.memory_space<vmem>>) dst(%dma_wait3A_254 : memref<24x128xf32, #tpu.memory_space<vmem_shared>>)
      tpu.yield
    }) : () -> ()
    %mul3A_88 = arith.constant 624 : i32
    %mul3A_89 = arith.muli %arg1, %mul3A_88 : i32
    %add3A_90 = arith.constant 480 : i32
    %add3A_91 = arith.addi %mul3A_89, %add3A_90 : i32
    "tpu.region"() ({
      %run_scoped3A_246 = tpu.sem_alloc : memref<!tpu.dma_semaphore, #tpu.memory_space<semaphore_mem>>
      %dma_start3A_247 = arith.constant 0 : i32
      %dma_start3A_248 = tpu.memref_slice %arg6[%add3A_91, %dma_start3A_247] : memref<10000x128xf32, #tpu.memory_space<vmem_shared>> -> memref<24x128xf32, #tpu.memory_space<vmem_shared>>
      %dma_start3A_249 = arith.constant 0 : i32
      %dma_start3A_250 = tpu.memref_slice %arg6[%add3A_91, %dma_start3A_249] : memref<10000x128xf32, #tpu.memory_space<vmem_shared>> -> memref<24x128xf32, #tpu.memory_space<vmem_shared>>
      tpu.enqueue_dma source(%arg9 : memref<24x128xf32, #tpu.memory_space<vmem>>) target(%dma_start3A_250 : memref<24x128xf32, #tpu.memory_space<vmem_shared>>) target_semaphore(%run_scoped3A_246 : memref<!tpu.dma_semaphore, #tpu.memory_space<semaphore_mem>>)
      %dma_wait3A_251 = arith.constant 0 : i32
      %dma_wait3A_252 = tpu.memref_slice %arg6[%add3A_91, %dma_wait3A_251] : memref<10000x128xf32, #tpu.memory_space<vmem_shared>> -> memref<24x128xf32, #tpu.memory_space<vmem_shared>>
      %dma_wait3A_253 = arith.constant 0 : i32
      %dma_wait3A_254 = tpu.memref_slice %arg6[%add3A_91, %dma_wait3A_253] : memref<10000x128xf32, #tpu.memory_space<vmem_shared>> -> memref<24x128xf32, #tpu.memory_space<vmem_shared>>
      tpu.wait_dma2 semaphore(%run_scoped3A_246 : memref<!tpu.dma_semaphore, #tpu.memory_space<semaphore_mem>>) src(%arg9 : memref<24x128xf32, #tpu.memory_space<vmem>>) dst(%dma_wait3A_254 : memref<24x128xf32, #tpu.memory_space<vmem_shared>>)
      tpu.yield
    }) : () -> ()
    %mul3A_92 = arith.constant 624 : i32
    %mul3A_93 = arith.muli %arg1, %mul3A_92 : i32
    %add3A_94 = arith.constant 504 : i32
    %add3A_95 = arith.addi %mul3A_93, %add3A_94 : i32
    "tpu.region"() ({
      %run_scoped3A_246 = tpu.sem_alloc : memref<!tpu.dma_semaphore, #tpu.memory_space<semaphore_mem>>
      %dma_start3A_247 = arith.constant 0 : i32
      %dma_start3A_248 = tpu.memref_slice %arg6[%add3A_95, %dma_start3A_247] : memref<10000x128xf32, #tpu.memory_space<vmem_shared>> -> memref<24x128xf32, #tpu.memory_space<vmem_shared>>
      %dma_start3A_249 = arith.constant 0 : i32
      %dma_start3A_250 = tpu.memref_slice %arg6[%add3A_95, %dma_start3A_249] : memref<10000x128xf32, #tpu.memory_space<vmem_shared>> -> memref<24x128xf32, #tpu.memory_space<vmem_shared>>
      tpu.enqueue_dma source(%arg9 : memref<24x128xf32, #tpu.memory_space<vmem>>) target(%dma_start3A_250 : memref<24x128xf32, #tpu.memory_space<vmem_shared>>) target_semaphore(%run_scoped3A_246 : memref<!tpu.dma_semaphore, #tpu.memory_space<semaphore_mem>>)
      %dma_wait3A_251 = arith.constant 0 : i32
      %dma_wait3A_252 = tpu.memref_slice %arg6[%add3A_95, %dma_wait3A_251] : memref<10000x128xf32, #tpu.memory_space<vmem_shared>> -> memref<24x128xf32, #tpu.memory_space<vmem_shared>>
      %dma_wait3A_253 = arith.constant 0 : i32
      %dma_wait3A_254 = tpu.memref_slice %arg6[%add3A_95, %dma_wait3A_253] : memref<10000x128xf32, #tpu.memory_space<vmem_shared>> -> memref<24x128xf32, #tpu.memory_space<vmem_shared>>
      tpu.wait_dma2 semaphore(%run_scoped3A_246 : memref<!tpu.dma_semaphore, #tpu.memory_space<semaphore_mem>>) src(%arg9 : memref<24x128xf32, #tpu.memory_space<vmem>>) dst(%dma_wait3A_254 : memref<24x128xf32, #tpu.memory_space<vmem_shared>>)
      tpu.yield
    }) : () -> ()
    %mul3A_96 = arith.constant 624 : i32
    %mul3A_97 = arith.muli %arg1, %mul3A_96 : i32
    %add3A_98 = arith.constant 528 : i32
    %add3A_99 = arith.addi %mul3A_97, %add3A_98 : i32
    "tpu.region"() ({
      %run_scoped3A_246 = tpu.sem_alloc : memref<!tpu.dma_semaphore, #tpu.memory_space<semaphore_mem>>
      %dma_start3A_247 = arith.constant 0 : i32
      %dma_start3A_248 = tpu.memref_slice %arg6[%add3A_99, %dma_start3A_247] : memref<10000x128xf32, #tpu.memory_space<vmem_shared>> -> memref<24x128xf32, #tpu.memory_space<vmem_shared>>
      %dma_start3A_249 = arith.constant 0 : i32
      %dma_start3A_250 = tpu.memref_slice %arg6[%add3A_99, %dma_start3A_249] : memref<10000x128xf32, #tpu.memory_space<vmem_shared>> -> memref<24x128xf32, #tpu.memory_space<vmem_shared>>
      tpu.enqueue_dma source(%arg9 : memref<24x128xf32, #tpu.memory_space<vmem>>) target(%dma_start3A_250 : memref<24x128xf32, #tpu.memory_space<vmem_shared>>) target_semaphore(%run_scoped3A_246 : memref<!tpu.dma_semaphore, #tpu.memory_space<semaphore_mem>>)
      %dma_wait3A_251 = arith.constant 0 : i32
      %dma_wait3A_252 = tpu.memref_slice %arg6[%add3A_99, %dma_wait3A_251] : memref<10000x128xf32, #tpu.memory_space<vmem_shared>> -> memref<24x128xf32, #tpu.memory_space<vmem_shared>>
      %dma_wait3A_253 = arith.constant 0 : i32
      %dma_wait3A_254 = tpu.memref_slice %arg6[%add3A_99, %dma_wait3A_253] : memref<10000x128xf32, #tpu.memory_space<vmem_shared>> -> memref<24x128xf32, #tpu.memory_space<vmem_shared>>
      tpu.wait_dma2 semaphore(%run_scoped3A_246 : memref<!tpu.dma_semaphore, #tpu.memory_space<semaphore_mem>>) src(%arg9 : memref<24x128xf32, #tpu.memory_space<vmem>>) dst(%dma_wait3A_254 : memref<24x128xf32, #tpu.memory_space<vmem_shared>>)
      tpu.yield
    }) : () -> ()
    %mul3A_100 = arith.constant 624 : i32
    %mul3A_101 = arith.muli %arg1, %mul3A_100 : i32
    %add3A_102 = arith.constant 552 : i32
    %add3A_103 = arith.addi %mul3A_101, %add3A_102 : i32
    "tpu.region"() ({
      %run_scoped3A_246 = tpu.sem_alloc : memref<!tpu.dma_semaphore, #tpu.memory_space<semaphore_mem>>
      %dma_start3A_247 = arith.constant 0 : i32
      %dma_start3A_248 = tpu.memref_slice %arg6[%add3A_103, %dma_start3A_247] : memref<10000x128xf32, #tpu.memory_space<vmem_shared>> -> memref<24x128xf32, #tpu.memory_space<vmem_shared>>
      %dma_start3A_249 = arith.constant 0 : i32
      %dma_start3A_250 = tpu.memref_slice %arg6[%add3A_103, %dma_start3A_249] : memref<10000x128xf32, #tpu.memory_space<vmem_shared>> -> memref<24x128xf32, #tpu.memory_space<vmem_shared>>
      tpu.enqueue_dma source(%arg9 : memref<24x128xf32, #tpu.memory_space<vmem>>) target(%dma_start3A_250 : memref<24x128xf32, #tpu.memory_space<vmem_shared>>) target_semaphore(%run_scoped3A_246 : memref<!tpu.dma_semaphore, #tpu.memory_space<semaphore_mem>>)
      %dma_wait3A_251 = arith.constant 0 : i32
      %dma_wait3A_252 = tpu.memref_slice %arg6[%add3A_103, %dma_wait3A_251] : memref<10000x128xf32, #tpu.memory_space<vmem_shared>> -> memref<24x128xf32, #tpu.memory_space<vmem_shared>>
      %dma_wait3A_253 = arith.constant 0 : i32
      %dma_wait3A_254 = tpu.memref_slice %arg6[%add3A_103, %dma_wait3A_253] : memref<10000x128xf32, #tpu.memory_space<vmem_shared>> -> memref<24x128xf32, #tpu.memory_space<vmem_shared>>
      tpu.wait_dma2 semaphore(%run_scoped3A_246 : memref<!tpu.dma_semaphore, #tpu.memory_space<semaphore_mem>>) src(%arg9 : memref<24x128xf32, #tpu.memory_space<vmem>>) dst(%dma_wait3A_254 : memref<24x128xf32, #tpu.memory_space<vmem_shared>>)
      tpu.yield
    }) : () -> ()
    %mul3A_104 = arith.constant 624 : i32
    %mul3A_105 = arith.muli %arg1, %mul3A_104 : i32
    %add3A_106 = arith.constant 576 : i32
    %add3A_107 = arith.addi %mul3A_105, %add3A_106 : i32
    "tpu.region"() ({
      %run_scoped3A_246 = tpu.sem_alloc : memref<!tpu.dma_semaphore, #tpu.memory_space<semaphore_mem>>
      %dma_start3A_247 = arith.constant 0 : i32
      %dma_start3A_248 = tpu.memref_slice %arg6[%add3A_107, %dma_start3A_247] : memref<10000x128xf32, #tpu.memory_space<vmem_shared>> -> memref<24x128xf32, #tpu.memory_space<vmem_shared>>
      %dma_start3A_249 = arith.constant 0 : i32
      %dma_start3A_250 = tpu.memref_slice %arg6[%add3A_107, %dma_start3A_249] : memref<10000x128xf32, #tpu.memory_space<vmem_shared>> -> memref<24x128xf32, #tpu.memory_space<vmem_shared>>
      tpu.enqueue_dma source(%arg9 : memref<24x128xf32, #tpu.memory_space<vmem>>) target(%dma_start3A_250 : memref<24x128xf32, #tpu.memory_space<vmem_shared>>) target_semaphore(%run_scoped3A_246 : memref<!tpu.dma_semaphore, #tpu.memory_space<semaphore_mem>>)
      %dma_wait3A_251 = arith.constant 0 : i32
      %dma_wait3A_252 = tpu.memref_slice %arg6[%add3A_107, %dma_wait3A_251] : memref<10000x128xf32, #tpu.memory_space<vmem_shared>> -> memref<24x128xf32, #tpu.memory_space<vmem_shared>>
      %dma_wait3A_253 = arith.constant 0 : i32
      %dma_wait3A_254 = tpu.memref_slice %arg6[%add3A_107, %dma_wait3A_253] : memref<10000x128xf32, #tpu.memory_space<vmem_shared>> -> memref<24x128xf32, #tpu.memory_space<vmem_shared>>
      tpu.wait_dma2 semaphore(%run_scoped3A_246 : memref<!tpu.dma_semaphore, #tpu.memory_space<semaphore_mem>>) src(%arg9 : memref<24x128xf32, #tpu.memory_space<vmem>>) dst(%dma_wait3A_254 : memref<24x128xf32, #tpu.memory_space<vmem_shared>>)
      tpu.yield
    }) : () -> ()
    %mul3A_108 = arith.constant 624 : i32
    %mul3A_109 = arith.muli %arg1, %mul3A_108 : i32
    %add3A_110 = arith.constant 600 : i32
    %add3A_111 = arith.addi %mul3A_109, %add3A_110 : i32
    "tpu.region"() ({
      %run_scoped3A_246 = tpu.sem_alloc : memref<!tpu.dma_semaphore, #tpu.memory_space<semaphore_mem>>
      %dma_start3A_247 = arith.constant 0 : i32
      %dma_start3A_248 = tpu.memref_slice %arg6[%add3A_111, %dma_start3A_247] : memref<10000x128xf32, #tpu.memory_space<vmem_shared>> -> memref<24x128xf32, #tpu.memory_space<vmem_shared>>
      %dma_start3A_249 = arith.constant 0 : i32
      %dma_start3A_250 = tpu.memref_slice %arg6[%add3A_111, %dma_start3A_249] : memref<10000x128xf32, #tpu.memory_space<vmem_shared>> -> memref<24x128xf32, #tpu.memory_space<vmem_shared>>
      tpu.enqueue_dma source(%arg9 : memref<24x128xf32, #tpu.memory_space<vmem>>) target(%dma_start3A_250 : memref<24x128xf32, #tpu.memory_space<vmem_shared>>) target_semaphore(%run_scoped3A_246 : memref<!tpu.dma_semaphore, #tpu.memory_space<semaphore_mem>>)
      %dma_wait3A_251 = arith.constant 0 : i32
      %dma_wait3A_252 = tpu.memref_slice %arg6[%add3A_111, %dma_wait3A_251] : memref<10000x128xf32, #tpu.memory_space<vmem_shared>> -> memref<24x128xf32, #tpu.memory_space<vmem_shared>>
      %dma_wait3A_253 = arith.constant 0 : i32
      %dma_wait3A_254 = tpu.memref_slice %arg6[%add3A_111, %dma_wait3A_253] : memref<10000x128xf32, #tpu.memory_space<vmem_shared>> -> memref<24x128xf32, #tpu.memory_space<vmem_shared>>
      tpu.wait_dma2 semaphore(%run_scoped3A_246 : memref<!tpu.dma_semaphore, #tpu.memory_space<semaphore_mem>>) src(%arg9 : memref<24x128xf32, #tpu.memory_space<vmem>>) dst(%dma_wait3A_254 : memref<24x128xf32, #tpu.memory_space<vmem_shared>>)
      tpu.yield
    }) : () -> ()
    %eq3A = arith.constant 15 : i32
    %eq3A_112 = arith.cmpi eq, %arg1, %eq3A : i32
    %convert_element_type3A = arith.extui %eq3A_112 : i1 to i32
    %cond3A = arith.constant 0 : i32
    %cond3A_113 = arith.cmpi ne, %convert_element_type3A, %cond3A : i32
    scf.if %cond3A_113 {
      "tpu.region"() ({
        %run_scoped3A_246 = tpu.sem_alloc : memref<!tpu.dma_semaphore, #tpu.memory_space<semaphore_mem>>
        %dma_start3A_247 = arith.constant 0 : i32
        %dma_start3A_248 = arith.constant 0 : i32
        %dma_start3A_249 = tpu.memref_slice %arg9[%dma_start3A_247, %dma_start3A_248] : memref<24x128xf32, #tpu.memory_space<vmem>> -> memref<16x128xf32, #tpu.memory_space<vmem>>
        %dma_start3A_250 = arith.constant 9984 : i32
        %dma_start3A_251 = arith.constant 0 : i32
        %dma_start3A_252 = tpu.memref_slice %arg6[%dma_start3A_250, %dma_start3A_251] : memref<10000x128xf32, #tpu.memory_space<vmem_shared>> -> memref<16x128xf32, #tpu.memory_space<vmem_shared>>
        %dma_start3A_253 = arith.constant 9984 : i32
        %dma_start3A_254 = arith.constant 0 : i32
        %dma_start3A_255 = tpu.memref_slice %arg6[%dma_start3A_253, %dma_start3A_254] : memref<10000x128xf32, #tpu.memory_space<vmem_shared>> -> memref<16x128xf32, #tpu.memory_space<vmem_shared>>
        %dma_start3A_256 = arith.constant 0 : i32
        %dma_start3A_257 = arith.constant 0 : i32
        %dma_start3A_258 = tpu.memref_slice %arg9[%dma_start3A_256, %dma_start3A_257] : memref<24x128xf32, #tpu.memory_space<vmem>> -> memref<16x128xf32, #tpu.memory_space<vmem>>
        tpu.enqueue_dma source(%dma_start3A_258 : memref<16x128xf32, #tpu.memory_space<vmem>>) target(%dma_start3A_255 : memref<16x128xf32, #tpu.memory_space<vmem_shared>>) target_semaphore(%run_scoped3A_246 : memref<!tpu.dma_semaphore, #tpu.memory_space<semaphore_mem>>)
        %dma_wait3A_259 = arith.constant 0 : i32
        %dma_wait3A_260 = arith.constant 0 : i32
        %dma_wait3A_261 = tpu.memref_slice %arg9[%dma_wait3A_259, %dma_wait3A_260] : memref<24x128xf32, #tpu.memory_space<vmem>> -> memref<16x128xf32, #tpu.memory_space<vmem>>
        %dma_wait3A_262 = arith.constant 9984 : i32
        %dma_wait3A_263 = arith.constant 0 : i32
        %dma_wait3A_264 = tpu.memref_slice %arg6[%dma_wait3A_262, %dma_wait3A_263] : memref<10000x128xf32, #tpu.memory_space<vmem_shared>> -> memref<16x128xf32, #tpu.memory_space<vmem_shared>>
        %dma_wait3A_265 = arith.constant 9984 : i32
        %dma_wait3A_266 = arith.constant 0 : i32
        %dma_wait3A_267 = tpu.memref_slice %arg6[%dma_wait3A_265, %dma_wait3A_266] : memref<10000x128xf32, #tpu.memory_space<vmem_shared>> -> memref<16x128xf32, #tpu.memory_space<vmem_shared>>
        %dma_wait3A_268 = arith.constant 0 : i32
        %dma_wait3A_269 = arith.constant 0 : i32
        %dma_wait3A_270 = tpu.memref_slice %arg9[%dma_wait3A_268, %dma_wait3A_269] : memref<24x128xf32, #tpu.memory_space<vmem>> -> memref<16x128xf32, #tpu.memory_space<vmem>>
        tpu.wait_dma2 semaphore(%run_scoped3A_246 : memref<!tpu.dma_semaphore, #tpu.memory_space<semaphore_mem>>) src(%dma_wait3A_270 : memref<16x128xf32, #tpu.memory_space<vmem>>) dst(%dma_wait3A_267 : memref<16x128xf32, #tpu.memory_space<vmem_shared>>)
        tpu.yield
      }) : () -> ()
    } else {
    }
    %barrier3A = arith.constant 0 : index
    tpu.barrier barrier_id(%barrier3A)
    %dma_start3A = arith.constant 0 : i32
    %dma_start3A_114 = arith.constant 0 : i32
    %dma_start3A_115 = arith.constant 0 : i32
    %dma_start3A_116 = arith.constant 0 : i32
    %dma_start3A_117 = tpu.memref_slice %arg10[%dma_start3A_114, %dma_start3A_115, %dma_start3A_116] : memref<2x2x80xi32, #tpu.memory_space<vmem>> -> memref<1x2x80xi32, #tpu.memory_space<vmem>>
    %dma_start3A_118 = tpu.memref_squeeze %dma_start3A_117 : memref<1x2x80xi32, #tpu.memory_space<vmem>> -> memref<2x80xi32, #tpu.memory_space<vmem>>
    %dma_start3A_119 = arith.constant 0 : i32
    %dma_start3A_120 = arith.constant 0 : i32
    %dma_start3A_121 = tpu.memref_slice %arg4[%add3A, %dma_start3A, %dma_start3A_119, %dma_start3A_120] : memref<32x125x2x80xi32, #tpu.memory_space<hbm>> -> memref<1x1x2x80xi32, #tpu.memory_space<hbm>>
    %dma_start3A_122 = tpu.memref_squeeze %dma_start3A_121 : memref<1x1x2x80xi32, #tpu.memory_space<hbm>> -> memref<2x80xi32, #tpu.memory_space<hbm>>
    %dma_start3A_123 = arith.constant 0 : i32
    %dma_start3A_124 = arith.constant 0 : i32
    %dma_start3A_125 = tpu.memref_slice %arg10[%dma_start3A_114, %dma_start3A_123, %dma_start3A_124] : memref<2x2x80xi32, #tpu.memory_space<vmem>> -> memref<1x2x80xi32, #tpu.memory_space<vmem>>
    %dma_start3A_126 = tpu.memref_squeeze %dma_start3A_125 : memref<1x2x80xi32, #tpu.memory_space<vmem>> -> memref<2x80xi32, #tpu.memory_space<vmem>>
    %dma_start3A_127 = arith.constant 0 : i32
    %dma_start3A_128 = arith.constant 0 : i32
    %dma_start3A_129 = tpu.memref_slice %arg4[%add3A, %dma_start3A, %dma_start3A_127, %dma_start3A_128] : memref<32x125x2x80xi32, #tpu.memory_space<hbm>> -> memref<1x1x2x80xi32, #tpu.memory_space<hbm>>
    %dma_start3A_130 = tpu.memref_squeeze %dma_start3A_129 : memref<1x1x2x80xi32, #tpu.memory_space<hbm>> -> memref<2x80xi32, #tpu.memory_space<hbm>>
    tpu.enqueue_dma source(%dma_start3A_130 : memref<2x80xi32, #tpu.memory_space<hbm>>) target(%dma_start3A_126 : memref<2x80xi32, #tpu.memory_space<vmem>>) target_semaphore(%arg15 : memref<!tpu.dma_semaphore, #tpu.memory_space<semaphore_mem>>)
    %dma_wait3A = arith.constant 0 : i32
    %dma_wait3A_131 = arith.constant 0 : i32
    %dma_wait3A_132 = arith.constant 0 : i32
    %dma_wait3A_133 = arith.constant 0 : i32
    %dma_wait3A_134 = tpu.memref_slice %arg10[%dma_wait3A_131, %dma_wait3A_132, %dma_wait3A_133] : memref<2x2x80xi32, #tpu.memory_space<vmem>> -> memref<1x2x80xi32, #tpu.memory_space<vmem>>
    %dma_wait3A_135 = tpu.memref_squeeze %dma_wait3A_134 : memref<1x2x80xi32, #tpu.memory_space<vmem>> -> memref<2x80xi32, #tpu.memory_space<vmem>>
    %dma_wait3A_136 = arith.constant 0 : i32
    %dma_wait3A_137 = arith.constant 0 : i32
    %dma_wait3A_138 = tpu.memref_slice %arg4[%add3A, %dma_wait3A, %dma_wait3A_136, %dma_wait3A_137] : memref<32x125x2x80xi32, #tpu.memory_space<hbm>> -> memref<1x1x2x80xi32, #tpu.memory_space<hbm>>
    %dma_wait3A_139 = tpu.memref_squeeze %dma_wait3A_138 : memref<1x1x2x80xi32, #tpu.memory_space<hbm>> -> memref<2x80xi32, #tpu.memory_space<hbm>>
    %dma_wait3A_140 = arith.constant 0 : i32
    %dma_wait3A_141 = arith.constant 0 : i32
    %dma_wait3A_142 = tpu.memref_slice %arg10[%dma_wait3A_131, %dma_wait3A_140, %dma_wait3A_141] : memref<2x2x80xi32, #tpu.memory_space<vmem>> -> memref<1x2x80xi32, #tpu.memory_space<vmem>>
    %dma_wait3A_143 = tpu.memref_squeeze %dma_wait3A_142 : memref<1x2x80xi32, #tpu.memory_space<vmem>> -> memref<2x80xi32, #tpu.memory_space<vmem>>
    %dma_wait3A_144 = arith.constant 0 : i32
    %dma_wait3A_145 = arith.constant 0 : i32
    %dma_wait3A_146 = tpu.memref_slice %arg4[%add3A, %dma_wait3A, %dma_wait3A_144, %dma_wait3A_145] : memref<32x125x2x80xi32, #tpu.memory_space<hbm>> -> memref<1x1x2x80xi32, #tpu.memory_space<hbm>>
    %dma_wait3A_147 = tpu.memref_squeeze %dma_wait3A_146 : memref<1x1x2x80xi32, #tpu.memory_space<hbm>> -> memref<2x80xi32, #tpu.memory_space<hbm>>
    tpu.wait_dma2 semaphore(%arg15 : memref<!tpu.dma_semaphore, #tpu.memory_space<semaphore_mem>>) src(%dma_wait3A_147 : memref<2x80xi32, #tpu.memory_space<hbm>>) dst(%dma_wait3A_143 : memref<2x80xi32, #tpu.memory_space<vmem>>)
    %dma_start3A_148 = arith.constant 0 : i32
    %dma_start3A_149 = arith.constant 0 : i32
    %dma_start3A_150 = arith.constant 0 : i32
    %dma_start3A_151 = arith.constant 0 : i32
    %dma_start3A_152 = arith.constant 0 : i32
    %dma_start3A_153 = tpu.memref_slice %arg7[%dma_start3A_150, %dma_start3A_151, %dma_start3A_152] : memref<2x80x128xf32, #tpu.memory_space<vmem>> -> memref<1x80x128xf32, #tpu.memory_space<vmem>>
    %dma_start3A_154 = tpu.memref_squeeze %dma_start3A_153 : memref<1x80x128xf32, #tpu.memory_space<vmem>> -> memref<80x128xf32, #tpu.memory_space<vmem>>
    %dma_start3A_155 = arith.constant 0 : i32
    %dma_start3A_156 = tpu.memref_slice %arg10[%dma_start3A_148, %dma_start3A_149, %dma_start3A_155] : memref<2x2x80xi32, #tpu.memory_space<vmem>> -> memref<1x1x80xi32, #tpu.memory_space<vmem>>
    %dma_start3A_157 = tpu.memref_squeeze %dma_start3A_156 : memref<1x1x80xi32, #tpu.memory_space<vmem>> -> memref<80xi32, #tpu.memory_space<vmem>>
    %dma_start3A_158 = arith.constant 0 : i32
    %dma_start3A_159 = arith.constant 0 : i32
    %dma_start3A_160 = tpu.memref_slice %arg3[%dma_start3A_158, %dma_start3A_159] : memref<10000x128xf32, #tpu.memory_space<hbm>> -> memref<10000x128xf32, #tpu.memory_space<hbm>>
    tpu.enqueue_indirect_dma source(%dma_start3A_160 : memref<10000x128xf32, #tpu.memory_space<hbm>>) target(%dma_start3A_154 : memref<80x128xf32, #tpu.memory_space<vmem>>) offsets(%dma_start3A_157 : memref<80xi32, #tpu.memory_space<vmem>>) semaphore(%arg11 : memref<!tpu.dma_semaphore, #tpu.memory_space<semaphore_mem>>)
    %add3A_161 = arith.constant 0 : i32
    %add3A_162 = arith.addi %mul3A_2, %add3A_161 : i32
    %dma_start3A_163 = arith.constant 0 : i32
    %dma_start3A_164 = arith.constant 0 : i32
    %dma_start3A_165 = arith.constant 0 : i32
    %dma_start3A_166 = tpu.memref_slice %arg8[%dma_start3A_163, %dma_start3A_164, %dma_start3A_165] : memref<2x80x128xf32, #tpu.memory_space<vmem>> -> memref<1x80x128xf32, #tpu.memory_space<vmem>>
    %dma_start3A_167 = tpu.memref_squeeze %dma_start3A_166 : memref<1x80x128xf32, #tpu.memory_space<vmem>> -> memref<80x128xf32, #tpu.memory_space<vmem>>
    %dma_start3A_168 = arith.constant 0 : i32
    %dma_start3A_169 = tpu.memref_slice %arg2[%add3A_162, %dma_start3A_168] : memref<320000x128xf32, #tpu.memory_space<hbm>> -> memref<80x128xf32, #tpu.memory_space<hbm>>
    %dma_start3A_170 = arith.constant 0 : i32
    %dma_start3A_171 = arith.constant 0 : i32
    %dma_start3A_172 = tpu.memref_slice %arg8[%dma_start3A_163, %dma_start3A_170, %dma_start3A_171] : memref<2x80x128xf32, #tpu.memory_space<vmem>> -> memref<1x80x128xf32, #tpu.memory_space<vmem>>
    %dma_start3A_173 = tpu.memref_squeeze %dma_start3A_172 : memref<1x80x128xf32, #tpu.memory_space<vmem>> -> memref<80x128xf32, #tpu.memory_space<vmem>>
    %dma_start3A_174 = arith.constant 0 : i32
    %dma_start3A_175 = tpu.memref_slice %arg2[%add3A_162, %dma_start3A_174] : memref<320000x128xf32, #tpu.memory_space<hbm>> -> memref<80x128xf32, #tpu.memory_space<hbm>>
    tpu.enqueue_dma source(%dma_start3A_175 : memref<80x128xf32, #tpu.memory_space<hbm>>) target(%dma_start3A_173 : memref<80x128xf32, #tpu.memory_space<vmem>>) target_semaphore(%arg13 : memref<!tpu.dma_semaphore, #tpu.memory_space<semaphore_mem>>)
    %dma_start3A_176 = arith.constant 1 : i32
    %dma_start3A_177 = arith.constant 1 : i32
    %dma_start3A_178 = arith.constant 0 : i32
    %dma_start3A_179 = arith.constant 0 : i32
    %dma_start3A_180 = tpu.memref_slice %arg10[%dma_start3A_177, %dma_start3A_178, %dma_start3A_179] : memref<2x2x80xi32, #tpu.memory_space<vmem>> -> memref<1x2x80xi32, #tpu.memory_space<vmem>>
    %dma_start3A_181 = tpu.memref_squeeze %dma_start3A_180 : memref<1x2x80xi32, #tpu.memory_space<vmem>> -> memref<2x80xi32, #tpu.memory_space<vmem>>
    %dma_start3A_182 = arith.constant 0 : i32
    %dma_start3A_183 = arith.constant 0 : i32
    %dma_start3A_184 = tpu.memref_slice %arg4[%add3A, %dma_start3A_176, %dma_start3A_182, %dma_start3A_183] : memref<32x125x2x80xi32, #tpu.memory_space<hbm>> -> memref<1x1x2x80xi32, #tpu.memory_space<hbm>>
    %dma_start3A_185 = tpu.memref_squeeze %dma_start3A_184 : memref<1x1x2x80xi32, #tpu.memory_space<hbm>> -> memref<2x80xi32, #tpu.memory_space<hbm>>
    %dma_start3A_186 = arith.constant 0 : i32
    %dma_start3A_187 = arith.constant 0 : i32
    %dma_start3A_188 = tpu.memref_slice %arg10[%dma_start3A_177, %dma_start3A_186, %dma_start3A_187] : memref<2x2x80xi32, #tpu.memory_space<vmem>> -> memref<1x2x80xi32, #tpu.memory_space<vmem>>
    %dma_start3A_189 = tpu.memref_squeeze %dma_start3A_188 : memref<1x2x80xi32, #tpu.memory_space<vmem>> -> memref<2x80xi32, #tpu.memory_space<vmem>>
    %dma_start3A_190 = arith.constant 0 : i32
    %dma_start3A_191 = arith.constant 0 : i32
    %dma_start3A_192 = tpu.memref_slice %arg4[%add3A, %dma_start3A_176, %dma_start3A_190, %dma_start3A_191] : memref<32x125x2x80xi32, #tpu.memory_space<hbm>> -> memref<1x1x2x80xi32, #tpu.memory_space<hbm>>
    %dma_start3A_193 = tpu.memref_squeeze %dma_start3A_192 : memref<1x1x2x80xi32, #tpu.memory_space<hbm>> -> memref<2x80xi32, #tpu.memory_space<hbm>>
    tpu.enqueue_dma source(%dma_start3A_193 : memref<2x80xi32, #tpu.memory_space<hbm>>) target(%dma_start3A_189 : memref<2x80xi32, #tpu.memory_space<vmem>>) target_semaphore(%arg16 : memref<!tpu.dma_semaphore, #tpu.memory_space<semaphore_mem>>)
    %scan3A_194 = arith.constant 0 : i32
    %scan3A_195 = arith.constant 0 : i32
    %scan3A_196 = arith.constant 62 : i32
    %scan3A_197 = arith.addi %scan3A_195, %scan3A_196 : i32
    %scan3A_198 = arith.constant 1 : i32
    scf.for %scan3A_246 = %scan3A_195 to %scan3A_197 step %scan3A_198  : i32 {
      %mul3A_247 = arith.constant 2 : i32
      %mul3A_248 = arith.muli %mul3A_247, %scan3A_246 : i32
      %dma_wait3A_249 = arith.constant 0 : i32
      %dma_wait3A_250 = arith.constant 0 : i32
      %dma_wait3A_251 = arith.constant 0 : i32
      %dma_wait3A_252 = arith.constant 0 : i32
      %dma_wait3A_253 = arith.constant 0 : i32
      %dma_wait3A_254 = tpu.memref_slice %arg7[%dma_wait3A_251, %dma_wait3A_252, %dma_wait3A_253] : memref<2x80x128xf32, #tpu.memory_space<vmem>> -> memref<1x80x128xf32, #tpu.memory_space<vmem>>
      %dma_wait3A_255 = tpu.memref_squeeze %dma_wait3A_254 : memref<1x80x128xf32, #tpu.memory_space<vmem>> -> memref<80x128xf32, #tpu.memory_space<vmem>>
      %dma_wait3A_256 = arith.constant 0 : i32
      %dma_wait3A_257 = tpu.memref_slice %arg10[%dma_wait3A_249, %dma_wait3A_250, %dma_wait3A_256] : memref<2x2x80xi32, #tpu.memory_space<vmem>> -> memref<1x1x80xi32, #tpu.memory_space<vmem>>
      %dma_wait3A_258 = tpu.memref_squeeze %dma_wait3A_257 : memref<1x1x80xi32, #tpu.memory_space<vmem>> -> memref<80xi32, #tpu.memory_space<vmem>>
      %dma_wait3A_259 = arith.constant 0 : i32
      %dma_wait3A_260 = arith.constant 0 : i32
      %dma_wait3A_261 = tpu.memref_slice %arg3[%dma_wait3A_259, %dma_wait3A_260] : memref<10000x128xf32, #tpu.memory_space<hbm>> -> memref<10000x128xf32, #tpu.memory_space<hbm>>
      tpu.wait_indirect_dma semaphore(%arg11 : memref<!tpu.dma_semaphore, #tpu.memory_space<semaphore_mem>>) src(%dma_wait3A_261 : memref<10000x128xf32, #tpu.memory_space<hbm>>) dst(%dma_wait3A_255 : memref<80x128xf32, #tpu.memory_space<vmem>>)
      %mul3A_262 = arith.constant 80 : i32
      %mul3A_263 = arith.muli %mul3A_248, %mul3A_262 : i32
      %add3A_264 = arith.addi %mul3A_2, %mul3A_263 : i32
      %dma_wait3A_265 = arith.constant 0 : i32
      %dma_wait3A_266 = arith.constant 0 : i32
      %dma_wait3A_267 = arith.constant 0 : i32
      %dma_wait3A_268 = tpu.memref_slice %arg8[%dma_wait3A_265, %dma_wait3A_266, %dma_wait3A_267] : memref<2x80x128xf32, #tpu.memory_space<vmem>> -> memref<1x80x128xf32, #tpu.memory_space<vmem>>
      %dma_wait3A_269 = tpu.memref_squeeze %dma_wait3A_268 : memref<1x80x128xf32, #tpu.memory_space<vmem>> -> memref<80x128xf32, #tpu.memory_space<vmem>>
      %dma_wait3A_270 = arith.constant 0 : i32
      %dma_wait3A_271 = tpu.memref_slice %arg2[%add3A_264, %dma_wait3A_270] : memref<320000x128xf32, #tpu.memory_space<hbm>> -> memref<80x128xf32, #tpu.memory_space<hbm>>
      %dma_wait3A_272 = arith.constant 0 : i32
      %dma_wait3A_273 = arith.constant 0 : i32
      %dma_wait3A_274 = tpu.memref_slice %arg8[%dma_wait3A_265, %dma_wait3A_272, %dma_wait3A_273] : memref<2x80x128xf32, #tpu.memory_space<vmem>> -> memref<1x80x128xf32, #tpu.memory_space<vmem>>
      %dma_wait3A_275 = tpu.memref_squeeze %dma_wait3A_274 : memref<1x80x128xf32, #tpu.memory_space<vmem>> -> memref<80x128xf32, #tpu.memory_space<vmem>>
      %dma_wait3A_276 = arith.constant 0 : i32
      %dma_wait3A_277 = tpu.memref_slice %arg2[%add3A_264, %dma_wait3A_276] : memref<320000x128xf32, #tpu.memory_space<hbm>> -> memref<80x128xf32, #tpu.memory_space<hbm>>
      tpu.wait_dma2 semaphore(%arg13 : memref<!tpu.dma_semaphore, #tpu.memory_space<semaphore_mem>>) src(%dma_wait3A_277 : memref<80x128xf32, #tpu.memory_space<hbm>>) dst(%dma_wait3A_275 : memref<80x128xf32, #tpu.memory_space<vmem>>)
      %add3A_278 = arith.constant 1 : i32
      %add3A_279 = arith.addi %mul3A_248, %add3A_278 : i32
      %dma_wait3A_280 = arith.constant 1 : i32
      %dma_wait3A_281 = arith.constant 0 : i32
      %dma_wait3A_282 = arith.constant 0 : i32
      %dma_wait3A_283 = tpu.memref_slice %arg10[%dma_wait3A_280, %dma_wait3A_281, %dma_wait3A_282] : memref<2x2x80xi32, #tpu.memory_space<vmem>> -> memref<1x2x80xi32, #tpu.memory_space<vmem>>
      %dma_wait3A_284 = tpu.memref_squeeze %dma_wait3A_283 : memref<1x2x80xi32, #tpu.memory_space<vmem>> -> memref<2x80xi32, #tpu.memory_space<vmem>>
      %dma_wait3A_285 = arith.constant 0 : i32
      %dma_wait3A_286 = arith.constant 0 : i32
      %dma_wait3A_287 = tpu.memref_slice %arg4[%add3A, %add3A_279, %dma_wait3A_285, %dma_wait3A_286] : memref<32x125x2x80xi32, #tpu.memory_space<hbm>> -> memref<1x1x2x80xi32, #tpu.memory_space<hbm>>
      %dma_wait3A_288 = tpu.memref_squeeze %dma_wait3A_287 : memref<1x1x2x80xi32, #tpu.memory_space<hbm>> -> memref<2x80xi32, #tpu.memory_space<hbm>>
      %dma_wait3A_289 = arith.constant 0 : i32
      %dma_wait3A_290 = arith.constant 0 : i32
      %dma_wait3A_291 = tpu.memref_slice %arg10[%dma_wait3A_280, %dma_wait3A_289, %dma_wait3A_290] : memref<2x2x80xi32, #tpu.memory_space<vmem>> -> memref<1x2x80xi32, #tpu.memory_space<vmem>>
      %dma_wait3A_292 = tpu.memref_squeeze %dma_wait3A_291 : memref<1x2x80xi32, #tpu.memory_space<vmem>> -> memref<2x80xi32, #tpu.memory_space<vmem>>
      %dma_wait3A_293 = arith.constant 0 : i32
      %dma_wait3A_294 = arith.constant 0 : i32
      %dma_wait3A_295 = tpu.memref_slice %arg4[%add3A, %add3A_279, %dma_wait3A_293, %dma_wait3A_294] : memref<32x125x2x80xi32, #tpu.memory_space<hbm>> -> memref<1x1x2x80xi32, #tpu.memory_space<hbm>>
      %dma_wait3A_296 = tpu.memref_squeeze %dma_wait3A_295 : memref<1x1x2x80xi32, #tpu.memory_space<hbm>> -> memref<2x80xi32, #tpu.memory_space<hbm>>
      tpu.wait_dma2 semaphore(%arg16 : memref<!tpu.dma_semaphore, #tpu.memory_space<semaphore_mem>>) src(%dma_wait3A_296 : memref<2x80xi32, #tpu.memory_space<hbm>>) dst(%dma_wait3A_292 : memref<2x80xi32, #tpu.memory_space<vmem>>)
      %add3A_297 = arith.constant 1 : i32
      %add3A_298 = arith.addi %mul3A_248, %add3A_297 : i32
      %dma_start3A_299 = arith.constant 1 : i32
      %dma_start3A_300 = arith.constant 0 : i32
      %dma_start3A_301 = arith.constant 1 : i32
      %dma_start3A_302 = arith.constant 0 : i32
      %dma_start3A_303 = arith.constant 0 : i32
      %dma_start3A_304 = tpu.memref_slice %arg7[%dma_start3A_301, %dma_start3A_302, %dma_start3A_303] : memref<2x80x128xf32, #tpu.memory_space<vmem>> -> memref<1x80x128xf32, #tpu.memory_space<vmem>>
      %dma_start3A_305 = tpu.memref_squeeze %dma_start3A_304 : memref<1x80x128xf32, #tpu.memory_space<vmem>> -> memref<80x128xf32, #tpu.memory_space<vmem>>
      %dma_start3A_306 = arith.constant 0 : i32
      %dma_start3A_307 = tpu.memref_slice %arg10[%dma_start3A_299, %dma_start3A_300, %dma_start3A_306] : memref<2x2x80xi32, #tpu.memory_space<vmem>> -> memref<1x1x80xi32, #tpu.memory_space<vmem>>
      %dma_start3A_308 = tpu.memref_squeeze %dma_start3A_307 : memref<1x1x80xi32, #tpu.memory_space<vmem>> -> memref<80xi32, #tpu.memory_space<vmem>>
      %dma_start3A_309 = arith.constant 0 : i32
      %dma_start3A_310 = arith.constant 0 : i32
      %dma_start3A_311 = tpu.memref_slice %arg3[%dma_start3A_309, %dma_start3A_310] : memref<10000x128xf32, #tpu.memory_space<hbm>> -> memref<10000x128xf32, #tpu.memory_space<hbm>>
      tpu.enqueue_indirect_dma source(%dma_start3A_311 : memref<10000x128xf32, #tpu.memory_space<hbm>>) target(%dma_start3A_305 : memref<80x128xf32, #tpu.memory_space<vmem>>) offsets(%dma_start3A_308 : memref<80xi32, #tpu.memory_space<vmem>>) semaphore(%arg12 : memref<!tpu.dma_semaphore, #tpu.memory_space<semaphore_mem>>)
      %mul3A_312 = arith.constant 80 : i32
      %mul3A_313 = arith.muli %add3A_298, %mul3A_312 : i32
      %add3A_314 = arith.addi %mul3A_2, %mul3A_313 : i32
      %dma_start3A_315 = arith.constant 1 : i32
      %dma_start3A_316 = arith.constant 0 : i32
      %dma_start3A_317 = arith.constant 0 : i32
      %dma_start3A_318 = tpu.memref_slice %arg8[%dma_start3A_315, %dma_start3A_316, %dma_start3A_317] : memref<2x80x128xf32, #tpu.memory_space<vmem>> -> memref<1x80x128xf32, #tpu.memory_space<vmem>>
      %dma_start3A_319 = tpu.memref_squeeze %dma_start3A_318 : memref<1x80x128xf32, #tpu.memory_space<vmem>> -> memref<80x128xf32, #tpu.memory_space<vmem>>
      %dma_start3A_320 = arith.constant 0 : i32
      %dma_start3A_321 = tpu.memref_slice %arg2[%add3A_314, %dma_start3A_320] : memref<320000x128xf32, #tpu.memory_space<hbm>> -> memref<80x128xf32, #tpu.memory_space<hbm>>
      %dma_start3A_322 = arith.constant 0 : i32
      %dma_start3A_323 = arith.constant 0 : i32
      %dma_start3A_324 = tpu.memref_slice %arg8[%dma_start3A_315, %dma_start3A_322, %dma_start3A_323] : memref<2x80x128xf32, #tpu.memory_space<vmem>> -> memref<1x80x128xf32, #tpu.memory_space<vmem>>
      %dma_start3A_325 = tpu.memref_squeeze %dma_start3A_324 : memref<1x80x128xf32, #tpu.memory_space<vmem>> -> memref<80x128xf32, #tpu.memory_space<vmem>>
      %dma_start3A_326 = arith.constant 0 : i32
      %dma_start3A_327 = tpu.memref_slice %arg2[%add3A_314, %dma_start3A_326] : memref<320000x128xf32, #tpu.memory_space<hbm>> -> memref<80x128xf32, #tpu.memory_space<hbm>>
      tpu.enqueue_dma source(%dma_start3A_327 : memref<80x128xf32, #tpu.memory_space<hbm>>) target(%dma_start3A_325 : memref<80x128xf32, #tpu.memory_space<vmem>>) target_semaphore(%arg14 : memref<!tpu.dma_semaphore, #tpu.memory_space<semaphore_mem>>)
      %scan3A_328 = arith.constant 0 : i32
      %scan3A_329 = arith.constant 0 : i32
      %scan3A_330 = arith.constant 80 : i32
      %scan3A_331 = arith.addi %scan3A_329, %scan3A_330 : i32
      %scan3A_332 = arith.constant 1 : i32
      scf.for %scan3A_442 = %scan3A_329 to %scan3A_331 step %scan3A_332  : i32 {
        %get3A = arith.constant 0 : i32
        %get3A_443 = arith.index_cast %get3A : i32 to index
        %get3A_444 = arith.index_cast %scan3A_442 : i32 to index
        %get3A_445 = arith.constant 0 : index
        %get3A_446 = tpu.vector_load %arg7[%get3A_443, %get3A_444, %get3A_445] {strides = array<i32>} : memref<2x80x128xf32, #tpu.memory_space<vmem>>, vector<16xf32>,
        %get3A_447 = arith.constant 0 : i32
        %get3A_448 = arith.index_cast %get3A_447 : i32 to index
        %get3A_449 = arith.index_cast %scan3A_442 : i32 to index
        %get3A_450 = arith.constant 0 : index
        %get3A_451 = tpu.vector_load %arg8[%get3A_448, %get3A_449, %get3A_450] {strides = array<i32>} : memref<2x80x128xf32, #tpu.memory_space<vmem>>, vector<16xf32>,
        %mul3A_452 = arith.mulf %get3A_446, %get3A_451 : vector<16xf32>
        %swap3A = arith.constant 0 : i32
        %swap3A_453 = arith.index_cast %swap3A : i32 to index
        %swap3A_454 = arith.index_cast %scan3A_442 : i32 to index
        %swap3A_455 = arith.constant 0 : index
        %swap3A_456 = tpu.vector_load %arg7[%swap3A_453, %swap3A_454, %swap3A_455] {strides = array<i32>} : memref<2x80x128xf32, #tpu.memory_space<vmem>>, vector<16xf32>,
        tpu.vector_store %arg7[%swap3A_453, %swap3A_454, %swap3A_455], %mul3A_452 {strides = array<i32>} : memref<2x80x128xf32, #tpu.memory_space<vmem>>, vector<16xf32>,
        %get3A_457 = arith.constant 0 : i32
        %get3A_458 = arith.index_cast %get3A_457 : i32 to index
        %get3A_459 = arith.index_cast %scan3A_442 : i32 to index
        %get3A_460 = arith.constant 16 : index
        %get3A_461 = tpu.vector_load %arg7[%get3A_458, %get3A_459, %get3A_460] {strides = array<i32>} : memref<2x80x128xf32, #tpu.memory_space<vmem>>, vector<16xf32>,
        %get3A_462 = arith.constant 0 : i32
        %get3A_463 = arith.index_cast %get3A_462 : i32 to index
        %get3A_464 = arith.index_cast %scan3A_442 : i32 to index
        %get3A_465 = arith.constant 16 : index
        %get3A_466 = tpu.vector_load %arg8[%get3A_463, %get3A_464, %get3A_465] {strides = array<i32>} : memref<2x80x128xf32, #tpu.memory_space<vmem>>, vector<16xf32>,
        %mul3A_467 = arith.mulf %get3A_461, %get3A_466 : vector<16xf32>
        %swap3A_468 = arith.constant 0 : i32
        %swap3A_469 = arith.index_cast %swap3A_468 : i32 to index
        %swap3A_470 = arith.index_cast %scan3A_442 : i32 to index
        %swap3A_471 = arith.constant 16 : index
        %swap3A_472 = tpu.vector_load %arg7[%swap3A_469, %swap3A_470, %swap3A_471] {strides = array<i32>} : memref<2x80x128xf32, #tpu.memory_space<vmem>>, vector<16xf32>,
        tpu.vector_store %arg7[%swap3A_469, %swap3A_470, %swap3A_471], %mul3A_467 {strides = array<i32>} : memref<2x80x128xf32, #tpu.memory_space<vmem>>, vector<16xf32>,
        %get3A_473 = arith.constant 0 : i32
        %get3A_474 = arith.index_cast %get3A_473 : i32 to index
        %get3A_475 = arith.index_cast %scan3A_442 : i32 to index
        %get3A_476 = arith.constant 32 : index
        %get3A_477 = tpu.vector_load %arg7[%get3A_474, %get3A_475, %get3A_476] {strides = array<i32>} : memref<2x80x128xf32, #tpu.memory_space<vmem>>, vector<16xf32>,
        %get3A_478 = arith.constant 0 : i32
        %get3A_479 = arith.index_cast %get3A_478 : i32 to index
        %get3A_480 = arith.index_cast %scan3A_442 : i32 to index
        %get3A_481 = arith.constant 32 : index
        %get3A_482 = tpu.vector_load %arg8[%get3A_479, %get3A_480, %get3A_481] {strides = array<i32>} : memref<2x80x128xf32, #tpu.memory_space<vmem>>, vector<16xf32>,
        %mul3A_483 = arith.mulf %get3A_477, %get3A_482 : vector<16xf32>
        %swap3A_484 = arith.constant 0 : i32
        %swap3A_485 = arith.index_cast %swap3A_484 : i32 to index
        %swap3A_486 = arith.index_cast %scan3A_442 : i32 to index
        %swap3A_487 = arith.constant 32 : index
        %swap3A_488 = tpu.vector_load %arg7[%swap3A_485, %swap3A_486, %swap3A_487] {strides = array<i32>} : memref<2x80x128xf32, #tpu.memory_space<vmem>>, vector<16xf32>,
        tpu.vector_store %arg7[%swap3A_485, %swap3A_486, %swap3A_487], %mul3A_483 {strides = array<i32>} : memref<2x80x128xf32, #tpu.memory_space<vmem>>, vector<16xf32>,
        %get3A_489 = arith.constant 0 : i32
        %get3A_490 = arith.index_cast %get3A_489 : i32 to index
        %get3A_491 = arith.index_cast %scan3A_442 : i32 to index
        %get3A_492 = arith.constant 48 : index
        %get3A_493 = tpu.vector_load %arg7[%get3A_490, %get3A_491, %get3A_492] {strides = array<i32>} : memref<2x80x128xf32, #tpu.memory_space<vmem>>, vector<16xf32>,
        %get3A_494 = arith.constant 0 : i32
        %get3A_495 = arith.index_cast %get3A_494 : i32 to index
        %get3A_496 = arith.index_cast %scan3A_442 : i32 to index
        %get3A_497 = arith.constant 48 : index
        %get3A_498 = tpu.vector_load %arg8[%get3A_495, %get3A_496, %get3A_497] {strides = array<i32>} : memref<2x80x128xf32, #tpu.memory_space<vmem>>, vector<16xf32>,
        %mul3A_499 = arith.mulf %get3A_493, %get3A_498 : vector<16xf32>
        %swap3A_500 = arith.constant 0 : i32
        %swap3A_501 = arith.index_cast %swap3A_500 : i32 to index
        %swap3A_502 = arith.index_cast %scan3A_442 : i32 to index
        %swap3A_503 = arith.constant 48 : index
        %swap3A_504 = tpu.vector_load %arg7[%swap3A_501, %swap3A_502, %swap3A_503] {strides = array<i32>} : memref<2x80x128xf32, #tpu.memory_space<vmem>>, vector<16xf32>,
        tpu.vector_store %arg7[%swap3A_501, %swap3A_502, %swap3A_503], %mul3A_499 {strides = array<i32>} : memref<2x80x128xf32, #tpu.memory_space<vmem>>, vector<16xf32>,
        %get3A_505 = arith.constant 0 : i32
        %get3A_506 = arith.index_cast %get3A_505 : i32 to index
        %get3A_507 = arith.index_cast %scan3A_442 : i32 to index
        %get3A_508 = arith.constant 64 : index
        %get3A_509 = tpu.vector_load %arg7[%get3A_506, %get3A_507, %get3A_508] {strides = array<i32>} : memref<2x80x128xf32, #tpu.memory_space<vmem>>, vector<16xf32>,
        %get3A_510 = arith.constant 0 : i32
        %get3A_511 = arith.index_cast %get3A_510 : i32 to index
        %get3A_512 = arith.index_cast %scan3A_442 : i32 to index
        %get3A_513 = arith.constant 64 : index
        %get3A_514 = tpu.vector_load %arg8[%get3A_511, %get3A_512, %get3A_513] {strides = array<i32>} : memref<2x80x128xf32, #tpu.memory_space<vmem>>, vector<16xf32>,
        %mul3A_515 = arith.mulf %get3A_509, %get3A_514 : vector<16xf32>
        %swap3A_516 = arith.constant 0 : i32
        %swap3A_517 = arith.index_cast %swap3A_516 : i32 to index
        %swap3A_518 = arith.index_cast %scan3A_442 : i32 to index
        %swap3A_519 = arith.constant 64 : index
        %swap3A_520 = tpu.vector_load %arg7[%swap3A_517, %swap3A_518, %swap3A_519] {strides = array<i32>} : memref<2x80x128xf32, #tpu.memory_space<vmem>>, vector<16xf32>,
        tpu.vector_store %arg7[%swap3A_517, %swap3A_518, %swap3A_519], %mul3A_515 {strides = array<i32>} : memref<2x80x128xf32, #tpu.memory_space<vmem>>, vector<16xf32>,
        %get3A_521 = arith.constant 0 : i32
        %get3A_522 = arith.index_cast %get3A_521 : i32 to index
        %get3A_523 = arith.index_cast %scan3A_442 : i32 to index
        %get3A_524 = arith.constant 80 : index
        %get3A_525 = tpu.vector_load %arg7[%get3A_522, %get3A_523, %get3A_524] {strides = array<i32>} : memref<2x80x128xf32, #tpu.memory_space<vmem>>, vector<16xf32>,
        %get3A_526 = arith.constant 0 : i32
        %get3A_527 = arith.index_cast %get3A_526 : i32 to index
        %get3A_528 = arith.index_cast %scan3A_442 : i32 to index
        %get3A_529 = arith.constant 80 : index
        %get3A_530 = tpu.vector_load %arg8[%get3A_527, %get3A_528, %get3A_529] {strides = array<i32>} : memref<2x80x128xf32, #tpu.memory_space<vmem>>, vector<16xf32>,
        %mul3A_531 = arith.mulf %get3A_525, %get3A_530 : vector<16xf32>
        %swap3A_532 = arith.constant 0 : i32
        %swap3A_533 = arith.index_cast %swap3A_532 : i32 to index
        %swap3A_534 = arith.index_cast %scan3A_442 : i32 to index
        %swap3A_535 = arith.constant 80 : index
        %swap3A_536 = tpu.vector_load %arg7[%swap3A_533, %swap3A_534, %swap3A_535] {strides = array<i32>} : memref<2x80x128xf32, #tpu.memory_space<vmem>>, vector<16xf32>,
        tpu.vector_store %arg7[%swap3A_533, %swap3A_534, %swap3A_535], %mul3A_531 {strides = array<i32>} : memref<2x80x128xf32, #tpu.memory_space<vmem>>, vector<16xf32>,
        %get3A_537 = arith.constant 0 : i32
        %get3A_538 = arith.index_cast %get3A_537 : i32 to index
        %get3A_539 = arith.index_cast %scan3A_442 : i32 to index
        %get3A_540 = arith.constant 96 : index
        %get3A_541 = tpu.vector_load %arg7[%get3A_538, %get3A_539, %get3A_540] {strides = array<i32>} : memref<2x80x128xf32, #tpu.memory_space<vmem>>, vector<16xf32>,
        %get3A_542 = arith.constant 0 : i32
        %get3A_543 = arith.index_cast %get3A_542 : i32 to index
        %get3A_544 = arith.index_cast %scan3A_442 : i32 to index
        %get3A_545 = arith.constant 96 : index
        %get3A_546 = tpu.vector_load %arg8[%get3A_543, %get3A_544, %get3A_545] {strides = array<i32>} : memref<2x80x128xf32, #tpu.memory_space<vmem>>, vector<16xf32>,
        %mul3A_547 = arith.mulf %get3A_541, %get3A_546 : vector<16xf32>
        %swap3A_548 = arith.constant 0 : i32
        %swap3A_549 = arith.index_cast %swap3A_548 : i32 to index
        %swap3A_550 = arith.index_cast %scan3A_442 : i32 to index
        %swap3A_551 = arith.constant 96 : index
        %swap3A_552 = tpu.vector_load %arg7[%swap3A_549, %swap3A_550, %swap3A_551] {strides = array<i32>} : memref<2x80x128xf32, #tpu.memory_space<vmem>>, vector<16xf32>,
        tpu.vector_store %arg7[%swap3A_549, %swap3A_550, %swap3A_551], %mul3A_547 {strides = array<i32>} : memref<2x80x128xf32, #tpu.memory_space<vmem>>, vector<16xf32>,
        %get3A_553 = arith.constant 0 : i32
        %get3A_554 = arith.index_cast %get3A_553 : i32 to index
        %get3A_555 = arith.index_cast %scan3A_442 : i32 to index
        %get3A_556 = arith.constant 112 : index
        %get3A_557 = tpu.vector_load %arg7[%get3A_554, %get3A_555, %get3A_556] {strides = array<i32>} : memref<2x80x128xf32, #tpu.memory_space<vmem>>, vector<16xf32>,
        %get3A_558 = arith.constant 0 : i32
        %get3A_559 = arith.index_cast %get3A_558 : i32 to index
        %get3A_560 = arith.index_cast %scan3A_442 : i32 to index
        %get3A_561 = arith.constant 112 : index
        %get3A_562 = tpu.vector_load %arg8[%get3A_559, %get3A_560, %get3A_561] {strides = array<i32>} : memref<2x80x128xf32, #tpu.memory_space<vmem>>, vector<16xf32>,
        %mul3A_563 = arith.mulf %get3A_557, %get3A_562 : vector<16xf32>
        %swap3A_564 = arith.constant 0 : i32
        %swap3A_565 = arith.index_cast %swap3A_564 : i32 to index
        %swap3A_566 = arith.index_cast %scan3A_442 : i32 to index
        %swap3A_567 = arith.constant 112 : index
        %swap3A_568 = tpu.vector_load %arg7[%swap3A_565, %swap3A_566, %swap3A_567] {strides = array<i32>} : memref<2x80x128xf32, #tpu.memory_space<vmem>>, vector<16xf32>,
        tpu.vector_store %arg7[%swap3A_565, %swap3A_566, %swap3A_567], %mul3A_563 {strides = array<i32>} : memref<2x80x128xf32, #tpu.memory_space<vmem>>, vector<16xf32>,
      }
      %scan3A_333 = arith.constant 80 : i32
      %run_scoped3A_334 = arith.constant 0 : i32
      %run_scoped3A_335 = arith.constant 0 : i32
      %run_scoped3A_336 = arith.constant 1 : i32
      "tpu.region"() ({
        %run_scoped3A_442 = tpu.sem_alloc : memref<!tpu.dma_semaphore, #tpu.memory_space<semaphore_mem>>
        %dma_start3A_443 = arith.constant 0 : i32
        %dma_start3A_444 = arith.constant 0 : i32
        %dma_start3A_445 = tpu.memref_slice %arg7[%run_scoped3A_334, %dma_start3A_443, %dma_start3A_444] : memref<2x80x128xf32, #tpu.memory_space<vmem>> -> memref<1x80x128xf32, #tpu.memory_space<vmem>>
        %dma_start3A_446 = tpu.memref_squeeze %dma_start3A_445 : memref<1x80x128xf32, #tpu.memory_space<vmem>> -> memref<80x128xf32, #tpu.memory_space<vmem>>
        %dma_start3A_447 = arith.constant 0 : i32
        %dma_start3A_448 = tpu.memref_slice %arg10[%run_scoped3A_335, %run_scoped3A_336, %dma_start3A_447] : memref<2x2x80xi32, #tpu.memory_space<vmem>> -> memref<1x1x80xi32, #tpu.memory_space<vmem>>
        %dma_start3A_449 = tpu.memref_squeeze %dma_start3A_448 : memref<1x1x80xi32, #tpu.memory_space<vmem>> -> memref<80xi32, #tpu.memory_space<vmem>>
        %dma_start3A_450 = arith.constant 0 : i32
        %dma_start3A_451 = arith.constant 0 : i32
        %dma_start3A_452 = tpu.memref_slice %arg6[%dma_start3A_450, %dma_start3A_451] : memref<10000x128xf32, #tpu.memory_space<vmem_shared>> -> memref<10000x128xf32, #tpu.memory_space<vmem_shared>>
        tpu.enqueue_indirect_dma source(%dma_start3A_446 : memref<80x128xf32, #tpu.memory_space<vmem>>) target(%dma_start3A_452 : memref<10000x128xf32, #tpu.memory_space<vmem_shared>>) offsets(%dma_start3A_449 : memref<80xi32, #tpu.memory_space<vmem>>) semaphore(%run_scoped3A_442 : memref<!tpu.dma_semaphore, #tpu.memory_space<semaphore_mem>>) {add = true}
        %dma_wait3A_453 = arith.constant 0 : i32
        %dma_wait3A_454 = arith.constant 0 : i32
        %dma_wait3A_455 = tpu.memref_slice %arg7[%run_scoped3A_334, %dma_wait3A_453, %dma_wait3A_454] : memref<2x80x128xf32, #tpu.memory_space<vmem>> -> memref<1x80x128xf32, #tpu.memory_space<vmem>>
        %dma_wait3A_456 = tpu.memref_squeeze %dma_wait3A_455 : memref<1x80x128xf32, #tpu.memory_space<vmem>> -> memref<80x128xf32, #tpu.memory_space<vmem>>
        %dma_wait3A_457 = arith.constant 0 : i32
        %dma_wait3A_458 = tpu.memref_slice %arg10[%run_scoped3A_335, %run_scoped3A_336, %dma_wait3A_457] : memref<2x2x80xi32, #tpu.memory_space<vmem>> -> memref<1x1x80xi32, #tpu.memory_space<vmem>>
        %dma_wait3A_459 = tpu.memref_squeeze %dma_wait3A_458 : memref<1x1x80xi32, #tpu.memory_space<vmem>> -> memref<80xi32, #tpu.memory_space<vmem>>
        %dma_wait3A_460 = arith.constant 0 : i32
        %dma_wait3A_461 = arith.constant 0 : i32
        %dma_wait3A_462 = tpu.memref_slice %arg6[%dma_wait3A_460, %dma_wait3A_461] : memref<10000x128xf32, #tpu.memory_space<vmem_shared>> -> memref<10000x128xf32, #tpu.memory_space<vmem_shared>>
        tpu.wait_indirect_dma semaphore(%run_scoped3A_442 : memref<!tpu.dma_semaphore, #tpu.memory_space<semaphore_mem>>) src(%dma_wait3A_456 : memref<80x128xf32, #tpu.memory_space<vmem>>) dst(%dma_wait3A_462 : memref<10000x128xf32, #tpu.memory_space<vmem_shared>>)
        tpu.yield
      }) : () -> ()
      %add3A_337 = arith.constant 2 : i32
      %add3A_338 = arith.addi %mul3A_248, %add3A_337 : i32
      %lt3A = arith.constant 125 : i32
      %lt3A_339 = arith.cmpi slt, %add3A_338, %lt3A : i32
      %convert_element_type3A_340 = arith.extui %lt3A_339 : i1 to i32
      %cond3A_341 = arith.constant 0 : i32
      %cond3A_342 = arith.cmpi ne, %convert_element_type3A_340, %cond3A_341 : i32
      scf.if %cond3A_342 {
        %add3A_442 = arith.constant 2 : i32
        %add3A_443 = arith.addi %mul3A_248, %add3A_442 : i32
        %dma_start3A_444 = arith.constant 0 : i32
        %dma_start3A_445 = arith.constant 0 : i32
        %dma_start3A_446 = arith.constant 0 : i32
        %dma_start3A_447 = tpu.memref_slice %arg10[%dma_start3A_444, %dma_start3A_445, %dma_start3A_446] : memref<2x2x80xi32, #tpu.memory_space<vmem>> -> memref<1x2x80xi32, #tpu.memory_space<vmem>>
        %dma_start3A_448 = tpu.memref_squeeze %dma_start3A_447 : memref<1x2x80xi32, #tpu.memory_space<vmem>> -> memref<2x80xi32, #tpu.memory_space<vmem>>
        %dma_start3A_449 = arith.constant 0 : i32
        %dma_start3A_450 = arith.constant 0 : i32
        %dma_start3A_451 = tpu.memref_slice %arg4[%add3A, %add3A_443, %dma_start3A_449, %dma_start3A_450] : memref<32x125x2x80xi32, #tpu.memory_space<hbm>> -> memref<1x1x2x80xi32, #tpu.memory_space<hbm>>
        %dma_start3A_452 = tpu.memref_squeeze %dma_start3A_451 : memref<1x1x2x80xi32, #tpu.memory_space<hbm>> -> memref<2x80xi32, #tpu.memory_space<hbm>>
        %dma_start3A_453 = arith.constant 0 : i32
        %dma_start3A_454 = arith.constant 0 : i32
        %dma_start3A_455 = tpu.memref_slice %arg10[%dma_start3A_444, %dma_start3A_453, %dma_start3A_454] : memref<2x2x80xi32, #tpu.memory_space<vmem>> -> memref<1x2x80xi32, #tpu.memory_space<vmem>>
        %dma_start3A_456 = tpu.memref_squeeze %dma_start3A_455 : memref<1x2x80xi32, #tpu.memory_space<vmem>> -> memref<2x80xi32, #tpu.memory_space<vmem>>
        %dma_start3A_457 = arith.constant 0 : i32
        %dma_start3A_458 = arith.constant 0 : i32
        %dma_start3A_459 = tpu.memref_slice %arg4[%add3A, %add3A_443, %dma_start3A_457, %dma_start3A_458] : memref<32x125x2x80xi32, #tpu.memory_space<hbm>> -> memref<1x1x2x80xi32, #tpu.memory_space<hbm>>
        %dma_start3A_460 = tpu.memref_squeeze %dma_start3A_459 : memref<1x1x2x80xi32, #tpu.memory_space<hbm>> -> memref<2x80xi32, #tpu.memory_space<hbm>>
        tpu.enqueue_dma source(%dma_start3A_460 : memref<2x80xi32, #tpu.memory_space<hbm>>) target(%dma_start3A_456 : memref<2x80xi32, #tpu.memory_space<vmem>>) target_semaphore(%arg15 : memref<!tpu.dma_semaphore, #tpu.memory_space<semaphore_mem>>)
      } else {
      }
      %mul3A_343 = arith.constant 2 : i32
      %mul3A_344 = arith.muli %mul3A_343, %scan3A_246 : i32
      %add3A_345 = arith.constant 1 : i32
      %add3A_346 = arith.addi %mul3A_344, %add3A_345 : i32
      %dma_wait3A_347 = arith.constant 1 : i32
      %dma_wait3A_348 = arith.constant 0 : i32
      %dma_wait3A_349 = arith.constant 1 : i32
      %dma_wait3A_350 = arith.constant 0 : i32
      %dma_wait3A_351 = arith.constant 0 : i32
      %dma_wait3A_352 = tpu.memref_slice %arg7[%dma_wait3A_349, %dma_wait3A_350, %dma_wait3A_351] : memref<2x80x128xf32, #tpu.memory_space<vmem>> -> memref<1x80x128xf32, #tpu.memory_space<vmem>>
      %dma_wait3A_353 = tpu.memref_squeeze %dma_wait3A_352 : memref<1x80x128xf32, #tpu.memory_space<vmem>> -> memref<80x128xf32, #tpu.memory_space<vmem>>
      %dma_wait3A_354 = arith.constant 0 : i32
      %dma_wait3A_355 = tpu.memref_slice %arg10[%dma_wait3A_347, %dma_wait3A_348, %dma_wait3A_354] : memref<2x2x80xi32, #tpu.memory_space<vmem>> -> memref<1x1x80xi32, #tpu.memory_space<vmem>>
      %dma_wait3A_356 = tpu.memref_squeeze %dma_wait3A_355 : memref<1x1x80xi32, #tpu.memory_space<vmem>> -> memref<80xi32, #tpu.memory_space<vmem>>
      %dma_wait3A_357 = arith.constant 0 : i32
      %dma_wait3A_358 = arith.constant 0 : i32
      %dma_wait3A_359 = tpu.memref_slice %arg3[%dma_wait3A_357, %dma_wait3A_358] : memref<10000x128xf32, #tpu.memory_space<hbm>> -> memref<10000x128xf32, #tpu.memory_space<hbm>>
      tpu.wait_indirect_dma semaphore(%arg12 : memref<!tpu.dma_semaphore, #tpu.memory_space<semaphore_mem>>) src(%dma_wait3A_359 : memref<10000x128xf32, #tpu.memory_space<hbm>>) dst(%dma_wait3A_353 : memref<80x128xf32, #tpu.memory_space<vmem>>)
      %mul3A_360 = arith.constant 80 : i32
      %mul3A_361 = arith.muli %add3A_346, %mul3A_360 : i32
      %add3A_362 = arith.addi %mul3A_2, %mul3A_361 : i32
      %dma_wait3A_363 = arith.constant 1 : i32
      %dma_wait3A_364 = arith.constant 0 : i32
      %dma_wait3A_365 = arith.constant 0 : i32
      %dma_wait3A_366 = tpu.memref_slice %arg8[%dma_wait3A_363, %dma_wait3A_364, %dma_wait3A_365] : memref<2x80x128xf32, #tpu.memory_space<vmem>> -> memref<1x80x128xf32, #tpu.memory_space<vmem>>
      %dma_wait3A_367 = tpu.memref_squeeze %dma_wait3A_366 : memref<1x80x128xf32, #tpu.memory_space<vmem>> -> memref<80x128xf32, #tpu.memory_space<vmem>>
      %dma_wait3A_368 = arith.constant 0 : i32
      %dma_wait3A_369 = tpu.memref_slice %arg2[%add3A_362, %dma_wait3A_368] : memref<320000x128xf32, #tpu.memory_space<hbm>> -> memref<80x128xf32, #tpu.memory_space<hbm>>
      %dma_wait3A_370 = arith.constant 0 : i32
      %dma_wait3A_371 = arith.constant 0 : i32
      %dma_wait3A_372 = tpu.memref_slice %arg8[%dma_wait3A_363, %dma_wait3A_370, %dma_wait3A_371] : memref<2x80x128xf32, #tpu.memory_space<vmem>> -> memref<1x80x128xf32, #tpu.memory_space<vmem>>
      %dma_wait3A_373 = tpu.memref_squeeze %dma_wait3A_372 : memref<1x80x128xf32, #tpu.memory_space<vmem>> -> memref<80x128xf32, #tpu.memory_space<vmem>>
      %dma_wait3A_374 = arith.constant 0 : i32
      %dma_wait3A_375 = tpu.memref_slice %arg2[%add3A_362, %dma_wait3A_374] : memref<320000x128xf32, #tpu.memory_space<hbm>> -> memref<80x128xf32, #tpu.memory_space<hbm>>
      tpu.wait_dma2 semaphore(%arg14 : memref<!tpu.dma_semaphore, #tpu.memory_space<semaphore_mem>>) src(%dma_wait3A_375 : memref<80x128xf32, #tpu.memory_space<hbm>>) dst(%dma_wait3A_373 : memref<80x128xf32, #tpu.memory_space<vmem>>)
      %add3A_376 = arith.constant 1 : i32
      %add3A_377 = arith.addi %add3A_346, %add3A_376 : i32
      %dma_wait3A_378 = arith.constant 0 : i32
      %dma_wait3A_379 = arith.constant 0 : i32
      %dma_wait3A_380 = arith.constant 0 : i32
      %dma_wait3A_381 = tpu.memref_slice %arg10[%dma_wait3A_378, %dma_wait3A_379, %dma_wait3A_380] : memref<2x2x80xi32, #tpu.memory_space<vmem>> -> memref<1x2x80xi32, #tpu.memory_space<vmem>>
      %dma_wait3A_382 = tpu.memref_squeeze %dma_wait3A_381 : memref<1x2x80xi32, #tpu.memory_space<vmem>> -> memref<2x80xi32, #tpu.memory_space<vmem>>
      %dma_wait3A_383 = arith.constant 0 : i32
      %dma_wait3A_384 = arith.constant 0 : i32
      %dma_wait3A_385 = tpu.memref_slice %arg4[%add3A, %add3A_377, %dma_wait3A_383, %dma_wait3A_384] : memref<32x125x2x80xi32, #tpu.memory_space<hbm>> -> memref<1x1x2x80xi32, #tpu.memory_space<hbm>>
      %dma_wait3A_386 = tpu.memref_squeeze %dma_wait3A_385 : memref<1x1x2x80xi32, #tpu.memory_space<hbm>> -> memref<2x80xi32, #tpu.memory_space<hbm>>
      %dma_wait3A_387 = arith.constant 0 : i32
      %dma_wait3A_388 = arith.constant 0 : i32
      %dma_wait3A_389 = tpu.memref_slice %arg10[%dma_wait3A_378, %dma_wait3A_387, %dma_wait3A_388] : memref<2x2x80xi32, #tpu.memory_space<vmem>> -> memref<1x2x80xi32, #tpu.memory_space<vmem>>
      %dma_wait3A_390 = tpu.memref_squeeze %dma_wait3A_389 : memref<1x2x80xi32, #tpu.memory_space<vmem>> -> memref<2x80xi32, #tpu.memory_space<vmem>>
      %dma_wait3A_391 = arith.constant 0 : i32
      %dma_wait3A_392 = arith.constant 0 : i32
      %dma_wait3A_393 = tpu.memref_slice %arg4[%add3A, %add3A_377, %dma_wait3A_391, %dma_wait3A_392] : memref<32x125x2x80xi32, #tpu.memory_space<hbm>> -> memref<1x1x2x80xi32, #tpu.memory_space<hbm>>
      %dma_wait3A_394 = tpu.memref_squeeze %dma_wait3A_393 : memref<1x1x2x80xi32, #tpu.memory_space<hbm>> -> memref<2x80xi32, #tpu.memory_space<hbm>>
      tpu.wait_dma2 semaphore(%arg15 : memref<!tpu.dma_semaphore, #tpu.memory_space<semaphore_mem>>) src(%dma_wait3A_394 : memref<2x80xi32, #tpu.memory_space<hbm>>) dst(%dma_wait3A_390 : memref<2x80xi32, #tpu.memory_space<vmem>>)
      %add3A_395 = arith.constant 1 : i32
      %add3A_396 = arith.addi %add3A_346, %add3A_395 : i32
      %dma_start3A_397 = arith.constant 0 : i32
      %dma_start3A_398 = arith.constant 0 : i32
      %dma_start3A_399 = arith.constant 0 : i32
      %dma_start3A_400 = arith.constant 0 : i32
      %dma_start3A_401 = arith.constant 0 : i32
      %dma_start3A_402 = tpu.memref_slice %arg7[%dma_start3A_399, %dma_start3A_400, %dma_start3A_401] : memref<2x80x128xf32, #tpu.memory_space<vmem>> -> memref<1x80x128xf32, #tpu.memory_space<vmem>>
      %dma_start3A_403 = tpu.memref_squeeze %dma_start3A_402 : memref<1x80x128xf32, #tpu.memory_space<vmem>> -> memref<80x128xf32, #tpu.memory_space<vmem>>
      %dma_start3A_404 = arith.constant 0 : i32
      %dma_start3A_405 = tpu.memref_slice %arg10[%dma_start3A_397, %dma_start3A_398, %dma_start3A_404] : memref<2x2x80xi32, #tpu.memory_space<vmem>> -> memref<1x1x80xi32, #tpu.memory_space<vmem>>
      %dma_start3A_406 = tpu.memref_squeeze %dma_start3A_405 : memref<1x1x80xi32, #tpu.memory_space<vmem>> -> memref<80xi32, #tpu.memory_space<vmem>>
      %dma_start3A_407 = arith.constant 0 : i32
      %dma_start3A_408 = arith.constant 0 : i32
      %dma_start3A_409 = tpu.memref_slice %arg3[%dma_start3A_407, %dma_start3A_408] : memref<10000x128xf32, #tpu.memory_space<hbm>> -> memref<10000x128xf32, #tpu.memory_space<hbm>>
      tpu.enqueue_indirect_dma source(%dma_start3A_409 : memref<10000x128xf32, #tpu.memory_space<hbm>>) target(%dma_start3A_403 : memref<80x128xf32, #tpu.memory_space<vmem>>) offsets(%dma_start3A_406 : memref<80xi32, #tpu.memory_space<vmem>>) semaphore(%arg11 : memref<!tpu.dma_semaphore, #tpu.memory_space<semaphore_mem>>)
      %mul3A_410 = arith.constant 80 : i32
      %mul3A_411 = arith.muli %add3A_396, %mul3A_410 : i32
      %add3A_412 = arith.addi %mul3A_2, %mul3A_411 : i32
      %dma_start3A_413 = arith.constant 0 : i32
      %dma_start3A_414 = arith.constant 0 : i32
      %dma_start3A_415 = arith.constant 0 : i32
      %dma_start3A_416 = tpu.memref_slice %arg8[%dma_start3A_413, %dma_start3A_414, %dma_start3A_415] : memref<2x80x128xf32, #tpu.memory_space<vmem>> -> memref<1x80x128xf32, #tpu.memory_space<vmem>>
      %dma_start3A_417 = tpu.memref_squeeze %dma_start3A_416 : memref<1x80x128xf32, #tpu.memory_space<vmem>> -> memref<80x128xf32, #tpu.memory_space<vmem>>
      %dma_start3A_418 = arith.constant 0 : i32
      %dma_start3A_419 = tpu.memref_slice %arg2[%add3A_412, %dma_start3A_418] : memref<320000x128xf32, #tpu.memory_space<hbm>> -> memref<80x128xf32, #tpu.memory_space<hbm>>
      %dma_start3A_420 = arith.constant 0 : i32
      %dma_start3A_421 = arith.constant 0 : i32
      %dma_start3A_422 = tpu.memref_slice %arg8[%dma_start3A_413, %dma_start3A_420, %dma_start3A_421] : memref<2x80x128xf32, #tpu.memory_space<vmem>> -> memref<1x80x128xf32, #tpu.memory_space<vmem>>
      %dma_start3A_423 = tpu.memref_squeeze %dma_start3A_422 : memref<1x80x128xf32, #tpu.memory_space<vmem>> -> memref<80x128xf32, #tpu.memory_space<vmem>>
      %dma_start3A_424 = arith.constant 0 : i32
      %dma_start3A_425 = tpu.memref_slice %arg2[%add3A_412, %dma_start3A_424] : memref<320000x128xf32, #tpu.memory_space<hbm>> -> memref<80x128xf32, #tpu.memory_space<hbm>>
      tpu.enqueue_dma source(%dma_start3A_425 : memref<80x128xf32, #tpu.memory_space<hbm>>) target(%dma_start3A_423 : memref<80x128xf32, #tpu.memory_space<vmem>>) target_semaphore(%arg13 : memref<!tpu.dma_semaphore, #tpu.memory_space<semaphore_mem>>)
      %scan3A_426 = arith.constant 0 : i32
      %scan3A_427 = arith.constant 0 : i32
      %scan3A_428 = arith.constant 80 : i32
      %scan3A_429 = arith.addi %scan3A_427, %scan3A_428 : i32
      %scan3A_430 = arith.constant 1 : i32
      scf.for %scan3A_442 = %scan3A_427 to %scan3A_429 step %scan3A_430  : i32 {
        %get3A = arith.constant 1 : i32
        %get3A_443 = arith.index_cast %get3A : i32 to index
        %get3A_444 = arith.index_cast %scan3A_442 : i32 to index
        %get3A_445 = arith.constant 0 : index
        %get3A_446 = tpu.vector_load %arg7[%get3A_443, %get3A_444, %get3A_445] {strides = array<i32>} : memref<2x80x128xf32, #tpu.memory_space<vmem>>, vector<16xf32>,
        %get3A_447 = arith.constant 1 : i32
        %get3A_448 = arith.index_cast %get3A_447 : i32 to index
        %get3A_449 = arith.index_cast %scan3A_442 : i32 to index
        %get3A_450 = arith.constant 0 : index
        %get3A_451 = tpu.vector_load %arg8[%get3A_448, %get3A_449, %get3A_450] {strides = array<i32>} : memref<2x80x128xf32, #tpu.memory_space<vmem>>, vector<16xf32>,
        %mul3A_452 = arith.mulf %get3A_446, %get3A_451 : vector<16xf32>
        %swap3A = arith.constant 1 : i32
        %swap3A_453 = arith.index_cast %swap3A : i32 to index
        %swap3A_454 = arith.index_cast %scan3A_442 : i32 to index
        %swap3A_455 = arith.constant 0 : index
        %swap3A_456 = tpu.vector_load %arg7[%swap3A_453, %swap3A_454, %swap3A_455] {strides = array<i32>} : memref<2x80x128xf32, #tpu.memory_space<vmem>>, vector<16xf32>,
        tpu.vector_store %arg7[%swap3A_453, %swap3A_454, %swap3A_455], %mul3A_452 {strides = array<i32>} : memref<2x80x128xf32, #tpu.memory_space<vmem>>, vector<16xf32>,
        %get3A_457 = arith.constant 1 : i32
        %get3A_458 = arith.index_cast %get3A_457 : i32 to index
        %get3A_459 = arith.index_cast %scan3A_442 : i32 to index
        %get3A_460 = arith.constant 16 : index
        %get3A_461 = tpu.vector_load %arg7[%get3A_458, %get3A_459, %get3A_460] {strides = array<i32>} : memref<2x80x128xf32, #tpu.memory_space<vmem>>, vector<16xf32>,
        %get3A_462 = arith.constant 1 : i32
        %get3A_463 = arith.index_cast %get3A_462 : i32 to index
        %get3A_464 = arith.index_cast %scan3A_442 : i32 to index
        %get3A_465 = arith.constant 16 : index
        %get3A_466 = tpu.vector_load %arg8[%get3A_463, %get3A_464, %get3A_465] {strides = array<i32>} : memref<2x80x128xf32, #tpu.memory_space<vmem>>, vector<16xf32>,
        %mul3A_467 = arith.mulf %get3A_461, %get3A_466 : vector<16xf32>
        %swap3A_468 = arith.constant 1 : i32
        %swap3A_469 = arith.index_cast %swap3A_468 : i32 to index
        %swap3A_470 = arith.index_cast %scan3A_442 : i32 to index
        %swap3A_471 = arith.constant 16 : index
        %swap3A_472 = tpu.vector_load %arg7[%swap3A_469, %swap3A_470, %swap3A_471] {strides = array<i32>} : memref<2x80x128xf32, #tpu.memory_space<vmem>>, vector<16xf32>,
        tpu.vector_store %arg7[%swap3A_469, %swap3A_470, %swap3A_471], %mul3A_467 {strides = array<i32>} : memref<2x80x128xf32, #tpu.memory_space<vmem>>, vector<16xf32>,
        %get3A_473 = arith.constant 1 : i32
        %get3A_474 = arith.index_cast %get3A_473 : i32 to index
        %get3A_475 = arith.index_cast %scan3A_442 : i32 to index
        %get3A_476 = arith.constant 32 : index
        %get3A_477 = tpu.vector_load %arg7[%get3A_474, %get3A_475, %get3A_476] {strides = array<i32>} : memref<2x80x128xf32, #tpu.memory_space<vmem>>, vector<16xf32>,
        %get3A_478 = arith.constant 1 : i32
        %get3A_479 = arith.index_cast %get3A_478 : i32 to index
        %get3A_480 = arith.index_cast %scan3A_442 : i32 to index
        %get3A_481 = arith.constant 32 : index
        %get3A_482 = tpu.vector_load %arg8[%get3A_479, %get3A_480, %get3A_481] {strides = array<i32>} : memref<2x80x128xf32, #tpu.memory_space<vmem>>, vector<16xf32>,
        %mul3A_483 = arith.mulf %get3A_477, %get3A_482 : vector<16xf32>
        %swap3A_484 = arith.constant 1 : i32
        %swap3A_485 = arith.index_cast %swap3A_484 : i32 to index
        %swap3A_486 = arith.index_cast %scan3A_442 : i32 to index
        %swap3A_487 = arith.constant 32 : index
        %swap3A_488 = tpu.vector_load %arg7[%swap3A_485, %swap3A_486, %swap3A_487] {strides = array<i32>} : memref<2x80x128xf32, #tpu.memory_space<vmem>>, vector<16xf32>,
        tpu.vector_store %arg7[%swap3A_485, %swap3A_486, %swap3A_487], %mul3A_483 {strides = array<i32>} : memref<2x80x128xf32, #tpu.memory_space<vmem>>, vector<16xf32>,
        %get3A_489 = arith.constant 1 : i32
        %get3A_490 = arith.index_cast %get3A_489 : i32 to index
        %get3A_491 = arith.index_cast %scan3A_442 : i32 to index
        %get3A_492 = arith.constant 48 : index
        %get3A_493 = tpu.vector_load %arg7[%get3A_490, %get3A_491, %get3A_492] {strides = array<i32>} : memref<2x80x128xf32, #tpu.memory_space<vmem>>, vector<16xf32>,
        %get3A_494 = arith.constant 1 : i32
        %get3A_495 = arith.index_cast %get3A_494 : i32 to index
        %get3A_496 = arith.index_cast %scan3A_442 : i32 to index
        %get3A_497 = arith.constant 48 : index
        %get3A_498 = tpu.vector_load %arg8[%get3A_495, %get3A_496, %get3A_497] {strides = array<i32>} : memref<2x80x128xf32, #tpu.memory_space<vmem>>, vector<16xf32>,
        %mul3A_499 = arith.mulf %get3A_493, %get3A_498 : vector<16xf32>
        %swap3A_500 = arith.constant 1 : i32
        %swap3A_501 = arith.index_cast %swap3A_500 : i32 to index
        %swap3A_502 = arith.index_cast %scan3A_442 : i32 to index
        %swap3A_503 = arith.constant 48 : index
        %swap3A_504 = tpu.vector_load %arg7[%swap3A_501, %swap3A_502, %swap3A_503] {strides = array<i32>} : memref<2x80x128xf32, #tpu.memory_space<vmem>>, vector<16xf32>,
        tpu.vector_store %arg7[%swap3A_501, %swap3A_502, %swap3A_503], %mul3A_499 {strides = array<i32>} : memref<2x80x128xf32, #tpu.memory_space<vmem>>, vector<16xf32>,
        %get3A_505 = arith.constant 1 : i32
        %get3A_506 = arith.index_cast %get3A_505 : i32 to index
        %get3A_507 = arith.index_cast %scan3A_442 : i32 to index
        %get3A_508 = arith.constant 64 : index
        %get3A_509 = tpu.vector_load %arg7[%get3A_506, %get3A_507, %get3A_508] {strides = array<i32>} : memref<2x80x128xf32, #tpu.memory_space<vmem>>, vector<16xf32>,
        %get3A_510 = arith.constant 1 : i32
        %get3A_511 = arith.index_cast %get3A_510 : i32 to index
        %get3A_512 = arith.index_cast %scan3A_442 : i32 to index
        %get3A_513 = arith.constant 64 : index
        %get3A_514 = tpu.vector_load %arg8[%get3A_511, %get3A_512, %get3A_513] {strides = array<i32>} : memref<2x80x128xf32, #tpu.memory_space<vmem>>, vector<16xf32>,
        %mul3A_515 = arith.mulf %get3A_509, %get3A_514 : vector<16xf32>
        %swap3A_516 = arith.constant 1 : i32
        %swap3A_517 = arith.index_cast %swap3A_516 : i32 to index
        %swap3A_518 = arith.index_cast %scan3A_442 : i32 to index
        %swap3A_519 = arith.constant 64 : index
        %swap3A_520 = tpu.vector_load %arg7[%swap3A_517, %swap3A_518, %swap3A_519] {strides = array<i32>} : memref<2x80x128xf32, #tpu.memory_space<vmem>>, vector<16xf32>,
        tpu.vector_store %arg7[%swap3A_517, %swap3A_518, %swap3A_519], %mul3A_515 {strides = array<i32>} : memref<2x80x128xf32, #tpu.memory_space<vmem>>, vector<16xf32>,
        %get3A_521 = arith.constant 1 : i32
        %get3A_522 = arith.index_cast %get3A_521 : i32 to index
        %get3A_523 = arith.index_cast %scan3A_442 : i32 to index
        %get3A_524 = arith.constant 80 : index
        %get3A_525 = tpu.vector_load %arg7[%get3A_522, %get3A_523, %get3A_524] {strides = array<i32>} : memref<2x80x128xf32, #tpu.memory_space<vmem>>, vector<16xf32>,
        %get3A_526 = arith.constant 1 : i32
        %get3A_527 = arith.index_cast %get3A_526 : i32 to index
        %get3A_528 = arith.index_cast %scan3A_442 : i32 to index
        %get3A_529 = arith.constant 80 : index
        %get3A_530 = tpu.vector_load %arg8[%get3A_527, %get3A_528, %get3A_529] {strides = array<i32>} : memref<2x80x128xf32, #tpu.memory_space<vmem>>, vector<16xf32>,
        %mul3A_531 = arith.mulf %get3A_525, %get3A_530 : vector<16xf32>
        %swap3A_532 = arith.constant 1 : i32
        %swap3A_533 = arith.index_cast %swap3A_532 : i32 to index
        %swap3A_534 = arith.index_cast %scan3A_442 : i32 to index
        %swap3A_535 = arith.constant 80 : index
        %swap3A_536 = tpu.vector_load %arg7[%swap3A_533, %swap3A_534, %swap3A_535] {strides = array<i32>} : memref<2x80x128xf32, #tpu.memory_space<vmem>>, vector<16xf32>,
        tpu.vector_store %arg7[%swap3A_533, %swap3A_534, %swap3A_535], %mul3A_531 {strides = array<i32>} : memref<2x80x128xf32, #tpu.memory_space<vmem>>, vector<16xf32>,
        %get3A_537 = arith.constant 1 : i32
        %get3A_538 = arith.index_cast %get3A_537 : i32 to index
        %get3A_539 = arith.index_cast %scan3A_442 : i32 to index
        %get3A_540 = arith.constant 96 : index
        %get3A_541 = tpu.vector_load %arg7[%get3A_538, %get3A_539, %get3A_540] {strides = array<i32>} : memref<2x80x128xf32, #tpu.memory_space<vmem>>, vector<16xf32>,
        %get3A_542 = arith.constant 1 : i32
        %get3A_543 = arith.index_cast %get3A_542 : i32 to index
        %get3A_544 = arith.index_cast %scan3A_442 : i32 to index
        %get3A_545 = arith.constant 96 : index
        %get3A_546 = tpu.vector_load %arg8[%get3A_543, %get3A_544, %get3A_545] {strides = array<i32>} : memref<2x80x128xf32, #tpu.memory_space<vmem>>, vector<16xf32>,
        %mul3A_547 = arith.mulf %get3A_541, %get3A_546 : vector<16xf32>
        %swap3A_548 = arith.constant 1 : i32
        %swap3A_549 = arith.index_cast %swap3A_548 : i32 to index
        %swap3A_550 = arith.index_cast %scan3A_442 : i32 to index
        %swap3A_551 = arith.constant 96 : index
        %swap3A_552 = tpu.vector_load %arg7[%swap3A_549, %swap3A_550, %swap3A_551] {strides = array<i32>} : memref<2x80x128xf32, #tpu.memory_space<vmem>>, vector<16xf32>,
        tpu.vector_store %arg7[%swap3A_549, %swap3A_550, %swap3A_551], %mul3A_547 {strides = array<i32>} : memref<2x80x128xf32, #tpu.memory_space<vmem>>, vector<16xf32>,
        %get3A_553 = arith.constant 1 : i32
        %get3A_554 = arith.index_cast %get3A_553 : i32 to index
        %get3A_555 = arith.index_cast %scan3A_442 : i32 to index
        %get3A_556 = arith.constant 112 : index
        %get3A_557 = tpu.vector_load %arg7[%get3A_554, %get3A_555, %get3A_556] {strides = array<i32>} : memref<2x80x128xf32, #tpu.memory_space<vmem>>, vector<16xf32>,
        %get3A_558 = arith.constant 1 : i32
        %get3A_559 = arith.index_cast %get3A_558 : i32 to index
        %get3A_560 = arith.index_cast %scan3A_442 : i32 to index
        %get3A_561 = arith.constant 112 : index
        %get3A_562 = tpu.vector_load %arg8[%get3A_559, %get3A_560, %get3A_561] {strides = array<i32>} : memref<2x80x128xf32, #tpu.memory_space<vmem>>, vector<16xf32>,
        %mul3A_563 = arith.mulf %get3A_557, %get3A_562 : vector<16xf32>
        %swap3A_564 = arith.constant 1 : i32
        %swap3A_565 = arith.index_cast %swap3A_564 : i32 to index
        %swap3A_566 = arith.index_cast %scan3A_442 : i32 to index
        %swap3A_567 = arith.constant 112 : index
        %swap3A_568 = tpu.vector_load %arg7[%swap3A_565, %swap3A_566, %swap3A_567] {strides = array<i32>} : memref<2x80x128xf32, #tpu.memory_space<vmem>>, vector<16xf32>,
        tpu.vector_store %arg7[%swap3A_565, %swap3A_566, %swap3A_567], %mul3A_563 {strides = array<i32>} : memref<2x80x128xf32, #tpu.memory_space<vmem>>, vector<16xf32>,
      }
      %scan3A_431 = arith.constant 80 : i32
      %run_scoped3A_432 = arith.constant 1 : i32
      %run_scoped3A_433 = arith.constant 1 : i32
      %run_scoped3A_434 = arith.constant 1 : i32
      "tpu.region"() ({
        %run_scoped3A_442 = tpu.sem_alloc : memref<!tpu.dma_semaphore, #tpu.memory_space<semaphore_mem>>
        %dma_start3A_443 = arith.constant 0 : i32
        %dma_start3A_444 = arith.constant 0 : i32
        %dma_start3A_445 = tpu.memref_slice %arg7[%run_scoped3A_432, %dma_start3A_443, %dma_start3A_444] : memref<2x80x128xf32, #tpu.memory_space<vmem>> -> memref<1x80x128xf32, #tpu.memory_space<vmem>>
        %dma_start3A_446 = tpu.memref_squeeze %dma_start3A_445 : memref<1x80x128xf32, #tpu.memory_space<vmem>> -> memref<80x128xf32, #tpu.memory_space<vmem>>
        %dma_start3A_447 = arith.constant 0 : i32
        %dma_start3A_448 = tpu.memref_slice %arg10[%run_scoped3A_433, %run_scoped3A_434, %dma_start3A_447] : memref<2x2x80xi32, #tpu.memory_space<vmem>> -> memref<1x1x80xi32, #tpu.memory_space<vmem>>
        %dma_start3A_449 = tpu.memref_squeeze %dma_start3A_448 : memref<1x1x80xi32, #tpu.memory_space<vmem>> -> memref<80xi32, #tpu.memory_space<vmem>>
        %dma_start3A_450 = arith.constant 0 : i32
        %dma_start3A_451 = arith.constant 0 : i32
        %dma_start3A_452 = tpu.memref_slice %arg6[%dma_start3A_450, %dma_start3A_451] : memref<10000x128xf32, #tpu.memory_space<vmem_shared>> -> memref<10000x128xf32, #tpu.memory_space<vmem_shared>>
        tpu.enqueue_indirect_dma source(%dma_start3A_446 : memref<80x128xf32, #tpu.memory_space<vmem>>) target(%dma_start3A_452 : memref<10000x128xf32, #tpu.memory_space<vmem_shared>>) offsets(%dma_start3A_449 : memref<80xi32, #tpu.memory_space<vmem>>) semaphore(%run_scoped3A_442 : memref<!tpu.dma_semaphore, #tpu.memory_space<semaphore_mem>>) {add = true}
        %dma_wait3A_453 = arith.constant 0 : i32
        %dma_wait3A_454 = arith.constant 0 : i32
        %dma_wait3A_455 = tpu.memref_slice %arg7[%run_scoped3A_432, %dma_wait3A_453, %dma_wait3A_454] : memref<2x80x128xf32, #tpu.memory_space<vmem>> -> memref<1x80x128xf32, #tpu.memory_space<vmem>>
        %dma_wait3A_456 = tpu.memref_squeeze %dma_wait3A_455 : memref<1x80x128xf32, #tpu.memory_space<vmem>> -> memref<80x128xf32, #tpu.memory_space<vmem>>
        %dma_wait3A_457 = arith.constant 0 : i32
        %dma_wait3A_458 = tpu.memref_slice %arg10[%run_scoped3A_433, %run_scoped3A_434, %dma_wait3A_457] : memref<2x2x80xi32, #tpu.memory_space<vmem>> -> memref<1x1x80xi32, #tpu.memory_space<vmem>>
        %dma_wait3A_459 = tpu.memref_squeeze %dma_wait3A_458 : memref<1x1x80xi32, #tpu.memory_space<vmem>> -> memref<80xi32, #tpu.memory_space<vmem>>
        %dma_wait3A_460 = arith.constant 0 : i32
        %dma_wait3A_461 = arith.constant 0 : i32
        %dma_wait3A_462 = tpu.memref_slice %arg6[%dma_wait3A_460, %dma_wait3A_461] : memref<10000x128xf32, #tpu.memory_space<vmem_shared>> -> memref<10000x128xf32, #tpu.memory_space<vmem_shared>>
        tpu.wait_indirect_dma semaphore(%run_scoped3A_442 : memref<!tpu.dma_semaphore, #tpu.memory_space<semaphore_mem>>) src(%dma_wait3A_456 : memref<80x128xf32, #tpu.memory_space<vmem>>) dst(%dma_wait3A_462 : memref<10000x128xf32, #tpu.memory_space<vmem_shared>>)
        tpu.yield
      }) : () -> ()
      %add3A_435 = arith.constant 2 : i32
      %add3A_436 = arith.addi %add3A_346, %add3A_435 : i32
      %lt3A_437 = arith.constant 125 : i32
      %lt3A_438 = arith.cmpi slt, %add3A_436, %lt3A_437 : i32
      %convert_element_type3A_439 = arith.extui %lt3A_438 : i1 to i32
      %cond3A_440 = arith.constant 0 : i32
      %cond3A_441 = arith.cmpi ne, %convert_element_type3A_439, %cond3A_440 : i32
      scf.if %cond3A_441 {
        %add3A_442 = arith.constant 2 : i32
        %add3A_443 = arith.addi %add3A_346, %add3A_442 : i32
        %dma_start3A_444 = arith.constant 1 : i32
        %dma_start3A_445 = arith.constant 0 : i32
        %dma_start3A_446 = arith.constant 0 : i32
        %dma_start3A_447 = tpu.memref_slice %arg10[%dma_start3A_444, %dma_start3A_445, %dma_start3A_446] : memref<2x2x80xi32, #tpu.memory_space<vmem>> -> memref<1x2x80xi32, #tpu.memory_space<vmem>>
        %dma_start3A_448 = tpu.memref_squeeze %dma_start3A_447 : memref<1x2x80xi32, #tpu.memory_space<vmem>> -> memref<2x80xi32, #tpu.memory_space<vmem>>
        %dma_start3A_449 = arith.constant 0 : i32
        %dma_start3A_450 = arith.constant 0 : i32
        %dma_start3A_451 = tpu.memref_slice %arg4[%add3A, %add3A_443, %dma_start3A_449, %dma_start3A_450] : memref<32x125x2x80xi32, #tpu.memory_space<hbm>> -> memref<1x1x2x80xi32, #tpu.memory_space<hbm>>
        %dma_start3A_452 = tpu.memref_squeeze %dma_start3A_451 : memref<1x1x2x80xi32, #tpu.memory_space<hbm>> -> memref<2x80xi32, #tpu.memory_space<hbm>>
        %dma_start3A_453 = arith.constant 0 : i32
        %dma_start3A_454 = arith.constant 0 : i32
        %dma_start3A_455 = tpu.memref_slice %arg10[%dma_start3A_444, %dma_start3A_453, %dma_start3A_454] : memref<2x2x80xi32, #tpu.memory_space<vmem>> -> memref<1x2x80xi32, #tpu.memory_space<vmem>>
        %dma_start3A_456 = tpu.memref_squeeze %dma_start3A_455 : memref<1x2x80xi32, #tpu.memory_space<vmem>> -> memref<2x80xi32, #tpu.memory_space<vmem>>
        %dma_start3A_457 = arith.constant 0 : i32
        %dma_start3A_458 = arith.constant 0 : i32
        %dma_start3A_459 = tpu.memref_slice %arg4[%add3A, %add3A_443, %dma_start3A_457, %dma_start3A_458] : memref<32x125x2x80xi32, #tpu.memory_space<hbm>> -> memref<1x1x2x80xi32, #tpu.memory_space<hbm>>
        %dma_start3A_460 = tpu.memref_squeeze %dma_start3A_459 : memref<1x1x2x80xi32, #tpu.memory_space<hbm>> -> memref<2x80xi32, #tpu.memory_space<hbm>>
        tpu.enqueue_dma source(%dma_start3A_460 : memref<2x80xi32, #tpu.memory_space<hbm>>) target(%dma_start3A_456 : memref<2x80xi32, #tpu.memory_space<vmem>>) target_semaphore(%arg16 : memref<!tpu.dma_semaphore, #tpu.memory_space<semaphore_mem>>)
      } else {
      }
    }
    %scan3A_199 = arith.constant 62 : i32
    %dma_wait3A_200 = arith.constant 0 : i32
    %dma_wait3A_201 = arith.constant 0 : i32
    %dma_wait3A_202 = arith.constant 0 : i32
    %dma_wait3A_203 = arith.constant 0 : i32
    %dma_wait3A_204 = arith.constant 0 : i32
    %dma_wait3A_205 = tpu.memref_slice %arg7[%dma_wait3A_202, %dma_wait3A_203, %dma_wait3A_204] : memref<2x80x128xf32, #tpu.memory_space<vmem>> -> memref<1x80x128xf32, #tpu.memory_space<vmem>>
    %dma_wait3A_206 = tpu.memref_squeeze %dma_wait3A_205 : memref<1x80x128xf32, #tpu.memory_space<vmem>> -> memref<80x128xf32, #tpu.memory_space<vmem>>
    %dma_wait3A_207 = arith.constant 0 : i32
    %dma_wait3A_208 = tpu.memref_slice %arg10[%dma_wait3A_200, %dma_wait3A_201, %dma_wait3A_207] : memref<2x2x80xi32, #tpu.memory_space<vmem>> -> memref<1x1x80xi32, #tpu.memory_space<vmem>>
    %dma_wait3A_209 = tpu.memref_squeeze %dma_wait3A_208 : memref<1x1x80xi32, #tpu.memory_space<vmem>> -> memref<80xi32, #tpu.memory_space<vmem>>
    %dma_wait3A_210 = arith.constant 0 : i32
    %dma_wait3A_211 = arith.constant 0 : i32
    %dma_wait3A_212 = tpu.memref_slice %arg3[%dma_wait3A_210, %dma_wait3A_211] : memref<10000x128xf32, #tpu.memory_space<hbm>> -> memref<10000x128xf32, #tpu.memory_space<hbm>>
    tpu.wait_indirect_dma semaphore(%arg11 : memref<!tpu.dma_semaphore, #tpu.memory_space<semaphore_mem>>) src(%dma_wait3A_212 : memref<10000x128xf32, #tpu.memory_space<hbm>>) dst(%dma_wait3A_206 : memref<80x128xf32, #tpu.memory_space<vmem>>)
    %add3A_213 = arith.constant 9920 : i32
    %add3A_214 = arith.addi %mul3A_2, %add3A_213 : i32
    %dma_wait3A_215 = arith.constant 0 : i32
    %dma_wait3A_216 = arith.constant 0 : i32
    %dma_wait3A_217 = arith.constant 0 : i32
    %dma_wait3A_218 = tpu.memref_slice %arg8[%dma_wait3A_215, %dma_wait3A_216, %dma_wait3A_217] : memref<2x80x128xf32, #tpu.memory_space<vmem>> -> memref<1x80x128xf32, #tpu.memory_space<vmem>>
    %dma_wait3A_219 = tpu.memref_squeeze %dma_wait3A_218 : memref<1x80x128xf32, #tpu.memory_space<vmem>> -> memref<80x128xf32, #tpu.memory_space<vmem>>
    %dma_wait3A_220 = arith.constant 0 : i32
    %dma_wait3A_221 = tpu.memref_slice %arg2[%add3A_214, %dma_wait3A_220] : memref<320000x128xf32, #tpu.memory_space<hbm>> -> memref<80x128xf32, #tpu.memory_space<hbm>>
    %dma_wait3A_222 = arith.constant 0 : i32
    %dma_wait3A_223 = arith.constant 0 : i32
    %dma_wait3A_224 = tpu.memref_slice %arg8[%dma_wait3A_215, %dma_wait3A_222, %dma_wait3A_223] : memref<2x80x128xf32, #tpu.memory_space<vmem>> -> memref<1x80x128xf32, #tpu.memory_space<vmem>>
    %dma_wait3A_225 = tpu.memref_squeeze %dma_wait3A_224 : memref<1x80x128xf32, #tpu.memory_space<vmem>> -> memref<80x128xf32, #tpu.memory_space<vmem>>
    %dma_wait3A_226 = arith.constant 0 : i32
    %dma_wait3A_227 = tpu.memref_slice %arg2[%add3A_214, %dma_wait3A_226] : memref<320000x128xf32, #tpu.memory_space<hbm>> -> memref<80x128xf32, #tpu.memory_space<hbm>>
    tpu.wait_dma2 semaphore(%arg13 : memref<!tpu.dma_semaphore, #tpu.memory_space<semaphore_mem>>) src(%dma_wait3A_227 : memref<80x128xf32, #tpu.memory_space<hbm>>) dst(%dma_wait3A_225 : memref<80x128xf32, #tpu.memory_space<vmem>>)
    %scan3A_228 = arith.constant 0 : i32
    %scan3A_229 = arith.constant 0 : i32
    %scan3A_230 = arith.constant 80 : i32
    %scan3A_231 = arith.addi %scan3A_229, %scan3A_230 : i32
    %scan3A_232 = arith.constant 1 : i32
    scf.for %scan3A_246 = %scan3A_229 to %scan3A_231 step %scan3A_232  : i32 {
      %get3A = arith.constant 0 : i32
      %get3A_247 = arith.index_cast %get3A : i32 to index
      %get3A_248 = arith.index_cast %scan3A_246 : i32 to index
      %get3A_249 = arith.constant 0 : index
      %get3A_250 = tpu.vector_load %arg7[%get3A_247, %get3A_248, %get3A_249] {strides = array<i32>} : memref<2x80x128xf32, #tpu.memory_space<vmem>>, vector<16xf32>,
      %get3A_251 = arith.constant 0 : i32
      %get3A_252 = arith.index_cast %get3A_251 : i32 to index
      %get3A_253 = arith.index_cast %scan3A_246 : i32 to index
      %get3A_254 = arith.constant 0 : index
      %get3A_255 = tpu.vector_load %arg8[%get3A_252, %get3A_253, %get3A_254] {strides = array<i32>} : memref<2x80x128xf32, #tpu.memory_space<vmem>>, vector<16xf32>,
      %mul3A_256 = arith.mulf %get3A_250, %get3A_255 : vector<16xf32>
      %swap3A = arith.constant 0 : i32
      %swap3A_257 = arith.index_cast %swap3A : i32 to index
      %swap3A_258 = arith.index_cast %scan3A_246 : i32 to index
      %swap3A_259 = arith.constant 0 : index
      %swap3A_260 = tpu.vector_load %arg7[%swap3A_257, %swap3A_258, %swap3A_259] {strides = array<i32>} : memref<2x80x128xf32, #tpu.memory_space<vmem>>, vector<16xf32>,
      tpu.vector_store %arg7[%swap3A_257, %swap3A_258, %swap3A_259], %mul3A_256 {strides = array<i32>} : memref<2x80x128xf32, #tpu.memory_space<vmem>>, vector<16xf32>,
      %get3A_261 = arith.constant 0 : i32
      %get3A_262 = arith.index_cast %get3A_261 : i32 to index
      %get3A_263 = arith.index_cast %scan3A_246 : i32 to index
      %get3A_264 = arith.constant 16 : index
      %get3A_265 = tpu.vector_load %arg7[%get3A_262, %get3A_263, %get3A_264] {strides = array<i32>} : memref<2x80x128xf32, #tpu.memory_space<vmem>>, vector<16xf32>,
      %get3A_266 = arith.constant 0 : i32
      %get3A_267 = arith.index_cast %get3A_266 : i32 to index
      %get3A_268 = arith.index_cast %scan3A_246 : i32 to index
      %get3A_269 = arith.constant 16 : index
      %get3A_270 = tpu.vector_load %arg8[%get3A_267, %get3A_268, %get3A_269] {strides = array<i32>} : memref<2x80x128xf32, #tpu.memory_space<vmem>>, vector<16xf32>,
      %mul3A_271 = arith.mulf %get3A_265, %get3A_270 : vector<16xf32>
      %swap3A_272 = arith.constant 0 : i32
      %swap3A_273 = arith.index_cast %swap3A_272 : i32 to index
      %swap3A_274 = arith.index_cast %scan3A_246 : i32 to index
      %swap3A_275 = arith.constant 16 : index
      %swap3A_276 = tpu.vector_load %arg7[%swap3A_273, %swap3A_274, %swap3A_275] {strides = array<i32>} : memref<2x80x128xf32, #tpu.memory_space<vmem>>, vector<16xf32>,
      tpu.vector_store %arg7[%swap3A_273, %swap3A_274, %swap3A_275], %mul3A_271 {strides = array<i32>} : memref<2x80x128xf32, #tpu.memory_space<vmem>>, vector<16xf32>,
      %get3A_277 = arith.constant 0 : i32
      %get3A_278 = arith.index_cast %get3A_277 : i32 to index
      %get3A_279 = arith.index_cast %scan3A_246 : i32 to index
      %get3A_280 = arith.constant 32 : index
      %get3A_281 = tpu.vector_load %arg7[%get3A_278, %get3A_279, %get3A_280] {strides = array<i32>} : memref<2x80x128xf32, #tpu.memory_space<vmem>>, vector<16xf32>,
      %get3A_282 = arith.constant 0 : i32
      %get3A_283 = arith.index_cast %get3A_282 : i32 to index
      %get3A_284 = arith.index_cast %scan3A_246 : i32 to index
      %get3A_285 = arith.constant 32 : index
      %get3A_286 = tpu.vector_load %arg8[%get3A_283, %get3A_284, %get3A_285] {strides = array<i32>} : memref<2x80x128xf32, #tpu.memory_space<vmem>>, vector<16xf32>,
      %mul3A_287 = arith.mulf %get3A_281, %get3A_286 : vector<16xf32>
      %swap3A_288 = arith.constant 0 : i32
      %swap3A_289 = arith.index_cast %swap3A_288 : i32 to index
      %swap3A_290 = arith.index_cast %scan3A_246 : i32 to index
      %swap3A_291 = arith.constant 32 : index
      %swap3A_292 = tpu.vector_load %arg7[%swap3A_289, %swap3A_290, %swap3A_291] {strides = array<i32>} : memref<2x80x128xf32, #tpu.memory_space<vmem>>, vector<16xf32>,
      tpu.vector_store %arg7[%swap3A_289, %swap3A_290, %swap3A_291], %mul3A_287 {strides = array<i32>} : memref<2x80x128xf32, #tpu.memory_space<vmem>>, vector<16xf32>,
      %get3A_293 = arith.constant 0 : i32
      %get3A_294 = arith.index_cast %get3A_293 : i32 to index
      %get3A_295 = arith.index_cast %scan3A_246 : i32 to index
      %get3A_296 = arith.constant 48 : index
      %get3A_297 = tpu.vector_load %arg7[%get3A_294, %get3A_295, %get3A_296] {strides = array<i32>} : memref<2x80x128xf32, #tpu.memory_space<vmem>>, vector<16xf32>,
      %get3A_298 = arith.constant 0 : i32
      %get3A_299 = arith.index_cast %get3A_298 : i32 to index
      %get3A_300 = arith.index_cast %scan3A_246 : i32 to index
      %get3A_301 = arith.constant 48 : index
      %get3A_302 = tpu.vector_load %arg8[%get3A_299, %get3A_300, %get3A_301] {strides = array<i32>} : memref<2x80x128xf32, #tpu.memory_space<vmem>>, vector<16xf32>,
      %mul3A_303 = arith.mulf %get3A_297, %get3A_302 : vector<16xf32>
      %swap3A_304 = arith.constant 0 : i32
      %swap3A_305 = arith.index_cast %swap3A_304 : i32 to index
      %swap3A_306 = arith.index_cast %scan3A_246 : i32 to index
      %swap3A_307 = arith.constant 48 : index
      %swap3A_308 = tpu.vector_load %arg7[%swap3A_305, %swap3A_306, %swap3A_307] {strides = array<i32>} : memref<2x80x128xf32, #tpu.memory_space<vmem>>, vector<16xf32>,
      tpu.vector_store %arg7[%swap3A_305, %swap3A_306, %swap3A_307], %mul3A_303 {strides = array<i32>} : memref<2x80x128xf32, #tpu.memory_space<vmem>>, vector<16xf32>,
      %get3A_309 = arith.constant 0 : i32
      %get3A_310 = arith.index_cast %get3A_309 : i32 to index
      %get3A_311 = arith.index_cast %scan3A_246 : i32 to index
      %get3A_312 = arith.constant 64 : index
      %get3A_313 = tpu.vector_load %arg7[%get3A_310, %get3A_311, %get3A_312] {strides = array<i32>} : memref<2x80x128xf32, #tpu.memory_space<vmem>>, vector<16xf32>,
      %get3A_314 = arith.constant 0 : i32
      %get3A_315 = arith.index_cast %get3A_314 : i32 to index
      %get3A_316 = arith.index_cast %scan3A_246 : i32 to index
      %get3A_317 = arith.constant 64 : index
      %get3A_318 = tpu.vector_load %arg8[%get3A_315, %get3A_316, %get3A_317] {strides = array<i32>} : memref<2x80x128xf32, #tpu.memory_space<vmem>>, vector<16xf32>,
      %mul3A_319 = arith.mulf %get3A_313, %get3A_318 : vector<16xf32>
      %swap3A_320 = arith.constant 0 : i32
      %swap3A_321 = arith.index_cast %swap3A_320 : i32 to index
      %swap3A_322 = arith.index_cast %scan3A_246 : i32 to index
      %swap3A_323 = arith.constant 64 : index
      %swap3A_324 = tpu.vector_load %arg7[%swap3A_321, %swap3A_322, %swap3A_323] {strides = array<i32>} : memref<2x80x128xf32, #tpu.memory_space<vmem>>, vector<16xf32>,
      tpu.vector_store %arg7[%swap3A_321, %swap3A_322, %swap3A_323], %mul3A_319 {strides = array<i32>} : memref<2x80x128xf32, #tpu.memory_space<vmem>>, vector<16xf32>,
      %get3A_325 = arith.constant 0 : i32
      %get3A_326 = arith.index_cast %get3A_325 : i32 to index
      %get3A_327 = arith.index_cast %scan3A_246 : i32 to index
      %get3A_328 = arith.constant 80 : index
      %get3A_329 = tpu.vector_load %arg7[%get3A_326, %get3A_327, %get3A_328] {strides = array<i32>} : memref<2x80x128xf32, #tpu.memory_space<vmem>>, vector<16xf32>,
      %get3A_330 = arith.constant 0 : i32
      %get3A_331 = arith.index_cast %get3A_330 : i32 to index
      %get3A_332 = arith.index_cast %scan3A_246 : i32 to index
      %get3A_333 = arith.constant 80 : index
      %get3A_334 = tpu.vector_load %arg8[%get3A_331, %get3A_332, %get3A_333] {strides = array<i32>} : memref<2x80x128xf32, #tpu.memory_space<vmem>>, vector<16xf32>,
      %mul3A_335 = arith.mulf %get3A_329, %get3A_334 : vector<16xf32>
      %swap3A_336 = arith.constant 0 : i32
      %swap3A_337 = arith.index_cast %swap3A_336 : i32 to index
      %swap3A_338 = arith.index_cast %scan3A_246 : i32 to index
      %swap3A_339 = arith.constant 80 : index
      %swap3A_340 = tpu.vector_load %arg7[%swap3A_337, %swap3A_338, %swap3A_339] {strides = array<i32>} : memref<2x80x128xf32, #tpu.memory_space<vmem>>, vector<16xf32>,
      tpu.vector_store %arg7[%swap3A_337, %swap3A_338, %swap3A_339], %mul3A_335 {strides = array<i32>} : memref<2x80x128xf32, #tpu.memory_space<vmem>>, vector<16xf32>,
      %get3A_341 = arith.constant 0 : i32
      %get3A_342 = arith.index_cast %get3A_341 : i32 to index
      %get3A_343 = arith.index_cast %scan3A_246 : i32 to index
      %get3A_344 = arith.constant 96 : index
      %get3A_345 = tpu.vector_load %arg7[%get3A_342, %get3A_343, %get3A_344] {strides = array<i32>} : memref<2x80x128xf32, #tpu.memory_space<vmem>>, vector<16xf32>,
      %get3A_346 = arith.constant 0 : i32
      %get3A_347 = arith.index_cast %get3A_346 : i32 to index
      %get3A_348 = arith.index_cast %scan3A_246 : i32 to index
      %get3A_349 = arith.constant 96 : index
      %get3A_350 = tpu.vector_load %arg8[%get3A_347, %get3A_348, %get3A_349] {strides = array<i32>} : memref<2x80x128xf32, #tpu.memory_space<vmem>>, vector<16xf32>,
      %mul3A_351 = arith.mulf %get3A_345, %get3A_350 : vector<16xf32>
      %swap3A_352 = arith.constant 0 : i32
      %swap3A_353 = arith.index_cast %swap3A_352 : i32 to index
      %swap3A_354 = arith.index_cast %scan3A_246 : i32 to index
      %swap3A_355 = arith.constant 96 : index
      %swap3A_356 = tpu.vector_load %arg7[%swap3A_353, %swap3A_354, %swap3A_355] {strides = array<i32>} : memref<2x80x128xf32, #tpu.memory_space<vmem>>, vector<16xf32>,
      tpu.vector_store %arg7[%swap3A_353, %swap3A_354, %swap3A_355], %mul3A_351 {strides = array<i32>} : memref<2x80x128xf32, #tpu.memory_space<vmem>>, vector<16xf32>,
      %get3A_357 = arith.constant 0 : i32
      %get3A_358 = arith.index_cast %get3A_357 : i32 to index
      %get3A_359 = arith.index_cast %scan3A_246 : i32 to index
      %get3A_360 = arith.constant 112 : index
      %get3A_361 = tpu.vector_load %arg7[%get3A_358, %get3A_359, %get3A_360] {strides = array<i32>} : memref<2x80x128xf32, #tpu.memory_space<vmem>>, vector<16xf32>,
      %get3A_362 = arith.constant 0 : i32
      %get3A_363 = arith.index_cast %get3A_362 : i32 to index
      %get3A_364 = arith.index_cast %scan3A_246 : i32 to index
      %get3A_365 = arith.constant 112 : index
      %get3A_366 = tpu.vector_load %arg8[%get3A_363, %get3A_364, %get3A_365] {strides = array<i32>} : memref<2x80x128xf32, #tpu.memory_space<vmem>>, vector<16xf32>,
      %mul3A_367 = arith.mulf %get3A_361, %get3A_366 : vector<16xf32>
      %swap3A_368 = arith.constant 0 : i32
      %swap3A_369 = arith.index_cast %swap3A_368 : i32 to index
      %swap3A_370 = arith.index_cast %scan3A_246 : i32 to index
      %swap3A_371 = arith.constant 112 : index
      %swap3A_372 = tpu.vector_load %arg7[%swap3A_369, %swap3A_370, %swap3A_371] {strides = array<i32>} : memref<2x80x128xf32, #tpu.memory_space<vmem>>, vector<16xf32>,
      tpu.vector_store %arg7[%swap3A_369, %swap3A_370, %swap3A_371], %mul3A_367 {strides = array<i32>} : memref<2x80x128xf32, #tpu.memory_space<vmem>>, vector<16xf32>,
    }
    %scan3A_233 = arith.constant 80 : i32
    %run_scoped3A = arith.constant 0 : i32
    %run_scoped3A_234 = arith.constant 0 : i32
    %run_scoped3A_235 = arith.constant 1 : i32
    "tpu.region"() ({
      %run_scoped3A_246 = tpu.sem_alloc : memref<!tpu.dma_semaphore, #tpu.memory_space<semaphore_mem>>
      %dma_start3A_247 = arith.constant 0 : i32
      %dma_start3A_248 = arith.constant 0 : i32
      %dma_start3A_249 = tpu.memref_slice %arg7[%run_scoped3A, %dma_start3A_247, %dma_start3A_248] : memref<2x80x128xf32, #tpu.memory_space<vmem>> -> memref<1x80x128xf32, #tpu.memory_space<vmem>>
      %dma_start3A_250 = tpu.memref_squeeze %dma_start3A_249 : memref<1x80x128xf32, #tpu.memory_space<vmem>> -> memref<80x128xf32, #tpu.memory_space<vmem>>
      %dma_start3A_251 = arith.constant 0 : i32
      %dma_start3A_252 = tpu.memref_slice %arg10[%run_scoped3A_234, %run_scoped3A_235, %dma_start3A_251] : memref<2x2x80xi32, #tpu.memory_space<vmem>> -> memref<1x1x80xi32, #tpu.memory_space<vmem>>
      %dma_start3A_253 = tpu.memref_squeeze %dma_start3A_252 : memref<1x1x80xi32, #tpu.memory_space<vmem>> -> memref<80xi32, #tpu.memory_space<vmem>>
      %dma_start3A_254 = arith.constant 0 : i32
      %dma_start3A_255 = arith.constant 0 : i32
      %dma_start3A_256 = tpu.memref_slice %arg6[%dma_start3A_254, %dma_start3A_255] : memref<10000x128xf32, #tpu.memory_space<vmem_shared>> -> memref<10000x128xf32, #tpu.memory_space<vmem_shared>>
      tpu.enqueue_indirect_dma source(%dma_start3A_250 : memref<80x128xf32, #tpu.memory_space<vmem>>) target(%dma_start3A_256 : memref<10000x128xf32, #tpu.memory_space<vmem_shared>>) offsets(%dma_start3A_253 : memref<80xi32, #tpu.memory_space<vmem>>) semaphore(%run_scoped3A_246 : memref<!tpu.dma_semaphore, #tpu.memory_space<semaphore_mem>>) {add = true}
      %dma_wait3A_257 = arith.constant 0 : i32
      %dma_wait3A_258 = arith.constant 0 : i32
      %dma_wait3A_259 = tpu.memref_slice %arg7[%run_scoped3A, %dma_wait3A_257, %dma_wait3A_258] : memref<2x80x128xf32, #tpu.memory_space<vmem>> -> memref<1x80x128xf32, #tpu.memory_space<vmem>>
      %dma_wait3A_260 = tpu.memref_squeeze %dma_wait3A_259 : memref<1x80x128xf32, #tpu.memory_space<vmem>> -> memref<80x128xf32, #tpu.memory_space<vmem>>
      %dma_wait3A_261 = arith.constant 0 : i32
      %dma_wait3A_262 = tpu.memref_slice %arg10[%run_scoped3A_234, %run_scoped3A_235, %dma_wait3A_261] : memref<2x2x80xi32, #tpu.memory_space<vmem>> -> memref<1x1x80xi32, #tpu.memory_space<vmem>>
      %dma_wait3A_263 = tpu.memref_squeeze %dma_wait3A_262 : memref<1x1x80xi32, #tpu.memory_space<vmem>> -> memref<80xi32, #tpu.memory_space<vmem>>
      %dma_wait3A_264 = arith.constant 0 : i32
      %dma_wait3A_265 = arith.constant 0 : i32
      %dma_wait3A_266 = tpu.memref_slice %arg6[%dma_wait3A_264, %dma_wait3A_265] : memref<10000x128xf32, #tpu.memory_space<vmem_shared>> -> memref<10000x128xf32, #tpu.memory_space<vmem_shared>>
      tpu.wait_indirect_dma semaphore(%run_scoped3A_246 : memref<!tpu.dma_semaphore, #tpu.memory_space<semaphore_mem>>) src(%dma_wait3A_260 : memref<80x128xf32, #tpu.memory_space<vmem>>) dst(%dma_wait3A_266 : memref<10000x128xf32, #tpu.memory_space<vmem_shared>>)
      tpu.yield
    }) : () -> ()
    %barrier3A_236 = arith.constant 0 : index
    tpu.barrier barrier_id(%barrier3A_236)
    %mul3A_237 = arith.constant 624 : i32
    %mul3A_238 = arith.muli %arg1, %mul3A_237 : i32
    %mul3A_239 = arith.constant 624 : i32
    %mul3A_240 = arith.muli %arg1, %mul3A_239 : i32
    "tpu.region"() ({
      %run_scoped3A_246 = tpu.sem_alloc : memref<!tpu.dma_semaphore, #tpu.memory_space<semaphore_mem>>
      %dma_start3A_247 = arith.constant 0 : i32
      %dma_start3A_248 = tpu.memref_slice %arg5[%arg0, %mul3A_240, %dma_start3A_247] : memref<2x10000x128xf32, #tpu.memory_space<hbm>> -> memref<1x624x128xf32, #tpu.memory_space<hbm>>
      %dma_start3A_249 = tpu.memref_squeeze %dma_start3A_248 : memref<1x624x128xf32, #tpu.memory_space<hbm>> -> memref<624x128xf32, #tpu.memory_space<hbm>>
      %dma_start3A_250 = arith.constant 0 : i32
      %dma_start3A_251 = tpu.memref_slice %arg6[%mul3A_238, %dma_start3A_250] : memref<10000x128xf32, #tpu.memory_space<vmem_shared>> -> memref<624x128xf32, #tpu.memory_space<vmem_shared>>
      tpu.enqueue_dma source(%dma_start3A_251 : memref<624x128xf32, #tpu.memory_space<vmem_shared>>) target(%dma_start3A_249 : memref<624x128xf32, #tpu.memory_space<hbm>>) target_semaphore(%run_scoped3A_246 : memref<!tpu.dma_semaphore, #tpu.memory_space<semaphore_mem>>)
      %dma_wait3A_252 = arith.constant 0 : i32
      %dma_wait3A_253 = tpu.memref_slice %arg5[%arg0, %mul3A_240, %dma_wait3A_252] : memref<2x10000x128xf32, #tpu.memory_space<hbm>> -> memref<1x624x128xf32, #tpu.memory_space<hbm>>
      %dma_wait3A_254 = tpu.memref_squeeze %dma_wait3A_253 : memref<1x624x128xf32, #tpu.memory_space<hbm>> -> memref<624x128xf32, #tpu.memory_space<hbm>>
      %dma_wait3A_255 = arith.constant 0 : i32
      %dma_wait3A_256 = tpu.memref_slice %arg6[%mul3A_238, %dma_wait3A_255] : memref<10000x128xf32, #tpu.memory_space<vmem_shared>> -> memref<624x128xf32, #tpu.memory_space<vmem_shared>>
      tpu.wait_dma2 semaphore(%run_scoped3A_246 : memref<!tpu.dma_semaphore, #tpu.memory_space<semaphore_mem>>) src(%dma_wait3A_256 : memref<624x128xf32, #tpu.memory_space<vmem_shared>>) dst(%dma_wait3A_254 : memref<624x128xf32, #tpu.memory_space<hbm>>)
      tpu.yield
    }) : () -> ()
    %eq3A_241 = arith.constant 15 : i32
    %eq3A_242 = arith.cmpi eq, %arg1, %eq3A_241 : i32
    %convert_element_type3A_243 = arith.extui %eq3A_242 : i1 to i32
    %cond3A_244 = arith.constant 0 : i32
    %cond3A_245 = arith.cmpi ne, %convert_element_type3A_243, %cond3A_244 : i32
    scf.if %cond3A_245 {
      "tpu.region"() ({
        %run_scoped3A_246 = tpu.sem_alloc : memref<!tpu.dma_semaphore, #tpu.memory_space<semaphore_mem>>
        %dma_start3A_247 = arith.constant 9984 : i32
        %dma_start3A_248 = arith.constant 0 : i32
        %dma_start3A_249 = tpu.memref_slice %arg5[%arg0, %dma_start3A_247, %dma_start3A_248] : memref<2x10000x128xf32, #tpu.memory_space<hbm>> -> memref<1x16x128xf32, #tpu.memory_space<hbm>>
        %dma_start3A_250 = tpu.memref_squeeze %dma_start3A_249 : memref<1x16x128xf32, #tpu.memory_space<hbm>> -> memref<16x128xf32, #tpu.memory_space<hbm>>
        %dma_start3A_251 = arith.constant 9984 : i32
        %dma_start3A_252 = arith.constant 0 : i32
        %dma_start3A_253 = tpu.memref_slice %arg6[%dma_start3A_251, %dma_start3A_252] : memref<10000x128xf32, #tpu.memory_space<vmem_shared>> -> memref<16x128xf32, #tpu.memory_space<vmem_shared>>
        tpu.enqueue_dma source(%dma_start3A_253 : memref<16x128xf32, #tpu.memory_space<vmem_shared>>) target(%dma_start3A_250 : memref<16x128xf32, #tpu.memory_space<hbm>>) target_semaphore(%run_scoped3A_246 : memref<!tpu.dma_semaphore, #tpu.memory_space<semaphore_mem>>)
        %dma_wait3A_254 = arith.constant 9984 : i32
        %dma_wait3A_255 = arith.constant 0 : i32
        %dma_wait3A_256 = tpu.memref_slice %arg5[%arg0, %dma_wait3A_254, %dma_wait3A_255] : memref<2x10000x128xf32, #tpu.memory_space<hbm>> -> memref<1x16x128xf32, #tpu.memory_space<hbm>>
        %dma_wait3A_257 = tpu.memref_squeeze %dma_wait3A_256 : memref<1x16x128xf32, #tpu.memory_space<hbm>> -> memref<16x128xf32, #tpu.memory_space<hbm>>
        %dma_wait3A_258 = arith.constant 9984 : i32
        %dma_wait3A_259 = arith.constant 0 : i32
        %dma_wait3A_260 = tpu.memref_slice %arg6[%dma_wait3A_258, %dma_wait3A_259] : memref<10000x128xf32, #tpu.memory_space<vmem_shared>> -> memref<16x128xf32, #tpu.memory_space<vmem_shared>>
        tpu.wait_dma2 semaphore(%run_scoped3A_246 : memref<!tpu.dma_semaphore, #tpu.memory_space<semaphore_mem>>) src(%dma_wait3A_260 : memref<16x128xf32, #tpu.memory_space<vmem_shared>>) dst(%dma_wait3A_257 : memref<16x128xf32, #tpu.memory_space<hbm>>)
        tpu.yield
      }) : () -> ()
    } else {
    }
    return
  }
}

module attributes {stable_mosaic.version = 14 : i64} {
  func.func @_node_first_body(%arg0: i32, %arg1: memref<2000x1xi32, #tpu.memory_space<vmem>>, %arg2: memref<95x128xf32, #tpu.memory_space<vmem>>, %arg3: memref<128x128xf32, #tpu.memory_space<vmem>>, %arg4: memref<1x128xf32, #tpu.memory_space<vmem>>, %arg5: memref<128x128xf32, #tpu.memory_space<vmem>>, %arg6: memref<1x128xf32, #tpu.memory_space<vmem>>, %arg7: memref<2000x128xf32, #tpu.memory_space<vmem>>, %arg8: memref<2000x128xf32, #tpu.memory_space<vmem>>, %arg9: memref<2000x128xf32, #tpu.memory_space<vmem>>) attributes {dimension_semantics = [#tpu.dimension_semantics<arbitrary>], iteration_bounds = array<i64: 5>, scalar_prefetch = 0 : i64, scratch_operands = 0 : i64, tpu.core_type = #tpu.core_type<tc>, window_params = [{transform_indices = @transform_0, window_bounds = array<i64: 2000, 1>}, {pipeline_mode = #tpu.pipeline_mode<synchronous>, transform_indices = @transform_1, window_bounds = array<i64: 95, 128>}, {pipeline_mode = #tpu.pipeline_mode<synchronous>, transform_indices = @transform_2, window_bounds = array<i64: 128, 128>}, {pipeline_mode = #tpu.pipeline_mode<synchronous>, transform_indices = @transform_3, window_bounds = array<i64: 1, 128>}, {pipeline_mode = #tpu.pipeline_mode<synchronous>, transform_indices = @transform_4, window_bounds = array<i64: 128, 128>}, {pipeline_mode = #tpu.pipeline_mode<synchronous>, transform_indices = @transform_5, window_bounds = array<i64: 1, 128>}, {transform_indices = @transform_6, window_bounds = array<i64: 2000, 128>}, {transform_indices = @transform_7, window_bounds = array<i64: 2000, 128>}, {transform_indices = @transform_8, window_bounds = array<i64: 2000, 128>}]} {
    %get3A = arith.constant 0 : index
    %get3A_0 = arith.constant 0 : index
    %get3A_1 = vector.load %arg1[%get3A, %get3A_0] : memref<2000x1xi32, #tpu.memory_space<vmem>>, vector<2000x1xi32>
    %iota3A = tpu.iota {dimensions = array<i32: 1>} : vector<2000x95xi32>
    %eq3A = vector.broadcast %get3A_1 : vector<2000x1xi32> to vector<2000x95xi32>
    %eq3A_2 = arith.cmpi eq, %eq3A, %iota3A : vector<2000x95xi32>
    %convert_element_type3A = arith.extui %eq3A_2 : vector<2000x95xi1> to vector<2000x95xi32>
    %convert_element_type3A_3 = arith.sitofp %convert_element_type3A : vector<2000x95xi32> to vector<2000x95xf32>
    %get3A_4 = arith.constant 0 : index
    %get3A_5 = arith.constant 0 : index
    %get3A_6 = vector.load %arg2[%get3A_4, %get3A_5] : memref<95x128xf32, #tpu.memory_space<vmem>>, vector<95x128xf32>
    %dot_general3A = arith.constant dense<0.000000e+00> : vector<2000x128xf32>
    %dot_general3A_7 = tpu.matmul %convert_element_type3A_3, %get3A_6, %dot_general3A {dimension_numbers = #tpu.dot_dimension_numbers<[1], [0], [0], [1], [0, 0, 1, 1], [], []>, transpose_lhs_hint = false} : vector<2000x95xf32>, vector<95x128xf32>, vector<2000x128xf32> -> vector<2000x128xf32>
    %max3A = arith.constant 0.000000e+00 : f32
    %max3A_8 = vector.broadcast %max3A : f32 to vector<2000x128xf32>
    %max3A_9 = arith.maximumf %dot_general3A_7, %max3A_8 : vector<2000x128xf32>
    %abs3A = math.absf %dot_general3A_7 : vector<2000x128xf32>
    %neg3A = arith.constant 0.000000e+00 : f32
    %neg3A_10 = vector.broadcast %neg3A : f32 to vector<2000x128xf32>
    %neg3A_11 = arith.subf %neg3A_10, %abs3A : vector<2000x128xf32>
    %exp3A = math.exp %neg3A_11 : vector<2000x128xf32>
    %log1p3A = math.log1p %exp3A : vector<2000x128xf32>
    %add3A = arith.addf %max3A_9, %log1p3A : vector<2000x128xf32>
    %sub3A = arith.constant 0.693147182 : f32
    %sub3A_12 = vector.broadcast %sub3A : f32 to vector<2000x128xf32>
    %sub3A_13 = arith.subf %add3A, %sub3A_12 : vector<2000x128xf32>
    %swap3A = arith.constant 0 : index
    %swap3A_14 = arith.constant 0 : index
    %swap3A_15 = vector.load %arg7[%swap3A, %swap3A_14] : memref<2000x128xf32, #tpu.memory_space<vmem>>, vector<2000x128xf32>
    tpu.vector_store %arg7[%swap3A, %swap3A_14], %dot_general3A_7 {strides = array<i32>} : memref<2000x128xf32, #tpu.memory_space<vmem>>, vector<2000x128xf32>,
    %get3A_16 = arith.constant 0 : index
    %get3A_17 = arith.constant 0 : index
    %get3A_18 = vector.load %arg3[%get3A_16, %get3A_17] : memref<128x128xf32, #tpu.memory_space<vmem>>, vector<128x128xf32>
    %dot_general3A_19 = arith.constant dense<0.000000e+00> : vector<2000x128xf32>
    %dot_general3A_20 = tpu.matmul %sub3A_13, %get3A_18, %dot_general3A_19 {dimension_numbers = #tpu.dot_dimension_numbers<[1], [0], [0], [1], [0, 0, 1, 1], [], []>, transpose_lhs_hint = false} : vector<2000x128xf32>, vector<128x128xf32>, vector<2000x128xf32> -> vector<2000x128xf32>
    %get3A_21 = arith.constant 0 : index
    %get3A_22 = arith.constant 0 : index
    %get3A_23 = vector.load %arg4[%get3A_21, %get3A_22] : memref<1x128xf32, #tpu.memory_space<vmem>>, vector<1x128xf32>
    %add3A_24 = vector.broadcast %get3A_23 : vector<1x128xf32> to vector<2000x128xf32>
    %add3A_25 = arith.addf %dot_general3A_20, %add3A_24 : vector<2000x128xf32>
    %max3A_26 = arith.constant 0.000000e+00 : f32
    %max3A_27 = vector.broadcast %max3A_26 : f32 to vector<2000x128xf32>
    %max3A_28 = arith.maximumf %add3A_25, %max3A_27 : vector<2000x128xf32>
    %abs3A_29 = math.absf %add3A_25 : vector<2000x128xf32>
    %neg3A_30 = arith.constant 0.000000e+00 : f32
    %neg3A_31 = vector.broadcast %neg3A_30 : f32 to vector<2000x128xf32>
    %neg3A_32 = arith.subf %neg3A_31, %abs3A_29 : vector<2000x128xf32>
    %exp3A_33 = math.exp %neg3A_32 : vector<2000x128xf32>
    %log1p3A_34 = math.log1p %exp3A_33 : vector<2000x128xf32>
    %add3A_35 = arith.addf %max3A_28, %log1p3A_34 : vector<2000x128xf32>
    %sub3A_36 = arith.constant 0.693147182 : f32
    %sub3A_37 = vector.broadcast %sub3A_36 : f32 to vector<2000x128xf32>
    %sub3A_38 = arith.subf %add3A_35, %sub3A_37 : vector<2000x128xf32>
    %swap3A_39 = arith.constant 0 : index
    %swap3A_40 = arith.constant 0 : index
    %swap3A_41 = vector.load %arg8[%swap3A_39, %swap3A_40] : memref<2000x128xf32, #tpu.memory_space<vmem>>, vector<2000x128xf32>
    tpu.vector_store %arg8[%swap3A_39, %swap3A_40], %sub3A_38 {strides = array<i32>} : memref<2000x128xf32, #tpu.memory_space<vmem>>, vector<2000x128xf32>,
    %get3A_42 = arith.constant 0 : index
    %get3A_43 = arith.constant 0 : index
    %get3A_44 = vector.load %arg5[%get3A_42, %get3A_43] : memref<128x128xf32, #tpu.memory_space<vmem>>, vector<128x128xf32>
    %dot_general3A_45 = arith.constant dense<0.000000e+00> : vector<2000x128xf32>
    %dot_general3A_46 = tpu.matmul %sub3A_13, %get3A_44, %dot_general3A_45 {dimension_numbers = #tpu.dot_dimension_numbers<[1], [0], [0], [1], [0, 0, 1, 1], [], []>, transpose_lhs_hint = false} : vector<2000x128xf32>, vector<128x128xf32>, vector<2000x128xf32> -> vector<2000x128xf32>
    %get3A_47 = arith.constant 0 : index
    %get3A_48 = arith.constant 0 : index
    %get3A_49 = vector.load %arg6[%get3A_47, %get3A_48] : memref<1x128xf32, #tpu.memory_space<vmem>>, vector<1x128xf32>
    %add3A_50 = vector.broadcast %get3A_49 : vector<1x128xf32> to vector<2000x128xf32>
    %add3A_51 = arith.addf %dot_general3A_46, %add3A_50 : vector<2000x128xf32>
    %max3A_52 = arith.constant 0.000000e+00 : f32
    %max3A_53 = vector.broadcast %max3A_52 : f32 to vector<2000x128xf32>
    %max3A_54 = arith.maximumf %add3A_51, %max3A_53 : vector<2000x128xf32>
    %abs3A_55 = math.absf %add3A_51 : vector<2000x128xf32>
    %neg3A_56 = arith.constant 0.000000e+00 : f32
    %neg3A_57 = vector.broadcast %neg3A_56 : f32 to vector<2000x128xf32>
    %neg3A_58 = arith.subf %neg3A_57, %abs3A_55 : vector<2000x128xf32>
    %exp3A_59 = math.exp %neg3A_58 : vector<2000x128xf32>
    %log1p3A_60 = math.log1p %exp3A_59 : vector<2000x128xf32>
    %add3A_61 = arith.addf %max3A_54, %log1p3A_60 : vector<2000x128xf32>
    %sub3A_62 = arith.constant 0.693147182 : f32
    %sub3A_63 = vector.broadcast %sub3A_62 : f32 to vector<2000x128xf32>
    %sub3A_64 = arith.subf %add3A_61, %sub3A_63 : vector<2000x128xf32>
    %swap3A_65 = arith.constant 0 : index
    %swap3A_66 = arith.constant 0 : index
    %swap3A_67 = vector.load %arg9[%swap3A_65, %swap3A_66] : memref<2000x128xf32, #tpu.memory_space<vmem>>, vector<2000x128xf32>
    tpu.vector_store %arg9[%swap3A_65, %swap3A_66], %sub3A_64 {strides = array<i32>} : memref<2000x128xf32, #tpu.memory_space<vmem>>, vector<2000x128xf32>,
    return
  }
  func.func @transform_0(%arg0: i32) -> (i32, i32) {
    %c0_i32 = arith.constant 0 : i32
    %c0_i32_0 = arith.constant 0 : i32
    return %arg0, %c0_i32 : i32, i32
  }
  func.func @transform_1(%arg0: i32) -> (i32, i32) {
    %c0_i32 = arith.constant 0 : i32
    %c0_i32_0 = arith.constant 0 : i32
    %c0_i32_1 = arith.constant 0 : i32
    return %c0_i32, %c0_i32_0 : i32, i32
  }
  func.func @transform_2(%arg0: i32) -> (i32, i32) {
    %c0_i32 = arith.constant 0 : i32
    %c0_i32_0 = arith.constant 0 : i32
    %c0_i32_1 = arith.constant 0 : i32
    return %c0_i32, %c0_i32_0 : i32, i32
  }
  func.func @transform_3(%arg0: i32) -> (i32, i32) {
    %c0_i32 = arith.constant 0 : i32
    %c0_i32_0 = arith.constant 0 : i32
    %c0_i32_1 = arith.constant 0 : i32
    return %c0_i32, %c0_i32_0 : i32, i32
  }
  func.func @transform_4(%arg0: i32) -> (i32, i32) {
    %c0_i32 = arith.constant 0 : i32
    %c0_i32_0 = arith.constant 0 : i32
    %c0_i32_1 = arith.constant 0 : i32
    return %c0_i32, %c0_i32_0 : i32, i32
  }
  func.func @transform_5(%arg0: i32) -> (i32, i32) {
    %c0_i32 = arith.constant 0 : i32
    %c0_i32_0 = arith.constant 0 : i32
    %c0_i32_1 = arith.constant 0 : i32
    return %c0_i32, %c0_i32_0 : i32, i32
  }
  func.func @transform_6(%arg0: i32) -> (i32, i32) {
    %c0_i32 = arith.constant 0 : i32
    %c0_i32_0 = arith.constant 0 : i32
    return %arg0, %c0_i32 : i32, i32
  }
  func.func @transform_7(%arg0: i32) -> (i32, i32) {
    %c0_i32 = arith.constant 0 : i32
    %c0_i32_0 = arith.constant 0 : i32
    return %arg0, %c0_i32 : i32, i32
  }
  func.func @transform_8(%arg0: i32) -> (i32, i32) {
    %c0_i32 = arith.constant 0 : i32
    %c0_i32_0 = arith.constant 0 : i32
    return %arg0, %c0_i32 : i32, i32
  }
}

module attributes {stable_mosaic.version = 14 : i64} {
  func.func @_edge_g_body(%arg0: i32, %arg1: memref<5000x1xf32, #tpu.memory_space<vmem>>, %arg2: memref<1x64xf32, #tpu.memory_space<vmem>>, %arg3: memref<1x64xf32, #tpu.memory_space<vmem>>, %arg4: memref<64x128xf32, #tpu.memory_space<vmem>>, %arg5: memref<64x128xf32, #tpu.memory_space<vmem>>, %arg6: memref<5000x128xf32, #tpu.memory_space<vmem>>, %arg7: memref<5000x128xf32, #tpu.memory_space<vmem>>) attributes {dimension_semantics = [#tpu.dimension_semantics<arbitrary>], iteration_bounds = array<i64: 64>, scalar_prefetch = 0 : i64, scratch_operands = 0 : i64, tpu.core_type = #tpu.core_type<tc>, window_params = [{transform_indices = @transform_0, window_bounds = array<i64: 5000, 1>}, {pipeline_mode = #tpu.pipeline_mode<synchronous>, transform_indices = @transform_1, window_bounds = array<i64: 1, 64>}, {pipeline_mode = #tpu.pipeline_mode<synchronous>, transform_indices = @transform_2, window_bounds = array<i64: 1, 64>}, {pipeline_mode = #tpu.pipeline_mode<synchronous>, transform_indices = @transform_3, window_bounds = array<i64: 64, 128>}, {pipeline_mode = #tpu.pipeline_mode<synchronous>, transform_indices = @transform_4, window_bounds = array<i64: 64, 128>}, {transform_indices = @transform_5, window_bounds = array<i64: 5000, 128>}, {transform_indices = @transform_6, window_bounds = array<i64: 5000, 128>}]} {
    %get3A = arith.constant 0 : index
    %get3A_0 = arith.constant 0 : index
    %get3A_1 = vector.load %arg1[%get3A, %get3A_0] : memref<5000x1xf32, #tpu.memory_space<vmem>>, vector<5000x1xf32>
    %sqrt3A = math.sqrt %get3A_1 : vector<5000x1xf32>
    %mul3A = arith.constant 1.000000e-01 : f32
    %mul3A_2 = vector.broadcast %mul3A : f32 to vector<5000x1xf32>
    %mul3A_3 = arith.mulf %sqrt3A, %mul3A_2 : vector<5000x1xf32>
    %integer_pow3A = arith.mulf %mul3A_3, %mul3A_3 : vector<5000x1xf32>
    %integer_pow3A_4 = arith.mulf %integer_pow3A, %integer_pow3A : vector<5000x1xf32>
    %integer_pow3A_5 = arith.mulf %mul3A_3, %integer_pow3A_4 : vector<5000x1xf32>
    %mul3A_6 = arith.constant 6.000000e+00 : f32
    %mul3A_7 = vector.broadcast %mul3A_6 : f32 to vector<5000x1xf32>
    %mul3A_8 = arith.mulf %mul3A_7, %integer_pow3A_5 : vector<5000x1xf32>
    %sub3A = arith.constant 1.000000e+00 : f32
    %sub3A_9 = vector.broadcast %sub3A : f32 to vector<5000x1xf32>
    %sub3A_10 = arith.subf %sub3A_9, %mul3A_8 : vector<5000x1xf32>
    %integer_pow3A_11 = arith.mulf %mul3A_3, %mul3A_3 : vector<5000x1xf32>
    %integer_pow3A_12 = arith.mulf %integer_pow3A_11, %integer_pow3A_11 : vector<5000x1xf32>
    %mul3A_13 = arith.constant 1.500000e+01 : f32
    %mul3A_14 = vector.broadcast %mul3A_13 : f32 to vector<5000x1xf32>
    %mul3A_15 = arith.mulf %mul3A_14, %integer_pow3A_12 : vector<5000x1xf32>
    %add3A = arith.addf %sub3A_10, %mul3A_15 : vector<5000x1xf32>
    %integer_pow3A_16 = arith.mulf %mul3A_3, %mul3A_3 : vector<5000x1xf32>
    %integer_pow3A_17 = arith.mulf %mul3A_3, %integer_pow3A_16 : vector<5000x1xf32>
    %mul3A_18 = arith.constant 1.000000e+01 : f32
    %mul3A_19 = vector.broadcast %mul3A_18 : f32 to vector<5000x1xf32>
    %mul3A_20 = arith.mulf %mul3A_19, %integer_pow3A_17 : vector<5000x1xf32>
    %sub3A_21 = arith.subf %add3A, %mul3A_20 : vector<5000x1xf32>
    %lt3A = arith.constant 1.000000e+01 : f32
    %lt3A_22 = vector.broadcast %lt3A : f32 to vector<5000x1xf32>
    %lt3A_23 = arith.cmpf olt, %sqrt3A, %lt3A_22 : vector<5000x1xf32>
    %jit3A = arith.constant 0.000000e+00 : f32
    %broadcast_in_dim3A = vector.broadcast %jit3A : f32 to vector<5000x1xf32>
    %select_n3A = arith.select %lt3A_23, %sub3A_21, %broadcast_in_dim3A : vector<5000x1xi1>, vector<5000x1xf32>
    %neg3A = arith.constant 0.000000e+00 : f32
    %neg3A_24 = vector.broadcast %neg3A : f32 to vector<5000x1xf32>
    %neg3A_25 = arith.subf %neg3A_24, %sqrt3A : vector<5000x1xf32>
    %exp3A = math.exp %neg3A_25 : vector<5000x1xf32>
    %get3A_26 = arith.constant 0 : index
    %get3A_27 = arith.constant 0 : index
    %get3A_28 = vector.load %arg2[%get3A_26, %get3A_27] : memref<1x64xf32, #tpu.memory_space<vmem>>, vector<1x64xf32>
    %get3A_29 = arith.constant 0 : index
    %get3A_30 = arith.constant 0 : index
    %get3A_31 = vector.load %arg3[%get3A_29, %get3A_30] : memref<1x64xf32, #tpu.memory_space<vmem>>, vector<1x64xf32>
    %neg3A_32 = arith.constant 0.000000e+00 : f32
    %neg3A_33 = vector.broadcast %neg3A_32 : f32 to vector<1x64xf32>
    %neg3A_34 = arith.subf %neg3A_33, %get3A_31 : vector<1x64xf32>
    %sub3A_35 = vector.broadcast %exp3A : vector<5000x1xf32> to vector<5000x64xf32>
    %sub3A_36 = vector.broadcast %get3A_28 : vector<1x64xf32> to vector<5000x64xf32>
    %sub3A_37 = arith.subf %sub3A_35, %sub3A_36 : vector<5000x64xf32>
    %integer_pow3A_38 = arith.mulf %sub3A_37, %sub3A_37 : vector<5000x64xf32>
    %mul3A_39 = vector.broadcast %neg3A_34 : vector<1x64xf32> to vector<5000x64xf32>
    %mul3A_40 = arith.mulf %mul3A_39, %integer_pow3A_38 : vector<5000x64xf32>
    %exp3A_41 = math.exp %mul3A_40 : vector<5000x64xf32>
    %mul3A_42 = vector.broadcast %select_n3A : vector<5000x1xf32> to vector<5000x64xf32>
    %mul3A_43 = arith.mulf %mul3A_42, %exp3A_41 : vector<5000x64xf32>
    %get3A_44 = arith.constant 0 : index
    %get3A_45 = arith.constant 0 : index
    %get3A_46 = vector.load %arg4[%get3A_44, %get3A_45] : memref<64x128xf32, #tpu.memory_space<vmem>>, vector<64x128xf32>
    %dot_general3A = arith.constant dense<0.000000e+00> : vector<5000x128xf32>
    %dot_general3A_47 = tpu.matmul %mul3A_43, %get3A_46, %dot_general3A {dimension_numbers = #tpu.dot_dimension_numbers<[1], [0], [0], [1], [0, 0, 1, 1], [], []>, transpose_lhs_hint = false} : vector<5000x64xf32>, vector<64x128xf32>, vector<5000x128xf32> -> vector<5000x128xf32>
    %swap3A = arith.constant 0 : index
    %swap3A_48 = arith.constant 0 : index
    %swap3A_49 = vector.load %arg6[%swap3A, %swap3A_48] : memref<5000x128xf32, #tpu.memory_space<vmem>>, vector<5000x128xf32>
    tpu.vector_store %arg6[%swap3A, %swap3A_48], %dot_general3A_47 {strides = array<i32>} : memref<5000x128xf32, #tpu.memory_space<vmem>>, vector<5000x128xf32>,
    %get3A_50 = arith.constant 0 : index
    %get3A_51 = arith.constant 0 : index
    %get3A_52 = vector.load %arg5[%get3A_50, %get3A_51] : memref<64x128xf32, #tpu.memory_space<vmem>>, vector<64x128xf32>
    %dot_general3A_53 = arith.constant dense<0.000000e+00> : vector<5000x128xf32>
    %dot_general3A_54 = tpu.matmul %mul3A_43, %get3A_52, %dot_general3A_53 {dimension_numbers = #tpu.dot_dimension_numbers<[1], [0], [0], [1], [0, 0, 1, 1], [], []>, transpose_lhs_hint = false} : vector<5000x64xf32>, vector<64x128xf32>, vector<5000x128xf32> -> vector<5000x128xf32>
    %swap3A_55 = arith.constant 0 : index
    %swap3A_56 = arith.constant 0 : index
    %swap3A_57 = vector.load %arg7[%swap3A_55, %swap3A_56] : memref<5000x128xf32, #tpu.memory_space<vmem>>, vector<5000x128xf32>
    tpu.vector_store %arg7[%swap3A_55, %swap3A_56], %dot_general3A_54 {strides = array<i32>} : memref<5000x128xf32, #tpu.memory_space<vmem>>, vector<5000x128xf32>,
    return
  }
  func.func @transform_0(%arg0: i32) -> (i32, i32) {
    %c0_i32 = arith.constant 0 : i32
    %c0_i32_0 = arith.constant 0 : i32
    return %arg0, %c0_i32 : i32, i32
  }
  func.func @transform_1(%arg0: i32) -> (i32, i32) {
    %c0_i32 = arith.constant 0 : i32
    %c0_i32_0 = arith.constant 0 : i32
    %c0_i32_1 = arith.constant 0 : i32
    return %c0_i32, %c0_i32_0 : i32, i32
  }
  func.func @transform_2(%arg0: i32) -> (i32, i32) {
    %c0_i32 = arith.constant 0 : i32
    %c0_i32_0 = arith.constant 0 : i32
    %c0_i32_1 = arith.constant 0 : i32
    return %c0_i32, %c0_i32_0 : i32, i32
  }
  func.func @transform_3(%arg0: i32) -> (i32, i32) {
    %c0_i32 = arith.constant 0 : i32
    %c0_i32_0 = arith.constant 0 : i32
    %c0_i32_1 = arith.constant 0 : i32
    return %c0_i32, %c0_i32_0 : i32, i32
  }
  func.func @transform_4(%arg0: i32) -> (i32, i32) {
    %c0_i32 = arith.constant 0 : i32
    %c0_i32_0 = arith.constant 0 : i32
    %c0_i32_1 = arith.constant 0 : i32
    return %c0_i32, %c0_i32_0 : i32, i32
  }
  func.func @transform_5(%arg0: i32) -> (i32, i32) {
    %c0_i32 = arith.constant 0 : i32
    %c0_i32_0 = arith.constant 0 : i32
    return %arg0, %c0_i32 : i32, i32
  }
  func.func @transform_6(%arg0: i32) -> (i32, i32) {
    %c0_i32 = arith.constant 0 : i32
    %c0_i32_0 = arith.constant 0 : i32
    return %arg0, %c0_i32 : i32, i32
  }
}

module attributes {stable_mosaic.version = 14 : i64} {
  func.func @_node_mid_body(%arg0: i32, %arg1: memref<2000x128xf32, #tpu.memory_space<vmem>>, %arg2: memref<2000x128xf32, #tpu.memory_space<vmem>>, %arg3: memref<1x2000x128xf32, #tpu.memory_space<vmem>>, %arg4: memref<1x2000x128xf32, #tpu.memory_space<vmem>>, %arg5: memref<128x128xf32, #tpu.memory_space<vmem>>, %arg6: memref<1x128xf32, #tpu.memory_space<vmem>>, %arg7: memref<128x128xf32, #tpu.memory_space<vmem>>, %arg8: memref<1x128xf32, #tpu.memory_space<vmem>>, %arg9: memref<1x128xf32, #tpu.memory_space<vmem>>, %arg10: memref<128x128xf32, #tpu.memory_space<vmem>>, %arg11: memref<1x128xf32, #tpu.memory_space<vmem>>, %arg12: memref<128x128xf32, #tpu.memory_space<vmem>>, %arg13: memref<1x128xf32, #tpu.memory_space<vmem>>, %arg14: memref<128x128xf32, #tpu.memory_space<vmem>>, %arg15: memref<1x128xf32, #tpu.memory_space<vmem>>, %arg16: memref<128x128xf32, #tpu.memory_space<vmem>>, %arg17: memref<1x128xf32, #tpu.memory_space<vmem>>, %arg18: memref<128x128xf32, #tpu.memory_space<vmem>>, %arg19: memref<1x128xf32, #tpu.memory_space<vmem>>, %arg20: memref<128x2xf32, #tpu.memory_space<vmem>>, %arg21: memref<1x2xf32, #tpu.memory_space<vmem>>, %arg22: memref<128x128xf32, #tpu.memory_space<vmem>>, %arg23: memref<1x128xf32, #tpu.memory_space<vmem>>, %arg24: memref<128x128xf32, #tpu.memory_space<vmem>>, %arg25: memref<1x128xf32, #tpu.memory_space<vmem>>, %arg26: memref<2000x128xf32, #tpu.memory_space<vmem>>, %arg27: memref<2000x2xf32, #tpu.memory_space<vmem>>, %arg28: memref<2000x128xf32, #tpu.memory_space<vmem>>, %arg29: memref<2000x128xf32, #tpu.memory_space<vmem>>) attributes {dimension_semantics = [#tpu.dimension_semantics<arbitrary>], iteration_bounds = array<i64: 5>, scalar_prefetch = 0 : i64, scratch_operands = 0 : i64, tpu.core_type = #tpu.core_type<tc>, window_params = [{transform_indices = @transform_0, window_bounds = array<i64: 2000, 128>}, {transform_indices = @transform_1, window_bounds = array<i64: 2000, 128>}, {transform_indices = @transform_2, window_bounds = array<i64: 1, 2000, 128>}, {transform_indices = @transform_3, window_bounds = array<i64: 1, 2000, 128>}, {pipeline_mode = #tpu.pipeline_mode<synchronous>, transform_indices = @transform_4, window_bounds = array<i64: 128, 128>}, {pipeline_mode = #tpu.pipeline_mode<synchronous>, transform_indices = @transform_5, window_bounds = array<i64: 1, 128>}, {pipeline_mode = #tpu.pipeline_mode<synchronous>, transform_indices = @transform_6, window_bounds = array<i64: 128, 128>}, {pipeline_mode = #tpu.pipeline_mode<synchronous>, transform_indices = @transform_7, window_bounds = array<i64: 1, 128>}, {pipeline_mode = #tpu.pipeline_mode<synchronous>, transform_indices = @transform_8, window_bounds = array<i64: 1, 128>}, {pipeline_mode = #tpu.pipeline_mode<synchronous>, transform_indices = @transform_9, window_bounds = array<i64: 128, 128>}, {pipeline_mode = #tpu.pipeline_mode<synchronous>, transform_indices = @transform_10, window_bounds = array<i64: 1, 128>}, {pipeline_mode = #tpu.pipeline_mode<synchronous>, transform_indices = @transform_11, window_bounds = array<i64: 128, 128>}, {pipeline_mode = #tpu.pipeline_mode<synchronous>, transform_indices = @transform_12, window_bounds = array<i64: 1, 128>}, {pipeline_mode = #tpu.pipeline_mode<synchronous>, transform_indices = @transform_13, window_bounds = array<i64: 128, 128>}, {pipeline_mode = #tpu.pipeline_mode<synchronous>, transform_indices = @transform_14, window_bounds = array<i64: 1, 128>}, {pipeline_mode = #tpu.pipeline_mode<synchronous>, transform_indices = @transform_15, window_bounds = array<i64: 128, 128>}, {pipeline_mode = #tpu.pipeline_mode<synchronous>, transform_indices = @transform_16, window_bounds = array<i64: 1, 128>}, {pipeline_mode = #tpu.pipeline_mode<synchronous>, transform_indices = @transform_17, window_bounds = array<i64: 128, 128>}, {pipeline_mode = #tpu.pipeline_mode<synchronous>, transform_indices = @transform_18, window_bounds = array<i64: 1, 128>}, {pipeline_mode = #tpu.pipeline_mode<synchronous>, transform_indices = @transform_19, window_bounds = array<i64: 128, 2>}, {pipeline_mode = #tpu.pipeline_mode<synchronous>, transform_indices = @transform_20, window_bounds = array<i64: 1, 2>}, {pipeline_mode = #tpu.pipeline_mode<synchronous>, transform_indices = @transform_21, window_bounds = array<i64: 128, 128>}, {pipeline_mode = #tpu.pipeline_mode<synchronous>, transform_indices = @transform_22, window_bounds = array<i64: 1, 128>}, {pipeline_mode = #tpu.pipeline_mode<synchronous>, transform_indices = @transform_23, window_bounds = array<i64: 128, 128>}, {pipeline_mode = #tpu.pipeline_mode<synchronous>, transform_indices = @transform_24, window_bounds = array<i64: 1, 128>}, {transform_indices = @transform_25, window_bounds = array<i64: 2000, 128>}, {transform_indices = @transform_26, window_bounds = array<i64: 2000, 2>}, {transform_indices = @transform_27, window_bounds = array<i64: 2000, 128>}, {transform_indices = @transform_28, window_bounds = array<i64: 2000, 128>}]} {
    %get3A = arith.constant 0 : index
    %get3A_0 = arith.constant 0 : index
    %get3A_1 = vector.load %arg5[%get3A, %get3A_0] : memref<128x128xf32, #tpu.memory_space<vmem>>, vector<128x128xf32>
    %get3A_2 = arith.constant 0 : index
    %get3A_3 = arith.constant 0 : index
    %get3A_4 = vector.load %arg6[%get3A_2, %get3A_3] : memref<1x128xf32, #tpu.memory_space<vmem>>, vector<1x128xf32>
    %get3A_5 = arith.constant 0 : index
    %get3A_6 = arith.constant 0 : index
    %get3A_7 = vector.load %arg7[%get3A_5, %get3A_6] : memref<128x128xf32, #tpu.memory_space<vmem>>, vector<128x128xf32>
    %get3A_8 = arith.constant 0 : index
    %get3A_9 = arith.constant 0 : index
    %get3A_10 = vector.load %arg8[%get3A_8, %get3A_9] : memref<1x128xf32, #tpu.memory_space<vmem>>, vector<1x128xf32>
    %get3A_11 = arith.constant 0 : index
    %get3A_12 = arith.constant 0 : index
    %get3A_13 = vector.load %arg9[%get3A_11, %get3A_12] : memref<1x128xf32, #tpu.memory_space<vmem>>, vector<1x128xf32>
    %get3A_14 = arith.constant 0 : index
    %get3A_15 = arith.constant 0 : index
    %get3A_16 = vector.load %arg10[%get3A_14, %get3A_15] : memref<128x128xf32, #tpu.memory_space<vmem>>, vector<128x128xf32>
    %get3A_17 = arith.constant 0 : index
    %get3A_18 = arith.constant 0 : index
    %get3A_19 = vector.load %arg11[%get3A_17, %get3A_18] : memref<1x128xf32, #tpu.memory_space<vmem>>, vector<1x128xf32>
    %get3A_20 = arith.constant 0 : index
    %get3A_21 = arith.constant 0 : index
    %get3A_22 = vector.load %arg12[%get3A_20, %get3A_21] : memref<128x128xf32, #tpu.memory_space<vmem>>, vector<128x128xf32>
    %get3A_23 = arith.constant 0 : index
    %get3A_24 = arith.constant 0 : index
    %get3A_25 = vector.load %arg13[%get3A_23, %get3A_24] : memref<1x128xf32, #tpu.memory_space<vmem>>, vector<1x128xf32>
    %get3A_26 = arith.constant 0 : index
    %get3A_27 = arith.constant 0 : index
    %get3A_28 = vector.load %arg14[%get3A_26, %get3A_27] : memref<128x128xf32, #tpu.memory_space<vmem>>, vector<128x128xf32>
    %get3A_29 = arith.constant 0 : index
    %get3A_30 = arith.constant 0 : index
    %get3A_31 = vector.load %arg15[%get3A_29, %get3A_30] : memref<1x128xf32, #tpu.memory_space<vmem>>, vector<1x128xf32>
    %get3A_32 = arith.constant 0 : index
    %get3A_33 = arith.constant 0 : index
    %get3A_34 = vector.load %arg16[%get3A_32, %get3A_33] : memref<128x128xf32, #tpu.memory_space<vmem>>, vector<128x128xf32>
    %get3A_35 = arith.constant 0 : index
    %get3A_36 = arith.constant 0 : index
    %get3A_37 = vector.load %arg17[%get3A_35, %get3A_36] : memref<1x128xf32, #tpu.memory_space<vmem>>, vector<1x128xf32>
    %get3A_38 = arith.constant 0 : index
    %get3A_39 = arith.constant 0 : index
    %get3A_40 = vector.load %arg18[%get3A_38, %get3A_39] : memref<128x128xf32, #tpu.memory_space<vmem>>, vector<128x128xf32>
    %get3A_41 = arith.constant 0 : index
    %get3A_42 = arith.constant 0 : index
    %get3A_43 = vector.load %arg19[%get3A_41, %get3A_42] : memref<1x128xf32, #tpu.memory_space<vmem>>, vector<1x128xf32>
    %get3A_44 = arith.constant 0 : index
    %get3A_45 = arith.constant 0 : index
    %get3A_46 = vector.load %arg20[%get3A_44, %get3A_45] : memref<128x2xf32, #tpu.memory_space<vmem>>, vector<128x2xf32>
    %get3A_47 = arith.constant 0 : index
    %get3A_48 = arith.constant 0 : index
    %get3A_49 = vector.load %arg21[%get3A_47, %get3A_48] : memref<1x2xf32, #tpu.memory_space<vmem>>, vector<1x2xf32>
    %get3A_50 = arith.constant 0 : index
    %get3A_51 = arith.constant 0 : index
    %get3A_52 = vector.load %arg2[%get3A_50, %get3A_51] : memref<2000x128xf32, #tpu.memory_space<vmem>>, vector<2000x128xf32>
    %get3A_53 = arith.constant 0 : index
    %get3A_54 = arith.constant 0 : index
    %get3A_55 = arith.constant 0 : index
    %get3A_56 = vector.load %arg3[%get3A_53, %get3A_54, %get3A_55] : memref<1x2000x128xf32, #tpu.memory_space<vmem>>, vector<1x2000x128xf32>
    %get3A_57 = vector.shape_cast %get3A_56 : vector<1x2000x128xf32> to vector<2000x128xf32>
    %add3A = arith.addf %get3A_52, %get3A_57 : vector<2000x128xf32>
    %get3A_58 = arith.constant 0 : index
    %get3A_59 = arith.constant 0 : index
    %get3A_60 = arith.constant 0 : index
    %get3A_61 = vector.load %arg4[%get3A_58, %get3A_59, %get3A_60] : memref<1x2000x128xf32, #tpu.memory_space<vmem>>, vector<1x2000x128xf32>
    %get3A_62 = vector.shape_cast %get3A_61 : vector<1x2000x128xf32> to vector<2000x128xf32>
    %add3A_63 = arith.addf %add3A, %get3A_62 : vector<2000x128xf32>
    %get3A_64 = arith.constant 0 : index
    %get3A_65 = arith.constant 0 : index
    %get3A_66 = vector.load %arg1[%get3A_64, %get3A_65] : memref<2000x128xf32, #tpu.memory_space<vmem>>, vector<2000x128xf32>
    %max3A = arith.constant 0.000000e+00 : f32
    %max3A_67 = vector.broadcast %max3A : f32 to vector<2000x128xf32>
    %max3A_68 = arith.maximumf %add3A_63, %max3A_67 : vector<2000x128xf32>
    %abs3A = math.absf %add3A_63 : vector<2000x128xf32>
    %neg3A = arith.constant 0.000000e+00 : f32
    %neg3A_69 = vector.broadcast %neg3A : f32 to vector<2000x128xf32>
    %neg3A_70 = arith.subf %neg3A_69, %abs3A : vector<2000x128xf32>
    %exp3A = math.exp %neg3A_70 : vector<2000x128xf32>
    %log1p3A = math.log1p %exp3A : vector<2000x128xf32>
    %add3A_71 = arith.addf %max3A_68, %log1p3A : vector<2000x128xf32>
    %sub3A = arith.constant 0.693147182 : f32
    %sub3A_72 = vector.broadcast %sub3A : f32 to vector<2000x128xf32>
    %sub3A_73 = arith.subf %add3A_71, %sub3A_72 : vector<2000x128xf32>
    %dot_general3A = arith.constant dense<0.000000e+00> : vector<2000x128xf32>
    %dot_general3A_74 = tpu.matmul %sub3A_73, %get3A_1, %dot_general3A {dimension_numbers = #tpu.dot_dimension_numbers<[1], [0], [0], [1], [0, 0, 1, 1], [], []>, transpose_lhs_hint = false} : vector<2000x128xf32>, vector<128x128xf32>, vector<2000x128xf32> -> vector<2000x128xf32>
    %add3A_75 = vector.broadcast %get3A_4 : vector<1x128xf32> to vector<2000x128xf32>
    %add3A_76 = arith.addf %dot_general3A_74, %add3A_75 : vector<2000x128xf32>
    %max3A_77 = arith.constant 0.000000e+00 : f32
    %max3A_78 = vector.broadcast %max3A_77 : f32 to vector<2000x128xf32>
    %max3A_79 = arith.maximumf %add3A_76, %max3A_78 : vector<2000x128xf32>
    %abs3A_80 = math.absf %add3A_76 : vector<2000x128xf32>
    %neg3A_81 = arith.constant 0.000000e+00 : f32
    %neg3A_82 = vector.broadcast %neg3A_81 : f32 to vector<2000x128xf32>
    %neg3A_83 = arith.subf %neg3A_82, %abs3A_80 : vector<2000x128xf32>
    %exp3A_84 = math.exp %neg3A_83 : vector<2000x128xf32>
    %log1p3A_85 = math.log1p %exp3A_84 : vector<2000x128xf32>
    %add3A_86 = arith.addf %max3A_79, %log1p3A_85 : vector<2000x128xf32>
    %sub3A_87 = arith.constant 0.693147182 : f32
    %sub3A_88 = vector.broadcast %sub3A_87 : f32 to vector<2000x128xf32>
    %sub3A_89 = arith.subf %add3A_86, %sub3A_88 : vector<2000x128xf32>
    %dot_general3A_90 = arith.constant dense<0.000000e+00> : vector<2000x128xf32>
    %dot_general3A_91 = tpu.matmul %sub3A_89, %get3A_7, %dot_general3A_90 {dimension_numbers = #tpu.dot_dimension_numbers<[1], [0], [0], [1], [0, 0, 1, 1], [], []>, transpose_lhs_hint = false} : vector<2000x128xf32>, vector<128x128xf32>, vector<2000x128xf32> -> vector<2000x128xf32>
    %add3A_92 = arith.addf %add3A_63, %dot_general3A_91 : vector<2000x128xf32>
    %add3A_93 = vector.broadcast %get3A_10 : vector<1x128xf32> to vector<2000x128xf32>
    %add3A_94 = arith.addf %add3A_92, %add3A_93 : vector<2000x128xf32>
    %mul3A = vector.broadcast %get3A_13 : vector<1x128xf32> to vector<2000x128xf32>
    %mul3A_95 = arith.mulf %mul3A, %get3A_66 : vector<2000x128xf32>
    %max3A_96 = arith.constant 0.000000e+00 : f32
    %max3A_97 = vector.broadcast %max3A_96 : f32 to vector<2000x128xf32>
    %max3A_98 = arith.maximumf %add3A_94, %max3A_97 : vector<2000x128xf32>
    %abs3A_99 = math.absf %add3A_94 : vector<2000x128xf32>
    %neg3A_100 = arith.constant 0.000000e+00 : f32
    %neg3A_101 = vector.broadcast %neg3A_100 : f32 to vector<2000x128xf32>
    %neg3A_102 = arith.subf %neg3A_101, %abs3A_99 : vector<2000x128xf32>
    %exp3A_103 = math.exp %neg3A_102 : vector<2000x128xf32>
    %log1p3A_104 = math.log1p %exp3A_103 : vector<2000x128xf32>
    %add3A_105 = arith.addf %max3A_98, %log1p3A_104 : vector<2000x128xf32>
    %sub3A_106 = arith.constant 0.693147182 : f32
    %sub3A_107 = vector.broadcast %sub3A_106 : f32 to vector<2000x128xf32>
    %sub3A_108 = arith.subf %add3A_105, %sub3A_107 : vector<2000x128xf32>
    %dot_general3A_109 = arith.constant dense<0.000000e+00> : vector<2000x128xf32>
    %dot_general3A_110 = tpu.matmul %sub3A_108, %get3A_16, %dot_general3A_109 {dimension_numbers = #tpu.dot_dimension_numbers<[1], [0], [0], [1], [0, 0, 1, 1], [], []>, transpose_lhs_hint = false} : vector<2000x128xf32>, vector<128x128xf32>, vector<2000x128xf32> -> vector<2000x128xf32>
    %add3A_111 = arith.addf %mul3A_95, %dot_general3A_110 : vector<2000x128xf32>
    %add3A_112 = vector.broadcast %get3A_19 : vector<1x128xf32> to vector<2000x128xf32>
    %add3A_113 = arith.addf %add3A_111, %add3A_112 : vector<2000x128xf32>
    %max3A_114 = arith.constant 0.000000e+00 : f32
    %max3A_115 = vector.broadcast %max3A_114 : f32 to vector<2000x128xf32>
    %max3A_116 = arith.maximumf %add3A_113, %max3A_115 : vector<2000x128xf32>
    %abs3A_117 = math.absf %add3A_113 : vector<2000x128xf32>
    %neg3A_118 = arith.constant 0.000000e+00 : f32
    %neg3A_119 = vector.broadcast %neg3A_118 : f32 to vector<2000x128xf32>
    %neg3A_120 = arith.subf %neg3A_119, %abs3A_117 : vector<2000x128xf32>
    %exp3A_121 = math.exp %neg3A_120 : vector<2000x128xf32>
    %log1p3A_122 = math.log1p %exp3A_121 : vector<2000x128xf32>
    %add3A_123 = arith.addf %max3A_116, %log1p3A_122 : vector<2000x128xf32>
    %sub3A_124 = arith.constant 0.693147182 : f32
    %sub3A_125 = vector.broadcast %sub3A_124 : f32 to vector<2000x128xf32>
    %sub3A_126 = arith.subf %add3A_123, %sub3A_125 : vector<2000x128xf32>
    %dot_general3A_127 = arith.constant dense<0.000000e+00> : vector<2000x128xf32>
    %dot_general3A_128 = tpu.matmul %sub3A_126, %get3A_22, %dot_general3A_127 {dimension_numbers = #tpu.dot_dimension_numbers<[1], [0], [0], [1], [0, 0, 1, 1], [], []>, transpose_lhs_hint = false} : vector<2000x128xf32>, vector<128x128xf32>, vector<2000x128xf32> -> vector<2000x128xf32>
    %add3A_129 = vector.broadcast %get3A_25 : vector<1x128xf32> to vector<2000x128xf32>
    %add3A_130 = arith.addf %dot_general3A_128, %add3A_129 : vector<2000x128xf32>
    %max3A_131 = arith.constant 0.000000e+00 : f32
    %max3A_132 = vector.broadcast %max3A_131 : f32 to vector<2000x128xf32>
    %max3A_133 = arith.maximumf %add3A_130, %max3A_132 : vector<2000x128xf32>
    %abs3A_134 = math.absf %add3A_130 : vector<2000x128xf32>
    %neg3A_135 = arith.constant 0.000000e+00 : f32
    %neg3A_136 = vector.broadcast %neg3A_135 : f32 to vector<2000x128xf32>
    %neg3A_137 = arith.subf %neg3A_136, %abs3A_134 : vector<2000x128xf32>
    %exp3A_138 = math.exp %neg3A_137 : vector<2000x128xf32>
    %log1p3A_139 = math.log1p %exp3A_138 : vector<2000x128xf32>
    %add3A_140 = arith.addf %max3A_133, %log1p3A_139 : vector<2000x128xf32>
    %sub3A_141 = arith.constant 0.693147182 : f32
    %sub3A_142 = vector.broadcast %sub3A_141 : f32 to vector<2000x128xf32>
    %sub3A_143 = arith.subf %add3A_140, %sub3A_142 : vector<2000x128xf32>
    %dot_general3A_144 = arith.constant dense<0.000000e+00> : vector<2000x128xf32>
    %dot_general3A_145 = tpu.matmul %sub3A_143, %get3A_28, %dot_general3A_144 {dimension_numbers = #tpu.dot_dimension_numbers<[1], [0], [0], [1], [0, 0, 1, 1], [], []>, transpose_lhs_hint = false} : vector<2000x128xf32>, vector<128x128xf32>, vector<2000x128xf32> -> vector<2000x128xf32>
    %add3A_146 = arith.addf %add3A_113, %dot_general3A_145 : vector<2000x128xf32>
    %add3A_147 = vector.broadcast %get3A_31 : vector<1x128xf32> to vector<2000x128xf32>
    %add3A_148 = arith.addf %add3A_146, %add3A_147 : vector<2000x128xf32>
    %max3A_149 = arith.constant 0.000000e+00 : f32
    %max3A_150 = vector.broadcast %max3A_149 : f32 to vector<2000x128xf32>
    %max3A_151 = arith.maximumf %add3A_148, %max3A_150 : vector<2000x128xf32>
    %abs3A_152 = math.absf %add3A_148 : vector<2000x128xf32>
    %neg3A_153 = arith.constant 0.000000e+00 : f32
    %neg3A_154 = vector.broadcast %neg3A_153 : f32 to vector<2000x128xf32>
    %neg3A_155 = arith.subf %neg3A_154, %abs3A_152 : vector<2000x128xf32>
    %exp3A_156 = math.exp %neg3A_155 : vector<2000x128xf32>
    %log1p3A_157 = math.log1p %exp3A_156 : vector<2000x128xf32>
    %add3A_158 = arith.addf %max3A_151, %log1p3A_157 : vector<2000x128xf32>
    %sub3A_159 = arith.constant 0.693147182 : f32
    %sub3A_160 = vector.broadcast %sub3A_159 : f32 to vector<2000x128xf32>
    %sub3A_161 = arith.subf %add3A_158, %sub3A_160 : vector<2000x128xf32>
    %dot_general3A_162 = arith.constant dense<0.000000e+00> : vector<2000x128xf32>
    %dot_general3A_163 = tpu.matmul %sub3A_161, %get3A_34, %dot_general3A_162 {dimension_numbers = #tpu.dot_dimension_numbers<[1], [0], [0], [1], [0, 0, 1, 1], [], []>, transpose_lhs_hint = false} : vector<2000x128xf32>, vector<128x128xf32>, vector<2000x128xf32> -> vector<2000x128xf32>
    %add3A_164 = vector.broadcast %get3A_37 : vector<1x128xf32> to vector<2000x128xf32>
    %add3A_165 = arith.addf %dot_general3A_163, %add3A_164 : vector<2000x128xf32>
    %max3A_166 = arith.constant 0.000000e+00 : f32
    %max3A_167 = vector.broadcast %max3A_166 : f32 to vector<2000x128xf32>
    %max3A_168 = arith.maximumf %add3A_165, %max3A_167 : vector<2000x128xf32>
    %abs3A_169 = math.absf %add3A_165 : vector<2000x128xf32>
    %neg3A_170 = arith.constant 0.000000e+00 : f32
    %neg3A_171 = vector.broadcast %neg3A_170 : f32 to vector<2000x128xf32>
    %neg3A_172 = arith.subf %neg3A_171, %abs3A_169 : vector<2000x128xf32>
    %exp3A_173 = math.exp %neg3A_172 : vector<2000x128xf32>
    %log1p3A_174 = math.log1p %exp3A_173 : vector<2000x128xf32>
    %add3A_175 = arith.addf %max3A_168, %log1p3A_174 : vector<2000x128xf32>
    %sub3A_176 = arith.constant 0.693147182 : f32
    %sub3A_177 = vector.broadcast %sub3A_176 : f32 to vector<2000x128xf32>
    %sub3A_178 = arith.subf %add3A_175, %sub3A_177 : vector<2000x128xf32>
    %dot_general3A_179 = arith.constant dense<0.000000e+00> : vector<2000x128xf32>
    %dot_general3A_180 = tpu.matmul %sub3A_178, %get3A_40, %dot_general3A_179 {dimension_numbers = #tpu.dot_dimension_numbers<[1], [0], [0], [1], [0, 0, 1, 1], [], []>, transpose_lhs_hint = false} : vector<2000x128xf32>, vector<128x128xf32>, vector<2000x128xf32> -> vector<2000x128xf32>
    %add3A_181 = arith.addf %add3A_148, %dot_general3A_180 : vector<2000x128xf32>
    %add3A_182 = vector.broadcast %get3A_43 : vector<1x128xf32> to vector<2000x128xf32>
    %add3A_183 = arith.addf %add3A_181, %add3A_182 : vector<2000x128xf32>
    %max3A_184 = arith.constant 0.000000e+00 : f32
    %max3A_185 = vector.broadcast %max3A_184 : f32 to vector<2000x128xf32>
    %max3A_186 = arith.maximumf %add3A_183, %max3A_185 : vector<2000x128xf32>
    %abs3A_187 = math.absf %add3A_183 : vector<2000x128xf32>
    %neg3A_188 = arith.constant 0.000000e+00 : f32
    %neg3A_189 = vector.broadcast %neg3A_188 : f32 to vector<2000x128xf32>
    %neg3A_190 = arith.subf %neg3A_189, %abs3A_187 : vector<2000x128xf32>
    %exp3A_191 = math.exp %neg3A_190 : vector<2000x128xf32>
    %log1p3A_192 = math.log1p %exp3A_191 : vector<2000x128xf32>
    %add3A_193 = arith.addf %max3A_186, %log1p3A_192 : vector<2000x128xf32>
    %sub3A_194 = arith.constant 0.693147182 : f32
    %sub3A_195 = vector.broadcast %sub3A_194 : f32 to vector<2000x128xf32>
    %sub3A_196 = arith.subf %add3A_193, %sub3A_195 : vector<2000x128xf32>
    %dot_general3A_197 = arith.constant dense<0.000000e+00> : vector<2000x2xf32>
    %dot_general3A_198 = tpu.matmul %sub3A_196, %get3A_46, %dot_general3A_197 {dimension_numbers = #tpu.dot_dimension_numbers<[1], [0], [0], [1], [0, 0, 1, 1], [], []>, transpose_lhs_hint = false} : vector<2000x128xf32>, vector<128x2xf32>, vector<2000x2xf32> -> vector<2000x2xf32>
    %add3A_199 = vector.broadcast %get3A_49 : vector<1x2xf32> to vector<2000x2xf32>
    %add3A_200 = arith.addf %dot_general3A_198, %add3A_199 : vector<2000x2xf32>
    %swap3A = arith.constant 0 : index
    %swap3A_201 = arith.constant 0 : index
    %swap3A_202 = vector.load %arg26[%swap3A, %swap3A_201] : memref<2000x128xf32, #tpu.memory_space<vmem>>, vector<2000x128xf32>
    tpu.vector_store %arg26[%swap3A, %swap3A_201], %add3A_148 {strides = array<i32>} : memref<2000x128xf32, #tpu.memory_space<vmem>>, vector<2000x128xf32>,
    %swap3A_203 = arith.constant 0 : index
    %swap3A_204 = arith.constant 0 : index
    %swap3A_205 = vector.load %arg27[%swap3A_203, %swap3A_204] : memref<2000x2xf32, #tpu.memory_space<vmem>>, vector<2000x2xf32>
    tpu.vector_store %arg27[%swap3A_203, %swap3A_204], %add3A_200 {strides = array<i32>} : memref<2000x2xf32, #tpu.memory_space<vmem>>, vector<2000x2xf32>,
    %max3A_206 = arith.constant 0.000000e+00 : f32
    %max3A_207 = vector.broadcast %max3A_206 : f32 to vector<2000x128xf32>
    %max3A_208 = arith.maximumf %add3A_148, %max3A_207 : vector<2000x128xf32>
    %abs3A_209 = math.absf %add3A_148 : vector<2000x128xf32>
    %neg3A_210 = arith.constant 0.000000e+00 : f32
    %neg3A_211 = vector.broadcast %neg3A_210 : f32 to vector<2000x128xf32>
    %neg3A_212 = arith.subf %neg3A_211, %abs3A_209 : vector<2000x128xf32>
    %exp3A_213 = math.exp %neg3A_212 : vector<2000x128xf32>
    %log1p3A_214 = math.log1p %exp3A_213 : vector<2000x128xf32>
    %add3A_215 = arith.addf %max3A_208, %log1p3A_214 : vector<2000x128xf32>
    %sub3A_216 = arith.constant 0.693147182 : f32
    %sub3A_217 = vector.broadcast %sub3A_216 : f32 to vector<2000x128xf32>
    %sub3A_218 = arith.subf %add3A_215, %sub3A_217 : vector<2000x128xf32>
    %get3A_219 = arith.constant 0 : index
    %get3A_220 = arith.constant 0 : index
    %get3A_221 = vector.load %arg22[%get3A_219, %get3A_220] : memref<128x128xf32, #tpu.memory_space<vmem>>, vector<128x128xf32>
    %dot_general3A_222 = arith.constant dense<0.000000e+00> : vector<2000x128xf32>
    %dot_general3A_223 = tpu.matmul %sub3A_218, %get3A_221, %dot_general3A_222 {dimension_numbers = #tpu.dot_dimension_numbers<[1], [0], [0], [1], [0, 0, 1, 1], [], []>, transpose_lhs_hint = false} : vector<2000x128xf32>, vector<128x128xf32>, vector<2000x128xf32> -> vector<2000x128xf32>
    %get3A_224 = arith.constant 0 : index
    %get3A_225 = arith.constant 0 : index
    %get3A_226 = vector.load %arg23[%get3A_224, %get3A_225] : memref<1x128xf32, #tpu.memory_space<vmem>>, vector<1x128xf32>
    %add3A_227 = vector.broadcast %get3A_226 : vector<1x128xf32> to vector<2000x128xf32>
    %add3A_228 = arith.addf %dot_general3A_223, %add3A_227 : vector<2000x128xf32>
    %max3A_229 = arith.constant 0.000000e+00 : f32
    %max3A_230 = vector.broadcast %max3A_229 : f32 to vector<2000x128xf32>
    %max3A_231 = arith.maximumf %add3A_228, %max3A_230 : vector<2000x128xf32>
    %abs3A_232 = math.absf %add3A_228 : vector<2000x128xf32>
    %neg3A_233 = arith.constant 0.000000e+00 : f32
    %neg3A_234 = vector.broadcast %neg3A_233 : f32 to vector<2000x128xf32>
    %neg3A_235 = arith.subf %neg3A_234, %abs3A_232 : vector<2000x128xf32>
    %exp3A_236 = math.exp %neg3A_235 : vector<2000x128xf32>
    %log1p3A_237 = math.log1p %exp3A_236 : vector<2000x128xf32>
    %add3A_238 = arith.addf %max3A_231, %log1p3A_237 : vector<2000x128xf32>
    %sub3A_239 = arith.constant 0.693147182 : f32
    %sub3A_240 = vector.broadcast %sub3A_239 : f32 to vector<2000x128xf32>
    %sub3A_241 = arith.subf %add3A_238, %sub3A_240 : vector<2000x128xf32>
    %swap3A_242 = arith.constant 0 : index
    %swap3A_243 = arith.constant 0 : index
    %swap3A_244 = vector.load %arg28[%swap3A_242, %swap3A_243] : memref<2000x128xf32, #tpu.memory_space<vmem>>, vector<2000x128xf32>
    tpu.vector_store %arg28[%swap3A_242, %swap3A_243], %sub3A_241 {strides = array<i32>} : memref<2000x128xf32, #tpu.memory_space<vmem>>, vector<2000x128xf32>,
    %get3A_245 = arith.constant 0 : index
    %get3A_246 = arith.constant 0 : index
    %get3A_247 = vector.load %arg24[%get3A_245, %get3A_246] : memref<128x128xf32, #tpu.memory_space<vmem>>, vector<128x128xf32>
    %dot_general3A_248 = arith.constant dense<0.000000e+00> : vector<2000x128xf32>
    %dot_general3A_249 = tpu.matmul %sub3A_218, %get3A_247, %dot_general3A_248 {dimension_numbers = #tpu.dot_dimension_numbers<[1], [0], [0], [1], [0, 0, 1, 1], [], []>, transpose_lhs_hint = false} : vector<2000x128xf32>, vector<128x128xf32>, vector<2000x128xf32> -> vector<2000x128xf32>
    %get3A_250 = arith.constant 0 : index
    %get3A_251 = arith.constant 0 : index
    %get3A_252 = vector.load %arg25[%get3A_250, %get3A_251] : memref<1x128xf32, #tpu.memory_space<vmem>>, vector<1x128xf32>
    %add3A_253 = vector.broadcast %get3A_252 : vector<1x128xf32> to vector<2000x128xf32>
    %add3A_254 = arith.addf %dot_general3A_249, %add3A_253 : vector<2000x128xf32>
    %max3A_255 = arith.constant 0.000000e+00 : f32
    %max3A_256 = vector.broadcast %max3A_255 : f32 to vector<2000x128xf32>
    %max3A_257 = arith.maximumf %add3A_254, %max3A_256 : vector<2000x128xf32>
    %abs3A_258 = math.absf %add3A_254 : vector<2000x128xf32>
    %neg3A_259 = arith.constant 0.000000e+00 : f32
    %neg3A_260 = vector.broadcast %neg3A_259 : f32 to vector<2000x128xf32>
    %neg3A_261 = arith.subf %neg3A_260, %abs3A_258 : vector<2000x128xf32>
    %exp3A_262 = math.exp %neg3A_261 : vector<2000x128xf32>
    %log1p3A_263 = math.log1p %exp3A_262 : vector<2000x128xf32>
    %add3A_264 = arith.addf %max3A_257, %log1p3A_263 : vector<2000x128xf32>
    %sub3A_265 = arith.constant 0.693147182 : f32
    %sub3A_266 = vector.broadcast %sub3A_265 : f32 to vector<2000x128xf32>
    %sub3A_267 = arith.subf %add3A_264, %sub3A_266 : vector<2000x128xf32>
    %swap3A_268 = arith.constant 0 : index
    %swap3A_269 = arith.constant 0 : index
    %swap3A_270 = vector.load %arg29[%swap3A_268, %swap3A_269] : memref<2000x128xf32, #tpu.memory_space<vmem>>, vector<2000x128xf32>
    tpu.vector_store %arg29[%swap3A_268, %swap3A_269], %sub3A_267 {strides = array<i32>} : memref<2000x128xf32, #tpu.memory_space<vmem>>, vector<2000x128xf32>,
    return
  }
  func.func @transform_0(%arg0: i32) -> (i32, i32) {
    %c0_i32 = arith.constant 0 : i32
    %c0_i32_0 = arith.constant 0 : i32
    return %arg0, %c0_i32 : i32, i32
  }
  func.func @transform_1(%arg0: i32) -> (i32, i32) {
    %c0_i32 = arith.constant 0 : i32
    %c0_i32_0 = arith.constant 0 : i32
    return %arg0, %c0_i32 : i32, i32
  }
  func.func @transform_2(%arg0: i32) -> (i32, i32, i32) {
    %c0_i32 = arith.constant 0 : i32
    %c0_i32_0 = arith.constant 0 : i32
    %c0_i32_1 = arith.constant 0 : i32
    return %c0_i32, %arg0, %c0_i32_0 : i32, i32, i32
  }
  func.func @transform_3(%arg0: i32) -> (i32, i32, i32) {
    %c1_i32 = arith.constant 1 : i32
    %c0_i32 = arith.constant 0 : i32
    %c0_i32_0 = arith.constant 0 : i32
    return %c1_i32, %arg0, %c0_i32 : i32, i32, i32
  }
  func.func @transform_4(%arg0: i32) -> (i32, i32) {
    %c0_i32 = arith.constant 0 : i32
    %c0_i32_0 = arith.constant 0 : i32
    %c0_i32_1 = arith.constant 0 : i32
    return %c0_i32, %c0_i32_0 : i32, i32
  }
  func.func @transform_5(%arg0: i32) -> (i32, i32) {
    %c0_i32 = arith.constant 0 : i32
    %c0_i32_0 = arith.constant 0 : i32
    %c0_i32_1 = arith.constant 0 : i32
    return %c0_i32, %c0_i32_0 : i32, i32
  }
  func.func @transform_6(%arg0: i32) -> (i32, i32) {
    %c0_i32 = arith.constant 0 : i32
    %c0_i32_0 = arith.constant 0 : i32
    %c0_i32_1 = arith.constant 0 : i32
    return %c0_i32, %c0_i32_0 : i32, i32
  }
  func.func @transform_7(%arg0: i32) -> (i32, i32) {
    %c0_i32 = arith.constant 0 : i32
    %c0_i32_0 = arith.constant 0 : i32
    %c0_i32_1 = arith.constant 0 : i32
    return %c0_i32, %c0_i32_0 : i32, i32
  }
  func.func @transform_8(%arg0: i32) -> (i32, i32) {
    %c0_i32 = arith.constant 0 : i32
    %c0_i32_0 = arith.constant 0 : i32
    %c0_i32_1 = arith.constant 0 : i32
    return %c0_i32, %c0_i32_0 : i32, i32
  }
  func.func @transform_9(%arg0: i32) -> (i32, i32) {
    %c0_i32 = arith.constant 0 : i32
    %c0_i32_0 = arith.constant 0 : i32
    %c0_i32_1 = arith.constant 0 : i32
    return %c0_i32, %c0_i32_0 : i32, i32
  }
  func.func @transform_10(%arg0: i32) -> (i32, i32) {
    %c0_i32 = arith.constant 0 : i32
    %c0_i32_0 = arith.constant 0 : i32
    %c0_i32_1 = arith.constant 0 : i32
    return %c0_i32, %c0_i32_0 : i32, i32
  }
  func.func @transform_11(%arg0: i32) -> (i32, i32) {
    %c0_i32 = arith.constant 0 : i32
    %c0_i32_0 = arith.constant 0 : i32
    %c0_i32_1 = arith.constant 0 : i32
    return %c0_i32, %c0_i32_0 : i32, i32
  }
  func.func @transform_12(%arg0: i32) -> (i32, i32) {
    %c0_i32 = arith.constant 0 : i32
    %c0_i32_0 = arith.constant 0 : i32
    %c0_i32_1 = arith.constant 0 : i32
    return %c0_i32, %c0_i32_0 : i32, i32
  }
  func.func @transform_13(%arg0: i32) -> (i32, i32) {
    %c0_i32 = arith.constant 0 : i32
    %c0_i32_0 = arith.constant 0 : i32
    %c0_i32_1 = arith.constant 0 : i32
    return %c0_i32, %c0_i32_0 : i32, i32
  }
  func.func @transform_14(%arg0: i32) -> (i32, i32) {
    %c0_i32 = arith.constant 0 : i32
    %c0_i32_0 = arith.constant 0 : i32
    %c0_i32_1 = arith.constant 0 : i32
    return %c0_i32, %c0_i32_0 : i32, i32
  }
  func.func @transform_15(%arg0: i32) -> (i32, i32) {
    %c0_i32 = arith.constant 0 : i32
    %c0_i32_0 = arith.constant 0 : i32
    %c0_i32_1 = arith.constant 0 : i32
    return %c0_i32, %c0_i32_0 : i32, i32
  }
  func.func @transform_16(%arg0: i32) -> (i32, i32) {
    %c0_i32 = arith.constant 0 : i32
    %c0_i32_0 = arith.constant 0 : i32
    %c0_i32_1 = arith.constant 0 : i32
    return %c0_i32, %c0_i32_0 : i32, i32
  }
  func.func @transform_17(%arg0: i32) -> (i32, i32) {
    %c0_i32 = arith.constant 0 : i32
    %c0_i32_0 = arith.constant 0 : i32
    %c0_i32_1 = arith.constant 0 : i32
    return %c0_i32, %c0_i32_0 : i32, i32
  }
  func.func @transform_18(%arg0: i32) -> (i32, i32) {
    %c0_i32 = arith.constant 0 : i32
    %c0_i32_0 = arith.constant 0 : i32
    %c0_i32_1 = arith.constant 0 : i32
    return %c0_i32, %c0_i32_0 : i32, i32
  }
  func.func @transform_19(%arg0: i32) -> (i32, i32) {
    %c0_i32 = arith.constant 0 : i32
    %c0_i32_0 = arith.constant 0 : i32
    %c0_i32_1 = arith.constant 0 : i32
    return %c0_i32, %c0_i32_0 : i32, i32
  }
  func.func @transform_20(%arg0: i32) -> (i32, i32) {
    %c0_i32 = arith.constant 0 : i32
    %c0_i32_0 = arith.constant 0 : i32
    %c0_i32_1 = arith.constant 0 : i32
    return %c0_i32, %c0_i32_0 : i32, i32
  }
  func.func @transform_21(%arg0: i32) -> (i32, i32) {
    %c0_i32 = arith.constant 0 : i32
    %c0_i32_0 = arith.constant 0 : i32
    %c0_i32_1 = arith.constant 0 : i32
    return %c0_i32, %c0_i32_0 : i32, i32
  }
  func.func @transform_22(%arg0: i32) -> (i32, i32) {
    %c0_i32 = arith.constant 0 : i32
    %c0_i32_0 = arith.constant 0 : i32
    %c0_i32_1 = arith.constant 0 : i32
    return %c0_i32, %c0_i32_0 : i32, i32
  }
  func.func @transform_23(%arg0: i32) -> (i32, i32) {
    %c0_i32 = arith.constant 0 : i32
    %c0_i32_0 = arith.constant 0 : i32
    %c0_i32_1 = arith.constant 0 : i32
    return %c0_i32, %c0_i32_0 : i32, i32
  }
  func.func @transform_24(%arg0: i32) -> (i32, i32) {
    %c0_i32 = arith.constant 0 : i32
    %c0_i32_0 = arith.constant 0 : i32
    %c0_i32_1 = arith.constant 0 : i32
    return %c0_i32, %c0_i32_0 : i32, i32
  }
  func.func @transform_25(%arg0: i32) -> (i32, i32) {
    %c0_i32 = arith.constant 0 : i32
    %c0_i32_0 = arith.constant 0 : i32
    return %arg0, %c0_i32 : i32, i32
  }
  func.func @transform_26(%arg0: i32) -> (i32, i32) {
    %c0_i32 = arith.constant 0 : i32
    %c0_i32_0 = arith.constant 0 : i32
    return %arg0, %c0_i32 : i32, i32
  }
  func.func @transform_27(%arg0: i32) -> (i32, i32) {
    %c0_i32 = arith.constant 0 : i32
    %c0_i32_0 = arith.constant 0 : i32
    return %arg0, %c0_i32 : i32, i32
  }
  func.func @transform_28(%arg0: i32) -> (i32, i32) {
    %c0_i32 = arith.constant 0 : i32
    %c0_i32_0 = arith.constant 0 : i32
    return %arg0, %c0_i32 : i32, i32
  }
}

module attributes {stable_mosaic.version = 14 : i64} {
  func.func @_node_last_body(%arg0: i32, %arg1: memref<2000x128xf32, #tpu.memory_space<vmem>>, %arg2: memref<2000x128xf32, #tpu.memory_space<vmem>>, %arg3: memref<1x2000x128xf32, #tpu.memory_space<vmem>>, %arg4: memref<1x2000x128xf32, #tpu.memory_space<vmem>>, %arg5: memref<2000x2xf32, #tpu.memory_space<vmem>>, %arg6: memref<2000x1xi32, #tpu.memory_space<vmem>>, %arg7: memref<2000x3xf32, #tpu.memory_space<vmem>>, %arg8: memref<2000x1xi32, #tpu.memory_space<vmem>>, %arg9: memref<128x128xf32, #tpu.memory_space<vmem>>, %arg10: memref<1x128xf32, #tpu.memory_space<vmem>>, %arg11: memref<128x128xf32, #tpu.memory_space<vmem>>, %arg12: memref<1x128xf32, #tpu.memory_space<vmem>>, %arg13: memref<1x128xf32, #tpu.memory_space<vmem>>, %arg14: memref<128x128xf32, #tpu.memory_space<vmem>>, %arg15: memref<1x128xf32, #tpu.memory_space<vmem>>, %arg16: memref<128x128xf32, #tpu.memory_space<vmem>>, %arg17: memref<1x128xf32, #tpu.memory_space<vmem>>, %arg18: memref<128x128xf32, #tpu.memory_space<vmem>>, %arg19: memref<1x128xf32, #tpu.memory_space<vmem>>, %arg20: memref<128x128xf32, #tpu.memory_space<vmem>>, %arg21: memref<1x128xf32, #tpu.memory_space<vmem>>, %arg22: memref<128x128xf32, #tpu.memory_space<vmem>>, %arg23: memref<1x128xf32, #tpu.memory_space<vmem>>, %arg24: memref<128x2xf32, #tpu.memory_space<vmem>>, %arg25: memref<1x2xf32, #tpu.memory_space<vmem>>, %arg26: memref<95x2xf32, #tpu.memory_space<vmem>>, %arg27: memref<95x2xf32, #tpu.memory_space<vmem>>, %arg28: memref<256x5xf32, #tpu.memory_space<vmem>>) attributes {dimension_semantics = [#tpu.dimension_semantics<arbitrary>], iteration_bounds = array<i64: 5>, scalar_prefetch = 0 : i64, scratch_operands = 0 : i64, tpu.core_type = #tpu.core_type<tc>, window_params = [{transform_indices = @transform_0, window_bounds = array<i64: 2000, 128>}, {transform_indices = @transform_1, window_bounds = array<i64: 2000, 128>}, {transform_indices = @transform_2, window_bounds = array<i64: 1, 2000, 128>}, {transform_indices = @transform_3, window_bounds = array<i64: 1, 2000, 128>}, {transform_indices = @transform_4, window_bounds = array<i64: 2000, 2>}, {transform_indices = @transform_5, window_bounds = array<i64: 2000, 1>}, {transform_indices = @transform_6, window_bounds = array<i64: 2000, 3>}, {transform_indices = @transform_7, window_bounds = array<i64: 2000, 1>}, {pipeline_mode = #tpu.pipeline_mode<synchronous>, transform_indices = @transform_8, window_bounds = array<i64: 128, 128>}, {pipeline_mode = #tpu.pipeline_mode<synchronous>, transform_indices = @transform_9, window_bounds = array<i64: 1, 128>}, {pipeline_mode = #tpu.pipeline_mode<synchronous>, transform_indices = @transform_10, window_bounds = array<i64: 128, 128>}, {pipeline_mode = #tpu.pipeline_mode<synchronous>, transform_indices = @transform_11, window_bounds = array<i64: 1, 128>}, {pipeline_mode = #tpu.pipeline_mode<synchronous>, transform_indices = @transform_12, window_bounds = array<i64: 1, 128>}, {pipeline_mode = #tpu.pipeline_mode<synchronous>, transform_indices = @transform_13, window_bounds = array<i64: 128, 128>}, {pipeline_mode = #tpu.pipeline_mode<synchronous>, transform_indices = @transform_14, window_bounds = array<i64: 1, 128>}, {pipeline_mode = #tpu.pipeline_mode<synchronous>, transform_indices = @transform_15, window_bounds = array<i64: 128, 128>}, {pipeline_mode = #tpu.pipeline_mode<synchronous>, transform_indices = @transform_16, window_bounds = array<i64: 1, 128>}, {pipeline_mode = #tpu.pipeline_mode<synchronous>, transform_indices = @transform_17, window_bounds = array<i64: 128, 128>}, {pipeline_mode = #tpu.pipeline_mode<synchronous>, transform_indices = @transform_18, window_bounds = array<i64: 1, 128>}, {pipeline_mode = #tpu.pipeline_mode<synchronous>, transform_indices = @transform_19, window_bounds = array<i64: 128, 128>}, {pipeline_mode = #tpu.pipeline_mode<synchronous>, transform_indices = @transform_20, window_bounds = array<i64: 1, 128>}, {pipeline_mode = #tpu.pipeline_mode<synchronous>, transform_indices = @transform_21, window_bounds = array<i64: 128, 128>}, {pipeline_mode = #tpu.pipeline_mode<synchronous>, transform_indices = @transform_22, window_bounds = array<i64: 1, 128>}, {pipeline_mode = #tpu.pipeline_mode<synchronous>, transform_indices = @transform_23, window_bounds = array<i64: 128, 2>}, {pipeline_mode = #tpu.pipeline_mode<synchronous>, transform_indices = @transform_24, window_bounds = array<i64: 1, 2>}, {pipeline_mode = #tpu.pipeline_mode<synchronous>, transform_indices = @transform_25, window_bounds = array<i64: 95, 2>}, {pipeline_mode = #tpu.pipeline_mode<synchronous>, transform_indices = @transform_26, window_bounds = array<i64: 95, 2>}, {pipeline_mode = #tpu.pipeline_mode<synchronous>, transform_indices = @transform_27, window_bounds = array<i64: 256, 5>}]} {
    %get3A = arith.constant 0 : index
    %get3A_0 = arith.constant 0 : index
    %get3A_1 = vector.load %arg9[%get3A, %get3A_0] : memref<128x128xf32, #tpu.memory_space<vmem>>, vector<128x128xf32>
    %get3A_2 = arith.constant 0 : index
    %get3A_3 = arith.constant 0 : index
    %get3A_4 = vector.load %arg10[%get3A_2, %get3A_3] : memref<1x128xf32, #tpu.memory_space<vmem>>, vector<1x128xf32>
    %get3A_5 = arith.constant 0 : index
    %get3A_6 = arith.constant 0 : index
    %get3A_7 = vector.load %arg11[%get3A_5, %get3A_6] : memref<128x128xf32, #tpu.memory_space<vmem>>, vector<128x128xf32>
    %get3A_8 = arith.constant 0 : index
    %get3A_9 = arith.constant 0 : index
    %get3A_10 = vector.load %arg12[%get3A_8, %get3A_9] : memref<1x128xf32, #tpu.memory_space<vmem>>, vector<1x128xf32>
    %get3A_11 = arith.constant 0 : index
    %get3A_12 = arith.constant 0 : index
    %get3A_13 = vector.load %arg13[%get3A_11, %get3A_12] : memref<1x128xf32, #tpu.memory_space<vmem>>, vector<1x128xf32>
    %get3A_14 = arith.constant 0 : index
    %get3A_15 = arith.constant 0 : index
    %get3A_16 = vector.load %arg14[%get3A_14, %get3A_15] : memref<128x128xf32, #tpu.memory_space<vmem>>, vector<128x128xf32>
    %get3A_17 = arith.constant 0 : index
    %get3A_18 = arith.constant 0 : index
    %get3A_19 = vector.load %arg15[%get3A_17, %get3A_18] : memref<1x128xf32, #tpu.memory_space<vmem>>, vector<1x128xf32>
    %get3A_20 = arith.constant 0 : index
    %get3A_21 = arith.constant 0 : index
    %get3A_22 = vector.load %arg16[%get3A_20, %get3A_21] : memref<128x128xf32, #tpu.memory_space<vmem>>, vector<128x128xf32>
    %get3A_23 = arith.constant 0 : index
    %get3A_24 = arith.constant 0 : index
    %get3A_25 = vector.load %arg17[%get3A_23, %get3A_24] : memref<1x128xf32, #tpu.memory_space<vmem>>, vector<1x128xf32>
    %get3A_26 = arith.constant 0 : index
    %get3A_27 = arith.constant 0 : index
    %get3A_28 = vector.load %arg18[%get3A_26, %get3A_27] : memref<128x128xf32, #tpu.memory_space<vmem>>, vector<128x128xf32>
    %get3A_29 = arith.constant 0 : index
    %get3A_30 = arith.constant 0 : index
    %get3A_31 = vector.load %arg19[%get3A_29, %get3A_30] : memref<1x128xf32, #tpu.memory_space<vmem>>, vector<1x128xf32>
    %get3A_32 = arith.constant 0 : index
    %get3A_33 = arith.constant 0 : index
    %get3A_34 = vector.load %arg20[%get3A_32, %get3A_33] : memref<128x128xf32, #tpu.memory_space<vmem>>, vector<128x128xf32>
    %get3A_35 = arith.constant 0 : index
    %get3A_36 = arith.constant 0 : index
    %get3A_37 = vector.load %arg21[%get3A_35, %get3A_36] : memref<1x128xf32, #tpu.memory_space<vmem>>, vector<1x128xf32>
    %get3A_38 = arith.constant 0 : index
    %get3A_39 = arith.constant 0 : index
    %get3A_40 = vector.load %arg22[%get3A_38, %get3A_39] : memref<128x128xf32, #tpu.memory_space<vmem>>, vector<128x128xf32>
    %get3A_41 = arith.constant 0 : index
    %get3A_42 = arith.constant 0 : index
    %get3A_43 = vector.load %arg23[%get3A_41, %get3A_42] : memref<1x128xf32, #tpu.memory_space<vmem>>, vector<1x128xf32>
    %get3A_44 = arith.constant 0 : index
    %get3A_45 = arith.constant 0 : index
    %get3A_46 = vector.load %arg24[%get3A_44, %get3A_45] : memref<128x2xf32, #tpu.memory_space<vmem>>, vector<128x2xf32>
    %get3A_47 = arith.constant 0 : index
    %get3A_48 = arith.constant 0 : index
    %get3A_49 = vector.load %arg25[%get3A_47, %get3A_48] : memref<1x2xf32, #tpu.memory_space<vmem>>, vector<1x2xf32>
    %get3A_50 = arith.constant 0 : index
    %get3A_51 = arith.constant 0 : index
    %get3A_52 = vector.load %arg2[%get3A_50, %get3A_51] : memref<2000x128xf32, #tpu.memory_space<vmem>>, vector<2000x128xf32>
    %get3A_53 = arith.constant 0 : index
    %get3A_54 = arith.constant 0 : index
    %get3A_55 = arith.constant 0 : index
    %get3A_56 = vector.load %arg3[%get3A_53, %get3A_54, %get3A_55] : memref<1x2000x128xf32, #tpu.memory_space<vmem>>, vector<1x2000x128xf32>
    %get3A_57 = vector.shape_cast %get3A_56 : vector<1x2000x128xf32> to vector<2000x128xf32>
    %add3A = arith.addf %get3A_52, %get3A_57 : vector<2000x128xf32>
    %get3A_58 = arith.constant 0 : index
    %get3A_59 = arith.constant 0 : index
    %get3A_60 = arith.constant 0 : index
    %get3A_61 = vector.load %arg4[%get3A_58, %get3A_59, %get3A_60] : memref<1x2000x128xf32, #tpu.memory_space<vmem>>, vector<1x2000x128xf32>
    %get3A_62 = vector.shape_cast %get3A_61 : vector<1x2000x128xf32> to vector<2000x128xf32>
    %add3A_63 = arith.addf %add3A, %get3A_62 : vector<2000x128xf32>
    %get3A_64 = arith.constant 0 : index
    %get3A_65 = arith.constant 0 : index
    %get3A_66 = vector.load %arg1[%get3A_64, %get3A_65] : memref<2000x128xf32, #tpu.memory_space<vmem>>, vector<2000x128xf32>
    %max3A = arith.constant 0.000000e+00 : f32
    %max3A_67 = vector.broadcast %max3A : f32 to vector<2000x128xf32>
    %max3A_68 = arith.maximumf %add3A_63, %max3A_67 : vector<2000x128xf32>
    %abs3A = math.absf %add3A_63 : vector<2000x128xf32>
    %neg3A = arith.constant 0.000000e+00 : f32
    %neg3A_69 = vector.broadcast %neg3A : f32 to vector<2000x128xf32>
    %neg3A_70 = arith.subf %neg3A_69, %abs3A : vector<2000x128xf32>
    %exp3A = math.exp %neg3A_70 : vector<2000x128xf32>
    %log1p3A = math.log1p %exp3A : vector<2000x128xf32>
    %add3A_71 = arith.addf %max3A_68, %log1p3A : vector<2000x128xf32>
    %sub3A = arith.constant 0.693147182 : f32
    %sub3A_72 = vector.broadcast %sub3A : f32 to vector<2000x128xf32>
    %sub3A_73 = arith.subf %add3A_71, %sub3A_72 : vector<2000x128xf32>
    %dot_general3A = arith.constant dense<0.000000e+00> : vector<2000x128xf32>
    %dot_general3A_74 = tpu.matmul %sub3A_73, %get3A_1, %dot_general3A {dimension_numbers = #tpu.dot_dimension_numbers<[1], [0], [0], [1], [0, 0, 1, 1], [], []>, transpose_lhs_hint = false} : vector<2000x128xf32>, vector<128x128xf32>, vector<2000x128xf32> -> vector<2000x128xf32>
    %add3A_75 = vector.broadcast %get3A_4 : vector<1x128xf32> to vector<2000x128xf32>
    %add3A_76 = arith.addf %dot_general3A_74, %add3A_75 : vector<2000x128xf32>
    %max3A_77 = arith.constant 0.000000e+00 : f32
    %max3A_78 = vector.broadcast %max3A_77 : f32 to vector<2000x128xf32>
    %max3A_79 = arith.maximumf %add3A_76, %max3A_78 : vector<2000x128xf32>
    %abs3A_80 = math.absf %add3A_76 : vector<2000x128xf32>
    %neg3A_81 = arith.constant 0.000000e+00 : f32
    %neg3A_82 = vector.broadcast %neg3A_81 : f32 to vector<2000x128xf32>
    %neg3A_83 = arith.subf %neg3A_82, %abs3A_80 : vector<2000x128xf32>
    %exp3A_84 = math.exp %neg3A_83 : vector<2000x128xf32>
    %log1p3A_85 = math.log1p %exp3A_84 : vector<2000x128xf32>
    %add3A_86 = arith.addf %max3A_79, %log1p3A_85 : vector<2000x128xf32>
    %sub3A_87 = arith.constant 0.693147182 : f32
    %sub3A_88 = vector.broadcast %sub3A_87 : f32 to vector<2000x128xf32>
    %sub3A_89 = arith.subf %add3A_86, %sub3A_88 : vector<2000x128xf32>
    %dot_general3A_90 = arith.constant dense<0.000000e+00> : vector<2000x128xf32>
    %dot_general3A_91 = tpu.matmul %sub3A_89, %get3A_7, %dot_general3A_90 {dimension_numbers = #tpu.dot_dimension_numbers<[1], [0], [0], [1], [0, 0, 1, 1], [], []>, transpose_lhs_hint = false} : vector<2000x128xf32>, vector<128x128xf32>, vector<2000x128xf32> -> vector<2000x128xf32>
    %add3A_92 = arith.addf %add3A_63, %dot_general3A_91 : vector<2000x128xf32>
    %add3A_93 = vector.broadcast %get3A_10 : vector<1x128xf32> to vector<2000x128xf32>
    %add3A_94 = arith.addf %add3A_92, %add3A_93 : vector<2000x128xf32>
    %mul3A = vector.broadcast %get3A_13 : vector<1x128xf32> to vector<2000x128xf32>
    %mul3A_95 = arith.mulf %mul3A, %get3A_66 : vector<2000x128xf32>
    %max3A_96 = arith.constant 0.000000e+00 : f32
    %max3A_97 = vector.broadcast %max3A_96 : f32 to vector<2000x128xf32>
    %max3A_98 = arith.maximumf %add3A_94, %max3A_97 : vector<2000x128xf32>
    %abs3A_99 = math.absf %add3A_94 : vector<2000x128xf32>
    %neg3A_100 = arith.constant 0.000000e+00 : f32
    %neg3A_101 = vector.broadcast %neg3A_100 : f32 to vector<2000x128xf32>
    %neg3A_102 = arith.subf %neg3A_101, %abs3A_99 : vector<2000x128xf32>
    %exp3A_103 = math.exp %neg3A_102 : vector<2000x128xf32>
    %log1p3A_104 = math.log1p %exp3A_103 : vector<2000x128xf32>
    %add3A_105 = arith.addf %max3A_98, %log1p3A_104 : vector<2000x128xf32>
    %sub3A_106 = arith.constant 0.693147182 : f32
    %sub3A_107 = vector.broadcast %sub3A_106 : f32 to vector<2000x128xf32>
    %sub3A_108 = arith.subf %add3A_105, %sub3A_107 : vector<2000x128xf32>
    %dot_general3A_109 = arith.constant dense<0.000000e+00> : vector<2000x128xf32>
    %dot_general3A_110 = tpu.matmul %sub3A_108, %get3A_16, %dot_general3A_109 {dimension_numbers = #tpu.dot_dimension_numbers<[1], [0], [0], [1], [0, 0, 1, 1], [], []>, transpose_lhs_hint = false} : vector<2000x128xf32>, vector<128x128xf32>, vector<2000x128xf32> -> vector<2000x128xf32>
    %add3A_111 = arith.addf %mul3A_95, %dot_general3A_110 : vector<2000x128xf32>
    %add3A_112 = vector.broadcast %get3A_19 : vector<1x128xf32> to vector<2000x128xf32>
    %add3A_113 = arith.addf %add3A_111, %add3A_112 : vector<2000x128xf32>
    %max3A_114 = arith.constant 0.000000e+00 : f32
    %max3A_115 = vector.broadcast %max3A_114 : f32 to vector<2000x128xf32>
    %max3A_116 = arith.maximumf %add3A_113, %max3A_115 : vector<2000x128xf32>
    %abs3A_117 = math.absf %add3A_113 : vector<2000x128xf32>
    %neg3A_118 = arith.constant 0.000000e+00 : f32
    %neg3A_119 = vector.broadcast %neg3A_118 : f32 to vector<2000x128xf32>
    %neg3A_120 = arith.subf %neg3A_119, %abs3A_117 : vector<2000x128xf32>
    %exp3A_121 = math.exp %neg3A_120 : vector<2000x128xf32>
    %log1p3A_122 = math.log1p %exp3A_121 : vector<2000x128xf32>
    %add3A_123 = arith.addf %max3A_116, %log1p3A_122 : vector<2000x128xf32>
    %sub3A_124 = arith.constant 0.693147182 : f32
    %sub3A_125 = vector.broadcast %sub3A_124 : f32 to vector<2000x128xf32>
    %sub3A_126 = arith.subf %add3A_123, %sub3A_125 : vector<2000x128xf32>
    %dot_general3A_127 = arith.constant dense<0.000000e+00> : vector<2000x128xf32>
    %dot_general3A_128 = tpu.matmul %sub3A_126, %get3A_22, %dot_general3A_127 {dimension_numbers = #tpu.dot_dimension_numbers<[1], [0], [0], [1], [0, 0, 1, 1], [], []>, transpose_lhs_hint = false} : vector<2000x128xf32>, vector<128x128xf32>, vector<2000x128xf32> -> vector<2000x128xf32>
    %add3A_129 = vector.broadcast %get3A_25 : vector<1x128xf32> to vector<2000x128xf32>
    %add3A_130 = arith.addf %dot_general3A_128, %add3A_129 : vector<2000x128xf32>
    %max3A_131 = arith.constant 0.000000e+00 : f32
    %max3A_132 = vector.broadcast %max3A_131 : f32 to vector<2000x128xf32>
    %max3A_133 = arith.maximumf %add3A_130, %max3A_132 : vector<2000x128xf32>
    %abs3A_134 = math.absf %add3A_130 : vector<2000x128xf32>
    %neg3A_135 = arith.constant 0.000000e+00 : f32
    %neg3A_136 = vector.broadcast %neg3A_135 : f32 to vector<2000x128xf32>
    %neg3A_137 = arith.subf %neg3A_136, %abs3A_134 : vector<2000x128xf32>
    %exp3A_138 = math.exp %neg3A_137 : vector<2000x128xf32>
    %log1p3A_139 = math.log1p %exp3A_138 : vector<2000x128xf32>
    %add3A_140 = arith.addf %max3A_133, %log1p3A_139 : vector<2000x128xf32>
    %sub3A_141 = arith.constant 0.693147182 : f32
    %sub3A_142 = vector.broadcast %sub3A_141 : f32 to vector<2000x128xf32>
    %sub3A_143 = arith.subf %add3A_140, %sub3A_142 : vector<2000x128xf32>
    %dot_general3A_144 = arith.constant dense<0.000000e+00> : vector<2000x128xf32>
    %dot_general3A_145 = tpu.matmul %sub3A_143, %get3A_28, %dot_general3A_144 {dimension_numbers = #tpu.dot_dimension_numbers<[1], [0], [0], [1], [0, 0, 1, 1], [], []>, transpose_lhs_hint = false} : vector<2000x128xf32>, vector<128x128xf32>, vector<2000x128xf32> -> vector<2000x128xf32>
    %add3A_146 = arith.addf %add3A_113, %dot_general3A_145 : vector<2000x128xf32>
    %add3A_147 = vector.broadcast %get3A_31 : vector<1x128xf32> to vector<2000x128xf32>
    %add3A_148 = arith.addf %add3A_146, %add3A_147 : vector<2000x128xf32>
    %max3A_149 = arith.constant 0.000000e+00 : f32
    %max3A_150 = vector.broadcast %max3A_149 : f32 to vector<2000x128xf32>
    %max3A_151 = arith.maximumf %add3A_148, %max3A_150 : vector<2000x128xf32>
    %abs3A_152 = math.absf %add3A_148 : vector<2000x128xf32>
    %neg3A_153 = arith.constant 0.000000e+00 : f32
    %neg3A_154 = vector.broadcast %neg3A_153 : f32 to vector<2000x128xf32>
    %neg3A_155 = arith.subf %neg3A_154, %abs3A_152 : vector<2000x128xf32>
    %exp3A_156 = math.exp %neg3A_155 : vector<2000x128xf32>
    %log1p3A_157 = math.log1p %exp3A_156 : vector<2000x128xf32>
    %add3A_158 = arith.addf %max3A_151, %log1p3A_157 : vector<2000x128xf32>
    %sub3A_159 = arith.constant 0.693147182 : f32
    %sub3A_160 = vector.broadcast %sub3A_159 : f32 to vector<2000x128xf32>
    %sub3A_161 = arith.subf %add3A_158, %sub3A_160 : vector<2000x128xf32>
    %dot_general3A_162 = arith.constant dense<0.000000e+00> : vector<2000x128xf32>
    %dot_general3A_163 = tpu.matmul %sub3A_161, %get3A_34, %dot_general3A_162 {dimension_numbers = #tpu.dot_dimension_numbers<[1], [0], [0], [1], [0, 0, 1, 1], [], []>, transpose_lhs_hint = false} : vector<2000x128xf32>, vector<128x128xf32>, vector<2000x128xf32> -> vector<2000x128xf32>
    %add3A_164 = vector.broadcast %get3A_37 : vector<1x128xf32> to vector<2000x128xf32>
    %add3A_165 = arith.addf %dot_general3A_163, %add3A_164 : vector<2000x128xf32>
    %max3A_166 = arith.constant 0.000000e+00 : f32
    %max3A_167 = vector.broadcast %max3A_166 : f32 to vector<2000x128xf32>
    %max3A_168 = arith.maximumf %add3A_165, %max3A_167 : vector<2000x128xf32>
    %abs3A_169 = math.absf %add3A_165 : vector<2000x128xf32>
    %neg3A_170 = arith.constant 0.000000e+00 : f32
    %neg3A_171 = vector.broadcast %neg3A_170 : f32 to vector<2000x128xf32>
    %neg3A_172 = arith.subf %neg3A_171, %abs3A_169 : vector<2000x128xf32>
    %exp3A_173 = math.exp %neg3A_172 : vector<2000x128xf32>
    %log1p3A_174 = math.log1p %exp3A_173 : vector<2000x128xf32>
    %add3A_175 = arith.addf %max3A_168, %log1p3A_174 : vector<2000x128xf32>
    %sub3A_176 = arith.constant 0.693147182 : f32
    %sub3A_177 = vector.broadcast %sub3A_176 : f32 to vector<2000x128xf32>
    %sub3A_178 = arith.subf %add3A_175, %sub3A_177 : vector<2000x128xf32>
    %dot_general3A_179 = arith.constant dense<0.000000e+00> : vector<2000x128xf32>
    %dot_general3A_180 = tpu.matmul %sub3A_178, %get3A_40, %dot_general3A_179 {dimension_numbers = #tpu.dot_dimension_numbers<[1], [0], [0], [1], [0, 0, 1, 1], [], []>, transpose_lhs_hint = false} : vector<2000x128xf32>, vector<128x128xf32>, vector<2000x128xf32> -> vector<2000x128xf32>
    %add3A_181 = arith.addf %add3A_148, %dot_general3A_180 : vector<2000x128xf32>
    %add3A_182 = vector.broadcast %get3A_43 : vector<1x128xf32> to vector<2000x128xf32>
    %add3A_183 = arith.addf %add3A_181, %add3A_182 : vector<2000x128xf32>
    %max3A_184 = arith.constant 0.000000e+00 : f32
    %max3A_185 = vector.broadcast %max3A_184 : f32 to vector<2000x128xf32>
    %max3A_186 = arith.maximumf %add3A_183, %max3A_185 : vector<2000x128xf32>
    %abs3A_187 = math.absf %add3A_183 : vector<2000x128xf32>
    %neg3A_188 = arith.constant 0.000000e+00 : f32
    %neg3A_189 = vector.broadcast %neg3A_188 : f32 to vector<2000x128xf32>
    %neg3A_190 = arith.subf %neg3A_189, %abs3A_187 : vector<2000x128xf32>
    %exp3A_191 = math.exp %neg3A_190 : vector<2000x128xf32>
    %log1p3A_192 = math.log1p %exp3A_191 : vector<2000x128xf32>
    %add3A_193 = arith.addf %max3A_186, %log1p3A_192 : vector<2000x128xf32>
    %sub3A_194 = arith.constant 0.693147182 : f32
    %sub3A_195 = vector.broadcast %sub3A_194 : f32 to vector<2000x128xf32>
    %sub3A_196 = arith.subf %add3A_193, %sub3A_195 : vector<2000x128xf32>
    %dot_general3A_197 = arith.constant dense<0.000000e+00> : vector<2000x2xf32>
    %dot_general3A_198 = tpu.matmul %sub3A_196, %get3A_46, %dot_general3A_197 {dimension_numbers = #tpu.dot_dimension_numbers<[1], [0], [0], [1], [0, 0, 1, 1], [], []>, transpose_lhs_hint = false} : vector<2000x128xf32>, vector<128x2xf32>, vector<2000x2xf32> -> vector<2000x2xf32>
    %add3A_199 = vector.broadcast %get3A_49 : vector<1x2xf32> to vector<2000x2xf32>
    %add3A_200 = arith.addf %dot_general3A_198, %add3A_199 : vector<2000x2xf32>
    %get3A_201 = arith.constant 0 : index
    %get3A_202 = arith.constant 0 : index
    %get3A_203 = vector.load %arg5[%get3A_201, %get3A_202] : memref<2000x2xf32, #tpu.memory_space<vmem>>, vector<2000x2xf32>
    %add3A_204 = arith.addf %get3A_203, %add3A_200 : vector<2000x2xf32>
    %get3A_205 = arith.constant 0 : index
    %get3A_206 = arith.constant 0 : index
    %get3A_207 = vector.load %arg6[%get3A_205, %get3A_206] : memref<2000x1xi32, #tpu.memory_space<vmem>>, vector<2000x1xi32>
    %iota3A = tpu.iota {dimensions = array<i32: 1>} : vector<2000x95xi32>
    %eq3A = vector.broadcast %get3A_207 : vector<2000x1xi32> to vector<2000x95xi32>
    %eq3A_208 = arith.cmpi eq, %eq3A, %iota3A : vector<2000x95xi32>
    %convert_element_type3A = arith.extui %eq3A_208 : vector<2000x95xi1> to vector<2000x95xi32>
    %convert_element_type3A_209 = arith.sitofp %convert_element_type3A : vector<2000x95xi32> to vector<2000x95xf32>
    %get3A_210 = arith.constant 0 : index
    %get3A_211 = arith.constant 0 : index
    %get3A_212 = vector.load %arg26[%get3A_210, %get3A_211] : memref<95x2xf32, #tpu.memory_space<vmem>>, vector<95x2xf32>
    %dot_general3A_213 = arith.constant dense<0.000000e+00> : vector<2000x2xf32>
    %dot_general3A_214 = tpu.matmul %convert_element_type3A_209, %get3A_212, %dot_general3A_213 {dimension_numbers = #tpu.dot_dimension_numbers<[1], [0], [0], [1], [0, 0, 1, 1], [], []>, transpose_lhs_hint = false} : vector<2000x95xf32>, vector<95x2xf32>, vector<2000x2xf32> -> vector<2000x2xf32>
    %get3A_215 = arith.constant 0 : index
    %get3A_216 = arith.constant 0 : index
    %get3A_217 = vector.load %arg27[%get3A_215, %get3A_216] : memref<95x2xf32, #tpu.memory_space<vmem>>, vector<95x2xf32>
    %dot_general3A_218 = arith.constant dense<0.000000e+00> : vector<2000x2xf32>
    %dot_general3A_219 = tpu.matmul %convert_element_type3A_209, %get3A_217, %dot_general3A_218 {dimension_numbers = #tpu.dot_dimension_numbers<[1], [0], [0], [1], [0, 0, 1, 1], [], []>, transpose_lhs_hint = false} : vector<2000x95xf32>, vector<95x2xf32>, vector<2000x2xf32> -> vector<2000x2xf32>
    %mul3A_220 = arith.mulf %dot_general3A_214, %add3A_204 : vector<2000x2xf32>
    %add3A_221 = arith.addf %mul3A_220, %dot_general3A_219 : vector<2000x2xf32>
    %slice3A = vector.extract_strided_slice %add3A_221 {offsets = [0, 1], sizes = [2000, 1], strides = [1, 1]} : vector<2000x2xf32> to vector<2000x1xf32>
    %get3A_222 = arith.constant 0 : index
    %get3A_223 = arith.constant 0 : index
    %get3A_224 = vector.load %arg7[%get3A_222, %get3A_223] : memref<2000x3xf32, #tpu.memory_space<vmem>>, vector<2000x3xf32>
    %mul3A_225 = vector.broadcast %slice3A : vector<2000x1xf32> to vector<2000x3xf32>
    %mul3A_226 = arith.mulf %mul3A_225, %get3A_224 : vector<2000x3xf32>
    %concatenate3A = tpu.concatenate %add3A_221, %mul3A_226 in 1 : vector<2000x2xf32>, vector<2000x3xf32> -> vector<2000x5xf32>
    %get3A_227 = arith.constant 0 : index
    %get3A_228 = arith.constant 0 : index
    %get3A_229 = vector.load %arg8[%get3A_227, %get3A_228] : memref<2000x1xi32, #tpu.memory_space<vmem>>, vector<2000x1xi32>
    %iota3A_230 = tpu.iota {dimensions = array<i32: 1>} : vector<2000x256xi32>
    %eq3A_231 = vector.broadcast %get3A_229 : vector<2000x1xi32> to vector<2000x256xi32>
    %eq3A_232 = arith.cmpi eq, %eq3A_231, %iota3A_230 : vector<2000x256xi32>
    %convert_element_type3A_233 = arith.extui %eq3A_232 : vector<2000x256xi1> to vector<2000x256xi32>
    %convert_element_type3A_234 = arith.sitofp %convert_element_type3A_233 : vector<2000x256xi32> to vector<2000x256xf32>
    %dot_general3A_235 = arith.constant dense<0.000000e+00> : vector<256x5xf32>
    %dot_general3A_236 = tpu.matmul %convert_element_type3A_234, %concatenate3A, %dot_general3A_235 {dimension_numbers = #tpu.dot_dimension_numbers<[0], [0], [1], [1], [0, 1, 1, 1], [], []>, transpose_lhs_hint = false} : vector<2000x256xf32>, vector<2000x5xf32>, vector<256x5xf32> -> vector<256x5xf32>
    %eq3A_237 = arith.constant 0 : i32
    %eq3A_238 = arith.cmpi eq, %arg0, %eq3A_237 : i32
    %convert_element_type3A_239 = arith.extui %eq3A_238 : i1 to i32
    %cond3A = arith.constant 0 : i32
    %cond3A_240 = arith.cmpi ne, %convert_element_type3A_239, %cond3A : i32
    scf.if %cond3A_240 {
      %broadcast_in_dim3A = arith.constant 0.000000e+00 : f32
      %broadcast_in_dim3A_247 = vector.broadcast %broadcast_in_dim3A : f32 to vector<256x5xf32>
      %swap3A_248 = arith.constant 0 : index
      %swap3A_249 = arith.constant 0 : index
      %swap3A_250 = vector.load %arg28[%swap3A_248, %swap3A_249] : memref<256x5xf32, #tpu.memory_space<vmem>>, vector<256x5xf32>
      tpu.vector_store %arg28[%swap3A_248, %swap3A_249], %broadcast_in_dim3A_247 {strides = array<i32>} : memref<256x5xf32, #tpu.memory_space<vmem>>, vector<256x5xf32>,
    } else {
    }
    %get3A_241 = arith.constant 0 : index
    %get3A_242 = arith.constant 0 : index
    %get3A_243 = vector.load %arg28[%get3A_241, %get3A_242] : memref<256x5xf32, #tpu.memory_space<vmem>>, vector<256x5xf32>
    %add3A_244 = arith.addf %get3A_243, %dot_general3A_236 : vector<256x5xf32>
    %swap3A = arith.constant 0 : index
    %swap3A_245 = arith.constant 0 : index
    %swap3A_246 = vector.load %arg28[%swap3A, %swap3A_245] : memref<256x5xf32, #tpu.memory_space<vmem>>, vector<256x5xf32>
    tpu.vector_store %arg28[%swap3A, %swap3A_245], %add3A_244 {strides = array<i32>} : memref<256x5xf32, #tpu.memory_space<vmem>>, vector<256x5xf32>,
    return
  }
  func.func @transform_0(%arg0: i32) -> (i32, i32) {
    %c0_i32 = arith.constant 0 : i32
    %c0_i32_0 = arith.constant 0 : i32
    return %arg0, %c0_i32 : i32, i32
  }
  func.func @transform_1(%arg0: i32) -> (i32, i32) {
    %c0_i32 = arith.constant 0 : i32
    %c0_i32_0 = arith.constant 0 : i32
    return %arg0, %c0_i32 : i32, i32
  }
  func.func @transform_2(%arg0: i32) -> (i32, i32, i32) {
    %c0_i32 = arith.constant 0 : i32
    %c0_i32_0 = arith.constant 0 : i32
    %c0_i32_1 = arith.constant 0 : i32
    return %c0_i32, %arg0, %c0_i32_0 : i32, i32, i32
  }
  func.func @transform_3(%arg0: i32) -> (i32, i32, i32) {
    %c1_i32 = arith.constant 1 : i32
    %c0_i32 = arith.constant 0 : i32
    %c0_i32_0 = arith.constant 0 : i32
    return %c1_i32, %arg0, %c0_i32 : i32, i32, i32
  }
  func.func @transform_4(%arg0: i32) -> (i32, i32) {
    %c0_i32 = arith.constant 0 : i32
    %c0_i32_0 = arith.constant 0 : i32
    return %arg0, %c0_i32 : i32, i32
  }
  func.func @transform_5(%arg0: i32) -> (i32, i32) {
    %c0_i32 = arith.constant 0 : i32
    %c0_i32_0 = arith.constant 0 : i32
    return %arg0, %c0_i32 : i32, i32
  }
  func.func @transform_6(%arg0: i32) -> (i32, i32) {
    %c0_i32 = arith.constant 0 : i32
    %c0_i32_0 = arith.constant 0 : i32
    return %arg0, %c0_i32 : i32, i32
  }
  func.func @transform_7(%arg0: i32) -> (i32, i32) {
    %c0_i32 = arith.constant 0 : i32
    %c0_i32_0 = arith.constant 0 : i32
    return %arg0, %c0_i32 : i32, i32
  }
  func.func @transform_8(%arg0: i32) -> (i32, i32) {
    %c0_i32 = arith.constant 0 : i32
    %c0_i32_0 = arith.constant 0 : i32
    %c0_i32_1 = arith.constant 0 : i32
    return %c0_i32, %c0_i32_0 : i32, i32
  }
  func.func @transform_9(%arg0: i32) -> (i32, i32) {
    %c0_i32 = arith.constant 0 : i32
    %c0_i32_0 = arith.constant 0 : i32
    %c0_i32_1 = arith.constant 0 : i32
    return %c0_i32, %c0_i32_0 : i32, i32
  }
  func.func @transform_10(%arg0: i32) -> (i32, i32) {
    %c0_i32 = arith.constant 0 : i32
    %c0_i32_0 = arith.constant 0 : i32
    %c0_i32_1 = arith.constant 0 : i32
    return %c0_i32, %c0_i32_0 : i32, i32
  }
  func.func @transform_11(%arg0: i32) -> (i32, i32) {
    %c0_i32 = arith.constant 0 : i32
    %c0_i32_0 = arith.constant 0 : i32
    %c0_i32_1 = arith.constant 0 : i32
    return %c0_i32, %c0_i32_0 : i32, i32
  }
  func.func @transform_12(%arg0: i32) -> (i32, i32) {
    %c0_i32 = arith.constant 0 : i32
    %c0_i32_0 = arith.constant 0 : i32
    %c0_i32_1 = arith.constant 0 : i32
    return %c0_i32, %c0_i32_0 : i32, i32
  }
  func.func @transform_13(%arg0: i32) -> (i32, i32) {
    %c0_i32 = arith.constant 0 : i32
    %c0_i32_0 = arith.constant 0 : i32
    %c0_i32_1 = arith.constant 0 : i32
    return %c0_i32, %c0_i32_0 : i32, i32
  }
  func.func @transform_14(%arg0: i32) -> (i32, i32) {
    %c0_i32 = arith.constant 0 : i32
    %c0_i32_0 = arith.constant 0 : i32
    %c0_i32_1 = arith.constant 0 : i32
    return %c0_i32, %c0_i32_0 : i32, i32
  }
  func.func @transform_15(%arg0: i32) -> (i32, i32) {
    %c0_i32 = arith.constant 0 : i32
    %c0_i32_0 = arith.constant 0 : i32
    %c0_i32_1 = arith.constant 0 : i32
    return %c0_i32, %c0_i32_0 : i32, i32
  }
  func.func @transform_16(%arg0: i32) -> (i32, i32) {
    %c0_i32 = arith.constant 0 : i32
    %c0_i32_0 = arith.constant 0 : i32
    %c0_i32_1 = arith.constant 0 : i32
    return %c0_i32, %c0_i32_0 : i32, i32
  }
  func.func @transform_17(%arg0: i32) -> (i32, i32) {
    %c0_i32 = arith.constant 0 : i32
    %c0_i32_0 = arith.constant 0 : i32
    %c0_i32_1 = arith.constant 0 : i32
    return %c0_i32, %c0_i32_0 : i32, i32
  }
  func.func @transform_18(%arg0: i32) -> (i32, i32) {
    %c0_i32 = arith.constant 0 : i32
    %c0_i32_0 = arith.constant 0 : i32
    %c0_i32_1 = arith.constant 0 : i32
    return %c0_i32, %c0_i32_0 : i32, i32
  }
  func.func @transform_19(%arg0: i32) -> (i32, i32) {
    %c0_i32 = arith.constant 0 : i32
    %c0_i32_0 = arith.constant 0 : i32
    %c0_i32_1 = arith.constant 0 : i32
    return %c0_i32, %c0_i32_0 : i32, i32
  }
  func.func @transform_20(%arg0: i32) -> (i32, i32) {
    %c0_i32 = arith.constant 0 : i32
    %c0_i32_0 = arith.constant 0 : i32
    %c0_i32_1 = arith.constant 0 : i32
    return %c0_i32, %c0_i32_0 : i32, i32
  }
  func.func @transform_21(%arg0: i32) -> (i32, i32) {
    %c0_i32 = arith.constant 0 : i32
    %c0_i32_0 = arith.constant 0 : i32
    %c0_i32_1 = arith.constant 0 : i32
    return %c0_i32, %c0_i32_0 : i32, i32
  }
  func.func @transform_22(%arg0: i32) -> (i32, i32) {
    %c0_i32 = arith.constant 0 : i32
    %c0_i32_0 = arith.constant 0 : i32
    %c0_i32_1 = arith.constant 0 : i32
    return %c0_i32, %c0_i32_0 : i32, i32
  }
  func.func @transform_23(%arg0: i32) -> (i32, i32) {
    %c0_i32 = arith.constant 0 : i32
    %c0_i32_0 = arith.constant 0 : i32
    %c0_i32_1 = arith.constant 0 : i32
    return %c0_i32, %c0_i32_0 : i32, i32
  }
  func.func @transform_24(%arg0: i32) -> (i32, i32) {
    %c0_i32 = arith.constant 0 : i32
    %c0_i32_0 = arith.constant 0 : i32
    %c0_i32_1 = arith.constant 0 : i32
    return %c0_i32, %c0_i32_0 : i32, i32
  }
  func.func @transform_25(%arg0: i32) -> (i32, i32) {
    %c0_i32 = arith.constant 0 : i32
    %c0_i32_0 = arith.constant 0 : i32
    %c0_i32_1 = arith.constant 0 : i32
    return %c0_i32, %c0_i32_0 : i32, i32
  }
  func.func @transform_26(%arg0: i32) -> (i32, i32) {
    %c0_i32 = arith.constant 0 : i32
    %c0_i32_0 = arith.constant 0 : i32
    %c0_i32_1 = arith.constant 0 : i32
    return %c0_i32, %c0_i32_0 : i32, i32
  }
  func.func @transform_27(%arg0: i32) -> (i32, i32) {
    %c0_i32 = arith.constant 0 : i32
    %c0_i32_0 = arith.constant 0 : i32
    %c0_i32_1 = arith.constant 0 : i32
    return %c0_i32, %c0_i32_0 : i32, i32
  }
}

</mosaic_0001>

<sc_bundles>
// kernel: kernel.12.cloned.1.call-start
scs
__scs_entry_jumppad:
0x0: {  	(pc) =	sbr.rel $0x88, $3  }
0x1: {  	(tag) =	ssettag $0x0;
	lr =	simm.s32 $0x1  }
0x2: {  	[smem:$0x3F82] =	sst lr;
	_ =	strace $0xD0000000  }
0x3: {  	_ = 	snop  }
0x4: {  	_ = 	snop  }
0x5: {  	_ = 	snop  }
0x6: {  	_ = 	snop  }
0x7: {  	_ = 	snop  }
__scs_overlays_trampoline_lowered:
0x8: {  	[smem:$0x3F91] =	sst s0  }
0x9: {  	[smem:$0x3F92] =	sst s1  }
0xa: {  	[smem:$0x3F93] =	sst s2  }
0xb: {  	[smem:$0x3F94] =	sst s3  }
0xc: {  	[smem:$0x3F95] =	sst s4  }
0xd: {  	[smem:$0x3F96] =	sst s5  }
0xe: {  	[smem:$0x3F97] =	sst s6  }
0xf: {  	[smem:$0x3F98] =	sst s7  }
0x10: {  	[smem:$0x3F99] =	sst s8  }
0x11: {  	[smem:$0x3F9A] =	sst s9;
	s0 =	simm.s32 @!p0 $0x0  }
0x12: {  	s1 =	sld [smem:$0x3F80];
	s0 =	simm.s32 @p0 $0x1  }
0x13: {  	[smem:$0x3F9B] =	sst s0;
	s0 =	simm.s32 @!p1 $0x0  }
0x14: {  	s2 =	sld [smem:$0x3F7F];
	s0 =	simm.s32 @p1 $0x1  }
0x15: {  	[smem:$0x3F9C] =	sst s0;
	s0 =	simm.s32 @!p2 $0x0  }
0x16: {  	s3 =	sld [smem:$0x3FDB];
	s0 =	simm.s32 @p2 $0x1  }
0x17: {  	s4 =	simm.s32 $0x1BF5;
	[smem:$0x3F9E] =	sst s0  }
0x18: {  	s0 =	sld [smem:$0x3F81];
	_ =	swait.ge [sflag:s4], $0x0  }
0x19: {  	s7 =	sld [smem:$0x3F82]  }
0x1a: {  	s8 =	sadd.s32 $0xFFFFE003, lr  }
0x1b: {  	s9 =	sadd.s32 $0xFFFFFEF7, lr;
	s5 =	simm.s32 $0xFFFFFFFF;
	p2 =	slt.u32 s8, $0xFFFFF086  }
0x1c: {  	p1 =	slt.u32 s9, $0xF7A;
	s5 =	simm.s32 @!p2 $0x0  }
0x1d: {  	s5 =	simm.s32 @p1 $0x1;
	p0 =	seq.s32 s7, s2  }
0x1e: {  	s7 =	smul.u32 @!p0 $0xF7A, s2;
	p2 =	seq.s32 @!p0 s5, $0x0  }
0x1f: {  	s9 =	smul.u32 $0xF7A, s1;
	s8 =	simm.s32 @!p0 $0x1BF5;
	p2 =	por !p2, p0  }
0x20: {  	[sflag:s8] =	ssyncset.s32 @!p0 $0xFFFFF086;
	s6 =	sadd.s32 @!p0 s3, s7;
	s7 =	simm.s32 @!p0 $0x108  }
0x21: {  	s3 =	sadd.s32 s3, s9;
	s6 =	sadd.s32 @!p0 $0x88, s6;
	s7 =	simm.s32 @p2 $0x1082  }
0x22: {  	[simem:s7], [sflag:s8] =	dma.local @!p0 [hbm:s6], $0xF7A  }
0x23: {  	s9 =	sor.u32 $0xD0000000, s2;
	s6 =	simm.s32 $0x108;
	_ =	swait.ge @!p0 [sflag:s8], $0x0  }
0x24: {  	s3 =	sadd.s32 $0x88, s3;
	s6 =	simm.s32 @!p1 $0x1082;
	[sflag:s4] =	ssyncset.s32 $0xFFFFF086  }
0x25: {  	[simem:s6], [sflag:s4] =	dma.local [hbm:s3], $0xF7A  }
0x26: {  	[smem:$0x3F82] =	sst s1;
	(tag) =	ssettag s2;
	_ =	strace s9  }
0x27: {  	s1 =	sld [smem:$0x3F92]  }
0x28: {  	s2 =	sld [smem:$0x3F93]  }
0x29: {  	s4 =	sld [smem:$0x3F95]  }
0x2a: {  	p0 =	seq.s32 s5, $0x0;
	s5 =	sld [smem:$0x3F96]  }
0x2b: {  	s6 =	sld [smem:$0x3F97]  }
0x2c: {  	s7 =	sld [smem:$0x3F98]  }
0x2d: {  	s3 =	simm.s32 $0x108;
	s8 =	sld [smem:$0x3F99]  }
0x2e: {  	s3 =	simm.s32 @!p0 $0x1082;
	s9 =	sld [smem:$0x3F9A]  }
0x2f: {  	lr =	sadd.s32 s0, s3;
	s0 =	sld [smem:$0x3F91]  }
0x30: {  	s3 =	sld [smem:$0x3F94]  }
0x31: {  	[smem:$0x3F9D] =	sst s10  }
0x32: {  	s10 =	sld [smem:$0x3F9B];
	_ =	sdelay $0x3  }
0x33: {  	p0 =	seq.s32 s10, $0x1;
	s10 =	sld [smem:$0x3F9D];
	_ =	sdelay $0x3  }
0x34: {  	[smem:$0x3F9D] =	sst s10  }
0x35: {  	s10 =	sld [smem:$0x3F9C];
	_ =	sdelay $0x3  }
0x36: {  	p1 =	seq.s32 s10, $0x1;
	s10 =	sld [smem:$0x3F9D];
	_ =	sdelay $0x3  }
0x37: {  	[smem:$0x3F9D] =	sst s10  }
0x38: {  	s10 =	sld [smem:$0x3F9E]  }
0x39: {  	_ = 	snop;
	(pc) =	sbr.ind lr, $3  }
0x3a: {  	_ = 	snop  }
0x3b: {  	_ = 	snop  }
0x3c: {  	p2 =	seq.s32 s10, $0x1;
	s10 =	sld [smem:$0x3F9D]  }
0x3d: {  	_ =	shalt  }
0x3e: {  	_ =	shalt  }
0x3f: {  	_ =	shalt  }
0x40: {  	_ =	shalt  }
0x41: {  	_ =	shalt  }
0x42: {  	_ =	shalt  }
0x43: {  	_ =	shalt  }
0x44: {  	_ =	shalt  }
0x45: {  	_ =	shalt  }
0x46: {  	_ =	shalt  }
0x47: {  	_ =	shalt  }
0x48: {  	_ =	shalt  }
0x49: {  	_ =	shalt  }
0x4a: {  	_ =	shalt  }
0x4b: {  	_ =	shalt  }
0x4c: {  	_ =	shalt  }
0x4d: {  	_ =	shalt  }
0x4e: {  	_ =	shalt  }
0x4f: {  	_ =	shalt  }
0x50: {  	_ =	shalt  }
0x51: {  	_ =	shalt  }
0x52: {  	_ =	shalt  }
0x53: {  	_ =	shalt  }
0x54: {  	_ =	shalt  }
0x55: {  	_ =	shalt  }
0x56: {  	_ =	shalt  }
0x57: {  	_ =	shalt  }
0x58: {  	_ =	shalt  }
0x59: {  	_ =	shalt  }
0x5a: {  	_ =	shalt  }
0x5b: {  	_ =	shalt  }
0x5c: {  	_ =	shalt  }
0x5d: {  	_ =	shalt  }
0x5e: {  	_ =	shalt  }
0x5f: {  	_ =	shalt  }
0x60: {  	_ =	shalt  }
0x61: {  	_ =	shalt  }
0x62: {  	_ =	shalt  }
0x63: {  	_ =	shalt  }
0x64: {  	_ =	shalt  }
0x65: {  	_ =	shalt  }
0x66: {  	_ =	shalt  }
0x67: {  	_ =	shalt  }
0x68: {  	_ =	shalt  }
0x69: {  	_ =	shalt  }
0x6a: {  	_ =	shalt  }
0x6b: {  	_ =	shalt  }
0x6c: {  	_ =	shalt  }
0x6d: {  	_ =	shalt  }
0x6e: {  	_ =	shalt  }
0x6f: {  	_ =	shalt  }
0x70: {  	_ =	shalt  }
0x71: {  	_ =	shalt  }
0x72: {  	_ =	shalt  }
0x73: {  	_ =	shalt  }
0x74: {  	_ =	shalt  }
0x75: {  	_ =	shalt  }
0x76: {  	_ =	shalt  }
0x77: {  	_ =	shalt  }
0x78: {  	_ =	shalt  }
0x79: {  	_ =	shalt  }
0x7a: {  	_ =	shalt  }
0x7b: {  	_ =	shalt  }
0x7c: {  	_ =	shalt  }
0x7d: {  	_ =	shalt  }
0x7e: {  	_ =	shalt  }
0x7f: {  	_ =	shalt  }
0x80: {  	_ =	shalt  }
0x81: {  	_ =	shalt  }
0x82: {  	_ =	shalt  }
0x83: {  	_ =	shalt  }
0x84: {  	_ =	shalt  }
0x85: {  	_ =	shalt  }
0x86: {  	_ =	shalt  }
0x87: {  	_ =	shalt  }
.Lfunc_end0:
.L_simem_size_0:
called_computation.1_lowered:
.L_overlay_start_0:
0x88: {  	s2 =	sld [smem:$0x3FD9]  }
0x89: {  	s3 =	sld [smem:$0x3FFE];
	_ =	sdelay $0x1  }
0x8a: {  	s1 =	srdreg.scid  }
0x8b: {  	s0 =	sand.u32 $0x1, s1  }
0x8c: {  	s16 =	sshll.u32 s0, $0xA;
	s2 =	sadd.s32 s3, s2  }
0x8d: {  	s2 =	sadd.s32 s2, s16  }
0x8e: {  	[smem:$0x3FA9] =	sst s2  }
0x8f: {  	_ = 	snop  }
0x90: {  	(tm) =	ssettm $0x1  }
0x91: {  	s17 =	sld [smem:$0x3FFB];
	_ =	sdelay $0x3  }
0x92: {  	_ =	strace s17  }
0x93: {  	s2 =	sld [smem:$0x3FFC];
	_ =	sdelay $0x3  }
0x94: {  	_ =	strace s2  }
0x95: {  	s2 =	sld [smem:$0x3FFD];
	_ =	sdelay $0x3  }
0x96: {  	_ =	strace s2  }
0x97: {  	_ =	strace $0x8FFFFFFF  }
0x98: {  	s18 =	sld [smem:$0x3FDB];
	_ =	sdelay $0x1  }
0x99: {  	s19 =	simm.s32 $_scs_section_size  }
0x9a: {  	s4 =	simm.s32 $_size__tile_overlayer_lowered;
	s5 =	simm.s32 $_tile_overlayer_lowered  }
0x9b: {  	s22 =	simm.s32 $0x1BFF;
	s21 =	sshll.u32 s5, $0x1;
	s2 =	sadd.s32 s19, s18  }
0x9c: {  	s6 =	simm.s32 $0x0;
	s20 =	sshll.u32 s4, $0x1;
	s4 =	sadd.s32 s21, s2  }
0x9d: {  	[timem:s6], [sflag:s22] =	dma.local [hbm:s4], s20  }
0x9e: {  	_ =	swait.ge [sflag:s22], s20  }
0x9f: {  	s3 =	ssub.s32 $0x0, s20;
	[sflag:s22] =	ssyncset.done $0x0  }
0xa0: {  	[sflag:s22] =	ssyncadd.s32 s3;
	_ =	sdelay $0x1  }
0xa1: {  	s23 =	simm.s32 $0x1B8B  }
0xa2: {  	_ =	swait.ge [sflag:s23], $0x1  }
0xa3: {  	[sflag:s23] =	ssyncset.done $0x0  }
0xa4: {  	s25 =	simm.s32 $0x1B8E;
	s24 =	sld [smem:$0x3FFE];
	[sflag:s23] =	ssyncadd.s32 $0xFFFFFFFF  }
0xa5: {  	s26 =	simm.s32 $execute0_lowered;
	[smem:$0x3FD2] =	sst s25  }
0xa6: {  	s4 =	sshll.u32 s26, $0x1;
	_ =	strace $0x80000049;
	[dreg:$0x1] =	wrdreg $0xFFFFFFFF  }
0xa7: {  	s28 =	simm.s32 $_size_execute0_lowered;
	s2 =	sadd.s32 s2, s4;
	[dreg:$0x0] =	wrdreg $0x0  }
0xa8: {  	s4 =	sshll.u32 s28, $0x1;
	[dreg:$0x2] =	wrdreg s2  }
0xa9: {  	[dreg:$0x3] =	wrdreg s4  }
0xaa: {  	[dreg:$0x4] =	wrdreg $0xC0  }
0xab: {  	_ =	task [dreg:s6], $0x5FFFF  }
0xac: {  	[dreg:$0x1] =	wrdreg $0xFFFFFFFF  }
0xad: {  	[dreg:$0x0] =	wrdreg $0x60  }
0xae: {  	[dreg:$0x2] =	wrdreg s24  }
0xaf: {  	[dreg:$0x3] =	wrdreg $0x0  }
0xb0: {  	[dreg:$0x4] =	wrdreg $0x9  }
0xb1: {  	_ =	task.clear_ibuf [dreg:s6], $0x5FFFF;
	_ =	strace $0x90000049  }
0xb2: {  	s29 =	simm.s32 $0x9;
	_ =	strace $0x8000004B  }
0xb3: {  	_ =	swait.ge [sflag:s29], $0x1  }
0xb4: {  	[sflag:s29] =	ssyncadd.s32 $0xFFFFFFFF  }
0xb5: {  	_ =	strace $0x9000004B  }
0xb6: {  	_ =	sfence  }
0xb7: {  	s30 =	sld [smem:$0x0];
	_ =	sdelay $0x2  }
0xb8: {  	s31 =	sshll.u32 s1, $0xD;
	s1 =	sshrl.u32 s1, $0x2  }
0xb9: {  	s3 =	sand.u32 $0x4000, s31;
	s1 =	sadd.s32 s1, s30  }
0xba: {  	s0 =	sor.u32 s3, s0;
	s1 =	sshll.u32 s1, $0x11  }
0xbb: {  	s0 =	sor.u32 s1, s0  }
0xbc: {  	s0 =	sadd.s32 $0x8F2B, s0  }
0xbd: {  	[sflag:s0] =	ssyncadd.remote.s32 $0x1  }
0xbe: {  	_ =	sfence.sel $0xFFFF  }
0xbf: {  	[dreg:$0x0] =	wrdreg $0xFFFFFFFF;
	(pc) =	sbr.abs _section_cstart, $3  }
0xc0: {  	[dreg:$0x1] =	wrdreg $0xFFFFFFFF  }
0xc1: {  	_ =	task.clear_ibuf [dreg:s6], $0x2FFFF;
	_ =	strace $0x9FFFFFFF  }
0xc2: {  	(tm) =	ssettm $0x7FFFFFFF  }
0xc3: {  	_ =	shalt  }
tec
execute0_lowered:
.L_overlay_start_1:
0x0: {  	(tag) =	ssettag $0x1  }
0x1: {  	s12 =	stileid.u32  }
0x2: {  	s0 =	rddreg [dreg:$0x0];
	s7 =	smul.u32 $0x4E000, s12  }
0x3: {  	s1 =	rddreg [dreg:$0x1];
	s2 =	simm.s32 $0x0  }
0x4: {  	s3 =	srdreg.scid;
	s28 =	simm.s32 $0x13880;
	s7 =	sshrl.u32 s7, $0x2  }
0x5: {  	s29 =	simm.s32 $0x18880;
	[smem:$0x7FF] =	sst s2;
	s16 =	sadd.s32 s7, s1  }
0x6: {  	_ =	strace $0x8000004A;
	s7 =	sadd.s32 $0xC00, s16;
	[dreg:$0x3] =	wrdreg s16  }
0x7: {  	s30 =	simm.s32 $0x1E580;
	s14 =	sadd.s32 $0x1800, s16;
	[dreg:$0x4] =	wrdreg s7  }
0x8: {  	s31 =	simm.s32 $0x1;
	s15 =	sadd.s32 $0x2400, s16;
	[dreg:$0x5] =	wrdreg s14  }
0x9: {  	s4 =	sadd.s32 $0x5C6C00, s0;
	s17 =	sadd.s32 $0x3000, s16;
	[dreg:$0x6] =	wrdreg s15  }
0xa: {  	s5 =	sadd.s32 $0x9E600, s0;
	s18 =	sadd.s32 $0x3C00, s16;
	[dreg:$0x7] =	wrdreg s17  }
0xb: {  	s3 =	sand.u32 $0x1, s3;
	s19 =	sadd.s32 $0x4800, s16;
	[dreg:$0x8] =	wrdreg s18  }
0xc: {  	s6 =	sadd.s32 $0xC5800, s0;
	s11 =	sadd.s32 $0x5400, s16;
	[dreg:$0x9] =	wrdreg s19  }
0xd: {  	s10 =	sshll.u32 s12, $0x1;
	s21 =	sadd.s32 $0x6000, s16;
	[dreg:$0xa] =	wrdreg s11  }
0xe: {  	s8 =	ssub.s32 $0x2, s3;
	s22 =	sadd.s32 $0x6C00, s16;
	[dreg:$0xb] =	wrdreg s21  }
0xf: {  	s9 =	sshrl.u32 s8, $0x1;
	s23 =	sadd.s32 $0x7800, s16;
	[dreg:$0xc] =	wrdreg s22  }
0x10: {  	s9 =	ssub.s32 s8, s9;
	s25 =	sadd.s32 $0x8400, s16;
	[dreg:$0xd] =	wrdreg s23  }
0x11: {  	s20 =	smul.u32 $0x13800, s12;
	s9 =	smax.u32 s9, $0x1;
	[dreg:$0xf] =	wrdreg s25  }
0x12: {  	p0 =	sne.s32 s12, $0xF;
	s12 =	sadd.s32 $0xA800, s16;
	[dreg:$0x13] =	wrdreg s9  }
0x13: {  	s0 =	sadd.s32 $0xE4C00, s0;
	s13 =	sadd.s32 $0xB400, s16;
	[dreg:$0x16] =	wrdreg s12  }
0x14: {  	s10 =	sor.u32 s3, s10;
	s11 =	sadd.s32 $0x9C00, s16;
	[dreg:$0x17] =	wrdreg s13  }
0x15: {  	s3 =	smul.u32 $0x138800, s3;
	s14 =	sadd.s32 $0xC000, s16;
	[dreg:$0x15] =	wrdreg s11  }
0x16: {  	s8 =	smul.u32 $0x2710, s10;
	s15 =	sadd.s32 $0xCC00, s16;
	[dreg:$0x18] =	wrdreg s14  }
0x17: {  	s19 =	smul.u32 $0x7D00, s10;
	s17 =	sadd.s32 $0xD800, s16;
	[dreg:$0x19] =	wrdreg s15  }
0x18: {  	s7 =	sadd.s32 s20, s3;
	s18 =	sadd.s32 $0xE400, s16;
	[dreg:$0x1a] =	wrdreg s17  }
0x19: {  	s10 =	smul.u32 $0x27100, s10;
	s20 =	sadd.s32 $0xF000, s16;
	[dreg:$0x1b] =	wrdreg s18  }
0x1a: {  	s3 =	sshrl.u32 s3, $0x3;
	s21 =	sadd.s32 $0xFC00, s16;
	[dreg:$0x1c] =	wrdreg s20  }
0x1b: {  	s22 =	sadd.s32 $0x10800, s16;
	s23 =	sadd.s32 $0x11400, s16;
	[dreg:$0x1d] =	wrdreg s21  }
0x1c: {  	s25 =	sadd.s32 $0x12C00, s16;
	s9 =	simm.s32 $0x16080;
	[dreg:$0x1e] =	wrdreg s22  }
0x1d: {  	s12 =	simm.s32 $0x2;
	s13 =	simm.s32 $0x4;
	[dreg:$0x1f] =	wrdreg s23  }
0x1e: {  	s7 =	sshrl.u32 s7, $0x3;
	[smem:$0x7FB] =	sst s25;
	s17 =	sadd.s32 $0x138000, s1  }
0x1f: {  	s18 =	sadd.s32 $0x50, s8;
	s21 =	simm.s32 $0x1D880;
	s23 =	simm.s32 $0x7  }
0x20: {  	s25 =	simm.s32 $0x5;
	s7 =	sadd.s32 s0, s7;
	[smem:$0x7FD] =	sst s17  }
0x21: {  	s11 =	simm.s32 $0x1E500;
	s26 =	sadd.s32 s4, s10;
	[dreg:$0xe] =	wrdreg s7  }
0x22: {  	s0 =	sadd.s32 s0, s3;
	s10 =	sadd.s32 $0x9000, s16;
	[dreg:$0x11] =	wrdreg s26  }
0x23: {  	s24 =	sshrl.u32 s19, $0x3;
	s0 =	sadd.s32 $0x27000, s0;
	[dreg:$0x14] =	wrdreg s10  }
0x24: {  	s3 =	sadd.s32 s6, s24;
	s24 =	sadd.s32 $0x12000, s16;
	[dreg:$0x12] =	wrdreg s0  }
0x25: {  	s22 =	simm.s32 $0x1E600;
	s15 =	simm.s32 $0x0;
	[smem:$0x7FA] =	sst s24  }
0x26: {  	s20 =	sadd.s32 $0x300, s19;
	s10 =	simm.s32 $0x1B080;
	[dreg:$0x10] =	wrdreg s3  }
0x27: {  	s26 =	sadd.s32 $0x20, s3;
	s24 =	simm.s32 $0x1E480;
	s0 =	simm.s32 $0x3  }
0x28: {  	v0 =	vimm.f32 $0.0e+00;
	s3 =	simm.s32 $0x6;
	[smem:$0x7FC] =	sst s26;
	s26 =	simm.s32 $0x50  }
.LBB2_1:
0x29: {  	[smem:$0x7F9] =	sst s15;
	s7 =	simm.s32 $0x0;
	s15 =	simm.s32 $0x200  }
.LBB2_2:
0x2a: {  	p1 =	sne.s32 s15, $0x2E00;
	[tilespmem:s7+$0x1D8F0] =	vst v0  }
0x2b: {  	[tilespmem:s7+$0x1D880] =	vst v0  }
0x2c: {  	[tilespmem:s7+$0x1D890] =	vst v0  }
.Ltmp0:
0x2d: {  	[tilespmem:s7+$0x1D8A0] =	vst v0;
	(pc) =	sbr.rel @p1 .LBB2_2-.Ltmp0, $4  }
0x2e: {  	[tilespmem:s7+$0x1D8B0] =	vst v0  }
0x2f: {  	[tilespmem:s7+$0x1D8C0] =	vst v0  }
0x30: {  	[tilespmem:s7+$0x1D8D0] =	vst v0  }
0x31: {  	[tilespmem:s7+$0x1D8E0] =	vst v0;
	s7 =	sshra.s32 s15, $0x2;
	s15 =	sadd.s32 $0x200, s15  }
0x32: {  	[tilespmem:s7+$0x1D8F0] =	vst v0  }
0x33: {  	[tilespmem:s7+$0x1D880] =	vst v0  }
0x34: {  	[tilespmem:s7+$0x1D890] =	vst v0  }
0x35: {  	[tilespmem:s7+$0x1D8A0] =	vst v0  }
0x36: {  	[tilespmem:s7+$0x1D8B0] =	vst v0  }
0x37: {  	[tilespmem:s7+$0x1D8C0] =	vst v0  }
0x38: {  	[tilespmem:s7+$0x1D8D0] =	vst v0  }
0x39: {  	[tilespmem:s7+$0x1D8E0] =	vst v0  }
0x3a: {  	[spmem:s16] =	stream.linear.scatter [tilespmem:s21], [sflag:$0x7], $0xC00, $0x38;
	[tilespmem:$0x1E680] =	vst v63  }
0x3b: {  	_ =	swait.ge [sflag:s23], $0xC00  }
0x3c: {  	[sflag:s23] =	ssyncset.done $0x0  }
0x3d: {  	s16 =	rddreg [dreg:$0x4];
	[sflag:s23] =	ssyncadd.s32 $0xFFFFF400  }
0x3e: {  	[spmem:s16] =	stream.linear.scatter [tilespmem:s21], [sflag:$0x7], $0xC00, $0x38;
	[tilespmem:$0x1E680] =	vst v63  }
0x3f: {  	_ =	swait.ge [sflag:s23], $0xC00  }
0x40: {  	[sflag:s23] =	ssyncset.done $0x0  }
0x41: {  	s14 =	rddreg [dreg:$0x5];
	[sflag:s23] =	ssyncadd.s32 $0xFFFFF400  }
0x42: {  	[spmem:s14] =	stream.linear.scatter [tilespmem:s21], [sflag:$0x7], $0xC00, $0x38;
	[tilespmem:$0x1E680] =	vst v63  }
0x43: {  	_ =	swait.ge [sflag:s23], $0xC00  }
0x44: {  	[sflag:s23] =	ssyncset.done $0x0  }
0x45: {  	s15 =	rddreg [dreg:$0x6];
	[sflag:s23] =	ssyncadd.s32 $0xFFFFF400  }
0x46: {  	[spmem:s15] =	stream.linear.scatter [tilespmem:s21], [sflag:$0x7], $0xC00, $0x38;
	[tilespmem:$0x1E680] =	vst v63  }
0x47: {  	_ =	swait.ge [sflag:s23], $0xC00  }
0x48: {  	[sflag:s23] =	ssyncset.done $0x0  }
0x49: {  	s16 =	rddreg [dreg:$0x7];
	[sflag:s23] =	ssyncadd.s32 $0xFFFFF400  }
0x4a: {  	[spmem:s16] =	stream.linear.scatter [tilespmem:s21], [sflag:$0x7], $0xC00, $0x38;
	[tilespmem:$0x1E680] =	vst v63  }
0x4b: {  	_ =	swait.ge [sflag:s23], $0xC00  }
0x4c: {  	[sflag:s23] =	ssyncset.done $0x0  }
0x4d: {  	s14 =	rddreg [dreg:$0x8];
	[sflag:s23] =	ssyncadd.s32 $0xFFFFF400  }
0x4e: {  	[spmem:s14] =	stream.linear.scatter [tilespmem:s21], [sflag:$0x7], $0xC00, $0x38;
	[tilespmem:$0x1E680] =	vst v63  }
0x4f: {  	_ =	swait.ge [sflag:s23], $0xC00  }
0x50: {  	[sflag:s23] =	ssyncset.done $0x0  }
0x51: {  	s15 =	rddreg [dreg:$0x9];
	[sflag:s23] =	ssyncadd.s32 $0xFFFFF400  }
0x52: {  	[spmem:s15] =	stream.linear.scatter [tilespmem:s21], [sflag:$0x7], $0xC00, $0x38;
	[tilespmem:$0x1E680] =	vst v63  }
0x53: {  	_ =	swait.ge [sflag:s23], $0xC00  }
0x54: {  	[sflag:s23] =	ssyncset.done $0x0  }
0x55: {  	s16 =	rddreg [dreg:$0xa];
	[sflag:s23] =	ssyncadd.s32 $0xFFFFF400  }
0x56: {  	[spmem:s16] =	stream.linear.scatter [tilespmem:s21], [sflag:$0x7], $0xC00, $0x38;
	[tilespmem:$0x1E680] =	vst v63  }
0x57: {  	_ =	swait.ge [sflag:s23], $0xC00  }
0x58: {  	[sflag:s23] =	ssyncset.done $0x0  }
0x59: {  	s14 =	rddreg [dreg:$0xb];
	[sflag:s23] =	ssyncadd.s32 $0xFFFFF400  }
0x5a: {  	[spmem:s14] =	stream.linear.scatter [tilespmem:s21], [sflag:$0x7], $0xC00, $0x38;
	[tilespmem:$0x1E680] =	vst v63  }
0x5b: {  	_ =	swait.ge [sflag:s23], $0xC00  }
0x5c: {  	[sflag:s23] =	ssyncset.done $0x0  }
0x5d: {  	s15 =	rddreg [dreg:$0xc];
	[sflag:s23] =	ssyncadd.s32 $0xFFFFF400  }
0x5e: {  	[spmem:s15] =	stream.linear.scatter [tilespmem:s21], [sflag:$0x7], $0xC00, $0x38;
	[tilespmem:$0x1E680] =	vst v63  }
0x5f: {  	_ =	swait.ge [sflag:s23], $0xC00  }
0x60: {  	[sflag:s23] =	ssyncset.done $0x0  }
0x61: {  	s16 =	rddreg [dreg:$0xd];
	[sflag:s23] =	ssyncadd.s32 $0xFFFFF400  }
0x62: {  	[spmem:s16] =	stream.linear.scatter [tilespmem:s21], [sflag:$0x7], $0xC00, $0x38;
	[tilespmem:$0x1E680] =	vst v63  }
0x63: {  	_ =	swait.ge [sflag:s23], $0xC00  }
0x64: {  	[sflag:s23] =	ssyncset.done $0x0  }
0x65: {  	s14 =	rddreg [dreg:$0xf];
	[sflag:s23] =	ssyncadd.s32 $0xFFFFF400  }
0x66: {  	[spmem:s14] =	stream.linear.scatter [tilespmem:s21], [sflag:$0x7], $0xC00, $0x38;
	[tilespmem:$0x1E680] =	vst v63  }
0x67: {  	_ =	swait.ge [sflag:s23], $0xC00  }
0x68: {  	[sflag:s23] =	ssyncset.done $0x0  }
0x69: {  	s15 =	rddreg [dreg:$0x14];
	[sflag:s23] =	ssyncadd.s32 $0xFFFFF400  }
0x6a: {  	[spmem:s15] =	stream.linear.scatter [tilespmem:s21], [sflag:$0x7], $0xC00, $0x38;
	[tilespmem:$0x1E680] =	vst v63  }
0x6b: {  	_ =	swait.ge [sflag:s23], $0xC00  }
0x6c: {  	[sflag:s23] =	ssyncset.done $0x0  }
0x6d: {  	s16 =	rddreg [dreg:$0x15];
	[sflag:s23] =	ssyncadd.s32 $0xFFFFF400  }
0x6e: {  	[spmem:s16] =	stream.linear.scatter [tilespmem:s21], [sflag:$0x7], $0xC00, $0x38;
	[tilespmem:$0x1E680] =	vst v63  }
0x6f: {  	_ =	swait.ge [sflag:s23], $0xC00  }
0x70: {  	[sflag:s23] =	ssyncset.done $0x0  }
0x71: {  	s14 =	rddreg [dreg:$0x16];
	[sflag:s23] =	ssyncadd.s32 $0xFFFFF400  }
0x72: {  	[spmem:s14] =	stream.linear.scatter [tilespmem:s21], [sflag:$0x7], $0xC00, $0x38;
	[tilespmem:$0x1E680] =	vst v63  }
0x73: {  	_ =	swait.ge [sflag:s23], $0xC00  }
0x74: {  	[sflag:s23] =	ssyncset.done $0x0  }
0x75: {  	s15 =	rddreg [dreg:$0x17];
	[sflag:s23] =	ssyncadd.s32 $0xFFFFF400  }
0x76: {  	[spmem:s15] =	stream.linear.scatter [tilespmem:s21], [sflag:$0x7], $0xC00, $0x38;
	[tilespmem:$0x1E680] =	vst v63  }
0x77: {  	_ =	swait.ge [sflag:s23], $0xC00  }
0x78: {  	[sflag:s23] =	ssyncset.done $0x0  }
0x79: {  	s16 =	rddreg [dreg:$0x18];
	[sflag:s23] =	ssyncadd.s32 $0xFFFFF400  }
0x7a: {  	[spmem:s16] =	stream.linear.scatter [tilespmem:s21], [sflag:$0x7], $0xC00, $0x38;
	[tilespmem:$0x1E680] =	vst v63  }
0x7b: {  	_ =	swait.ge [sflag:s23], $0xC00  }
0x7c: {  	[sflag:s23] =	ssyncset.done $0x0  }
0x7d: {  	s14 =	rddreg [dreg:$0x19];
	[sflag:s23] =	ssyncadd.s32 $0xFFFFF400  }
0x7e: {  	[spmem:s14] =	stream.linear.scatter [tilespmem:s21], [sflag:$0x7], $0xC00, $0x38;
	[tilespmem:$0x1E680] =	vst v63  }
0x7f: {  	_ =	swait.ge [sflag:s23], $0xC00  }
0x80: {  	[sflag:s23] =	ssyncset.done $0x0  }
0x81: {  	s15 =	rddreg [dreg:$0x1a];
	[sflag:s23] =	ssyncadd.s32 $0xFFFFF400  }
0x82: {  	[spmem:s15] =	stream.linear.scatter [tilespmem:s21], [sflag:$0x7], $0xC00, $0x38;
	[tilespmem:$0x1E680] =	vst v63  }
0x83: {  	_ =	swait.ge [sflag:s23], $0xC00  }
0x84: {  	[sflag:s23] =	ssyncset.done $0x0  }
0x85: {  	s16 =	rddreg [dreg:$0x1b];
	[sflag:s23] =	ssyncadd.s32 $0xFFFFF400  }
0x86: {  	[spmem:s16] =	stream.linear.scatter [tilespmem:s21], [sflag:$0x7], $0xC00, $0x38;
	[tilespmem:$0x1E680] =	vst v63  }
0x87: {  	_ =	swait.ge [sflag:s23], $0xC00  }
0x88: {  	[sflag:s23] =	ssyncset.done $0x0  }
0x89: {  	s14 =	rddreg [dreg:$0x1c];
	[sflag:s23] =	ssyncadd.s32 $0xFFFFF400  }
0x8a: {  	[spmem:s14] =	stream.linear.scatter [tilespmem:s21], [sflag:$0x7], $0xC00, $0x38;
	[tilespmem:$0x1E680] =	vst v63  }
0x8b: {  	_ =	swait.ge [sflag:s23], $0xC00  }
0x8c: {  	[sflag:s23] =	ssyncset.done $0x0  }
0x8d: {  	s15 =	rddreg [dreg:$0x1d];
	[sflag:s23] =	ssyncadd.s32 $0xFFFFF400  }
0x8e: {  	[spmem:s15] =	stream.linear.scatter [tilespmem:s21], [sflag:$0x7], $0xC00, $0x38;
	[tilespmem:$0x1E680] =	vst v63  }
0x8f: {  	_ =	swait.ge [sflag:s23], $0xC00  }
0x90: {  	[sflag:s23] =	ssyncset.done $0x0  }
0x91: {  	s16 =	rddreg [dreg:$0x1e];
	[sflag:s23] =	ssyncadd.s32 $0xFFFFF400  }
0x92: {  	[spmem:s16] =	stream.linear.scatter [tilespmem:s21], [sflag:$0x7], $0xC00, $0x38;
	[tilespmem:$0x1E680] =	vst v63  }
0x93: {  	_ =	swait.ge [sflag:s23], $0xC00  }
0x94: {  	[sflag:s23] =	ssyncset.done $0x0  }
0x95: {  	s14 =	rddreg [dreg:$0x1f];
	[sflag:s23] =	ssyncadd.s32 $0xFFFFF400  }
0x96: {  	[spmem:s14] =	stream.linear.scatter [tilespmem:s21], [sflag:$0x7], $0xC00, $0x38;
	[tilespmem:$0x1E680] =	vst v63  }
0x97: {  	_ =	swait.ge [sflag:s23], $0xC00  }
0x98: {  	s15 =	sld [smem:$0x7FA]  }
0x99: {  	[sflag:s23] =	ssyncset.done $0x0  }
0x9a: {  	[sflag:s23] =	ssyncadd.s32 $0xFFFFF400  }
0x9b: {  	[spmem:s15] =	stream.linear.scatter [tilespmem:s21], [sflag:$0x7], $0xC00, $0x38;
	[tilespmem:$0x1E680] =	vst v63  }
0x9c: {  	_ =	swait.ge [sflag:s23], $0xC00  }
0x9d: {  	s16 =	sld [smem:$0x7FB]  }
0x9e: {  	[sflag:s23] =	ssyncset.done $0x0  }
0x9f: {  	[sflag:s23] =	ssyncadd.s32 $0xFFFFF400  }
0xa0: {  	[spmem:s16] =	stream.linear.scatter [tilespmem:s21], [sflag:$0x7], $0xC00, $0x38;
	[tilespmem:$0x1E680] =	vst v63  }
0xa1: {  	_ =	swait.ge [sflag:s23], $0xC00  }
0xa2: {  	[sflag:s23] =	ssyncset.done $0x0  }
0xa3: {  	s7 =	simm.s32 @!p0 $0x1D880;
	[sflag:s23] =	ssyncadd.s32 $0xFFFFF400  }
0xa4: {  	[spmem:s17] =	stream.linear.scatter @!p0 [tilespmem:s7], [sflag:$0x7], $0x800, $0x38;
	[tilespmem:$0x1E680] =	vst v63  }
0xa5: {  	s7 =	simm.s32 @!p0 $0x7  }
0xa6: {  	_ =	swait.ge @!p0 [sflag:s7], $0x800  }
0xa7: {  	[sflag:s7] =	ssyncset.done @!p0 $0x0  }
0xa8: {  	[sflag:s7] =	ssyncadd.s32 @!p0 $0xFFFFF800  }
0xa9: {  	[bflag:$0x0] =	sbarrier.arrive $0xFFFF  }
0xaa: {  	s15 =	simm.s32 $0x0;
	s14 =	rddreg [dreg:$0x10]  }
0xab: {  	[tilespmem:s24], [sflag:$0x5] =	stream.linear.gather [hbm4b:s14+s15], $0x100, $0x38;
	[tilespmem:$0x1E680] =	vst v63  }
0xac: {  	_ =	swait.ge [sflag:s25], $0x100  }
0xad: {  	[sflag:s25] =	ssyncset.done $0x0  }
0xae: {  	s16 =	rddreg [dreg:$0x11];
	[sflag:s25] =	ssyncadd.s32 $0xFFFFFF00  }
0xaf: {  	[tilespmem:s28], [sflag:$0x1] =	stream.indirect.gather [hbm4b:s5+s26], $0x80, s24, s26, $0xb8;
	[tilespmem:$0x1E680] =	vst v63  }
0xb0: {  	s17 =	sld [smem:$0x7FC]  }
0xb1: {  	[tilespmem:s29], [sflag:$0x3] =	stream.linear.gather [hbm4b:s16+s15], $0x2800, $0x38;
	[tilespmem:$0x1E680] =	vst v63  }
0xb2: {  	_ = 	snop  }
0xb3: {  	[tilespmem:s30], [sflag:$0x6] =	stream.linear.gather [hbm4b:s17+s15], $0x100, $0x38;
	[tilespmem:$0x1E680] =	vst v63  }
0xb4: {  	s17 =	simm.s32 $0x0  }
.LBB2_4:
0xb5: {  	_ =	swait.ge [sflag:s31], $0x2800  }
0xb6: {  	[sflag:s31] =	ssyncset.done $0x0  }
0xb7: {  	[sflag:s31] =	ssyncadd.s32 $0xFFFFD800  }
0xb8: {  	_ =	swait.ge [sflag:s0], $0x2800  }
0xb9: {  	[sflag:s0] =	ssyncset.done $0x0  }
0xba: {  	s7 =	smul.u32 $0xA0, s17;
	[sflag:s0] =	ssyncadd.s32 $0xFFFFD800  }
0xbb: {  	_ =	swait.ge [sflag:s3], $0x100  }
0xbc: {  	s7 =	sadd.s32 s7, s18;
	[sflag:s3] =	ssyncset.done $0x0  }
0xbd: {  	s7 =	sshll.u32 s7, $0x4;
	[sflag:s3] =	ssyncadd.s32 $0xFFFFFF00  }
0xbe: {  	[tilespmem:s9], [sflag:$0x2] =	stream.indirect.gather [hbm4b:s5+s26], $0x80, s30, s26, $0xb8;
	[tilespmem:$0x1E680] =	vst v63  }
0xbf: {  	s16 =	simm.s32 $0x0;
	s7 =	sadd.s32 s4, s7  }
0xc0: {  	[tilespmem:s10], [sflag:$0x4] =	stream.linear.gather [hbm4b:s7+s15], $0x2800, $0x38;
	[tilespmem:$0x1E680] =	vst v63  }
0xc1: {  	v8 =	vld [tilespmem:s16+$0x18880]  }
0xc2: {  	v12 =	vld [tilespmem:s16+$0x18890]  }
0xc3: {  	v6 =	vld [tilespmem:s16+$0x188A0]  }
0xc4: {  	v5 =	vld [tilespmem:s16+$0x188B0]  }
0xc5: {  	v4 =	vld [tilespmem:s16+$0x188C0]  }
0xc6: {  	v3 =	vld [tilespmem:s16+$0x188D0]  }
0xc7: {  	v2 =	vld [tilespmem:s16+$0x188E0]  }
0xc8: {  	v1 =	vld [tilespmem:s16+$0x188F0]  }
0xc9: {  	v13 =	vld [tilespmem:s16+$0x13880]  }
0xca: {  	v14 =	vld [tilespmem:s16+$0x13890]  }
0xcb: {  	v11 =	vld [tilespmem:s16+$0x138A0]  }
0xcc: {  	v10 =	vld [tilespmem:s16+$0x138B0]  }
0xcd: {  	v9 =	vld [tilespmem:s16+$0x138C0]  }
0xce: {  	v7 =	vld [tilespmem:s16+$0x138D0];
	v13 =	vmul.f32 v8, v13  }
0xcf: {  	s7 =	simm.s32 $0x200;
	v12 =	vmul.f32 v12, v14;
	v8 =	vld [tilespmem:s16+$0x138E0]  }
.LBB2_5:
0xd0: {  	s14 =	sshra.s32 s7, $0x2;
	p1 =	sne.s32 s7, $0x9E00;
	[tilespmem:s16+$0x13880] =	vst v13;
	v6 =	vmul.f32 v6, v11;
	v11 =	vld [tilespmem:s16+$0x138F0]  }
0xd1: {  	v13 =	vld [tilespmem:s14+$0x18880];
	[tilespmem:s16+$0x13890] =	vst v12;
	v5 =	vmul.f32 v5, v10  }
0xd2: {  	v12 =	vld [tilespmem:s14+$0x18890];
	[tilespmem:s16+$0x138A0] =	vst v6;
	v4 =	vmul.f32 v4, v9  }
0xd3: {  	v6 =	vld [tilespmem:s14+$0x188A0];
	[tilespmem:s16+$0x138B0] =	vst v5;
	v3 =	vmul.f32 v3, v7  }
0xd4: {  	v5 =	vld [tilespmem:s14+$0x188B0];
	[tilespmem:s16+$0x138C0] =	vst v4;
	v2 =	vmul.f32 v2, v8  }
0xd5: {  	v4 =	vld [tilespmem:s14+$0x188C0];
	[tilespmem:s16+$0x138D0] =	vst v3;
	v1 =	vmul.f32 v1, v11  }
0xd6: {  	v3 =	vld [tilespmem:s14+$0x188D0];
	[tilespmem:s16+$0x138E0] =	vst v2  }
0xd7: {  	v2 =	vld [tilespmem:s14+$0x188E0];
	[tilespmem:s16+$0x138F0] =	vst v1;
	s16 =	smov.u32 s14  }
0xd8: {  	v1 =	vld [tilespmem:s16+$0x188F0]  }
0xd9: {  	v7 =	vld [tilespmem:s16+$0x13880]  }
0xda: {  	v8 =	vld [tilespmem:s16+$0x13890]  }
.Ltmp1:
0xdb: {  	v11 =	vld [tilespmem:s16+$0x138A0];
	(pc) =	sbr.rel @p1 .LBB2_5-.Ltmp1, $4  }
0xdc: {  	v10 =	vld [tilespmem:s16+$0x138B0]  }
0xdd: {  	v9 =	vld [tilespmem:s16+$0x138C0]  }
0xde: {  	v13 =	vmul.f32 v13, v7;
	v7 =	vld [tilespmem:s16+$0x138D0]  }
0xdf: {  	s7 =	sadd.s32 $0x200, s7;
	v12 =	vmul.f32 v12, v8;
	v8 =	vld [tilespmem:s16+$0x138E0]  }
0xe0: {  	[tilespmem:s16+$0x13880] =	vst v13;
	v6 =	vmul.f32 v6, v11;
	v11 =	vld [tilespmem:s16+$0x138F0]  }
0xe1: {  	[tilespmem:s16+$0x13890] =	vst v12;
	v5 =	vmul.f32 v5, v10  }
0xe2: {  	[tilespmem:s16+$0x138A0] =	vst v6;
	v4 =	vmul.f32 v4, v9  }
0xe3: {  	[tilespmem:s16+$0x138B0] =	vst v5;
	v3 =	vmul.f32 v3, v7  }
0xe4: {  	[tilespmem:s16+$0x138C0] =	vst v4;
	v2 =	vmul.f32 v2, v8  }
0xe5: {  	s7 =	sshll.u32 s17, $0x1;
	[tilespmem:s16+$0x138D0] =	vst v3;
	v1 =	vmul.f32 v1, v11  }
0xe6: {  	s7 =	sadd.s32 $0x2, s7;
	[tilespmem:s16+$0x138E0] =	vst v2  }
0xe7: {  	s14 =	sshll.u32 s7, $0x8;
	[tilespmem:s16+$0x138F0] =	vst v1  }
0xe8: {  	[spmem:s1] =	stream.indirect.scatter.add.f32 [tilespmem:s28], [sflag:$0x7], $0x80, s11, s26, $0xb8;
	[tilespmem:$0x1E680] =	vst v63  }
0xe9: {  	s14 =	sadd.s32 s19, s14;
	_ =	swait.ge [sflag:s23], $0x2800  }
0xea: {  	s14 =	sshrl.u32 s14, $0x3;
	[sflag:s23] =	ssyncset.done $0x0  }
0xeb: {  	s14 =	sadd.s32 s6, s14;
	s16 =	simm.s32 $0x0;
	[sflag:s23] =	ssyncadd.s32 $0xFFFFD800  }
0xec: {  	[tilespmem:s24], [sflag:$0x5] =	stream.linear.gather [hbm4b:s14+s16], $0x100, $0x38;
	[tilespmem:$0x1E680] =	vst v63  }
0xed: {  	_ =	swait.ge [sflag:s12], $0x2800  }
0xee: {  	[sflag:s12] =	ssyncset.done $0x0  }
0xef: {  	[sflag:s12] =	ssyncadd.s32 $0xFFFFD800  }
0xf0: {  	_ =	swait.ge [sflag:s13], $0x2800  }
0xf1: {  	[sflag:s13] =	ssyncset.done $0x0  }
0xf2: {  	s7 =	smul.u32 $0x50, s7;
	[sflag:s13] =	ssyncadd.s32 $0xFFFFD800  }
0xf3: {  	_ =	swait.ge [sflag:s25], $0x100  }
0xf4: {  	s7 =	sadd.s32 s8, s7;
	[sflag:s25] =	ssyncset.done $0x0  }
0xf5: {  	s7 =	sshll.u32 s7, $0x4;
	[sflag:s25] =	ssyncadd.s32 $0xFFFFFF00  }
0xf6: {  	[tilespmem:s28], [sflag:$0x1] =	stream.indirect.gather [hbm4b:s5+s26], $0x80, s24, s26, $0xb8;
	[tilespmem:$0x1E680] =	vst v63  }
0xf7: {  	s7 =	sadd.s32 s4, s7  }
0xf8: {  	[tilespmem:s29], [sflag:$0x3] =	stream.linear.gather [hbm4b:s7+s16], $0x2800, $0x38;
	[tilespmem:$0x1E680] =	vst v63  }
0xf9: {  	s16 =	simm.s32 $0x0  }
0xfa: {  	v8 =	vld [tilespmem:s16+$0x1B080]  }
0xfb: {  	v12 =	vld [tilespmem:s16+$0x1B090]  }
0xfc: {  	v6 =	vld [tilespmem:s16+$0x1B0A0]  }
0xfd: {  	v5 =	vld [tilespmem:s16+$0x1B0B0]  }
0xfe: {  	v4 =	vld [tilespmem:s16+$0x1B0C0]  }
0xff: {  	v3 =	vld [tilespmem:s16+$0x1B0D0]  }
0x100: {  	v2 =	vld [tilespmem:s16+$0x1B0E0]  }
0x101: {  	v1 =	vld [tilespmem:s16+$0x1B0F0]  }
0x102: {  	v13 =	vld [tilespmem:s16+$0x16080]  }
0x103: {  	v14 =	vld [tilespmem:s16+$0x16090]  }
0x104: {  	v11 =	vld [tilespmem:s16+$0x160A0]  }
0x105: {  	v10 =	vld [tilespmem:s16+$0x160B0]  }
0x106: {  	v9 =	vld [tilespmem:s16+$0x160C0]  }
0x107: {  	v7 =	vld [tilespmem:s16+$0x160D0];
	v13 =	vmul.f32 v8, v13  }
0x108: {  	s7 =	simm.s32 $0x200;
	v12 =	vmul.f32 v12, v14;
	v8 =	vld [tilespmem:s16+$0x160E0]  }
.LBB2_7:
0x109: {  	s14 =	sshra.s32 s7, $0x2;
	p1 =	sne.s32 s7, $0x9E00;
	[tilespmem:s16+$0x16080] =	vst v13;
	v6 =	vmul.f32 v6, v11;
	v11 =	vld [tilespmem:s16+$0x160F0]  }
0x10a: {  	v13 =	vld [tilespmem:s14+$0x1B080];
	[tilespmem:s16+$0x16090] =	vst v12;
	v5 =	vmul.f32 v5, v10  }
0x10b: {  	v12 =	vld [tilespmem:s14+$0x1B090];
	[tilespmem:s16+$0x160A0] =	vst v6;
	v4 =	vmul.f32 v4, v9  }
0x10c: {  	v6 =	vld [tilespmem:s14+$0x1B0A0];
	[tilespmem:s16+$0x160B0] =	vst v5;
	v3 =	vmul.f32 v3, v7  }
0x10d: {  	v5 =	vld [tilespmem:s14+$0x1B0B0];
	[tilespmem:s16+$0x160C0] =	vst v4;
	v2 =	vmul.f32 v2, v8  }
0x10e: {  	v4 =	vld [tilespmem:s14+$0x1B0C0];
	[tilespmem:s16+$0x160D0] =	vst v3;
	v1 =	vmul.f32 v1, v11  }
0x10f: {  	v3 =	vld [tilespmem:s14+$0x1B0D0];
	[tilespmem:s16+$0x160E0] =	vst v2  }
0x110: {  	v2 =	vld [tilespmem:s14+$0x1B0E0];
	[tilespmem:s16+$0x160F0] =	vst v1;
	s16 =	smov.u32 s14  }
0x111: {  	v1 =	vld [tilespmem:s16+$0x1B0F0]  }
0x112: {  	v7 =	vld [tilespmem:s16+$0x16080]  }
0x113: {  	v8 =	vld [tilespmem:s16+$0x16090]  }
.Ltmp2:
0x114: {  	v11 =	vld [tilespmem:s16+$0x160A0];
	(pc) =	sbr.rel @p1 .LBB2_7-.Ltmp2, $4  }
0x115: {  	v10 =	vld [tilespmem:s16+$0x160B0]  }
0x116: {  	v9 =	vld [tilespmem:s16+$0x160C0]  }
0x117: {  	v13 =	vmul.f32 v13, v7;
	v7 =	vld [tilespmem:s16+$0x160D0]  }
0x118: {  	s7 =	sadd.s32 $0x200, s7;
	v12 =	vmul.f32 v12, v8;
	v8 =	vld [tilespmem:s16+$0x160E0]  }
0x119: {  	[tilespmem:s16+$0x16080] =	vst v13;
	v6 =	vmul.f32 v6, v11;
	v63 =	vld [tilespmem:s16+$0x160F0]  }
0x11a: {  	[tilespmem:s16+$0x16090] =	vst v12;
	v5 =	vmul.f32 v5, v10  }
0x11b: {  	[tilespmem:s16+$0x160A0] =	vst v6;
	v4 =	vmul.f32 v4, v9  }
0x11c: {  	[tilespmem:s16+$0x160B0] =	vst v5;
	v3 =	vmul.f32 v3, v7  }
0x11d: {  	[tilespmem:s16+$0x160C0] =	vst v4;
	v2 =	vmul.f32 v2, v8  }
0x11e: {  	[tilespmem:s16+$0x160D0] =	vst v3;
	v1 =	vmul.f32 v1, v63  }
0x11f: {  	p1 =	seq.s32 s17, $0x3D;
	[tilespmem:s16+$0x160E0] =	vst v2  }
.Ltmp3:
0x120: {  	[tilespmem:s16+$0x160F0] =	vst v1;
	(pc) =	sbr.rel @p1 .LBB2_10-.Ltmp3, $4  }
0x121: {  	[spmem:s1] =	stream.indirect.scatter.add.f32 [tilespmem:s9], [sflag:$0x7], $0x80, s22, s26, $0xb8;
	[tilespmem:$0x1E680] =	vst v63  }
0x122: {  	_ =	swait.ge [sflag:s23], $0x2800  }
0x123: {  	[sflag:s23] =	ssyncset.done $0x0  }
0x124: {  	[sflag:s23] =	ssyncadd.s32 $0xFFFFD800  }
.Ltmp4:
0x125: {  	s7 =	sshll.u32 s17, $0x9;
	(pc) =	sbr.rel .LBB2_4-.Ltmp4, $4  }
0x126: {  	s7 =	sadd.s32 s7, s20  }
0x127: {  	s7 =	sshrl.u32 s7, $0x3  }
0x128: {  	s17 =	sadd.s32 $0x1, s17;
	s7 =	sadd.s32 s6, s7  }
0x129: {  	[tilespmem:s30], [sflag:$0x6] =	stream.linear.gather [hbm4b:s7+s2], $0x100, $0x38;
	[tilespmem:$0x1E680] =	vst v63  }
.LBB2_10:
0x12a: {  	_ =	swait.ge [sflag:s31], $0x2800  }
0x12b: {  	[sflag:s31] =	ssyncset.done $0x0  }
0x12c: {  	[sflag:s31] =	ssyncadd.s32 $0xFFFFD800  }
0x12d: {  	_ =	swait.ge [sflag:s0], $0x2800  }
0x12e: {  	[sflag:s0] =	ssyncset.done $0x0  }
0x12f: {  	s15 =	simm.s32 $0x0;
	[sflag:s0] =	ssyncadd.s32 $0xFFFFD800  }
0x130: {  	v8 =	vld [tilespmem:s15+$0x18880]  }
0x131: {  	v12 =	vld [tilespmem:s15+$0x18890]  }
0x132: {  	v6 =	vld [tilespmem:s15+$0x188A0]  }
0x133: {  	v5 =	vld [tilespmem:s15+$0x188B0]  }
0x134: {  	v4 =	vld [tilespmem:s15+$0x188C0]  }
0x135: {  	v3 =	vld [tilespmem:s15+$0x188D0]  }
0x136: {  	v2 =	vld [tilespmem:s15+$0x188E0]  }
0x137: {  	v1 =	vld [tilespmem:s15+$0x188F0]  }
0x138: {  	v13 =	vld [tilespmem:s15+$0x13880]  }
0x139: {  	v14 =	vld [tilespmem:s15+$0x13890]  }
0x13a: {  	v11 =	vld [tilespmem:s15+$0x138A0]  }
0x13b: {  	v10 =	vld [tilespmem:s15+$0x138B0]  }
0x13c: {  	v9 =	vld [tilespmem:s15+$0x138C0]  }
0x13d: {  	v7 =	vld [tilespmem:s15+$0x138D0];
	v13 =	vmul.f32 v8, v13  }
0x13e: {  	s7 =	simm.s32 $0x200;
	v12 =	vmul.f32 v12, v14;
	v8 =	vld [tilespmem:s15+$0x138E0]  }
.LBB2_11:
0x13f: {  	s14 =	sshra.s32 s7, $0x2;
	p1 =	sne.s32 s7, $0x9E00;
	[tilespmem:s15+$0x13880] =	vst v13;
	v6 =	vmul.f32 v6, v11;
	v11 =	vld [tilespmem:s15+$0x138F0]  }
0x140: {  	v13 =	vld [tilespmem:s14+$0x18880];
	[tilespmem:s15+$0x13890] =	vst v12;
	v5 =	vmul.f32 v5, v10  }
0x141: {  	v12 =	vld [tilespmem:s14+$0x18890];
	[tilespmem:s15+$0x138A0] =	vst v6;
	v4 =	vmul.f32 v4, v9  }
0x142: {  	v6 =	vld [tilespmem:s14+$0x188A0];
	[tilespmem:s15+$0x138B0] =	vst v5;
	v3 =	vmul.f32 v3, v7  }
0x143: {  	v5 =	vld [tilespmem:s14+$0x188B0];
	[tilespmem:s15+$0x138C0] =	vst v4;
	v2 =	vmul.f32 v2, v8  }
0x144: {  	v4 =	vld [tilespmem:s14+$0x188C0];
	[tilespmem:s15+$0x138D0] =	vst v3;
	v1 =	vmul.f32 v1, v11  }
0x145: {  	v3 =	vld [tilespmem:s14+$0x188D0];
	[tilespmem:s15+$0x138E0] =	vst v2  }
0x146: {  	v2 =	vld [tilespmem:s14+$0x188E0];
	[tilespmem:s15+$0x138F0] =	vst v1;
	s15 =	smov.u32 s14  }
0x147: {  	v1 =	vld [tilespmem:s15+$0x188F0]  }
0x148: {  	v7 =	vld [tilespmem:s15+$0x13880]  }
0x149: {  	v8 =	vld [tilespmem:s15+$0x13890]  }
.Ltmp5:
0x14a: {  	v11 =	vld [tilespmem:s15+$0x138A0];
	(pc) =	sbr.rel @p1 .LBB2_11-.Ltmp5, $4  }
0x14b: {  	v10 =	vld [tilespmem:s15+$0x138B0]  }
0x14c: {  	v9 =	vld [tilespmem:s15+$0x138C0]  }
0x14d: {  	v13 =	vmul.f32 v13, v7;
	v7 =	vld [tilespmem:s15+$0x138D0]  }
0x14e: {  	s7 =	sadd.s32 $0x200, s7;
	v12 =	vmul.f32 v12, v8;
	v8 =	vld [tilespmem:s15+$0x138E0]  }
0x14f: {  	[tilespmem:s15+$0x13880] =	vst v13;
	v6 =	vmul.f32 v6, v11;
	v63 =	vld [tilespmem:s15+$0x138F0]  }
0x150: {  	[tilespmem:s15+$0x13890] =	vst v12;
	v5 =	vmul.f32 v5, v10  }
0x151: {  	[tilespmem:s15+$0x138A0] =	vst v6;
	v4 =	vmul.f32 v4, v9  }
0x152: {  	[tilespmem:s15+$0x138B0] =	vst v5;
	v3 =	vmul.f32 v3, v7  }
0x153: {  	[tilespmem:s15+$0x138C0] =	vst v4;
	v2 =	vmul.f32 v2, v8  }
0x154: {  	[tilespmem:s15+$0x138D0] =	vst v3;
	v1 =	vmul.f32 v1, v63  }
0x155: {  	[tilespmem:s15+$0x138E0] =	vst v2  }
0x156: {  	[tilespmem:s15+$0x138F0] =	vst v1  }
0x157: {  	[spmem:s1] =	stream.indirect.scatter.add.f32 [tilespmem:s28], [sflag:$0x7], $0x80, s11, s26, $0xb8;
	[tilespmem:$0x1E680] =	vst v63  }
0x158: {  	_ =	swait.ge [sflag:s23], $0x2800  }
0x159: {  	[sflag:s23] =	ssyncset.done $0x0  }
0x15a: {  	[sflag:s23] =	ssyncadd.s32 $0xFFFFD800  }
0x15b: {  	s7 =	stileid.u32;
	[bflag:$0x0] =	sbarrier.arrive $0xFFFF  }
0x15c: {  	s7 =	sshll.u32 s7, $0x6;
	s16 =	rddreg [dreg:$0x3]  }
0x15d: {  	s7 =	sor.u32 $0x1C07, s7;
	s17 =	rddreg [dreg:$0xe];
	s14 =	sshrl.u32 s16, $0x3  }
0x15e: {  	[hbm:s17], [sflag:s7] =	dma.local [spmem:s14], $0x2700  }
0x15f: {  	_ =	swait.ge [sflag:s23], $0x2700  }
0x160: {  	s17 =	sld [smem:$0x7FD];
	_ =	sdelay $0x1  }
0x161: {  	[sflag:s23] =	ssyncset.done $0x0  }
0x162: {  	s15 =	rddreg [dreg:$0x12];
	[sflag:s23] =	ssyncadd.s32 $0xFFFFD900;
	s14 =	sshrl.u32 @!p0 s17, $0x3  }
0x163: {  	[hbm:s15], [sflag:s7] =	dma.local @!p0 [spmem:s14], $0x100  }
0x164: {  	s7 =	simm.s32 @!p0 $0x7  }
0x165: {  	_ =	swait.ge @!p0 [sflag:s7], $0x100  }
0x166: {  	s14 =	sld [smem:$0x7F9];
	_ =	sdelay $0x2  }
0x167: {  	s15 =	sadd.s32 $0x1, s14;
	s14 =	rddreg [dreg:$0x13]  }
0x168: {  	p1 =	sne.s32 s15, s14  }
.Ltmp6:
0x169: {  	_ = 	snop;
	(pc) =	sbr.rel @p1 .LBB2_1-.Ltmp6, $3  }
0x16a: {  	_ =	sdelay $0x1  }
0x16b: {  	[sflag:s7] =	ssyncset.done @!p0 $0x0  }
0x16c: {  	[sflag:s7] =	ssyncadd.s32 @!p0 $0xFFFFFF00  }
0x16d: {  	_ =	sfence.sel $0x180000  }
0x16e: {  	[bflag:$0x0] =	sbarrier.arrive $0xFFFF  }
0x16f: {  	_ =	strace $0x9000004A  }
0x170: {  	s0 =	stileid.u32;
	[bflag:$0x2] =	sbarrier.arrive $0xFFFF  }
0x171: {  	p0 =	sne.s32 s0, $0x0;
	s0 =	rddreg [dreg:$0x2]  }
0x172: {  	s0 =	sadd.s32 @!p0 $0x100000, s0  }
0x173: {  	[sflag:s0] =	ssyncadd.tile.s32 @!p0 $0x1;
	_ =	shalt  }
.Lfunc_end2:
_tile_overlayer_lowered:
.L_overlay_start_2:
0x174: {  	(tag) =	ssettag $0x2  }
0x175: {  	s0 =	rddreg [dreg:$0x0];
	s2 =	stileid.u32  }
0x176: {  	s1 =	rddreg [dreg:$0x1];
	p0 =	sne.s32 s2, $0x0  }
0x177: {  	s3 =	rddreg [dreg:$0x2];
	[bflag:$0x3] =	sbarrier.arrive $0xFFFF;
	s2 =	simm.s32 @!p0 $0x1C07  }
0x178: {  	[timem:s3], [sflag:s2] =	dma.local @!p0 [hbm:s0], s1  }
0x179: {  	s0 =	simm.s32 @!p0 $0x7  }
0x17a: {  	_ =	swait.ge @!p0 [sflag:s0], s1  }
0x17b: {  	s1 =	ssub.s32 @!p0 $0x0, s1;
	[sflag:s0] =	ssyncset.done @!p0 $0x0  }
0x17c: {  	[sflag:s0] =	ssyncadd.s32 @!p0 s1  }
0x17d: {  	[bflag:$0x3] =	sbarrier.arrive $0xFFFF  }
0x17e: {  	_ =	shalt  }

// kernel: kernel.15.cloned.1.call-start
scs
__scs_entry_jumppad:
0x0: {  	(pc) =	sbr.rel $0x88, $3  }
0x1: {  	(tag) =	ssettag $0x0;
	lr =	simm.s32 $0x1  }
0x2: {  	[smem:$0x3F82] =	sst lr;
	_ =	strace $0xD0000000  }
0x3: {  	_ = 	snop  }
0x4: {  	_ = 	snop  }
0x5: {  	_ = 	snop  }
0x6: {  	_ = 	snop  }
0x7: {  	_ = 	snop  }
__scs_overlays_trampoline_lowered:
0x8: {  	[smem:$0x3F91] =	sst s0  }
0x9: {  	[smem:$0x3F92] =	sst s1  }
0xa: {  	[smem:$0x3F93] =	sst s2  }
0xb: {  	[smem:$0x3F94] =	sst s3  }
0xc: {  	[smem:$0x3F95] =	sst s4  }
0xd: {  	[smem:$0x3F96] =	sst s5  }
0xe: {  	[smem:$0x3F97] =	sst s6  }
0xf: {  	[smem:$0x3F98] =	sst s7  }
0x10: {  	[smem:$0x3F99] =	sst s8  }
0x11: {  	[smem:$0x3F9A] =	sst s9;
	s0 =	simm.s32 @!p0 $0x0  }
0x12: {  	s1 =	sld [smem:$0x3F80];
	s0 =	simm.s32 @p0 $0x1  }
0x13: {  	[smem:$0x3F9B] =	sst s0;
	s0 =	simm.s32 @!p1 $0x0  }
0x14: {  	s2 =	sld [smem:$0x3F7F];
	s0 =	simm.s32 @p1 $0x1  }
0x15: {  	[smem:$0x3F9C] =	sst s0;
	s0 =	simm.s32 @!p2 $0x0  }
0x16: {  	s3 =	sld [smem:$0x3FDB];
	s0 =	simm.s32 @p2 $0x1  }
0x17: {  	s4 =	simm.s32 $0x1BF5;
	[smem:$0x3F9E] =	sst s0  }
0x18: {  	s0 =	sld [smem:$0x3F81];
	_ =	swait.ge [sflag:s4], $0x0  }
0x19: {  	s7 =	sld [smem:$0x3F82]  }
0x1a: {  	s8 =	sadd.s32 $0xFFFFE003, lr  }
0x1b: {  	s9 =	sadd.s32 $0xFFFFFEF7, lr;
	s5 =	simm.s32 $0xFFFFFFFF;
	p2 =	slt.u32 s8, $0xFFFFF086  }
0x1c: {  	p1 =	slt.u32 s9, $0xF7A;
	s5 =	simm.s32 @!p2 $0x0  }
0x1d: {  	s5 =	simm.s32 @p1 $0x1;
	p0 =	seq.s32 s7, s2  }
0x1e: {  	s7 =	smul.u32 @!p0 $0xF7A, s2;
	p2 =	seq.s32 @!p0 s5, $0x0  }
0x1f: {  	s9 =	smul.u32 $0xF7A, s1;
	s8 =	simm.s32 @!p0 $0x1BF5;
	p2 =	por !p2, p0  }
0x20: {  	[sflag:s8] =	ssyncset.s32 @!p0 $0xFFFFF086;
	s6 =	sadd.s32 @!p0 s3, s7;
	s7 =	simm.s32 @!p0 $0x108  }
0x21: {  	s3 =	sadd.s32 s3, s9;
	s6 =	sadd.s32 @!p0 $0x88, s6;
	s7 =	simm.s32 @p2 $0x1082  }
0x22: {  	[simem:s7], [sflag:s8] =	dma.local @!p0 [hbm:s6], $0xF7A  }
0x23: {  	s9 =	sor.u32 $0xD0000000, s2;
	s6 =	simm.s32 $0x108;
	_ =	swait.ge @!p0 [sflag:s8], $0x0  }
0x24: {  	s3 =	sadd.s32 $0x88, s3;
	s6 =	simm.s32 @!p1 $0x1082;
	[sflag:s4] =	ssyncset.s32 $0xFFFFF086  }
0x25: {  	[simem:s6], [sflag:s4] =	dma.local [hbm:s3], $0xF7A  }
0x26: {  	[smem:$0x3F82] =	sst s1;
	(tag) =	ssettag s2;
	_ =	strace s9  }
0x27: {  	s1 =	sld [smem:$0x3F92]  }
0x28: {  	s2 =	sld [smem:$0x3F93]  }
0x29: {  	s4 =	sld [smem:$0x3F95]  }
0x2a: {  	p0 =	seq.s32 s5, $0x0;
	s5 =	sld [smem:$0x3F96]  }
0x2b: {  	s6 =	sld [smem:$0x3F97]  }
0x2c: {  	s7 =	sld [smem:$0x3F98]  }
0x2d: {  	s3 =	simm.s32 $0x108;
	s8 =	sld [smem:$0x3F99]  }
0x2e: {  	s3 =	simm.s32 @!p0 $0x1082;
	s9 =	sld [smem:$0x3F9A]  }
0x2f: {  	lr =	sadd.s32 s0, s3;
	s0 =	sld [smem:$0x3F91]  }
0x30: {  	s3 =	sld [smem:$0x3F94]  }
0x31: {  	[smem:$0x3F9D] =	sst s10  }
0x32: {  	s10 =	sld [smem:$0x3F9B];
	_ =	sdelay $0x3  }
0x33: {  	p0 =	seq.s32 s10, $0x1;
	s10 =	sld [smem:$0x3F9D];
	_ =	sdelay $0x3  }
0x34: {  	[smem:$0x3F9D] =	sst s10  }
0x35: {  	s10 =	sld [smem:$0x3F9C];
	_ =	sdelay $0x3  }
0x36: {  	p1 =	seq.s32 s10, $0x1;
	s10 =	sld [smem:$0x3F9D];
	_ =	sdelay $0x3  }
0x37: {  	[smem:$0x3F9D] =	sst s10  }
0x38: {  	s10 =	sld [smem:$0x3F9E]  }
0x39: {  	_ = 	snop;
	(pc) =	sbr.ind lr, $3  }
0x3a: {  	_ = 	snop  }
0x3b: {  	_ = 	snop  }
0x3c: {  	p2 =	seq.s32 s10, $0x1;
	s10 =	sld [smem:$0x3F9D]  }
0x3d: {  	_ =	shalt  }
0x3e: {  	_ =	shalt  }
0x3f: {  	_ =	shalt  }
0x40: {  	_ =	shalt  }
0x41: {  	_ =	shalt  }
0x42: {  	_ =	shalt  }
0x43: {  	_ =	shalt  }
0x44: {  	_ =	shalt  }
0x45: {  	_ =	shalt  }
0x46: {  	_ =	shalt  }
0x47: {  	_ =	shalt  }
0x48: {  	_ =	shalt  }
0x49: {  	_ =	shalt  }
0x4a: {  	_ =	shalt  }
0x4b: {  	_ =	shalt  }
0x4c: {  	_ =	shalt  }
0x4d: {  	_ =	shalt  }
0x4e: {  	_ =	shalt  }
0x4f: {  	_ =	shalt  }
0x50: {  	_ =	shalt  }
0x51: {  	_ =	shalt  }
0x52: {  	_ =	shalt  }
0x53: {  	_ =	shalt  }
0x54: {  	_ =	shalt  }
0x55: {  	_ =	shalt  }
0x56: {  	_ =	shalt  }
0x57: {  	_ =	shalt  }
0x58: {  	_ =	shalt  }
0x59: {  	_ =	shalt  }
0x5a: {  	_ =	shalt  }
0x5b: {  	_ =	shalt  }
0x5c: {  	_ =	shalt  }
0x5d: {  	_ =	shalt  }
0x5e: {  	_ =	shalt  }
0x5f: {  	_ =	shalt  }
0x60: {  	_ =	shalt  }
0x61: {  	_ =	shalt  }
0x62: {  	_ =	shalt  }
0x63: {  	_ =	shalt  }
0x64: {  	_ =	shalt  }
0x65: {  	_ =	shalt  }
0x66: {  	_ =	shalt  }
0x67: {  	_ =	shalt  }
0x68: {  	_ =	shalt  }
0x69: {  	_ =	shalt  }
0x6a: {  	_ =	shalt  }
0x6b: {  	_ =	shalt  }
0x6c: {  	_ =	shalt  }
0x6d: {  	_ =	shalt  }
0x6e: {  	_ =	shalt  }
0x6f: {  	_ =	shalt  }
0x70: {  	_ =	shalt  }
0x71: {  	_ =	shalt  }
0x72: {  	_ =	shalt  }
0x73: {  	_ =	shalt  }
0x74: {  	_ =	shalt  }
0x75: {  	_ =	shalt  }
0x76: {  	_ =	shalt  }
0x77: {  	_ =	shalt  }
0x78: {  	_ =	shalt  }
0x79: {  	_ =	shalt  }
0x7a: {  	_ =	shalt  }
0x7b: {  	_ =	shalt  }
0x7c: {  	_ =	shalt  }
0x7d: {  	_ =	shalt  }
0x7e: {  	_ =	shalt  }
0x7f: {  	_ =	shalt  }
0x80: {  	_ =	shalt  }
0x81: {  	_ =	shalt  }
0x82: {  	_ =	shalt  }
0x83: {  	_ =	shalt  }
0x84: {  	_ =	shalt  }
0x85: {  	_ =	shalt  }
0x86: {  	_ =	shalt  }
0x87: {  	_ =	shalt  }
.Lfunc_end0:
.L_simem_size_0:
called_computation.2_lowered:
.L_overlay_start_0:
0x88: {  	s2 =	sld [smem:$0x3FD9]  }
0x89: {  	s3 =	sld [smem:$0x3FFE];
	_ =	sdelay $0x1  }
0x8a: {  	s1 =	srdreg.scid  }
0x8b: {  	s0 =	sand.u32 $0x1, s1  }
0x8c: {  	s16 =	sshll.u32 s0, $0xA;
	s2 =	sadd.s32 s3, s2  }
0x8d: {  	s2 =	sadd.s32 s2, s16  }
0x8e: {  	[smem:$0x3FA9] =	sst s2  }
0x8f: {  	_ = 	snop  }
0x90: {  	(tm) =	ssettm $0x1  }
0x91: {  	s17 =	sld [smem:$0x3FFB];
	_ =	sdelay $0x3  }
0x92: {  	_ =	strace s17  }
0x93: {  	s2 =	sld [smem:$0x3FFC];
	_ =	sdelay $0x3  }
0x94: {  	_ =	strace s2  }
0x95: {  	s2 =	sld [smem:$0x3FFD];
	_ =	sdelay $0x3  }
0x96: {  	_ =	strace s2  }
0x97: {  	_ =	strace $0x8FFFFFFF  }
0x98: {  	s18 =	sld [smem:$0x3FDB];
	_ =	sdelay $0x1  }
0x99: {  	s19 =	simm.s32 $_scs_section_size  }
0x9a: {  	s4 =	simm.s32 $_size__tile_overlayer_lowered;
	s5 =	simm.s32 $_tile_overlayer_lowered  }
0x9b: {  	s22 =	simm.s32 $0x1BFF;
	s21 =	sshll.u32 s5, $0x1;
	s2 =	sadd.s32 s19, s18  }
0x9c: {  	s6 =	simm.s32 $0x0;
	s20 =	sshll.u32 s4, $0x1;
	s4 =	sadd.s32 s21, s2  }
0x9d: {  	[timem:s6], [sflag:s22] =	dma.local [hbm:s4], s20  }
0x9e: {  	_ =	swait.ge [sflag:s22], s20  }
0x9f: {  	s3 =	ssub.s32 $0x0, s20;
	[sflag:s22] =	ssyncset.done $0x0  }
0xa0: {  	[sflag:s22] =	ssyncadd.s32 s3;
	_ =	sdelay $0x1  }
0xa1: {  	s23 =	simm.s32 $0x1B8B  }
0xa2: {  	_ =	swait.ge [sflag:s23], $0x1  }
0xa3: {  	[sflag:s23] =	ssyncset.done $0x0  }
0xa4: {  	s25 =	simm.s32 $0x1B8E;
	s24 =	sld [smem:$0x3FFE];
	[sflag:s23] =	ssyncadd.s32 $0xFFFFFFFF  }
0xa5: {  	s26 =	simm.s32 $execute0_lowered;
	[smem:$0x3FD2] =	sst s25  }
0xa6: {  	s4 =	sshll.u32 s26, $0x1;
	_ =	strace $0x8000004C;
	[dreg:$0x1] =	wrdreg $0xFFFFFFFF  }
0xa7: {  	s28 =	simm.s32 $_size_execute0_lowered;
	s2 =	sadd.s32 s2, s4;
	[dreg:$0x0] =	wrdreg $0x0  }
0xa8: {  	s4 =	sshll.u32 s28, $0x1;
	[dreg:$0x2] =	wrdreg s2  }
0xa9: {  	[dreg:$0x3] =	wrdreg s4  }
0xaa: {  	[dreg:$0x4] =	wrdreg $0xC0  }
0xab: {  	_ =	task [dreg:s6], $0x5FFFF  }
0xac: {  	[dreg:$0x1] =	wrdreg $0xFFFFFFFF  }
0xad: {  	[dreg:$0x0] =	wrdreg $0x60  }
0xae: {  	[dreg:$0x2] =	wrdreg s24  }
0xaf: {  	[dreg:$0x3] =	wrdreg $0x0  }
0xb0: {  	[dreg:$0x4] =	wrdreg $0x9  }
0xb1: {  	_ =	task.clear_ibuf [dreg:s6], $0x5FFFF;
	_ =	strace $0x9000004C  }
0xb2: {  	s29 =	simm.s32 $0x9;
	_ =	strace $0x8000004E  }
0xb3: {  	_ =	swait.ge [sflag:s29], $0x1  }
0xb4: {  	[sflag:s29] =	ssyncadd.s32 $0xFFFFFFFF  }
0xb5: {  	_ =	strace $0x9000004E  }
0xb6: {  	_ =	sfence  }
0xb7: {  	s30 =	sld [smem:$0x0];
	_ =	sdelay $0x2  }
0xb8: {  	s31 =	sshll.u32 s1, $0xD;
	s1 =	sshrl.u32 s1, $0x2  }
0xb9: {  	s3 =	sand.u32 $0x4000, s31;
	s1 =	sadd.s32 s1, s30  }
0xba: {  	s0 =	sor.u32 s3, s0;
	s1 =	sshll.u32 s1, $0x11  }
0xbb: {  	s0 =	sor.u32 s1, s0  }
0xbc: {  	s0 =	sadd.s32 $0x8F2B, s0  }
0xbd: {  	[sflag:s0] =	ssyncadd.remote.s32 $0x1  }
0xbe: {  	_ =	sfence.sel $0xFFFF  }
0xbf: {  	[dreg:$0x0] =	wrdreg $0xFFFFFFFF;
	(pc) =	sbr.abs _section_cstart, $3  }
0xc0: {  	[dreg:$0x1] =	wrdreg $0xFFFFFFFF  }
0xc1: {  	_ =	task.clear_ibuf [dreg:s6], $0x2FFFF;
	_ =	strace $0x9FFFFFFF  }
0xc2: {  	(tm) =	ssettm $0x7FFFFFFF  }
0xc3: {  	_ =	shalt  }
tec
execute0_lowered:
.L_overlay_start_1:
0x0: {  	(tag) =	ssettag $0x1  }
0x1: {  	s12 =	stileid.u32  }
0x2: {  	s0 =	rddreg [dreg:$0x0];
	s7 =	smul.u32 $0x4E000, s12  }
0x3: {  	s1 =	rddreg [dreg:$0x1];
	s2 =	simm.s32 $0x0  }
0x4: {  	s3 =	srdreg.scid;
	s28 =	simm.s32 $0x13880;
	s7 =	sshrl.u32 s7, $0x2  }
0x5: {  	s29 =	simm.s32 $0x18880;
	[smem:$0x7FF] =	sst s2;
	s16 =	sadd.s32 s7, s1  }
0x6: {  	_ =	strace $0x8000004D;
	s7 =	sadd.s32 $0xC00, s16;
	[dreg:$0x3] =	wrdreg s16  }
0x7: {  	s30 =	simm.s32 $0x1E580;
	s14 =	sadd.s32 $0x1800, s16;
	[dreg:$0x4] =	wrdreg s7  }
0x8: {  	s31 =	simm.s32 $0x1;
	s15 =	sadd.s32 $0x2400, s16;
	[dreg:$0x5] =	wrdreg s14  }
0x9: {  	s4 =	sadd.s32 $0xAA8C00, s0;
	s17 =	sadd.s32 $0x3000, s16;
	[dreg:$0x6] =	wrdreg s15  }
0xa: {  	s5 =	sadd.s32 $0x4EE00, s0;
	s18 =	sadd.s32 $0x3C00, s16;
	[dreg:$0x7] =	wrdreg s17  }
0xb: {  	s3 =	sand.u32 $0x1, s3;
	s19 =	sadd.s32 $0x4800, s16;
	[dreg:$0x8] =	wrdreg s18  }
0xc: {  	s6 =	sadd.s32 $0xC5800, s0;
	s11 =	sadd.s32 $0x5400, s16;
	[dreg:$0x9] =	wrdreg s19  }
0xd: {  	s10 =	sshll.u32 s12, $0x1;
	s21 =	sadd.s32 $0x6000, s16;
	[dreg:$0xa] =	wrdreg s11  }
0xe: {  	s8 =	ssub.s32 $0x2, s3;
	s22 =	sadd.s32 $0x6C00, s16;
	[dreg:$0xb] =	wrdreg s21  }
0xf: {  	s9 =	sshrl.u32 s8, $0x1;
	s23 =	sadd.s32 $0x7800, s16;
	[dreg:$0xc] =	wrdreg s22  }
0x10: {  	s9 =	ssub.s32 s8, s9;
	s25 =	sadd.s32 $0x8400, s16;
	[dreg:$0xd] =	wrdreg s23  }
0x11: {  	s20 =	smul.u32 $0x13800, s12;
	s9 =	smax.u32 s9, $0x1;
	[dreg:$0xf] =	wrdreg s25  }
0x12: {  	p0 =	sne.s32 s12, $0xF;
	s12 =	sadd.s32 $0xA800, s16;
	[dreg:$0x13] =	wrdreg s9  }
0x13: {  	s0 =	sadd.s32 $0x10BE00, s0;
	s13 =	sadd.s32 $0xB400, s16;
	[dreg:$0x16] =	wrdreg s12  }
0x14: {  	s10 =	sor.u32 s3, s10;
	s11 =	sadd.s32 $0x9C00, s16;
	[dreg:$0x17] =	wrdreg s13  }
0x15: {  	s3 =	smul.u32 $0x138800, s3;
	s14 =	sadd.s32 $0xC000, s16;
	[dreg:$0x15] =	wrdreg s11  }
0x16: {  	s8 =	smul.u32 $0x2710, s10;
	s15 =	sadd.s32 $0xCC00, s16;
	[dreg:$0x18] =	wrdreg s14  }
0x17: {  	s19 =	smul.u32 $0x7D00, s10;
	s17 =	sadd.s32 $0xD800, s16;
	[dreg:$0x19] =	wrdreg s15  }
0x18: {  	s7 =	sadd.s32 s20, s3;
	s18 =	sadd.s32 $0xE400, s16;
	[dreg:$0x1a] =	wrdreg s17  }
0x19: {  	s10 =	smul.u32 $0x27100, s10;
	s20 =	sadd.s32 $0xF000, s16;
	[dreg:$0x1b] =	wrdreg s18  }
0x1a: {  	s3 =	sshrl.u32 s3, $0x3;
	s21 =	sadd.s32 $0xFC00, s16;
	[dreg:$0x1c] =	wrdreg s20  }
0x1b: {  	s22 =	sadd.s32 $0x10800, s16;
	s23 =	sadd.s32 $0x11400, s16;
	[dreg:$0x1d] =	wrdreg s21  }
0x1c: {  	s25 =	sadd.s32 $0x12C00, s16;
	s9 =	simm.s32 $0x16080;
	[dreg:$0x1e] =	wrdreg s22  }
0x1d: {  	s12 =	simm.s32 $0x2;
	s13 =	simm.s32 $0x4;
	[dreg:$0x1f] =	wrdreg s23  }
0x1e: {  	s7 =	sshrl.u32 s7, $0x3;
	[smem:$0x7FB] =	sst s25;
	s17 =	sadd.s32 $0x138000, s1  }
0x1f: {  	s18 =	sadd.s32 $0x50, s8;
	s21 =	simm.s32 $0x1D880;
	s23 =	simm.s32 $0x7  }
0x20: {  	s25 =	simm.s32 $0x5;
	s7 =	sadd.s32 s0, s7;
	[smem:$0x7FD] =	sst s17  }
0x21: {  	s11 =	simm.s32 $0x1E500;
	s26 =	sadd.s32 s4, s10;
	[dreg:$0xe] =	wrdreg s7  }
0x22: {  	s0 =	sadd.s32 s0, s3;
	s10 =	sadd.s32 $0x9000, s16;
	[dreg:$0x11] =	wrdreg s26  }
0x23: {  	s24 =	sshrl.u32 s19, $0x3;
	s0 =	sadd.s32 $0x27000, s0;
	[dreg:$0x14] =	wrdreg s10  }
0x24: {  	s3 =	sadd.s32 s6, s24;
	s24 =	sadd.s32 $0x12000, s16;
	[dreg:$0x12] =	wrdreg s0  }
0x25: {  	s22 =	simm.s32 $0x1E600;
	s15 =	simm.s32 $0x0;
	[smem:$0x7FA] =	sst s24  }
0x26: {  	s20 =	sadd.s32 $0x300, s19;
	s10 =	simm.s32 $0x1B080;
	[dreg:$0x10] =	wrdreg s3  }
0x27: {  	s26 =	sadd.s32 $0x20, s3;
	s24 =	simm.s32 $0x1E480;
	s0 =	simm.s32 $0x3  }
0x28: {  	v0 =	vimm.f32 $0.0e+00;
	s3 =	simm.s32 $0x6;
	[smem:$0x7FC] =	sst s26;
	s26 =	simm.s32 $0x50  }
.LBB2_1:
0x29: {  	[smem:$0x7F9] =	sst s15;
	s7 =	simm.s32 $0x0;
	s15 =	simm.s32 $0x200  }
.LBB2_2:
0x2a: {  	p1 =	sne.s32 s15, $0x2E00;
	[tilespmem:s7+$0x1D8F0] =	vst v0  }
0x2b: {  	[tilespmem:s7+$0x1D880] =	vst v0  }
0x2c: {  	[tilespmem:s7+$0x1D890] =	vst v0  }
.Ltmp0:
0x2d: {  	[tilespmem:s7+$0x1D8A0] =	vst v0;
	(pc) =	sbr.rel @p1 .LBB2_2-.Ltmp0, $4  }
0x2e: {  	[tilespmem:s7+$0x1D8B0] =	vst v0  }
0x2f: {  	[tilespmem:s7+$0x1D8C0] =	vst v0  }
0x30: {  	[tilespmem:s7+$0x1D8D0] =	vst v0  }
0x31: {  	[tilespmem:s7+$0x1D8E0] =	vst v0;
	s7 =	sshra.s32 s15, $0x2;
	s15 =	sadd.s32 $0x200, s15  }
0x32: {  	[tilespmem:s7+$0x1D8F0] =	vst v0  }
0x33: {  	[tilespmem:s7+$0x1D880] =	vst v0  }
0x34: {  	[tilespmem:s7+$0x1D890] =	vst v0  }
0x35: {  	[tilespmem:s7+$0x1D8A0] =	vst v0  }
0x36: {  	[tilespmem:s7+$0x1D8B0] =	vst v0  }
0x37: {  	[tilespmem:s7+$0x1D8C0] =	vst v0  }
0x38: {  	[tilespmem:s7+$0x1D8D0] =	vst v0  }
0x39: {  	[tilespmem:s7+$0x1D8E0] =	vst v0  }
0x3a: {  	[spmem:s16] =	stream.linear.scatter [tilespmem:s21], [sflag:$0x7], $0xC00, $0x38;
	[tilespmem:$0x1E680] =	vst v63  }
0x3b: {  	_ =	swait.ge [sflag:s23], $0xC00  }
0x3c: {  	[sflag:s23] =	ssyncset.done $0x0  }
0x3d: {  	s16 =	rddreg [dreg:$0x4];
	[sflag:s23] =	ssyncadd.s32 $0xFFFFF400  }
0x3e: {  	[spmem:s16] =	stream.linear.scatter [tilespmem:s21], [sflag:$0x7], $0xC00, $0x38;
	[tilespmem:$0x1E680] =	vst v63  }
0x3f: {  	_ =	swait.ge [sflag:s23], $0xC00  }
0x40: {  	[sflag:s23] =	ssyncset.done $0x0  }
0x41: {  	s14 =	rddreg [dreg:$0x5];
	[sflag:s23] =	ssyncadd.s32 $0xFFFFF400  }
0x42: {  	[spmem:s14] =	stream.linear.scatter [tilespmem:s21], [sflag:$0x7], $0xC00, $0x38;
	[tilespmem:$0x1E680] =	vst v63  }
0x43: {  	_ =	swait.ge [sflag:s23], $0xC00  }
0x44: {  	[sflag:s23] =	ssyncset.done $0x0  }
0x45: {  	s15 =	rddreg [dreg:$0x6];
	[sflag:s23] =	ssyncadd.s32 $0xFFFFF400  }
0x46: {  	[spmem:s15] =	stream.linear.scatter [tilespmem:s21], [sflag:$0x7], $0xC00, $0x38;
	[tilespmem:$0x1E680] =	vst v63  }
0x47: {  	_ =	swait.ge [sflag:s23], $0xC00  }
0x48: {  	[sflag:s23] =	ssyncset.done $0x0  }
0x49: {  	s16 =	rddreg [dreg:$0x7];
	[sflag:s23] =	ssyncadd.s32 $0xFFFFF400  }
0x4a: {  	[spmem:s16] =	stream.linear.scatter [tilespmem:s21], [sflag:$0x7], $0xC00, $0x38;
	[tilespmem:$0x1E680] =	vst v63  }
0x4b: {  	_ =	swait.ge [sflag:s23], $0xC00  }
0x4c: {  	[sflag:s23] =	ssyncset.done $0x0  }
0x4d: {  	s14 =	rddreg [dreg:$0x8];
	[sflag:s23] =	ssyncadd.s32 $0xFFFFF400  }
0x4e: {  	[spmem:s14] =	stream.linear.scatter [tilespmem:s21], [sflag:$0x7], $0xC00, $0x38;
	[tilespmem:$0x1E680] =	vst v63  }
0x4f: {  	_ =	swait.ge [sflag:s23], $0xC00  }
0x50: {  	[sflag:s23] =	ssyncset.done $0x0  }
0x51: {  	s15 =	rddreg [dreg:$0x9];
	[sflag:s23] =	ssyncadd.s32 $0xFFFFF400  }
0x52: {  	[spmem:s15] =	stream.linear.scatter [tilespmem:s21], [sflag:$0x7], $0xC00, $0x38;
	[tilespmem:$0x1E680] =	vst v63  }
0x53: {  	_ =	swait.ge [sflag:s23], $0xC00  }
0x54: {  	[sflag:s23] =	ssyncset.done $0x0  }
0x55: {  	s16 =	rddreg [dreg:$0xa];
	[sflag:s23] =	ssyncadd.s32 $0xFFFFF400  }
0x56: {  	[spmem:s16] =	stream.linear.scatter [tilespmem:s21], [sflag:$0x7], $0xC00, $0x38;
	[tilespmem:$0x1E680] =	vst v63  }
0x57: {  	_ =	swait.ge [sflag:s23], $0xC00  }
0x58: {  	[sflag:s23] =	ssyncset.done $0x0  }
0x59: {  	s14 =	rddreg [dreg:$0xb];
	[sflag:s23] =	ssyncadd.s32 $0xFFFFF400  }
0x5a: {  	[spmem:s14] =	stream.linear.scatter [tilespmem:s21], [sflag:$0x7], $0xC00, $0x38;
	[tilespmem:$0x1E680] =	vst v63  }
0x5b: {  	_ =	swait.ge [sflag:s23], $0xC00  }
0x5c: {  	[sflag:s23] =	ssyncset.done $0x0  }
0x5d: {  	s15 =	rddreg [dreg:$0xc];
	[sflag:s23] =	ssyncadd.s32 $0xFFFFF400  }
0x5e: {  	[spmem:s15] =	stream.linear.scatter [tilespmem:s21], [sflag:$0x7], $0xC00, $0x38;
	[tilespmem:$0x1E680] =	vst v63  }
0x5f: {  	_ =	swait.ge [sflag:s23], $0xC00  }
0x60: {  	[sflag:s23] =	ssyncset.done $0x0  }
0x61: {  	s16 =	rddreg [dreg:$0xd];
	[sflag:s23] =	ssyncadd.s32 $0xFFFFF400  }
0x62: {  	[spmem:s16] =	stream.linear.scatter [tilespmem:s21], [sflag:$0x7], $0xC00, $0x38;
	[tilespmem:$0x1E680] =	vst v63  }
0x63: {  	_ =	swait.ge [sflag:s23], $0xC00  }
0x64: {  	[sflag:s23] =	ssyncset.done $0x0  }
0x65: {  	s14 =	rddreg [dreg:$0xf];
	[sflag:s23] =	ssyncadd.s32 $0xFFFFF400  }
0x66: {  	[spmem:s14] =	stream.linear.scatter [tilespmem:s21], [sflag:$0x7], $0xC00, $0x38;
	[tilespmem:$0x1E680] =	vst v63  }
0x67: {  	_ =	swait.ge [sflag:s23], $0xC00  }
0x68: {  	[sflag:s23] =	ssyncset.done $0x0  }
0x69: {  	s15 =	rddreg [dreg:$0x14];
	[sflag:s23] =	ssyncadd.s32 $0xFFFFF400  }
0x6a: {  	[spmem:s15] =	stream.linear.scatter [tilespmem:s21], [sflag:$0x7], $0xC00, $0x38;
	[tilespmem:$0x1E680] =	vst v63  }
0x6b: {  	_ =	swait.ge [sflag:s23], $0xC00  }
0x6c: {  	[sflag:s23] =	ssyncset.done $0x0  }
0x6d: {  	s16 =	rddreg [dreg:$0x15];
	[sflag:s23] =	ssyncadd.s32 $0xFFFFF400  }
0x6e: {  	[spmem:s16] =	stream.linear.scatter [tilespmem:s21], [sflag:$0x7], $0xC00, $0x38;
	[tilespmem:$0x1E680] =	vst v63  }
0x6f: {  	_ =	swait.ge [sflag:s23], $0xC00  }
0x70: {  	[sflag:s23] =	ssyncset.done $0x0  }
0x71: {  	s14 =	rddreg [dreg:$0x16];
	[sflag:s23] =	ssyncadd.s32 $0xFFFFF400  }
0x72: {  	[spmem:s14] =	stream.linear.scatter [tilespmem:s21], [sflag:$0x7], $0xC00, $0x38;
	[tilespmem:$0x1E680] =	vst v63  }
0x73: {  	_ =	swait.ge [sflag:s23], $0xC00  }
0x74: {  	[sflag:s23] =	ssyncset.done $0x0  }
0x75: {  	s15 =	rddreg [dreg:$0x17];
	[sflag:s23] =	ssyncadd.s32 $0xFFFFF400  }
0x76: {  	[spmem:s15] =	stream.linear.scatter [tilespmem:s21], [sflag:$0x7], $0xC00, $0x38;
	[tilespmem:$0x1E680] =	vst v63  }
0x77: {  	_ =	swait.ge [sflag:s23], $0xC00  }
0x78: {  	[sflag:s23] =	ssyncset.done $0x0  }
0x79: {  	s16 =	rddreg [dreg:$0x18];
	[sflag:s23] =	ssyncadd.s32 $0xFFFFF400  }
0x7a: {  	[spmem:s16] =	stream.linear.scatter [tilespmem:s21], [sflag:$0x7], $0xC00, $0x38;
	[tilespmem:$0x1E680] =	vst v63  }
0x7b: {  	_ =	swait.ge [sflag:s23], $0xC00  }
0x7c: {  	[sflag:s23] =	ssyncset.done $0x0  }
0x7d: {  	s14 =	rddreg [dreg:$0x19];
	[sflag:s23] =	ssyncadd.s32 $0xFFFFF400  }
0x7e: {  	[spmem:s14] =	stream.linear.scatter [tilespmem:s21], [sflag:$0x7], $0xC00, $0x38;
	[tilespmem:$0x1E680] =	vst v63  }
0x7f: {  	_ =	swait.ge [sflag:s23], $0xC00  }
0x80: {  	[sflag:s23] =	ssyncset.done $0x0  }
0x81: {  	s15 =	rddreg [dreg:$0x1a];
	[sflag:s23] =	ssyncadd.s32 $0xFFFFF400  }
0x82: {  	[spmem:s15] =	stream.linear.scatter [tilespmem:s21], [sflag:$0x7], $0xC00, $0x38;
	[tilespmem:$0x1E680] =	vst v63  }
0x83: {  	_ =	swait.ge [sflag:s23], $0xC00  }
0x84: {  	[sflag:s23] =	ssyncset.done $0x0  }
0x85: {  	s16 =	rddreg [dreg:$0x1b];
	[sflag:s23] =	ssyncadd.s32 $0xFFFFF400  }
0x86: {  	[spmem:s16] =	stream.linear.scatter [tilespmem:s21], [sflag:$0x7], $0xC00, $0x38;
	[tilespmem:$0x1E680] =	vst v63  }
0x87: {  	_ =	swait.ge [sflag:s23], $0xC00  }
0x88: {  	[sflag:s23] =	ssyncset.done $0x0  }
0x89: {  	s14 =	rddreg [dreg:$0x1c];
	[sflag:s23] =	ssyncadd.s32 $0xFFFFF400  }
0x8a: {  	[spmem:s14] =	stream.linear.scatter [tilespmem:s21], [sflag:$0x7], $0xC00, $0x38;
	[tilespmem:$0x1E680] =	vst v63  }
0x8b: {  	_ =	swait.ge [sflag:s23], $0xC00  }
0x8c: {  	[sflag:s23] =	ssyncset.done $0x0  }
0x8d: {  	s15 =	rddreg [dreg:$0x1d];
	[sflag:s23] =	ssyncadd.s32 $0xFFFFF400  }
0x8e: {  	[spmem:s15] =	stream.linear.scatter [tilespmem:s21], [sflag:$0x7], $0xC00, $0x38;
	[tilespmem:$0x1E680] =	vst v63  }
0x8f: {  	_ =	swait.ge [sflag:s23], $0xC00  }
0x90: {  	[sflag:s23] =	ssyncset.done $0x0  }
0x91: {  	s16 =	rddreg [dreg:$0x1e];
	[sflag:s23] =	ssyncadd.s32 $0xFFFFF400  }
0x92: {  	[spmem:s16] =	stream.linear.scatter [tilespmem:s21], [sflag:$0x7], $0xC00, $0x38;
	[tilespmem:$0x1E680] =	vst v63  }
0x93: {  	_ =	swait.ge [sflag:s23], $0xC00  }
0x94: {  	[sflag:s23] =	ssyncset.done $0x0  }
0x95: {  	s14 =	rddreg [dreg:$0x1f];
	[sflag:s23] =	ssyncadd.s32 $0xFFFFF400  }
0x96: {  	[spmem:s14] =	stream.linear.scatter [tilespmem:s21], [sflag:$0x7], $0xC00, $0x38;
	[tilespmem:$0x1E680] =	vst v63  }
0x97: {  	_ =	swait.ge [sflag:s23], $0xC00  }
0x98: {  	s15 =	sld [smem:$0x7FA]  }
0x99: {  	[sflag:s23] =	ssyncset.done $0x0  }
0x9a: {  	[sflag:s23] =	ssyncadd.s32 $0xFFFFF400  }
0x9b: {  	[spmem:s15] =	stream.linear.scatter [tilespmem:s21], [sflag:$0x7], $0xC00, $0x38;
	[tilespmem:$0x1E680] =	vst v63  }
0x9c: {  	_ =	swait.ge [sflag:s23], $0xC00  }
0x9d: {  	s16 =	sld [smem:$0x7FB]  }
0x9e: {  	[sflag:s23] =	ssyncset.done $0x0  }
0x9f: {  	[sflag:s23] =	ssyncadd.s32 $0xFFFFF400  }
0xa0: {  	[spmem:s16] =	stream.linear.scatter [tilespmem:s21], [sflag:$0x7], $0xC00, $0x38;
	[tilespmem:$0x1E680] =	vst v63  }
0xa1: {  	_ =	swait.ge [sflag:s23], $0xC00  }
0xa2: {  	[sflag:s23] =	ssyncset.done $0x0  }
0xa3: {  	s7 =	simm.s32 @!p0 $0x1D880;
	[sflag:s23] =	ssyncadd.s32 $0xFFFFF400  }
0xa4: {  	[spmem:s17] =	stream.linear.scatter @!p0 [tilespmem:s7], [sflag:$0x7], $0x800, $0x38;
	[tilespmem:$0x1E680] =	vst v63  }
0xa5: {  	s7 =	simm.s32 @!p0 $0x7  }
0xa6: {  	_ =	swait.ge @!p0 [sflag:s7], $0x800  }
0xa7: {  	[sflag:s7] =	ssyncset.done @!p0 $0x0  }
0xa8: {  	[sflag:s7] =	ssyncadd.s32 @!p0 $0xFFFFF800  }
0xa9: {  	[bflag:$0x0] =	sbarrier.arrive $0xFFFF  }
0xaa: {  	s15 =	simm.s32 $0x0;
	s14 =	rddreg [dreg:$0x10]  }
0xab: {  	[tilespmem:s24], [sflag:$0x5] =	stream.linear.gather [hbm4b:s14+s15], $0x100, $0x38;
	[tilespmem:$0x1E680] =	vst v63  }
0xac: {  	_ =	swait.ge [sflag:s25], $0x100  }
0xad: {  	[sflag:s25] =	ssyncset.done $0x0  }
0xae: {  	s16 =	rddreg [dreg:$0x11];
	[sflag:s25] =	ssyncadd.s32 $0xFFFFFF00  }
0xaf: {  	[tilespmem:s28], [sflag:$0x1] =	stream.indirect.gather [hbm4b:s5+s26], $0x80, s24, s26, $0xb8;
	[tilespmem:$0x1E680] =	vst v63  }
0xb0: {  	s17 =	sld [smem:$0x7FC]  }
0xb1: {  	[tilespmem:s29], [sflag:$0x3] =	stream.linear.gather [hbm4b:s16+s15], $0x2800, $0x38;
	[tilespmem:$0x1E680] =	vst v63  }
0xb2: {  	_ = 	snop  }
0xb3: {  	[tilespmem:s30], [sflag:$0x6] =	stream.linear.gather [hbm4b:s17+s15], $0x100, $0x38;
	[tilespmem:$0x1E680] =	vst v63  }
0xb4: {  	s17 =	simm.s32 $0x0  }
.LBB2_4:
0xb5: {  	_ =	swait.ge [sflag:s31], $0x2800  }
0xb6: {  	[sflag:s31] =	ssyncset.done $0x0  }
0xb7: {  	[sflag:s31] =	ssyncadd.s32 $0xFFFFD800  }
0xb8: {  	_ =	swait.ge [sflag:s0], $0x2800  }
0xb9: {  	[sflag:s0] =	ssyncset.done $0x0  }
0xba: {  	s7 =	smul.u32 $0xA0, s17;
	[sflag:s0] =	ssyncadd.s32 $0xFFFFD800  }
0xbb: {  	_ =	swait.ge [sflag:s3], $0x100  }
0xbc: {  	s7 =	sadd.s32 s7, s18;
	[sflag:s3] =	ssyncset.done $0x0  }
0xbd: {  	s7 =	sshll.u32 s7, $0x4;
	[sflag:s3] =	ssyncadd.s32 $0xFFFFFF00  }
0xbe: {  	[tilespmem:s9], [sflag:$0x2] =	stream.indirect.gather [hbm4b:s5+s26], $0x80, s30, s26, $0xb8;
	[tilespmem:$0x1E680] =	vst v63  }
0xbf: {  	s16 =	simm.s32 $0x0;
	s7 =	sadd.s32 s4, s7  }
0xc0: {  	[tilespmem:s10], [sflag:$0x4] =	stream.linear.gather [hbm4b:s7+s15], $0x2800, $0x38;
	[tilespmem:$0x1E680] =	vst v63  }
0xc1: {  	v8 =	vld [tilespmem:s16+$0x18880]  }
0xc2: {  	v12 =	vld [tilespmem:s16+$0x18890]  }
0xc3: {  	v6 =	vld [tilespmem:s16+$0x188A0]  }
0xc4: {  	v5 =	vld [tilespmem:s16+$0x188B0]  }
0xc5: {  	v4 =	vld [tilespmem:s16+$0x188C0]  }
0xc6: {  	v3 =	vld [tilespmem:s16+$0x188D0]  }
0xc7: {  	v2 =	vld [tilespmem:s16+$0x188E0]  }
0xc8: {  	v1 =	vld [tilespmem:s16+$0x188F0]  }
0xc9: {  	v13 =	vld [tilespmem:s16+$0x13880]  }
0xca: {  	v14 =	vld [tilespmem:s16+$0x13890]  }
0xcb: {  	v11 =	vld [tilespmem:s16+$0x138A0]  }
0xcc: {  	v10 =	vld [tilespmem:s16+$0x138B0]  }
0xcd: {  	v9 =	vld [tilespmem:s16+$0x138C0]  }
0xce: {  	v7 =	vld [tilespmem:s16+$0x138D0];
	v13 =	vmul.f32 v8, v13  }
0xcf: {  	s7 =	simm.s32 $0x200;
	v12 =	vmul.f32 v12, v14;
	v8 =	vld [tilespmem:s16+$0x138E0]  }
.LBB2_5:
0xd0: {  	s14 =	sshra.s32 s7, $0x2;
	p1 =	sne.s32 s7, $0x9E00;
	[tilespmem:s16+$0x13880] =	vst v13;
	v6 =	vmul.f32 v6, v11;
	v11 =	vld [tilespmem:s16+$0x138F0]  }
0xd1: {  	v13 =	vld [tilespmem:s14+$0x18880];
	[tilespmem:s16+$0x13890] =	vst v12;
	v5 =	vmul.f32 v5, v10  }
0xd2: {  	v12 =	vld [tilespmem:s14+$0x18890];
	[tilespmem:s16+$0x138A0] =	vst v6;
	v4 =	vmul.f32 v4, v9  }
0xd3: {  	v6 =	vld [tilespmem:s14+$0x188A0];
	[tilespmem:s16+$0x138B0] =	vst v5;
	v3 =	vmul.f32 v3, v7  }
0xd4: {  	v5 =	vld [tilespmem:s14+$0x188B0];
	[tilespmem:s16+$0x138C0] =	vst v4;
	v2 =	vmul.f32 v2, v8  }
0xd5: {  	v4 =	vld [tilespmem:s14+$0x188C0];
	[tilespmem:s16+$0x138D0] =	vst v3;
	v1 =	vmul.f32 v1, v11  }
0xd6: {  	v3 =	vld [tilespmem:s14+$0x188D0];
	[tilespmem:s16+$0x138E0] =	vst v2  }
0xd7: {  	v2 =	vld [tilespmem:s14+$0x188E0];
	[tilespmem:s16+$0x138F0] =	vst v1;
	s16 =	smov.u32 s14  }
0xd8: {  	v1 =	vld [tilespmem:s16+$0x188F0]  }
0xd9: {  	v7 =	vld [tilespmem:s16+$0x13880]  }
0xda: {  	v8 =	vld [tilespmem:s16+$0x13890]  }
.Ltmp1:
0xdb: {  	v11 =	vld [tilespmem:s16+$0x138A0];
	(pc) =	sbr.rel @p1 .LBB2_5-.Ltmp1, $4  }
0xdc: {  	v10 =	vld [tilespmem:s16+$0x138B0]  }
0xdd: {  	v9 =	vld [tilespmem:s16+$0x138C0]  }
0xde: {  	v13 =	vmul.f32 v13, v7;
	v7 =	vld [tilespmem:s16+$0x138D0]  }
0xdf: {  	s7 =	sadd.s32 $0x200, s7;
	v12 =	vmul.f32 v12, v8;
	v8 =	vld [tilespmem:s16+$0x138E0]  }
0xe0: {  	[tilespmem:s16+$0x13880] =	vst v13;
	v6 =	vmul.f32 v6, v11;
	v11 =	vld [tilespmem:s16+$0x138F0]  }
0xe1: {  	[tilespmem:s16+$0x13890] =	vst v12;
	v5 =	vmul.f32 v5, v10  }
0xe2: {  	[tilespmem:s16+$0x138A0] =	vst v6;
	v4 =	vmul.f32 v4, v9  }
0xe3: {  	[tilespmem:s16+$0x138B0] =	vst v5;
	v3 =	vmul.f32 v3, v7  }
0xe4: {  	[tilespmem:s16+$0x138C0] =	vst v4;
	v2 =	vmul.f32 v2, v8  }
0xe5: {  	s7 =	sshll.u32 s17, $0x1;
	[tilespmem:s16+$0x138D0] =	vst v3;
	v1 =	vmul.f32 v1, v11  }
0xe6: {  	s7 =	sadd.s32 $0x2, s7;
	[tilespmem:s16+$0x138E0] =	vst v2  }
0xe7: {  	s14 =	sshll.u32 s7, $0x8;
	[tilespmem:s16+$0x138F0] =	vst v1  }
0xe8: {  	[spmem:s1] =	stream.indirect.scatter.add.f32 [tilespmem:s28], [sflag:$0x7], $0x80, s11, s26, $0xb8;
	[tilespmem:$0x1E680] =	vst v63  }
0xe9: {  	s14 =	sadd.s32 s19, s14;
	_ =	swait.ge [sflag:s23], $0x2800  }
0xea: {  	s14 =	sshrl.u32 s14, $0x3;
	[sflag:s23] =	ssyncset.done $0x0  }
0xeb: {  	s14 =	sadd.s32 s6, s14;
	s16 =	simm.s32 $0x0;
	[sflag:s23] =	ssyncadd.s32 $0xFFFFD800  }
0xec: {  	[tilespmem:s24], [sflag:$0x5] =	stream.linear.gather [hbm4b:s14+s16], $0x100, $0x38;
	[tilespmem:$0x1E680] =	vst v63  }
0xed: {  	_ =	swait.ge [sflag:s12], $0x2800  }
0xee: {  	[sflag:s12] =	ssyncset.done $0x0  }
0xef: {  	[sflag:s12] =	ssyncadd.s32 $0xFFFFD800  }
0xf0: {  	_ =	swait.ge [sflag:s13], $0x2800  }
0xf1: {  	[sflag:s13] =	ssyncset.done $0x0  }
0xf2: {  	s7 =	smul.u32 $0x50, s7;
	[sflag:s13] =	ssyncadd.s32 $0xFFFFD800  }
0xf3: {  	_ =	swait.ge [sflag:s25], $0x100  }
0xf4: {  	s7 =	sadd.s32 s8, s7;
	[sflag:s25] =	ssyncset.done $0x0  }
0xf5: {  	s7 =	sshll.u32 s7, $0x4;
	[sflag:s25] =	ssyncadd.s32 $0xFFFFFF00  }
0xf6: {  	[tilespmem:s28], [sflag:$0x1] =	stream.indirect.gather [hbm4b:s5+s26], $0x80, s24, s26, $0xb8;
	[tilespmem:$0x1E680] =	vst v63  }
0xf7: {  	s7 =	sadd.s32 s4, s7  }
0xf8: {  	[tilespmem:s29], [sflag:$0x3] =	stream.linear.gather [hbm4b:s7+s16], $0x2800, $0x38;
	[tilespmem:$0x1E680] =	vst v63  }
0xf9: {  	s16 =	simm.s32 $0x0  }
0xfa: {  	v8 =	vld [tilespmem:s16+$0x1B080]  }
0xfb: {  	v12 =	vld [tilespmem:s16+$0x1B090]  }
0xfc: {  	v6 =	vld [tilespmem:s16+$0x1B0A0]  }
0xfd: {  	v5 =	vld [tilespmem:s16+$0x1B0B0]  }
0xfe: {  	v4 =	vld [tilespmem:s16+$0x1B0C0]  }
0xff: {  	v3 =	vld [tilespmem:s16+$0x1B0D0]  }
0x100: {  	v2 =	vld [tilespmem:s16+$0x1B0E0]  }
0x101: {  	v1 =	vld [tilespmem:s16+$0x1B0F0]  }
0x102: {  	v13 =	vld [tilespmem:s16+$0x16080]  }
0x103: {  	v14 =	vld [tilespmem:s16+$0x16090]  }
0x104: {  	v11 =	vld [tilespmem:s16+$0x160A0]  }
0x105: {  	v10 =	vld [tilespmem:s16+$0x160B0]  }
0x106: {  	v9 =	vld [tilespmem:s16+$0x160C0]  }
0x107: {  	v7 =	vld [tilespmem:s16+$0x160D0];
	v13 =	vmul.f32 v8, v13  }
0x108: {  	s7 =	simm.s32 $0x200;
	v12 =	vmul.f32 v12, v14;
	v8 =	vld [tilespmem:s16+$0x160E0]  }
.LBB2_7:
0x109: {  	s14 =	sshra.s32 s7, $0x2;
	p1 =	sne.s32 s7, $0x9E00;
	[tilespmem:s16+$0x16080] =	vst v13;
	v6 =	vmul.f32 v6, v11;
	v11 =	vld [tilespmem:s16+$0x160F0]  }
0x10a: {  	v13 =	vld [tilespmem:s14+$0x1B080];
	[tilespmem:s16+$0x16090] =	vst v12;
	v5 =	vmul.f32 v5, v10  }
0x10b: {  	v12 =	vld [tilespmem:s14+$0x1B090];
	[tilespmem:s16+$0x160A0] =	vst v6;
	v4 =	vmul.f32 v4, v9  }
0x10c: {  	v6 =	vld [tilespmem:s14+$0x1B0A0];
	[tilespmem:s16+$0x160B0] =	vst v5;
	v3 =	vmul.f32 v3, v7  }
0x10d: {  	v5 =	vld [tilespmem:s14+$0x1B0B0];
	[tilespmem:s16+$0x160C0] =	vst v4;
	v2 =	vmul.f32 v2, v8  }
0x10e: {  	v4 =	vld [tilespmem:s14+$0x1B0C0];
	[tilespmem:s16+$0x160D0] =	vst v3;
	v1 =	vmul.f32 v1, v11  }
0x10f: {  	v3 =	vld [tilespmem:s14+$0x1B0D0];
	[tilespmem:s16+$0x160E0] =	vst v2  }
0x110: {  	v2 =	vld [tilespmem:s14+$0x1B0E0];
	[tilespmem:s16+$0x160F0] =	vst v1;
	s16 =	smov.u32 s14  }
0x111: {  	v1 =	vld [tilespmem:s16+$0x1B0F0]  }
0x112: {  	v7 =	vld [tilespmem:s16+$0x16080]  }
0x113: {  	v8 =	vld [tilespmem:s16+$0x16090]  }
.Ltmp2:
0x114: {  	v11 =	vld [tilespmem:s16+$0x160A0];
	(pc) =	sbr.rel @p1 .LBB2_7-.Ltmp2, $4  }
0x115: {  	v10 =	vld [tilespmem:s16+$0x160B0]  }
0x116: {  	v9 =	vld [tilespmem:s16+$0x160C0]  }
0x117: {  	v13 =	vmul.f32 v13, v7;
	v7 =	vld [tilespmem:s16+$0x160D0]  }
0x118: {  	s7 =	sadd.s32 $0x200, s7;
	v12 =	vmul.f32 v12, v8;
	v8 =	vld [tilespmem:s16+$0x160E0]  }
0x119: {  	[tilespmem:s16+$0x16080] =	vst v13;
	v6 =	vmul.f32 v6, v11;
	v63 =	vld [tilespmem:s16+$0x160F0]  }
0x11a: {  	[tilespmem:s16+$0x16090] =	vst v12;
	v5 =	vmul.f32 v5, v10  }
0x11b: {  	[tilespmem:s16+$0x160A0] =	vst v6;
	v4 =	vmul.f32 v4, v9  }
0x11c: {  	[tilespmem:s16+$0x160B0] =	vst v5;
	v3 =	vmul.f32 v3, v7  }
0x11d: {  	[tilespmem:s16+$0x160C0] =	vst v4;
	v2 =	vmul.f32 v2, v8  }
0x11e: {  	[tilespmem:s16+$0x160D0] =	vst v3;
	v1 =	vmul.f32 v1, v63  }
0x11f: {  	p1 =	seq.s32 s17, $0x3D;
	[tilespmem:s16+$0x160E0] =	vst v2  }
.Ltmp3:
0x120: {  	[tilespmem:s16+$0x160F0] =	vst v1;
	(pc) =	sbr.rel @p1 .LBB2_10-.Ltmp3, $4  }
0x121: {  	[spmem:s1] =	stream.indirect.scatter.add.f32 [tilespmem:s9], [sflag:$0x7], $0x80, s22, s26, $0xb8;
	[tilespmem:$0x1E680] =	vst v63  }
0x122: {  	_ =	swait.ge [sflag:s23], $0x2800  }
0x123: {  	[sflag:s23] =	ssyncset.done $0x0  }
0x124: {  	[sflag:s23] =	ssyncadd.s32 $0xFFFFD800  }
.Ltmp4:
0x125: {  	s7 =	sshll.u32 s17, $0x9;
	(pc) =	sbr.rel .LBB2_4-.Ltmp4, $4  }
0x126: {  	s7 =	sadd.s32 s7, s20  }
0x127: {  	s7 =	sshrl.u32 s7, $0x3  }
0x128: {  	s17 =	sadd.s32 $0x1, s17;
	s7 =	sadd.s32 s6, s7  }
0x129: {  	[tilespmem:s30], [sflag:$0x6] =	stream.linear.gather [hbm4b:s7+s2], $0x100, $0x38;
	[tilespmem:$0x1E680] =	vst v63  }
.LBB2_10:
0x12a: {  	_ =	swait.ge [sflag:s31], $0x2800  }
0x12b: {  	[sflag:s31] =	ssyncset.done $0x0  }
0x12c: {  	[sflag:s31] =	ssyncadd.s32 $0xFFFFD800  }
0x12d: {  	_ =	swait.ge [sflag:s0], $0x2800  }
0x12e: {  	[sflag:s0] =	ssyncset.done $0x0  }
0x12f: {  	s15 =	simm.s32 $0x0;
	[sflag:s0] =	ssyncadd.s32 $0xFFFFD800  }
0x130: {  	v8 =	vld [tilespmem:s15+$0x18880]  }
0x131: {  	v12 =	vld [tilespmem:s15+$0x18890]  }
0x132: {  	v6 =	vld [tilespmem:s15+$0x188A0]  }
0x133: {  	v5 =	vld [tilespmem:s15+$0x188B0]  }
0x134: {  	v4 =	vld [tilespmem:s15+$0x188C0]  }
0x135: {  	v3 =	vld [tilespmem:s15+$0x188D0]  }
0x136: {  	v2 =	vld [tilespmem:s15+$0x188E0]  }
0x137: {  	v1 =	vld [tilespmem:s15+$0x188F0]  }
0x138: {  	v13 =	vld [tilespmem:s15+$0x13880]  }
0x139: {  	v14 =	vld [tilespmem:s15+$0x13890]  }
0x13a: {  	v11 =	vld [tilespmem:s15+$0x138A0]  }
0x13b: {  	v10 =	vld [tilespmem:s15+$0x138B0]  }
0x13c: {  	v9 =	vld [tilespmem:s15+$0x138C0]  }
0x13d: {  	v7 =	vld [tilespmem:s15+$0x138D0];
	v13 =	vmul.f32 v8, v13  }
0x13e: {  	s7 =	simm.s32 $0x200;
	v12 =	vmul.f32 v12, v14;
	v8 =	vld [tilespmem:s15+$0x138E0]  }
.LBB2_11:
0x13f: {  	s14 =	sshra.s32 s7, $0x2;
	p1 =	sne.s32 s7, $0x9E00;
	[tilespmem:s15+$0x13880] =	vst v13;
	v6 =	vmul.f32 v6, v11;
	v11 =	vld [tilespmem:s15+$0x138F0]  }
0x140: {  	v13 =	vld [tilespmem:s14+$0x18880];
	[tilespmem:s15+$0x13890] =	vst v12;
	v5 =	vmul.f32 v5, v10  }
0x141: {  	v12 =	vld [tilespmem:s14+$0x18890];
	[tilespmem:s15+$0x138A0] =	vst v6;
	v4 =	vmul.f32 v4, v9  }
0x142: {  	v6 =	vld [tilespmem:s14+$0x188A0];
	[tilespmem:s15+$0x138B0] =	vst v5;
	v3 =	vmul.f32 v3, v7  }
0x143: {  	v5 =	vld [tilespmem:s14+$0x188B0];
	[tilespmem:s15+$0x138C0] =	vst v4;
	v2 =	vmul.f32 v2, v8  }
0x144: {  	v4 =	vld [tilespmem:s14+$0x188C0];
	[tilespmem:s15+$0x138D0] =	vst v3;
	v1 =	vmul.f32 v1, v11  }
0x145: {  	v3 =	vld [tilespmem:s14+$0x188D0];
	[tilespmem:s15+$0x138E0] =	vst v2  }
0x146: {  	v2 =	vld [tilespmem:s14+$0x188E0];
	[tilespmem:s15+$0x138F0] =	vst v1;
	s15 =	smov.u32 s14  }
0x147: {  	v1 =	vld [tilespmem:s15+$0x188F0]  }
0x148: {  	v7 =	vld [tilespmem:s15+$0x13880]  }
0x149: {  	v8 =	vld [tilespmem:s15+$0x13890]  }
.Ltmp5:
0x14a: {  	v11 =	vld [tilespmem:s15+$0x138A0];
	(pc) =	sbr.rel @p1 .LBB2_11-.Ltmp5, $4  }
0x14b: {  	v10 =	vld [tilespmem:s15+$0x138B0]  }
0x14c: {  	v9 =	vld [tilespmem:s15+$0x138C0]  }
0x14d: {  	v13 =	vmul.f32 v13, v7;
	v7 =	vld [tilespmem:s15+$0x138D0]  }
0x14e: {  	s7 =	sadd.s32 $0x200, s7;
	v12 =	vmul.f32 v12, v8;
	v8 =	vld [tilespmem:s15+$0x138E0]  }
0x14f: {  	[tilespmem:s15+$0x13880] =	vst v13;
	v6 =	vmul.f32 v6, v11;
	v63 =	vld [tilespmem:s15+$0x138F0]  }
0x150: {  	[tilespmem:s15+$0x13890] =	vst v12;
	v5 =	vmul.f32 v5, v10  }
0x151: {  	[tilespmem:s15+$0x138A0] =	vst v6;
	v4 =	vmul.f32 v4, v9  }
0x152: {  	[tilespmem:s15+$0x138B0] =	vst v5;
	v3 =	vmul.f32 v3, v7  }
0x153: {  	[tilespmem:s15+$0x138C0] =	vst v4;
	v2 =	vmul.f32 v2, v8  }
0x154: {  	[tilespmem:s15+$0x138D0] =	vst v3;
	v1 =	vmul.f32 v1, v63  }
0x155: {  	[tilespmem:s15+$0x138E0] =	vst v2  }
0x156: {  	[tilespmem:s15+$0x138F0] =	vst v1  }
0x157: {  	[spmem:s1] =	stream.indirect.scatter.add.f32 [tilespmem:s28], [sflag:$0x7], $0x80, s11, s26, $0xb8;
	[tilespmem:$0x1E680] =	vst v63  }
0x158: {  	_ =	swait.ge [sflag:s23], $0x2800  }
0x159: {  	[sflag:s23] =	ssyncset.done $0x0  }
0x15a: {  	[sflag:s23] =	ssyncadd.s32 $0xFFFFD800  }
0x15b: {  	s7 =	stileid.u32;
	[bflag:$0x0] =	sbarrier.arrive $0xFFFF  }
0x15c: {  	s7 =	sshll.u32 s7, $0x6;
	s16 =	rddreg [dreg:$0x3]  }
0x15d: {  	s7 =	sor.u32 $0x1C07, s7;
	s17 =	rddreg [dreg:$0xe];
	s14 =	sshrl.u32 s16, $0x3  }
0x15e: {  	[hbm:s17], [sflag:s7] =	dma.local [spmem:s14], $0x2700  }
0x15f: {  	_ =	swait.ge [sflag:s23], $0x2700  }
0x160: {  	s17 =	sld [smem:$0x7FD];
	_ =	sdelay $0x1  }
0x161: {  	[sflag:s23] =	ssyncset.done $0x0  }
0x162: {  	s15 =	rddreg [dreg:$0x12];
	[sflag:s23] =	ssyncadd.s32 $0xFFFFD900;
	s14 =	sshrl.u32 @!p0 s17, $0x3  }
0x163: {  	[hbm:s15], [sflag:s7] =	dma.local @!p0 [spmem:s14], $0x100  }
0x164: {  	s7 =	simm.s32 @!p0 $0x7  }
0x165: {  	_ =	swait.ge @!p0 [sflag:s7], $0x100  }
0x166: {  	s14 =	sld [smem:$0x7F9];
	_ =	sdelay $0x2  }
0x167: {  	s15 =	sadd.s32 $0x1, s14;
	s14 =	rddreg [dreg:$0x13]  }
0x168: {  	p1 =	sne.s32 s15, s14  }
.Ltmp6:
0x169: {  	_ = 	snop;
	(pc) =	sbr.rel @p1 .LBB2_1-.Ltmp6, $3  }
0x16a: {  	_ =	sdelay $0x1  }
0x16b: {  	[sflag:s7] =	ssyncset.done @!p0 $0x0  }
0x16c: {  	[sflag:s7] =	ssyncadd.s32 @!p0 $0xFFFFFF00  }
0x16d: {  	_ =	sfence.sel $0x180000  }
0x16e: {  	[bflag:$0x0] =	sbarrier.arrive $0xFFFF  }
0x16f: {  	_ =	strace $0x9000004D  }
0x170: {  	s0 =	stileid.u32;
	[bflag:$0x2] =	sbarrier.arrive $0xFFFF  }
0x171: {  	p0 =	sne.s32 s0, $0x0;
	s0 =	rddreg [dreg:$0x2]  }
0x172: {  	s0 =	sadd.s32 @!p0 $0x100000, s0  }
0x173: {  	[sflag:s0] =	ssyncadd.tile.s32 @!p0 $0x1;
	_ =	shalt  }
.Lfunc_end2:
_tile_overlayer_lowered:
.L_overlay_start_2:
0x174: {  	(tag) =	ssettag $0x2  }
0x175: {  	s0 =	rddreg [dreg:$0x0];
	s2 =	stileid.u32  }
0x176: {  	s1 =	rddreg [dreg:$0x1];
	p0 =	sne.s32 s2, $0x0  }
0x177: {  	s3 =	rddreg [dreg:$0x2];
	[bflag:$0x3] =	sbarrier.arrive $0xFFFF;
	s2 =	simm.s32 @!p0 $0x1C07  }
0x178: {  	[timem:s3], [sflag:s2] =	dma.local @!p0 [hbm:s0], s1  }
0x179: {  	s0 =	simm.s32 @!p0 $0x7  }
0x17a: {  	_ =	swait.ge @!p0 [sflag:s0], s1  }
0x17b: {  	s1 =	ssub.s32 @!p0 $0x0, s1;
	[sflag:s0] =	ssyncset.done @!p0 $0x0  }
0x17c: {  	[sflag:s0] =	ssyncadd.s32 @!p0 s1  }
0x17d: {  	[bflag:$0x3] =	sbarrier.arrive $0xFFFF  }
0x17e: {  	_ =	shalt  }

// kernel: kernel.9.cloned.1.call-start
scs
__scs_entry_jumppad:
0x0: {  	(pc) =	sbr.rel $0x88, $3  }
0x1: {  	(tag) =	ssettag $0x0;
	lr =	simm.s32 $0x1  }
0x2: {  	[smem:$0x3F82] =	sst lr;
	_ =	strace $0xD0000000  }
0x3: {  	_ = 	snop  }
0x4: {  	_ = 	snop  }
0x5: {  	_ = 	snop  }
0x6: {  	_ = 	snop  }
0x7: {  	_ = 	snop  }
__scs_overlays_trampoline_lowered:
0x8: {  	[smem:$0x3F91] =	sst s0  }
0x9: {  	[smem:$0x3F92] =	sst s1  }
0xa: {  	[smem:$0x3F93] =	sst s2  }
0xb: {  	[smem:$0x3F94] =	sst s3  }
0xc: {  	[smem:$0x3F95] =	sst s4  }
0xd: {  	[smem:$0x3F96] =	sst s5  }
0xe: {  	[smem:$0x3F97] =	sst s6  }
0xf: {  	[smem:$0x3F98] =	sst s7  }
0x10: {  	[smem:$0x3F99] =	sst s8  }
0x11: {  	[smem:$0x3F9A] =	sst s9;
	s0 =	simm.s32 @!p0 $0x0  }
0x12: {  	s1 =	sld [smem:$0x3F80];
	s0 =	simm.s32 @p0 $0x1  }
0x13: {  	[smem:$0x3F9B] =	sst s0;
	s0 =	simm.s32 @!p1 $0x0  }
0x14: {  	s2 =	sld [smem:$0x3F7F];
	s0 =	simm.s32 @p1 $0x1  }
0x15: {  	[smem:$0x3F9C] =	sst s0;
	s0 =	simm.s32 @!p2 $0x0  }
0x16: {  	s3 =	sld [smem:$0x3FDB];
	s0 =	simm.s32 @p2 $0x1  }
0x17: {  	s4 =	simm.s32 $0x1BF5;
	[smem:$0x3F9E] =	sst s0  }
0x18: {  	s0 =	sld [smem:$0x3F81];
	_ =	swait.ge [sflag:s4], $0x0  }
0x19: {  	s7 =	sld [smem:$0x3F82]  }
0x1a: {  	s8 =	sadd.s32 $0xFFFFE003, lr  }
0x1b: {  	s9 =	sadd.s32 $0xFFFFFEF7, lr;
	s5 =	simm.s32 $0xFFFFFFFF;
	p2 =	slt.u32 s8, $0xFFFFF086  }
0x1c: {  	p1 =	slt.u32 s9, $0xF7A;
	s5 =	simm.s32 @!p2 $0x0  }
0x1d: {  	s5 =	simm.s32 @p1 $0x1;
	p0 =	seq.s32 s7, s2  }
0x1e: {  	s7 =	smul.u32 @!p0 $0xF7A, s2;
	p2 =	seq.s32 @!p0 s5, $0x0  }
0x1f: {  	s9 =	smul.u32 $0xF7A, s1;
	s8 =	simm.s32 @!p0 $0x1BF5;
	p2 =	por !p2, p0  }
0x20: {  	[sflag:s8] =	ssyncset.s32 @!p0 $0xFFFFF086;
	s6 =	sadd.s32 @!p0 s3, s7;
	s7 =	simm.s32 @!p0 $0x108  }
0x21: {  	s3 =	sadd.s32 s3, s9;
	s6 =	sadd.s32 @!p0 $0x88, s6;
	s7 =	simm.s32 @p2 $0x1082  }
0x22: {  	[simem:s7], [sflag:s8] =	dma.local @!p0 [hbm:s6], $0xF7A  }
0x23: {  	s9 =	sor.u32 $0xD0000000, s2;
	s6 =	simm.s32 $0x108;
	_ =	swait.ge @!p0 [sflag:s8], $0x0  }
0x24: {  	s3 =	sadd.s32 $0x88, s3;
	s6 =	simm.s32 @!p1 $0x1082;
	[sflag:s4] =	ssyncset.s32 $0xFFFFF086  }
0x25: {  	[simem:s6], [sflag:s4] =	dma.local [hbm:s3], $0xF7A  }
0x26: {  	[smem:$0x3F82] =	sst s1;
	(tag) =	ssettag s2;
	_ =	strace s9  }
0x27: {  	s1 =	sld [smem:$0x3F92]  }
0x28: {  	s2 =	sld [smem:$0x3F93]  }
0x29: {  	s4 =	sld [smem:$0x3F95]  }
0x2a: {  	p0 =	seq.s32 s5, $0x0;
	s5 =	sld [smem:$0x3F96]  }
0x2b: {  	s6 =	sld [smem:$0x3F97]  }
0x2c: {  	s7 =	sld [smem:$0x3F98]  }
0x2d: {  	s3 =	simm.s32 $0x108;
	s8 =	sld [smem:$0x3F99]  }
0x2e: {  	s3 =	simm.s32 @!p0 $0x1082;
	s9 =	sld [smem:$0x3F9A]  }
0x2f: {  	lr =	sadd.s32 s0, s3;
	s0 =	sld [smem:$0x3F91]  }
0x30: {  	s3 =	sld [smem:$0x3F94]  }
0x31: {  	[smem:$0x3F9D] =	sst s10  }
0x32: {  	s10 =	sld [smem:$0x3F9B];
	_ =	sdelay $0x3  }
0x33: {  	p0 =	seq.s32 s10, $0x1;
	s10 =	sld [smem:$0x3F9D];
	_ =	sdelay $0x3  }
0x34: {  	[smem:$0x3F9D] =	sst s10  }
0x35: {  	s10 =	sld [smem:$0x3F9C];
	_ =	sdelay $0x3  }
0x36: {  	p1 =	seq.s32 s10, $0x1;
	s10 =	sld [smem:$0x3F9D];
	_ =	sdelay $0x3  }
0x37: {  	[smem:$0x3F9D] =	sst s10  }
0x38: {  	s10 =	sld [smem:$0x3F9E]  }
0x39: {  	_ = 	snop;
	(pc) =	sbr.ind lr, $3  }
0x3a: {  	_ = 	snop  }
0x3b: {  	_ = 	snop  }
0x3c: {  	p2 =	seq.s32 s10, $0x1;
	s10 =	sld [smem:$0x3F9D]  }
0x3d: {  	_ =	shalt  }
0x3e: {  	_ =	shalt  }
0x3f: {  	_ =	shalt  }
0x40: {  	_ =	shalt  }
0x41: {  	_ =	shalt  }
0x42: {  	_ =	shalt  }
0x43: {  	_ =	shalt  }
0x44: {  	_ =	shalt  }
0x45: {  	_ =	shalt  }
0x46: {  	_ =	shalt  }
0x47: {  	_ =	shalt  }
0x48: {  	_ =	shalt  }
0x49: {  	_ =	shalt  }
0x4a: {  	_ =	shalt  }
0x4b: {  	_ =	shalt  }
0x4c: {  	_ =	shalt  }
0x4d: {  	_ =	shalt  }
0x4e: {  	_ =	shalt  }
0x4f: {  	_ =	shalt  }
0x50: {  	_ =	shalt  }
0x51: {  	_ =	shalt  }
0x52: {  	_ =	shalt  }
0x53: {  	_ =	shalt  }
0x54: {  	_ =	shalt  }
0x55: {  	_ =	shalt  }
0x56: {  	_ =	shalt  }
0x57: {  	_ =	shalt  }
0x58: {  	_ =	shalt  }
0x59: {  	_ =	shalt  }
0x5a: {  	_ =	shalt  }
0x5b: {  	_ =	shalt  }
0x5c: {  	_ =	shalt  }
0x5d: {  	_ =	shalt  }
0x5e: {  	_ =	shalt  }
0x5f: {  	_ =	shalt  }
0x60: {  	_ =	shalt  }
0x61: {  	_ =	shalt  }
0x62: {  	_ =	shalt  }
0x63: {  	_ =	shalt  }
0x64: {  	_ =	shalt  }
0x65: {  	_ =	shalt  }
0x66: {  	_ =	shalt  }
0x67: {  	_ =	shalt  }
0x68: {  	_ =	shalt  }
0x69: {  	_ =	shalt  }
0x6a: {  	_ =	shalt  }
0x6b: {  	_ =	shalt  }
0x6c: {  	_ =	shalt  }
0x6d: {  	_ =	shalt  }
0x6e: {  	_ =	shalt  }
0x6f: {  	_ =	shalt  }
0x70: {  	_ =	shalt  }
0x71: {  	_ =	shalt  }
0x72: {  	_ =	shalt  }
0x73: {  	_ =	shalt  }
0x74: {  	_ =	shalt  }
0x75: {  	_ =	shalt  }
0x76: {  	_ =	shalt  }
0x77: {  	_ =	shalt  }
0x78: {  	_ =	shalt  }
0x79: {  	_ =	shalt  }
0x7a: {  	_ =	shalt  }
0x7b: {  	_ =	shalt  }
0x7c: {  	_ =	shalt  }
0x7d: {  	_ =	shalt  }
0x7e: {  	_ =	shalt  }
0x7f: {  	_ =	shalt  }
0x80: {  	_ =	shalt  }
0x81: {  	_ =	shalt  }
0x82: {  	_ =	shalt  }
0x83: {  	_ =	shalt  }
0x84: {  	_ =	shalt  }
0x85: {  	_ =	shalt  }
0x86: {  	_ =	shalt  }
0x87: {  	_ =	shalt  }
.Lfunc_end0:
.L_simem_size_0:
called_computation_lowered:
.L_overlay_start_0:
0x88: {  	s2 =	sld [smem:$0x3FD9]  }
0x89: {  	s3 =	sld [smem:$0x3FFE];
	_ =	sdelay $0x1  }
0x8a: {  	s1 =	srdreg.scid  }
0x8b: {  	s0 =	sand.u32 $0x1, s1  }
0x8c: {  	s16 =	sshll.u32 s0, $0xA;
	s2 =	sadd.s32 s3, s2  }
0x8d: {  	s2 =	sadd.s32 s2, s16  }
0x8e: {  	[smem:$0x3FA9] =	sst s2  }
0x8f: {  	_ = 	snop  }
0x90: {  	(tm) =	ssettm $0x1  }
0x91: {  	s17 =	sld [smem:$0x3FFB];
	_ =	sdelay $0x3  }
0x92: {  	_ =	strace s17  }
0x93: {  	s2 =	sld [smem:$0x3FFC];
	_ =	sdelay $0x3  }
0x94: {  	_ =	strace s2  }
0x95: {  	s2 =	sld [smem:$0x3FFD];
	_ =	sdelay $0x3  }
0x96: {  	_ =	strace s2  }
0x97: {  	_ =	strace $0x8FFFFFFF  }
0x98: {  	s18 =	sld [smem:$0x3FDB];
	_ =	sdelay $0x1  }
0x99: {  	s19 =	simm.s32 $_scs_section_size  }
0x9a: {  	s4 =	simm.s32 $_size__tile_overlayer_lowered;
	s5 =	simm.s32 $_tile_overlayer_lowered  }
0x9b: {  	s22 =	simm.s32 $0x1BFF;
	s21 =	sshll.u32 s5, $0x1;
	s2 =	sadd.s32 s19, s18  }
0x9c: {  	s6 =	simm.s32 $0x0;
	s20 =	sshll.u32 s4, $0x1;
	s4 =	sadd.s32 s21, s2  }
0x9d: {  	[timem:s6], [sflag:s22] =	dma.local [hbm:s4], s20  }
0x9e: {  	_ =	swait.ge [sflag:s22], s20  }
0x9f: {  	s3 =	ssub.s32 $0x0, s20;
	[sflag:s22] =	ssyncset.done $0x0  }
0xa0: {  	[sflag:s22] =	ssyncadd.s32 s3;
	_ =	sdelay $0x1  }
0xa1: {  	s23 =	simm.s32 $0x1B8B  }
0xa2: {  	_ =	swait.ge [sflag:s23], $0x1  }
0xa3: {  	[sflag:s23] =	ssyncset.done $0x0  }
0xa4: {  	s25 =	simm.s32 $0x1B8E;
	s24 =	sld [smem:$0x3FFE];
	[sflag:s23] =	ssyncadd.s32 $0xFFFFFFFF  }
0xa5: {  	s26 =	simm.s32 $execute0_lowered;
	[smem:$0x3FD2] =	sst s25  }
0xa6: {  	s4 =	sshll.u32 s26, $0x1;
	_ =	strace $0x80000046;
	[dreg:$0x1] =	wrdreg $0xFFFFFFFF  }
0xa7: {  	s28 =	simm.s32 $_size_execute0_lowered;
	s2 =	sadd.s32 s2, s4;
	[dreg:$0x0] =	wrdreg $0x0  }
0xa8: {  	s4 =	sshll.u32 s28, $0x1;
	[dreg:$0x2] =	wrdreg s2  }
0xa9: {  	[dreg:$0x3] =	wrdreg s4  }
0xaa: {  	[dreg:$0x4] =	wrdreg $0xC0  }
0xab: {  	_ =	task [dreg:s6], $0x5FFFF  }
0xac: {  	[dreg:$0x1] =	wrdreg $0xFFFFFFFF  }
0xad: {  	[dreg:$0x0] =	wrdreg $0x60  }
0xae: {  	[dreg:$0x2] =	wrdreg s24  }
0xaf: {  	[dreg:$0x3] =	wrdreg $0x9  }
0xb0: {  	_ =	task.clear_ibuf [dreg:s6], $0x4FFFF;
	_ =	strace $0x90000046  }
0xb1: {  	s29 =	simm.s32 $0x9;
	_ =	strace $0x80000048  }
0xb2: {  	_ =	swait.ge [sflag:s29], $0x1  }
0xb3: {  	[sflag:s29] =	ssyncadd.s32 $0xFFFFFFFF  }
0xb4: {  	_ =	strace $0x90000048  }
0xb5: {  	_ =	sfence  }
0xb6: {  	s30 =	sld [smem:$0x0];
	_ =	sdelay $0x2  }
0xb7: {  	s31 =	sshll.u32 s1, $0xD;
	s1 =	sshrl.u32 s1, $0x2  }
0xb8: {  	s3 =	sand.u32 $0x4000, s31;
	s1 =	sadd.s32 s1, s30  }
0xb9: {  	s0 =	sor.u32 s3, s0;
	s1 =	sshll.u32 s1, $0x11  }
0xba: {  	s0 =	sor.u32 s1, s0  }
0xbb: {  	s0 =	sadd.s32 $0x8F2B, s0  }
0xbc: {  	[sflag:s0] =	ssyncadd.remote.s32 $0x1  }
0xbd: {  	_ =	sfence.sel $0xFFFF  }
0xbe: {  	[dreg:$0x0] =	wrdreg $0xFFFFFFFF;
	(pc) =	sbr.abs _section_cstart, $3  }
0xbf: {  	[dreg:$0x1] =	wrdreg $0xFFFFFFFF  }
0xc0: {  	_ =	task.clear_ibuf [dreg:s6], $0x2FFFF;
	_ =	strace $0x9FFFFFFF  }
0xc1: {  	(tm) =	ssettm $0x7FFFFFFF  }
tec
execute0_lowered:
.L_overlay_start_1:
0x0: {  	(tag) =	ssettag $0x1  }
0x1: {  	s6 =	rddreg [dreg:$0x0]  }
0x2: {  	s0 =	rddreg [dreg:$0x1]  }
0x3: {  	s3 =	srdreg.scid;
	s1 =	stileid.u32;
	s2 =	simm.s32 $0x0  }
0x4: {  	s11 =	simm.s32 $0x2780;
	s12 =	simm.s32 $0x4F00;
	s13 =	simm.s32 $0x7680  }
0x5: {  	s14 =	simm.s32 $0x9E00;
	s5 =	sand.u32 $0x1, s3;
	s30 =	sshll.u32 s1, $0x1  }
0x6: {  	s15 =	simm.s32 $0xC580;
	s16 =	simm.s32 $0x0;
	s3 =	sor.u32 s5, s30  }
0x7: {  	[smem:$0x7FF] =	sst s2;
	s4 =	sadd.s32 $0x1D200, s6;
	s7 =	smul.u32 $0x4E2, s3  }
0x8: {  	_ =	strace $0x80000047;
	s8 =	ssub.s32 $0x2, s5;
	s5 =	sadd.s32 $0x1CC00, s6  }
0x9: {  	s3 =	sadd.s32 $0x1D800, s6;
	s31 =	sshrl.u32 s8, $0x1;
	s9 =	sadd.s32 s7, s6  }
0xa: {  	s10 =	ssub.s32 s8, s31;
	s6 =	sadd.s32 $0x12E00, s9;
	s7 =	sadd.s32 $0x9000, s9  }
0xb: {  	s8 =	sadd.s32 $0x1DE00, s9;
	s9 =	smax.u32 s10, $0x1;
	s10 =	simm.s32 $0x1  }
.LBB2_1:
0xc: {  	[tilespmem:s2], [sflag:$0x1] =	stream.linear.gather [hbm4b:s3+s2], $0x2780, $0x38;
	[tilespmem:$0xED00] =	vst v63  }
0xd: {  	_ =	swait.ge [sflag:s10], $0x2780  }
0xe: {  	[sflag:s10] =	ssyncset.done $0x0  }
0xf: {  	[sflag:s10] =	ssyncadd.s32 $0xFFFFD880  }
0x10: {  	[tilespmem:s11], [sflag:$0x1] =	stream.linear.gather [hbm4b:s4+s2], $0x2780, $0x38;
	[tilespmem:$0xED00] =	vst v63  }
0x11: {  	_ =	swait.ge [sflag:s10], $0x2780  }
0x12: {  	[sflag:s10] =	ssyncset.done $0x0  }
0x13: {  	[sflag:s10] =	ssyncadd.s32 $0xFFFFD880  }
0x14: {  	[tilespmem:s12], [sflag:$0x1] =	stream.linear.gather [hbm4b:s5+s2], $0x2780, $0x38;
	[tilespmem:$0xED00] =	vst v63  }
0x15: {  	_ =	swait.ge [sflag:s10], $0x2780  }
0x16: {  	[sflag:s10] =	ssyncset.done $0x0  }
0x17: {  	[sflag:s10] =	ssyncadd.s32 $0xFFFFD880  }
0x18: {  	[tilespmem:s13], [sflag:$0x1] =	stream.linear.gather [hbm4b:s6+s2], $0x2710, $0x38;
	[tilespmem:$0xED00] =	vst v63  }
0x19: {  	_ =	swait.ge [sflag:s10], $0x2710  }
0x1a: {  	[sflag:s10] =	ssyncset.done $0x0  }
0x1b: {  	[sflag:s10] =	ssyncadd.s32 $0xFFFFD8F0  }
0x1c: {  	[tilespmem:s14], [sflag:$0x1] =	stream.linear.gather [hbm4b:s7+s2], $0x2710, $0x38;
	[tilespmem:$0xED00] =	vst v63  }
0x1d: {  	_ =	swait.ge [sflag:s10], $0x2710  }
0x1e: {  	[sflag:s10] =	ssyncset.done $0x0  }
0x1f: {  	s17 =	simm.s32 $0x0;
	[sflag:s10] =	ssyncadd.s32 $0xFFFFD8F0  }
0x20: {  	v0 =	vld [tilespmem:s17+$0x7680]  }
0x21: {  	v1 =	vld [tilespmem:s17+$0x9E00];
	_ =	sdelay $0x6  }
0x22: {  	v2 =	vld.idx.msk [tilespmem:v0+s12+$0x0], $0xffff  }
0x23: {  	v3 =	vld.idx.msk [tilespmem:v1+s2+$0x0], $0xffff  }
0x24: {  	v4 =	vld.idx.msk [tilespmem:v0+s2+$0x0], $0xffff  }
0x25: {  	v0 =	vld.idx.msk [tilespmem:v0+s11+$0x0], $0xffff  }
0x26: {  	v5 =	vld.idx.msk [tilespmem:v1+s11+$0x0], $0xffff  }
0x27: {  	v1 =	vld.idx.msk [tilespmem:v1+s12+$0x0], $0xffff;
	_ =	sdelay $0x3  }
0x28: {  	v3 =	vsub.f32 v4, v3;
	v0 =	vsub.f32 v0, v5  }
0x29: {  	v1 =	vsub.f32 v2, v1  }
0x2a: {  	s18 =	simm.s32 $0x10;
	v2 =	vadd.f32 $9.999999970e-07, v3;
	v0 =	vadd.f32 $9.999999970e-07, v0  }
0x2b: {  	v3 =	vadd.f32 $9.999999970e-07, v1;
	v1 =	vld [tilespmem:s18+$0x7680]  }
0x2c: {  	v2 =	vmul.f32 v2, v2;
	v4 =	vmul.f32 v0, v0;
	v0 =	vld [tilespmem:s18+$0x9E00];
	_ =	sdelay $0x1  }
0x2d: {  	s19 =	simm.s32 $0x80;
	v3 =	vmul.f32 v3, v3;
	v2 =	vadd.f32 v4, v2  }
.LBB2_2:
0x2e: {  	p0 =	sne.s32 s19, $0x9C00  }
0x2f: {  	v2 =	vadd.f32 v3, v2;
	_ =	sdelay $0x1  }
0x30: {  	[tilespmem:s17+$0xC580] =	vst v2;
	s17 =	smov.u32 s18  }
0x31: {  	v2 =	vld.idx.msk [tilespmem:v1+s12+$0x0], $0xffff  }
0x32: {  	v3 =	vld.idx.msk [tilespmem:v0+s2+$0x0], $0xffff  }
0x33: {  	v4 =	vld.idx.msk [tilespmem:v1+s2+$0x0], $0xffff  }
0x34: {  	v1 =	vld.idx.msk [tilespmem:v1+s11+$0x0], $0xffff  }
0x35: {  	v5 =	vld.idx.msk [tilespmem:v0+s11+$0x0], $0xffff  }
0x36: {  	v0 =	vld.idx.msk [tilespmem:v0+s12+$0x0], $0xffff;
	_ =	sdelay $0x4  }
0x37: {  	v3 =	vsub.f32 v4, v3;
	v1 =	vsub.f32 v1, v5  }
0x38: {  	v2 =	vsub.f32 v2, v0  }
.Ltmp0:
0x39: {  	s18 =	sshra.s32 s19, $0x2;
	v3 =	vadd.f32 $9.999999970e-07, v3;
	v4 =	vadd.f32 $9.999999970e-07, v1;
	(pc) =	sbr.rel @p0 .LBB2_2-.Ltmp0, $3  }
0x3a: {  	v1 =	vld [tilespmem:s18+$0x7680]  }
0x3b: {  	v5 =	vadd.f32 $9.999999970e-07, v2;
	v2 =	vmul.f32 v3, v3;
	v3 =	vmul.f32 v4, v4;
	v0 =	vld [tilespmem:s18+$0x9E00];
	_ =	sdelay $0x1  }
0x3c: {  	s19 =	sadd.s32 $0x40, s19;
	v2 =	vadd.f32 v3, v2;
	v3 =	vmul.f32 v5, v5  }
0x3d: {  	_ =	sdelay $0x1  }
0x3e: {  	v2 =	vadd.f32 v3, v2;
	_ =	sdelay $0x1  }
0x3f: {  	[tilespmem:s17+$0xC580] =	vst v2  }
0x40: {  	v2 =	vld.idx.msk [tilespmem:v1+s12+$0x0], $0xffff  }
0x41: {  	v60 =	vld.idx.msk [tilespmem:v0+s2+$0x0], $0xffff  }
0x42: {  	v4 =	vld.idx.msk [tilespmem:v1+s2+$0x0], $0xffff  }
0x43: {  	v61 =	vld.idx.msk [tilespmem:v1+s11+$0x0], $0xffff  }
0x44: {  	v5 =	vld.idx.msk [tilespmem:v0+s11+$0x0], $0xffff  }
0x45: {  	v62 =	vld.idx.msk [tilespmem:v0+s12+$0x0], $0xffff;
	_ =	sdelay $0x3  }
0x46: {  	v3 =	vsub.f32 v4, v60;
	v1 =	vsub.f32 v61, v5  }
0x47: {  	v0 =	vsub.f32 v2, v62  }
0x48: {  	v63 =	vadd.f32 $9.999999970e-07, v3;
	v1 =	vadd.f32 $9.999999970e-07, v1;
	_ =	sdelay $0x1  }
0x49: {  	v0 =	vadd.f32 $9.999999970e-07, v0;
	v2 =	vmul.f32 v63, v63;
	v1 =	vmul.f32 v1, v1;
	_ =	sdelay $0x1  }
0x4a: {  	v0 =	vmul.f32 v0, v0;
	v1 =	vadd.f32 v1, v2;
	_ =	sdelay $0x1  }
0x4b: {  	s16 =	sadd.s32 $0x1, s16;
	v0 =	vadd.f32 v0, v1  }
0x4c: {  	p0 =	sne.s32 s16, s9  }
.Ltmp1:
0x4d: {  	[tilespmem:s18+$0xC580] =	vst v0;
	(pc) =	sbr.rel @p0 .LBB2_1-.Ltmp1, $4  }
0x4e: {  	[hbm4b:s8+s2] =	stream.linear.scatter [tilespmem:s15], [sflag:$0x1], $0x2710, $0x38;
	[tilespmem:$0xED00] =	vst v63  }
0x4f: {  	_ =	swait.ge [sflag:s10], $0x2710  }
0x50: {  	[sflag:s10] =	ssyncset.done $0x0  }
0x51: {  	[sflag:s10] =	ssyncadd.s32 $0xFFFFD8F0  }
0x52: {  	_ =	sfence.sel $0x180000  }
0x53: {  	[bflag:$0x0] =	sbarrier.arrive $0xFFFF  }
0x54: {  	p0 =	sne.s32 s1, $0x0;
	_ =	strace $0x90000047  }
0x55: {  	s0 =	sadd.s32 @!p0 $0x100000, s0;
	[bflag:$0x2] =	sbarrier.arrive $0xFFFF  }
0x56: {  	[sflag:s0] =	ssyncadd.tile.s32 @!p0 $0x1;
	_ =	shalt  }
.Lfunc_end2:
_tile_overlayer_lowered:
.L_overlay_start_2:
0x57: {  	(tag) =	ssettag $0x2  }
0x58: {  	s0 =	rddreg [dreg:$0x0];
	s2 =	stileid.u32  }
0x59: {  	s1 =	rddreg [dreg:$0x1];
	p0 =	sne.s32 s2, $0x0  }
0x5a: {  	s3 =	rddreg [dreg:$0x2];
	[bflag:$0x3] =	sbarrier.arrive $0xFFFF;
	s2 =	simm.s32 @!p0 $0x1C01  }
0x5b: {  	[timem:s3], [sflag:s2] =	dma.local @!p0 [hbm:s0], s1  }
0x5c: {  	s0 =	simm.s32 @!p0 $0x1  }
0x5d: {  	_ =	swait.ge @!p0 [sflag:s0], s1  }
0x5e: {  	s1 =	ssub.s32 @!p0 $0x0, s1;
	[sflag:s0] =	ssyncset.done @!p0 $0x0  }
0x5f: {  	[sflag:s0] =	ssyncadd.s32 @!p0 s1  }
0x60: {  	[bflag:$0x3] =	sbarrier.arrive $0xFFFF  }
0x61: {  	_ =	shalt  }

</sc_bundles>
